<compile_context>
chip_gen: v7x
topology: tpu7x:2x2x1
jax: 0.10.2.dev20260603
libtpu: 0.0.44.dev20260713+nightly
codegen_flags: <defaults>
</compile_context>

<pallas_src>
import functools

import jax
import jax.numpy as jnp
from jax import lax
from jax.experimental import pallas as pl
from jax.experimental.pallas import tpu as pltpu
from jax.experimental.pallas import tpu_sc as plsc

_NUM_CORES = 2
_NUM_SUBCORES = 16
_NW = _NUM_CORES * _NUM_SUBCORES

_D = 64
_L = 128
_NBUF = 4


def _sc_gather_t(table, idx_flat, T, S):
    mesh = plsc.VectorSubcoreMesh(core_axis_name="c", subcore_axis_name="s")
    n_units = (T * S) // _L
    upw = n_units // _NW
    n_outer = upw // _NBUF
    sb_per_t = S // _L

    @functools.partial(
        pl.kernel,
        out_type=jax.ShapeDtypeStruct((T, _D // 8, S // _L, 8, _L),
                                      jnp.float32),
        mesh=mesh,
        scratch_types=(
            [pltpu.VMEM((_L,), jnp.int32) for _ in range(_NBUF)]
            + [pltpu.VMEM((_L, _D), jnp.float32) for _ in range(_NBUF)]
            + [pltpu.VMEM((_D, _L + 1), jnp.float32)
               for _ in range(_NBUF)]
            + [pltpu.SemaphoreType.DMA for _ in range(3 * _NBUF)]
        ),
        compiler_params=pltpu.CompilerParams(use_tc_tiling_on_sc=False, needs_layout_passes=False),
    )
    def k(table_hbm, idx_hbm, out_hbm, *bufs):
        idx_v = bufs[:_NBUF]
        rows_v = bufs[_NBUF:2 * _NBUF]
        tr_v = bufs[2 * _NBUF:3 * _NBUF]
        isem = bufs[3 * _NBUF:4 * _NBUF]
        gsem = bufs[4 * _NBUF:5 * _NBUF]
        wsem = bufs[5 * _NBUF:]
        wid = lax.axis_index("s") * _NUM_CORES + lax.axis_index("c")
        base = wid * upw

        i16 = lax.iota(jnp.int32, 16)
        d_idx = [i16 + (16 * j2) for j2 in range(4)]

        def fire_gather(b, u):
            pltpu.async_copy(table_hbm.at[idx_v[b]], rows_v[b], gsem[b])

        def wait_gather(b):
            pltpu.make_async_copy(table_hbm.at[idx_v[b]], rows_v[b],
                                  gsem[b]).wait()

        def fire_idx(b, u):
            pltpu.async_copy(idx_hbm.at[pl.ds(u * _L, _L)], idx_v[b],
                             isem[b])

        def wait_idx(b, u):
            pltpu.make_async_copy(idx_hbm.at[pl.ds(u * _L, _L)], idx_v[b],
                                  isem[b]).wait()

        def fire_writes(b, u):
            t = lax.shift_right_logical(u, 7)
            sb = lax.bitwise_and(u, sb_per_t - 1)
            for dt in range(_D // 8):
                pltpu.async_copy(
                    tr_v[b].at[pl.ds(dt * 8, 8), pl.ds(0, _L)],
                    out_hbm.at[t, dt, sb], wsem[b])

        def wait_writes(b, u):
            t = lax.shift_right_logical(u, 7)
            sb = lax.bitwise_and(u, sb_per_t - 1)
            for dt in range(_D // 8):
                pltpu.make_async_copy(
                    tr_v[b].at[pl.ds(dt * 8, 8), pl.ds(0, _L)],
                    out_hbm.at[t, dt, sb], wsem[b]).wait()

        def transpose(b):
            def tbody(g, ssp):
                for q in range(8):
                    s = g * 8 + q
                    sq = ssp + q
                    for j2 in range(4):
                        val = rows_v[b][s, pl.ds(16 * j2, 16)]
                        plsc.store_scatter(tr_v[b], [d_idx[j2], sq], val)
                return ssp + 8

            lax.fori_loop(0, _L // 8, tbody, jnp.zeros((16,), jnp.int32))

        for b in range(_NBUF):
            fire_idx(b, base + b)
            wait_idx(b, base + b)
            fire_gather(b, base + b)

        def outer(ti, carry):
            for b in range(_NBUF):
                u = base + ti * _NBUF + b
                wait_gather(b)

                @pl.when(ti < n_outer - 1)
                def _():
                    fire_idx(b, u + _NBUF)

                @pl.when(ti > 0)
                def _():
                    wait_writes(b, u - _NBUF)

                transpose(b)
                fire_writes(b, u)

                @pl.when(ti < n_outer - 1)
                def _():
                    wait_idx(b, u + _NBUF)
                    fire_gather(b, u + _NBUF)
            return carry

        lax.fori_loop(0, n_outer, outer, 0)
        for b in range(_NBUF):
            wait_writes(b, base + (n_outer - 1) * _NBUF + b)

    return k(table, idx_flat)


def kernel(token_ids, weight):
    S, T = token_ids.shape
    D = weight.shape[1]
    assert S % _L == 0 and D == _D
    assert ((T * S) // _L) % (_NW * _NBUF) == 0
    idx_t = token_ids.T.reshape(S * T).astype(jnp.int32)
    out5 = _sc_gather_t(weight, idx_t, T, S)
    return out5.transpose(2, 4, 0, 1, 3).reshape(S, T, D)

# --- scband reference (transcript-rebuilt; emitter-appended) ---
"""Pipeline reference for scband-embedding-438086664261 (READ-ONLY COPY).

The authoritative reference and input builder live on the scoring server;
editing this copy changes nothing except your own understanding.
"""

import jax, jax.numpy as jnp
import numpy as np

NUM_EMBEDDINGS = 1000000
EMBEDDING_DIM = 64

def _trunc_normal(key, shape, mean=0.0, std=1.0, a=-3.0, b=-3.0):
    # truncated normal in [a, b] with given mean/std (a,b in std units from mean here since std=1, mean=0)
    return jax.random.truncated_normal(key, -3.0, 3.0, shape, dtype=jnp.float32) * std + mean

def setup_inputs(seed: int = 0) -> dict:
    key = jax.random.key(seed)
    k_w, k_idx = jax.random.split(key)
    weight = _trunc_normal(k_w, (NUM_EMBEDDINGS, EMBEDDING_DIM))
    token_ids = jax.random.randint(k_idx, (16384, 50), 0, NUM_EMBEDDINGS, dtype=jnp.int64 if jax.config.jax_enable_x64 else jnp.int32)
    return {"token_ids": token_ids, "weight": weight}

def reference(token_ids, weight):
    # Faithful translation of: return self.weight[token_ids]
    return jnp.take(weight, token_ids, axis=0)

if __name__ == "__main__":
    import jax
    _d = setup_inputs()
    print(jax.jit(kernel)(*tuple(_d.values())))

</pallas_src>

<mosaic_0001>
#map = affine_map<(d0, d1) -> (0, 0)>
#map1 = affine_map<(d0, d1) -> (0)>
#map2 = affine_map<(d0, d1) -> (0, 0, 0, 0, 0)>
module attributes {stable_mosaic.version = 14 : i64} {
  func.func @k(%arg0: i32, %arg1: i32, %arg2: memref<1000000x64xf32, #tpu.memory_space<hbm>>, %arg3: memref<819200xi32, #tpu.memory_space<hbm>>, %arg4: memref<50x8x128x8x128xf32, #tpu.memory_space<hbm>>, %arg5: memref<128xi32, #tpu.memory_space<vmem>>, %arg6: memref<128xi32, #tpu.memory_space<vmem>>, %arg7: memref<128xi32, #tpu.memory_space<vmem>>, %arg8: memref<128xi32, #tpu.memory_space<vmem>>, %arg9: memref<128x64xf32, #tpu.memory_space<vmem>>, %arg10: memref<128x64xf32, #tpu.memory_space<vmem>>, %arg11: memref<128x64xf32, #tpu.memory_space<vmem>>, %arg12: memref<128x64xf32, #tpu.memory_space<vmem>>, %arg13: memref<64x129xf32, #tpu.memory_space<vmem>>, %arg14: memref<64x129xf32, #tpu.memory_space<vmem>>, %arg15: memref<64x129xf32, #tpu.memory_space<vmem>>, %arg16: memref<64x129xf32, #tpu.memory_space<vmem>>, %arg17: memref<!tpu.dma_semaphore, #tpu.memory_space<semaphore_mem>>, %arg18: memref<!tpu.dma_semaphore, #tpu.memory_space<semaphore_mem>>, %arg19: memref<!tpu.dma_semaphore, #tpu.memory_space<semaphore_mem>>, %arg20: memref<!tpu.dma_semaphore, #tpu.memory_space<semaphore_mem>>, %arg21: memref<!tpu.dma_semaphore, #tpu.memory_space<semaphore_mem>>, %arg22: memref<!tpu.dma_semaphore, #tpu.memory_space<semaphore_mem>>, %arg23: memref<!tpu.dma_semaphore, #tpu.memory_space<semaphore_mem>>, %arg24: memref<!tpu.dma_semaphore, #tpu.memory_space<semaphore_mem>>, %arg25: memref<!tpu.dma_semaphore, #tpu.memory_space<semaphore_mem>>, %arg26: memref<!tpu.dma_semaphore, #tpu.memory_space<semaphore_mem>>, %arg27: memref<!tpu.dma_semaphore, #tpu.memory_space<semaphore_mem>>, %arg28: memref<!tpu.dma_semaphore, #tpu.memory_space<semaphore_mem>>) attributes {dimension_semantics = [#tpu.dimension_semantics<core_parallel>, #tpu.dimension_semantics<subcore_parallel>], iteration_bounds = array<i64: 2, 16>, scalar_prefetch = 0 : i64, scratch_operands = 24 : i64, tpu.core_type = #tpu.core_type<sc_vector_subcore>, window_params = [{transform_indices = #map}, {transform_indices = #map1}, {transform_indices = #map2}]} {
    %mul3A = arith.constant 2 : i32
    %mul3A_0 = arith.muli %arg1, %mul3A : i32
    %add3A = arith.addi %mul3A_0, %arg0 : i32
    %mul3A_1 = arith.constant 200 : i32
    %mul3A_2 = arith.muli %add3A, %mul3A_1 : i32
    %iota3A = tpu.iota {dimensions = array<i32: 0>} : vector<16xi32>
    %add3A_3 = arith.constant 0 : i32
    %add3A_4 = vector.broadcast %add3A_3 : i32 to vector<16xi32>
    %add3A_5 = arith.addi %iota3A, %add3A_4 : vector<16xi32>
    %add3A_6 = arith.constant 16 : i32
    %add3A_7 = vector.broadcast %add3A_6 : i32 to vector<16xi32>
    %add3A_8 = arith.addi %iota3A, %add3A_7 : vector<16xi32>
    %add3A_9 = arith.constant 32 : i32
    %add3A_10 = vector.broadcast %add3A_9 : i32 to vector<16xi32>
    %add3A_11 = arith.addi %iota3A, %add3A_10 : vector<16xi32>
    %add3A_12 = arith.constant 48 : i32
    %add3A_13 = vector.broadcast %add3A_12 : i32 to vector<16xi32>
    %add3A_14 = arith.addi %iota3A, %add3A_13 : vector<16xi32>
    %add3A_15 = arith.constant 0 : i32
    %add3A_16 = arith.addi %mul3A_2, %add3A_15 : i32
    %mul3A_17 = arith.constant 128 : i32
    %mul3A_18 = arith.muli %add3A_16, %mul3A_17 : i32
    %dma_start3A = tpu.memref_slice %arg3[%mul3A_18] : memref<819200xi32, #tpu.memory_space<hbm>> -> memref<128xi32, #tpu.memory_space<hbm>>
    %dma_start3A_19 = tpu.memref_slice %arg3[%mul3A_18] : memref<819200xi32, #tpu.memory_space<hbm>> -> memref<128xi32, #tpu.memory_space<hbm>>
    tpu.enqueue_dma source(%dma_start3A_19 : memref<128xi32, #tpu.memory_space<hbm>>) target(%arg5 : memref<128xi32, #tpu.memory_space<vmem>>) target_semaphore(%arg17 : memref<!tpu.dma_semaphore, #tpu.memory_space<semaphore_mem>>)
    %add3A_20 = arith.constant 0 : i32
    %add3A_21 = arith.addi %mul3A_2, %add3A_20 : i32
    %mul3A_22 = arith.constant 128 : i32
    %mul3A_23 = arith.muli %add3A_21, %mul3A_22 : i32
    %dma_wait3A = tpu.memref_slice %arg3[%mul3A_23] : memref<819200xi32, #tpu.memory_space<hbm>> -> memref<128xi32, #tpu.memory_space<hbm>>
    %dma_wait3A_24 = tpu.memref_slice %arg3[%mul3A_23] : memref<819200xi32, #tpu.memory_space<hbm>> -> memref<128xi32, #tpu.memory_space<hbm>>
    tpu.wait_dma2 semaphore(%arg17 : memref<!tpu.dma_semaphore, #tpu.memory_space<semaphore_mem>>) src(%dma_wait3A_24 : memref<128xi32, #tpu.memory_space<hbm>>) dst(%arg5 : memref<128xi32, #tpu.memory_space<vmem>>)
    %add3A_25 = arith.constant 0 : i32
    %add3A_26 = arith.addi %mul3A_2, %add3A_25 : i32
    %dma_start3A_27 = arith.constant 0 : i32
    %dma_start3A_28 = arith.constant 0 : i32
    %dma_start3A_29 = tpu.memref_slice %arg2[%dma_start3A_27, %dma_start3A_28] : memref<1000000x64xf32, #tpu.memory_space<hbm>> -> memref<1000000x64xf32, #tpu.memory_space<hbm>>
    tpu.enqueue_indirect_dma source(%dma_start3A_29 : memref<1000000x64xf32, #tpu.memory_space<hbm>>) target(%arg9 : memref<128x64xf32, #tpu.memory_space<vmem>>) offsets(%arg5 : memref<128xi32, #tpu.memory_space<vmem>>) semaphore(%arg21 : memref<!tpu.dma_semaphore, #tpu.memory_space<semaphore_mem>>)
    %add3A_30 = arith.constant 1 : i32
    %add3A_31 = arith.addi %mul3A_2, %add3A_30 : i32
    %mul3A_32 = arith.constant 128 : i32
    %mul3A_33 = arith.muli %add3A_31, %mul3A_32 : i32
    %dma_start3A_34 = tpu.memref_slice %arg3[%mul3A_33] : memref<819200xi32, #tpu.memory_space<hbm>> -> memref<128xi32, #tpu.memory_space<hbm>>
    %dma_start3A_35 = tpu.memref_slice %arg3[%mul3A_33] : memref<819200xi32, #tpu.memory_space<hbm>> -> memref<128xi32, #tpu.memory_space<hbm>>
    tpu.enqueue_dma source(%dma_start3A_35 : memref<128xi32, #tpu.memory_space<hbm>>) target(%arg6 : memref<128xi32, #tpu.memory_space<vmem>>) target_semaphore(%arg18 : memref<!tpu.dma_semaphore, #tpu.memory_space<semaphore_mem>>)
    %add3A_36 = arith.constant 1 : i32
    %add3A_37 = arith.addi %mul3A_2, %add3A_36 : i32
    %mul3A_38 = arith.constant 128 : i32
    %mul3A_39 = arith.muli %add3A_37, %mul3A_38 : i32
    %dma_wait3A_40 = tpu.memref_slice %arg3[%mul3A_39] : memref<819200xi32, #tpu.memory_space<hbm>> -> memref<128xi32, #tpu.memory_space<hbm>>
    %dma_wait3A_41 = tpu.memref_slice %arg3[%mul3A_39] : memref<819200xi32, #tpu.memory_space<hbm>> -> memref<128xi32, #tpu.memory_space<hbm>>
    tpu.wait_dma2 semaphore(%arg18 : memref<!tpu.dma_semaphore, #tpu.memory_space<semaphore_mem>>) src(%dma_wait3A_41 : memref<128xi32, #tpu.memory_space<hbm>>) dst(%arg6 : memref<128xi32, #tpu.memory_space<vmem>>)
    %add3A_42 = arith.constant 1 : i32
    %add3A_43 = arith.addi %mul3A_2, %add3A_42 : i32
    %dma_start3A_44 = arith.constant 0 : i32
    %dma_start3A_45 = arith.constant 0 : i32
    %dma_start3A_46 = tpu.memref_slice %arg2[%dma_start3A_44, %dma_start3A_45] : memref<1000000x64xf32, #tpu.memory_space<hbm>> -> memref<1000000x64xf32, #tpu.memory_space<hbm>>
    tpu.enqueue_indirect_dma source(%dma_start3A_46 : memref<1000000x64xf32, #tpu.memory_space<hbm>>) target(%arg10 : memref<128x64xf32, #tpu.memory_space<vmem>>) offsets(%arg6 : memref<128xi32, #tpu.memory_space<vmem>>) semaphore(%arg22 : memref<!tpu.dma_semaphore, #tpu.memory_space<semaphore_mem>>)
    %add3A_47 = arith.constant 2 : i32
    %add3A_48 = arith.addi %mul3A_2, %add3A_47 : i32
    %mul3A_49 = arith.constant 128 : i32
    %mul3A_50 = arith.muli %add3A_48, %mul3A_49 : i32
    %dma_start3A_51 = tpu.memref_slice %arg3[%mul3A_50] : memref<819200xi32, #tpu.memory_space<hbm>> -> memref<128xi32, #tpu.memory_space<hbm>>
    %dma_start3A_52 = tpu.memref_slice %arg3[%mul3A_50] : memref<819200xi32, #tpu.memory_space<hbm>> -> memref<128xi32, #tpu.memory_space<hbm>>
    tpu.enqueue_dma source(%dma_start3A_52 : memref<128xi32, #tpu.memory_space<hbm>>) target(%arg7 : memref<128xi32, #tpu.memory_space<vmem>>) target_semaphore(%arg19 : memref<!tpu.dma_semaphore, #tpu.memory_space<semaphore_mem>>)
    %add3A_53 = arith.constant 2 : i32
    %add3A_54 = arith.addi %mul3A_2, %add3A_53 : i32
    %mul3A_55 = arith.constant 128 : i32
    %mul3A_56 = arith.muli %add3A_54, %mul3A_55 : i32
    %dma_wait3A_57 = tpu.memref_slice %arg3[%mul3A_56] : memref<819200xi32, #tpu.memory_space<hbm>> -> memref<128xi32, #tpu.memory_space<hbm>>
    %dma_wait3A_58 = tpu.memref_slice %arg3[%mul3A_56] : memref<819200xi32, #tpu.memory_space<hbm>> -> memref<128xi32, #tpu.memory_space<hbm>>
    tpu.wait_dma2 semaphore(%arg19 : memref<!tpu.dma_semaphore, #tpu.memory_space<semaphore_mem>>) src(%dma_wait3A_58 : memref<128xi32, #tpu.memory_space<hbm>>) dst(%arg7 : memref<128xi32, #tpu.memory_space<vmem>>)
    %add3A_59 = arith.constant 2 : i32
    %add3A_60 = arith.addi %mul3A_2, %add3A_59 : i32
    %dma_start3A_61 = arith.constant 0 : i32
    %dma_start3A_62 = arith.constant 0 : i32
    %dma_start3A_63 = tpu.memref_slice %arg2[%dma_start3A_61, %dma_start3A_62] : memref<1000000x64xf32, #tpu.memory_space<hbm>> -> memref<1000000x64xf32, #tpu.memory_space<hbm>>
    tpu.enqueue_indirect_dma source(%dma_start3A_63 : memref<1000000x64xf32, #tpu.memory_space<hbm>>) target(%arg11 : memref<128x64xf32, #tpu.memory_space<vmem>>) offsets(%arg7 : memref<128xi32, #tpu.memory_space<vmem>>) semaphore(%arg23 : memref<!tpu.dma_semaphore, #tpu.memory_space<semaphore_mem>>)
    %add3A_64 = arith.constant 3 : i32
    %add3A_65 = arith.addi %mul3A_2, %add3A_64 : i32
    %mul3A_66 = arith.constant 128 : i32
    %mul3A_67 = arith.muli %add3A_65, %mul3A_66 : i32
    %dma_start3A_68 = tpu.memref_slice %arg3[%mul3A_67] : memref<819200xi32, #tpu.memory_space<hbm>> -> memref<128xi32, #tpu.memory_space<hbm>>
    %dma_start3A_69 = tpu.memref_slice %arg3[%mul3A_67] : memref<819200xi32, #tpu.memory_space<hbm>> -> memref<128xi32, #tpu.memory_space<hbm>>
    tpu.enqueue_dma source(%dma_start3A_69 : memref<128xi32, #tpu.memory_space<hbm>>) target(%arg8 : memref<128xi32, #tpu.memory_space<vmem>>) target_semaphore(%arg20 : memref<!tpu.dma_semaphore, #tpu.memory_space<semaphore_mem>>)
    %add3A_70 = arith.constant 3 : i32
    %add3A_71 = arith.addi %mul3A_2, %add3A_70 : i32
    %mul3A_72 = arith.constant 128 : i32
    %mul3A_73 = arith.muli %add3A_71, %mul3A_72 : i32
    %dma_wait3A_74 = tpu.memref_slice %arg3[%mul3A_73] : memref<819200xi32, #tpu.memory_space<hbm>> -> memref<128xi32, #tpu.memory_space<hbm>>
    %dma_wait3A_75 = tpu.memref_slice %arg3[%mul3A_73] : memref<819200xi32, #tpu.memory_space<hbm>> -> memref<128xi32, #tpu.memory_space<hbm>>
    tpu.wait_dma2 semaphore(%arg20 : memref<!tpu.dma_semaphore, #tpu.memory_space<semaphore_mem>>) src(%dma_wait3A_75 : memref<128xi32, #tpu.memory_space<hbm>>) dst(%arg8 : memref<128xi32, #tpu.memory_space<vmem>>)
    %add3A_76 = arith.constant 3 : i32
    %add3A_77 = arith.addi %mul3A_2, %add3A_76 : i32
    %dma_start3A_78 = arith.constant 0 : i32
    %dma_start3A_79 = arith.constant 0 : i32
    %dma_start3A_80 = tpu.memref_slice %arg2[%dma_start3A_78, %dma_start3A_79] : memref<1000000x64xf32, #tpu.memory_space<hbm>> -> memref<1000000x64xf32, #tpu.memory_space<hbm>>
    tpu.enqueue_indirect_dma source(%dma_start3A_80 : memref<1000000x64xf32, #tpu.memory_space<hbm>>) target(%arg12 : memref<128x64xf32, #tpu.memory_space<vmem>>) offsets(%arg8 : memref<128xi32, #tpu.memory_space<vmem>>) semaphore(%arg24 : memref<!tpu.dma_semaphore, #tpu.memory_space<semaphore_mem>>)
    %scan3A = arith.constant 0 : i32
    %scan3A_81 = arith.constant 0 : i32
    %scan3A_82 = arith.constant 50 : i32
    %scan3A_83 = arith.addi %scan3A_81, %scan3A_82 : i32
    %scan3A_84 = arith.constant 1 : i32
    scf.for %scan3A_596 = %scan3A_81 to %scan3A_83 step %scan3A_84  : i32 {
      %mul3A_597 = arith.constant 4 : i32
      %mul3A_598 = arith.muli %scan3A_596, %mul3A_597 : i32
      %add3A_599 = arith.addi %mul3A_2, %mul3A_598 : i32
      %add3A_600 = arith.constant 0 : i32
      %add3A_601 = arith.addi %add3A_599, %add3A_600 : i32
      %dma_wait3A_602 = arith.constant 0 : i32
      %dma_wait3A_603 = arith.constant 0 : i32
      %dma_wait3A_604 = tpu.memref_slice %arg2[%dma_wait3A_602, %dma_wait3A_603] : memref<1000000x64xf32, #tpu.memory_space<hbm>> -> memref<1000000x64xf32, #tpu.memory_space<hbm>>
      tpu.wait_indirect_dma semaphore(%arg21 : memref<!tpu.dma_semaphore, #tpu.memory_space<semaphore_mem>>) src(%dma_wait3A_604 : memref<1000000x64xf32, #tpu.memory_space<hbm>>) dst(%arg9 : memref<128x64xf32, #tpu.memory_space<vmem>>)
      %lt3A = arith.constant 49 : i32
      %lt3A_605 = arith.cmpi slt, %scan3A_596, %lt3A : i32
      %convert_element_type3A = arith.extui %lt3A_605 : i1 to i32
      %cond3A = arith.constant 0 : i32
      %cond3A_606 = arith.cmpi ne, %convert_element_type3A, %cond3A : i32
      scf.if %cond3A_606 {
        %add3A_1212 = arith.constant 4 : i32
        %add3A_1213 = arith.addi %add3A_601, %add3A_1212 : i32
        %mul3A_1214 = arith.constant 128 : i32
        %mul3A_1215 = arith.muli %add3A_1213, %mul3A_1214 : i32
        %dma_start3A_1216 = tpu.memref_slice %arg3[%mul3A_1215] : memref<819200xi32, #tpu.memory_space<hbm>> -> memref<128xi32, #tpu.memory_space<hbm>>
        %dma_start3A_1217 = tpu.memref_slice %arg3[%mul3A_1215] : memref<819200xi32, #tpu.memory_space<hbm>> -> memref<128xi32, #tpu.memory_space<hbm>>
        tpu.enqueue_dma source(%dma_start3A_1217 : memref<128xi32, #tpu.memory_space<hbm>>) target(%arg5 : memref<128xi32, #tpu.memory_space<vmem>>) target_semaphore(%arg17 : memref<!tpu.dma_semaphore, #tpu.memory_space<semaphore_mem>>)
      } else {
      }
      %gt3A = arith.constant 0 : i32
      %gt3A_607 = arith.cmpi sgt, %scan3A_596, %gt3A : i32
      %convert_element_type3A_608 = arith.extui %gt3A_607 : i1 to i32
      %cond3A_609 = arith.constant 0 : i32
      %cond3A_610 = arith.cmpi ne, %convert_element_type3A_608, %cond3A_609 : i32
      scf.if %cond3A_610 {
        %sub3A = arith.constant 4 : i32
        %sub3A_1212 = arith.subi %add3A_601, %sub3A : i32
        %shift_right_logical3A_1213 = arith.constant 7 : i32
        %shift_right_logical3A_1214 = arith.shrui %sub3A_1212, %shift_right_logical3A_1213 : i32
        %and3A_1215 = arith.constant 127 : i32
        %and3A_1216 = arith.andi %sub3A_1212, %and3A_1215 : i32
        %dma_wait3A_1217 = arith.constant 0 : i32
        %dma_wait3A_1218 = arith.constant 0 : i32
        %dma_wait3A_1219 = arith.constant 0 : i32
        %dma_wait3A_1220 = tpu.memref_slice %arg13[%dma_wait3A_1218, %dma_wait3A_1219] : memref<64x129xf32, #tpu.memory_space<vmem>> -> memref<8x128xf32, #tpu.memory_space<vmem>>
        %dma_wait3A_1221 = arith.constant 0 : i32
        %dma_wait3A_1222 = arith.constant 0 : i32
        %dma_wait3A_1223 = tpu.memref_slice %arg4[%shift_right_logical3A_1214, %dma_wait3A_1217, %and3A_1216, %dma_wait3A_1221, %dma_wait3A_1222] : memref<50x8x128x8x128xf32, #tpu.memory_space<hbm>> -> memref<1x1x1x8x128xf32, #tpu.memory_space<hbm>>
        %dma_wait3A_1224 = tpu.memref_squeeze %dma_wait3A_1223 : memref<1x1x1x8x128xf32, #tpu.memory_space<hbm>> -> memref<8x128xf32, #tpu.memory_space<hbm>>
        %dma_wait3A_1225 = arith.constant 0 : i32
        %dma_wait3A_1226 = arith.constant 0 : i32
        %dma_wait3A_1227 = tpu.memref_slice %arg4[%shift_right_logical3A_1214, %dma_wait3A_1217, %and3A_1216, %dma_wait3A_1225, %dma_wait3A_1226] : memref<50x8x128x8x128xf32, #tpu.memory_space<hbm>> -> memref<1x1x1x8x128xf32, #tpu.memory_space<hbm>>
        %dma_wait3A_1228 = tpu.memref_squeeze %dma_wait3A_1227 : memref<1x1x1x8x128xf32, #tpu.memory_space<hbm>> -> memref<8x128xf32, #tpu.memory_space<hbm>>
        %dma_wait3A_1229 = arith.constant 0 : i32
        %dma_wait3A_1230 = arith.constant 0 : i32
        %dma_wait3A_1231 = tpu.memref_slice %arg13[%dma_wait3A_1229, %dma_wait3A_1230] : memref<64x129xf32, #tpu.memory_space<vmem>> -> memref<8x128xf32, #tpu.memory_space<vmem>>
        tpu.wait_dma2 semaphore(%arg25 : memref<!tpu.dma_semaphore, #tpu.memory_space<semaphore_mem>>) src(%dma_wait3A_1231 : memref<8x128xf32, #tpu.memory_space<vmem>>) dst(%dma_wait3A_1228 : memref<8x128xf32, #tpu.memory_space<hbm>>)
        %dma_wait3A_1232 = arith.constant 1 : i32
        %dma_wait3A_1233 = arith.constant 8 : i32
        %dma_wait3A_1234 = arith.constant 0 : i32
        %dma_wait3A_1235 = tpu.memref_slice %arg13[%dma_wait3A_1233, %dma_wait3A_1234] : memref<64x129xf32, #tpu.memory_space<vmem>> -> memref<8x128xf32, #tpu.memory_space<vmem>>
        %dma_wait3A_1236 = arith.constant 0 : i32
        %dma_wait3A_1237 = arith.constant 0 : i32
        %dma_wait3A_1238 = tpu.memref_slice %arg4[%shift_right_logical3A_1214, %dma_wait3A_1232, %and3A_1216, %dma_wait3A_1236, %dma_wait3A_1237] : memref<50x8x128x8x128xf32, #tpu.memory_space<hbm>> -> memref<1x1x1x8x128xf32, #tpu.memory_space<hbm>>
        %dma_wait3A_1239 = tpu.memref_squeeze %dma_wait3A_1238 : memref<1x1x1x8x128xf32, #tpu.memory_space<hbm>> -> memref<8x128xf32, #tpu.memory_space<hbm>>
        %dma_wait3A_1240 = arith.constant 0 : i32
        %dma_wait3A_1241 = arith.constant 0 : i32
        %dma_wait3A_1242 = tpu.memref_slice %arg4[%shift_right_logical3A_1214, %dma_wait3A_1232, %and3A_1216, %dma_wait3A_1240, %dma_wait3A_1241] : memref<50x8x128x8x128xf32, #tpu.memory_space<hbm>> -> memref<1x1x1x8x128xf32, #tpu.memory_space<hbm>>
        %dma_wait3A_1243 = tpu.memref_squeeze %dma_wait3A_1242 : memref<1x1x1x8x128xf32, #tpu.memory_space<hbm>> -> memref<8x128xf32, #tpu.memory_space<hbm>>
        %dma_wait3A_1244 = arith.constant 8 : i32
        %dma_wait3A_1245 = arith.constant 0 : i32
        %dma_wait3A_1246 = tpu.memref_slice %arg13[%dma_wait3A_1244, %dma_wait3A_1245] : memref<64x129xf32, #tpu.memory_space<vmem>> -> memref<8x128xf32, #tpu.memory_space<vmem>>
        tpu.wait_dma2 semaphore(%arg25 : memref<!tpu.dma_semaphore, #tpu.memory_space<semaphore_mem>>) src(%dma_wait3A_1246 : memref<8x128xf32, #tpu.memory_space<vmem>>) dst(%dma_wait3A_1243 : memref<8x128xf32, #tpu.memory_space<hbm>>)
        %dma_wait3A_1247 = arith.constant 2 : i32
        %dma_wait3A_1248 = arith.constant 16 : i32
        %dma_wait3A_1249 = arith.constant 0 : i32
        %dma_wait3A_1250 = tpu.memref_slice %arg13[%dma_wait3A_1248, %dma_wait3A_1249] : memref<64x129xf32, #tpu.memory_space<vmem>> -> memref<8x128xf32, #tpu.memory_space<vmem>>
        %dma_wait3A_1251 = arith.constant 0 : i32
        %dma_wait3A_1252 = arith.constant 0 : i32
        %dma_wait3A_1253 = tpu.memref_slice %arg4[%shift_right_logical3A_1214, %dma_wait3A_1247, %and3A_1216, %dma_wait3A_1251, %dma_wait3A_1252] : memref<50x8x128x8x128xf32, #tpu.memory_space<hbm>> -> memref<1x1x1x8x128xf32, #tpu.memory_space<hbm>>
        %dma_wait3A_1254 = tpu.memref_squeeze %dma_wait3A_1253 : memref<1x1x1x8x128xf32, #tpu.memory_space<hbm>> -> memref<8x128xf32, #tpu.memory_space<hbm>>
        %dma_wait3A_1255 = arith.constant 0 : i32
        %dma_wait3A_1256 = arith.constant 0 : i32
        %dma_wait3A_1257 = tpu.memref_slice %arg4[%shift_right_logical3A_1214, %dma_wait3A_1247, %and3A_1216, %dma_wait3A_1255, %dma_wait3A_1256] : memref<50x8x128x8x128xf32, #tpu.memory_space<hbm>> -> memref<1x1x1x8x128xf32, #tpu.memory_space<hbm>>
        %dma_wait3A_1258 = tpu.memref_squeeze %dma_wait3A_1257 : memref<1x1x1x8x128xf32, #tpu.memory_space<hbm>> -> memref<8x128xf32, #tpu.memory_space<hbm>>
        %dma_wait3A_1259 = arith.constant 16 : i32
        %dma_wait3A_1260 = arith.constant 0 : i32
        %dma_wait3A_1261 = tpu.memref_slice %arg13[%dma_wait3A_1259, %dma_wait3A_1260] : memref<64x129xf32, #tpu.memory_space<vmem>> -> memref<8x128xf32, #tpu.memory_space<vmem>>
        tpu.wait_dma2 semaphore(%arg25 : memref<!tpu.dma_semaphore, #tpu.memory_space<semaphore_mem>>) src(%dma_wait3A_1261 : memref<8x128xf32, #tpu.memory_space<vmem>>) dst(%dma_wait3A_1258 : memref<8x128xf32, #tpu.memory_space<hbm>>)
        %dma_wait3A_1262 = arith.constant 3 : i32
        %dma_wait3A_1263 = arith.constant 24 : i32
        %dma_wait3A_1264 = arith.constant 0 : i32
        %dma_wait3A_1265 = tpu.memref_slice %arg13[%dma_wait3A_1263, %dma_wait3A_1264] : memref<64x129xf32, #tpu.memory_space<vmem>> -> memref<8x128xf32, #tpu.memory_space<vmem>>
        %dma_wait3A_1266 = arith.constant 0 : i32
        %dma_wait3A_1267 = arith.constant 0 : i32
        %dma_wait3A_1268 = tpu.memref_slice %arg4[%shift_right_logical3A_1214, %dma_wait3A_1262, %and3A_1216, %dma_wait3A_1266, %dma_wait3A_1267] : memref<50x8x128x8x128xf32, #tpu.memory_space<hbm>> -> memref<1x1x1x8x128xf32, #tpu.memory_space<hbm>>
        %dma_wait3A_1269 = tpu.memref_squeeze %dma_wait3A_1268 : memref<1x1x1x8x128xf32, #tpu.memory_space<hbm>> -> memref<8x128xf32, #tpu.memory_space<hbm>>
        %dma_wait3A_1270 = arith.constant 0 : i32
        %dma_wait3A_1271 = arith.constant 0 : i32
        %dma_wait3A_1272 = tpu.memref_slice %arg4[%shift_right_logical3A_1214, %dma_wait3A_1262, %and3A_1216, %dma_wait3A_1270, %dma_wait3A_1271] : memref<50x8x128x8x128xf32, #tpu.memory_space<hbm>> -> memref<1x1x1x8x128xf32, #tpu.memory_space<hbm>>
        %dma_wait3A_1273 = tpu.memref_squeeze %dma_wait3A_1272 : memref<1x1x1x8x128xf32, #tpu.memory_space<hbm>> -> memref<8x128xf32, #tpu.memory_space<hbm>>
        %dma_wait3A_1274 = arith.constant 24 : i32
        %dma_wait3A_1275 = arith.constant 0 : i32
        %dma_wait3A_1276 = tpu.memref_slice %arg13[%dma_wait3A_1274, %dma_wait3A_1275] : memref<64x129xf32, #tpu.memory_space<vmem>> -> memref<8x128xf32, #tpu.memory_space<vmem>>
        tpu.wait_dma2 semaphore(%arg25 : memref<!tpu.dma_semaphore, #tpu.memory_space<semaphore_mem>>) src(%dma_wait3A_1276 : memref<8x128xf32, #tpu.memory_space<vmem>>) dst(%dma_wait3A_1273 : memref<8x128xf32, #tpu.memory_space<hbm>>)
        %dma_wait3A_1277 = arith.constant 4 : i32
        %dma_wait3A_1278 = arith.constant 32 : i32
        %dma_wait3A_1279 = arith.constant 0 : i32
        %dma_wait3A_1280 = tpu.memref_slice %arg13[%dma_wait3A_1278, %dma_wait3A_1279] : memref<64x129xf32, #tpu.memory_space<vmem>> -> memref<8x128xf32, #tpu.memory_space<vmem>>
        %dma_wait3A_1281 = arith.constant 0 : i32
        %dma_wait3A_1282 = arith.constant 0 : i32
        %dma_wait3A_1283 = tpu.memref_slice %arg4[%shift_right_logical3A_1214, %dma_wait3A_1277, %and3A_1216, %dma_wait3A_1281, %dma_wait3A_1282] : memref<50x8x128x8x128xf32, #tpu.memory_space<hbm>> -> memref<1x1x1x8x128xf32, #tpu.memory_space<hbm>>
        %dma_wait3A_1284 = tpu.memref_squeeze %dma_wait3A_1283 : memref<1x1x1x8x128xf32, #tpu.memory_space<hbm>> -> memref<8x128xf32, #tpu.memory_space<hbm>>
        %dma_wait3A_1285 = arith.constant 0 : i32
        %dma_wait3A_1286 = arith.constant 0 : i32
        %dma_wait3A_1287 = tpu.memref_slice %arg4[%shift_right_logical3A_1214, %dma_wait3A_1277, %and3A_1216, %dma_wait3A_1285, %dma_wait3A_1286] : memref<50x8x128x8x128xf32, #tpu.memory_space<hbm>> -> memref<1x1x1x8x128xf32, #tpu.memory_space<hbm>>
        %dma_wait3A_1288 = tpu.memref_squeeze %dma_wait3A_1287 : memref<1x1x1x8x128xf32, #tpu.memory_space<hbm>> -> memref<8x128xf32, #tpu.memory_space<hbm>>
        %dma_wait3A_1289 = arith.constant 32 : i32
        %dma_wait3A_1290 = arith.constant 0 : i32
        %dma_wait3A_1291 = tpu.memref_slice %arg13[%dma_wait3A_1289, %dma_wait3A_1290] : memref<64x129xf32, #tpu.memory_space<vmem>> -> memref<8x128xf32, #tpu.memory_space<vmem>>
        tpu.wait_dma2 semaphore(%arg25 : memref<!tpu.dma_semaphore, #tpu.memory_space<semaphore_mem>>) src(%dma_wait3A_1291 : memref<8x128xf32, #tpu.memory_space<vmem>>) dst(%dma_wait3A_1288 : memref<8x128xf32, #tpu.memory_space<hbm>>)
        %dma_wait3A_1292 = arith.constant 5 : i32
        %dma_wait3A_1293 = arith.constant 40 : i32
        %dma_wait3A_1294 = arith.constant 0 : i32
        %dma_wait3A_1295 = tpu.memref_slice %arg13[%dma_wait3A_1293, %dma_wait3A_1294] : memref<64x129xf32, #tpu.memory_space<vmem>> -> memref<8x128xf32, #tpu.memory_space<vmem>>
        %dma_wait3A_1296 = arith.constant 0 : i32
        %dma_wait3A_1297 = arith.constant 0 : i32
        %dma_wait3A_1298 = tpu.memref_slice %arg4[%shift_right_logical3A_1214, %dma_wait3A_1292, %and3A_1216, %dma_wait3A_1296, %dma_wait3A_1297] : memref<50x8x128x8x128xf32, #tpu.memory_space<hbm>> -> memref<1x1x1x8x128xf32, #tpu.memory_space<hbm>>
        %dma_wait3A_1299 = tpu.memref_squeeze %dma_wait3A_1298 : memref<1x1x1x8x128xf32, #tpu.memory_space<hbm>> -> memref<8x128xf32, #tpu.memory_space<hbm>>
        %dma_wait3A_1300 = arith.constant 0 : i32
        %dma_wait3A_1301 = arith.constant 0 : i32
        %dma_wait3A_1302 = tpu.memref_slice %arg4[%shift_right_logical3A_1214, %dma_wait3A_1292, %and3A_1216, %dma_wait3A_1300, %dma_wait3A_1301] : memref<50x8x128x8x128xf32, #tpu.memory_space<hbm>> -> memref<1x1x1x8x128xf32, #tpu.memory_space<hbm>>
        %dma_wait3A_1303 = tpu.memref_squeeze %dma_wait3A_1302 : memref<1x1x1x8x128xf32, #tpu.memory_space<hbm>> -> memref<8x128xf32, #tpu.memory_space<hbm>>
        %dma_wait3A_1304 = arith.constant 40 : i32
        %dma_wait3A_1305 = arith.constant 0 : i32
        %dma_wait3A_1306 = tpu.memref_slice %arg13[%dma_wait3A_1304, %dma_wait3A_1305] : memref<64x129xf32, #tpu.memory_space<vmem>> -> memref<8x128xf32, #tpu.memory_space<vmem>>
        tpu.wait_dma2 semaphore(%arg25 : memref<!tpu.dma_semaphore, #tpu.memory_space<semaphore_mem>>) src(%dma_wait3A_1306 : memref<8x128xf32, #tpu.memory_space<vmem>>) dst(%dma_wait3A_1303 : memref<8x128xf32, #tpu.memory_space<hbm>>)
        %dma_wait3A_1307 = arith.constant 6 : i32
        %dma_wait3A_1308 = arith.constant 48 : i32
        %dma_wait3A_1309 = arith.constant 0 : i32
        %dma_wait3A_1310 = tpu.memref_slice %arg13[%dma_wait3A_1308, %dma_wait3A_1309] : memref<64x129xf32, #tpu.memory_space<vmem>> -> memref<8x128xf32, #tpu.memory_space<vmem>>
        %dma_wait3A_1311 = arith.constant 0 : i32
        %dma_wait3A_1312 = arith.constant 0 : i32
        %dma_wait3A_1313 = tpu.memref_slice %arg4[%shift_right_logical3A_1214, %dma_wait3A_1307, %and3A_1216, %dma_wait3A_1311, %dma_wait3A_1312] : memref<50x8x128x8x128xf32, #tpu.memory_space<hbm>> -> memref<1x1x1x8x128xf32, #tpu.memory_space<hbm>>
        %dma_wait3A_1314 = tpu.memref_squeeze %dma_wait3A_1313 : memref<1x1x1x8x128xf32, #tpu.memory_space<hbm>> -> memref<8x128xf32, #tpu.memory_space<hbm>>
        %dma_wait3A_1315 = arith.constant 0 : i32
        %dma_wait3A_1316 = arith.constant 0 : i32
        %dma_wait3A_1317 = tpu.memref_slice %arg4[%shift_right_logical3A_1214, %dma_wait3A_1307, %and3A_1216, %dma_wait3A_1315, %dma_wait3A_1316] : memref<50x8x128x8x128xf32, #tpu.memory_space<hbm>> -> memref<1x1x1x8x128xf32, #tpu.memory_space<hbm>>
        %dma_wait3A_1318 = tpu.memref_squeeze %dma_wait3A_1317 : memref<1x1x1x8x128xf32, #tpu.memory_space<hbm>> -> memref<8x128xf32, #tpu.memory_space<hbm>>
        %dma_wait3A_1319 = arith.constant 48 : i32
        %dma_wait3A_1320 = arith.constant 0 : i32
        %dma_wait3A_1321 = tpu.memref_slice %arg13[%dma_wait3A_1319, %dma_wait3A_1320] : memref<64x129xf32, #tpu.memory_space<vmem>> -> memref<8x128xf32, #tpu.memory_space<vmem>>
        tpu.wait_dma2 semaphore(%arg25 : memref<!tpu.dma_semaphore, #tpu.memory_space<semaphore_mem>>) src(%dma_wait3A_1321 : memref<8x128xf32, #tpu.memory_space<vmem>>) dst(%dma_wait3A_1318 : memref<8x128xf32, #tpu.memory_space<hbm>>)
        %dma_wait3A_1322 = arith.constant 7 : i32
        %dma_wait3A_1323 = arith.constant 56 : i32
        %dma_wait3A_1324 = arith.constant 0 : i32
        %dma_wait3A_1325 = tpu.memref_slice %arg13[%dma_wait3A_1323, %dma_wait3A_1324] : memref<64x129xf32, #tpu.memory_space<vmem>> -> memref<8x128xf32, #tpu.memory_space<vmem>>
        %dma_wait3A_1326 = arith.constant 0 : i32
        %dma_wait3A_1327 = arith.constant 0 : i32
        %dma_wait3A_1328 = tpu.memref_slice %arg4[%shift_right_logical3A_1214, %dma_wait3A_1322, %and3A_1216, %dma_wait3A_1326, %dma_wait3A_1327] : memref<50x8x128x8x128xf32, #tpu.memory_space<hbm>> -> memref<1x1x1x8x128xf32, #tpu.memory_space<hbm>>
        %dma_wait3A_1329 = tpu.memref_squeeze %dma_wait3A_1328 : memref<1x1x1x8x128xf32, #tpu.memory_space<hbm>> -> memref<8x128xf32, #tpu.memory_space<hbm>>
        %dma_wait3A_1330 = arith.constant 0 : i32
        %dma_wait3A_1331 = arith.constant 0 : i32
        %dma_wait3A_1332 = tpu.memref_slice %arg4[%shift_right_logical3A_1214, %dma_wait3A_1322, %and3A_1216, %dma_wait3A_1330, %dma_wait3A_1331] : memref<50x8x128x8x128xf32, #tpu.memory_space<hbm>> -> memref<1x1x1x8x128xf32, #tpu.memory_space<hbm>>
        %dma_wait3A_1333 = tpu.memref_squeeze %dma_wait3A_1332 : memref<1x1x1x8x128xf32, #tpu.memory_space<hbm>> -> memref<8x128xf32, #tpu.memory_space<hbm>>
        %dma_wait3A_1334 = arith.constant 56 : i32
        %dma_wait3A_1335 = arith.constant 0 : i32
        %dma_wait3A_1336 = tpu.memref_slice %arg13[%dma_wait3A_1334, %dma_wait3A_1335] : memref<64x129xf32, #tpu.memory_space<vmem>> -> memref<8x128xf32, #tpu.memory_space<vmem>>
        tpu.wait_dma2 semaphore(%arg25 : memref<!tpu.dma_semaphore, #tpu.memory_space<semaphore_mem>>) src(%dma_wait3A_1336 : memref<8x128xf32, #tpu.memory_space<vmem>>) dst(%dma_wait3A_1333 : memref<8x128xf32, #tpu.memory_space<hbm>>)
      } else {
      }
      %broadcast_in_dim3A = arith.constant 0 : i32
      %broadcast_in_dim3A_611 = vector.broadcast %broadcast_in_dim3A : i32 to vector<16xi32>
      %scan3A_612 = arith.constant 0 : i32
      %scan3A_613 = arith.constant 16 : i32
      %scan3A_614 = arith.addi %scan3A_612, %scan3A_613 : i32
      %scan3A_615 = arith.constant 1 : i32
      %scan3A_616 = scf.for %scan3A_1212 = %scan3A_612 to %scan3A_614 step %scan3A_615 iter_args(%scan3A_1213 = %broadcast_in_dim3A_611) -> (vector<16xi32>)  : i32 {
        %mul3A_1214 = arith.constant 8 : i32
        %mul3A_1215 = arith.muli %scan3A_1212, %mul3A_1214 : i32
        %add3A_1216 = arith.constant 0 : i32
        %add3A_1217 = arith.addi %mul3A_1215, %add3A_1216 : i32
        %add3A_1218 = arith.constant 0 : i32
        %add3A_1219 = vector.broadcast %add3A_1218 : i32 to vector<16xi32>
        %add3A_1220 = arith.addi %scan3A_1213, %add3A_1219 : vector<16xi32>
        %get3A = arith.index_cast %add3A_1217 : i32 to index
        %get3A_1221 = arith.constant 0 : index
        %get3A_1222 = tpu.vector_load %arg9[%get3A, %get3A_1221] {strides = array<i32>} : memref<128x64xf32, #tpu.memory_space<vmem>>, vector<16xf32>,
        tpu.vector_store_idx %arg13[%add3A_5, %add3A_1220], %get3A_1222 : memref<64x129xf32, #tpu.memory_space<vmem>>[vector<16xi32>, vector<16xi32>], vector<16xf32>,
        %get3A_1223 = arith.index_cast %add3A_1217 : i32 to index
        %get3A_1224 = arith.constant 16 : index
        %get3A_1225 = tpu.vector_load %arg9[%get3A_1223, %get3A_1224] {strides = array<i32>} : memref<128x64xf32, #tpu.memory_space<vmem>>, vector<16xf32>,
        tpu.vector_store_idx %arg13[%add3A_8, %add3A_1220], %get3A_1225 : memref<64x129xf32, #tpu.memory_space<vmem>>[vector<16xi32>, vector<16xi32>], vector<16xf32>,
        %get3A_1226 = arith.index_cast %add3A_1217 : i32 to index
        %get3A_1227 = arith.constant 32 : index
        %get3A_1228 = tpu.vector_load %arg9[%get3A_1226, %get3A_1227] {strides = array<i32>} : memref<128x64xf32, #tpu.memory_space<vmem>>, vector<16xf32>,
        tpu.vector_store_idx %arg13[%add3A_11, %add3A_1220], %get3A_1228 : memref<64x129xf32, #tpu.memory_space<vmem>>[vector<16xi32>, vector<16xi32>], vector<16xf32>,
        %get3A_1229 = arith.index_cast %add3A_1217 : i32 to index
        %get3A_1230 = arith.constant 48 : index
        %get3A_1231 = tpu.vector_load %arg9[%get3A_1229, %get3A_1230] {strides = array<i32>} : memref<128x64xf32, #tpu.memory_space<vmem>>, vector<16xf32>,
        tpu.vector_store_idx %arg13[%add3A_14, %add3A_1220], %get3A_1231 : memref<64x129xf32, #tpu.memory_space<vmem>>[vector<16xi32>, vector<16xi32>], vector<16xf32>,
        %mul3A_1232 = arith.constant 8 : i32
        %mul3A_1233 = arith.muli %scan3A_1212, %mul3A_1232 : i32
        %add3A_1234 = arith.constant 1 : i32
        %add3A_1235 = arith.addi %mul3A_1233, %add3A_1234 : i32
        %add3A_1236 = arith.constant 1 : i32
        %add3A_1237 = vector.broadcast %add3A_1236 : i32 to vector<16xi32>
        %add3A_1238 = arith.addi %scan3A_1213, %add3A_1237 : vector<16xi32>
        %get3A_1239 = arith.index_cast %add3A_1235 : i32 to index
        %get3A_1240 = arith.constant 0 : index
        %get3A_1241 = tpu.vector_load %arg9[%get3A_1239, %get3A_1240] {strides = array<i32>} : memref<128x64xf32, #tpu.memory_space<vmem>>, vector<16xf32>,
        tpu.vector_store_idx %arg13[%add3A_5, %add3A_1238], %get3A_1241 : memref<64x129xf32, #tpu.memory_space<vmem>>[vector<16xi32>, vector<16xi32>], vector<16xf32>,
        %get3A_1242 = arith.index_cast %add3A_1235 : i32 to index
        %get3A_1243 = arith.constant 16 : index
        %get3A_1244 = tpu.vector_load %arg9[%get3A_1242, %get3A_1243] {strides = array<i32>} : memref<128x64xf32, #tpu.memory_space<vmem>>, vector<16xf32>,
        tpu.vector_store_idx %arg13[%add3A_8, %add3A_1238], %get3A_1244 : memref<64x129xf32, #tpu.memory_space<vmem>>[vector<16xi32>, vector<16xi32>], vector<16xf32>,
        %get3A_1245 = arith.index_cast %add3A_1235 : i32 to index
        %get3A_1246 = arith.constant 32 : index
        %get3A_1247 = tpu.vector_load %arg9[%get3A_1245, %get3A_1246] {strides = array<i32>} : memref<128x64xf32, #tpu.memory_space<vmem>>, vector<16xf32>,
        tpu.vector_store_idx %arg13[%add3A_11, %add3A_1238], %get3A_1247 : memref<64x129xf32, #tpu.memory_space<vmem>>[vector<16xi32>, vector<16xi32>], vector<16xf32>,
        %get3A_1248 = arith.index_cast %add3A_1235 : i32 to index
        %get3A_1249 = arith.constant 48 : index
        %get3A_1250 = tpu.vector_load %arg9[%get3A_1248, %get3A_1249] {strides = array<i32>} : memref<128x64xf32, #tpu.memory_space<vmem>>, vector<16xf32>,
        tpu.vector_store_idx %arg13[%add3A_14, %add3A_1238], %get3A_1250 : memref<64x129xf32, #tpu.memory_space<vmem>>[vector<16xi32>, vector<16xi32>], vector<16xf32>,
        %mul3A_1251 = arith.constant 8 : i32
        %mul3A_1252 = arith.muli %scan3A_1212, %mul3A_1251 : i32
        %add3A_1253 = arith.constant 2 : i32
        %add3A_1254 = arith.addi %mul3A_1252, %add3A_1253 : i32
        %add3A_1255 = arith.constant 2 : i32
        %add3A_1256 = vector.broadcast %add3A_1255 : i32 to vector<16xi32>
        %add3A_1257 = arith.addi %scan3A_1213, %add3A_1256 : vector<16xi32>
        %get3A_1258 = arith.index_cast %add3A_1254 : i32 to index
        %get3A_1259 = arith.constant 0 : index
        %get3A_1260 = tpu.vector_load %arg9[%get3A_1258, %get3A_1259] {strides = array<i32>} : memref<128x64xf32, #tpu.memory_space<vmem>>, vector<16xf32>,
        tpu.vector_store_idx %arg13[%add3A_5, %add3A_1257], %get3A_1260 : memref<64x129xf32, #tpu.memory_space<vmem>>[vector<16xi32>, vector<16xi32>], vector<16xf32>,
        %get3A_1261 = arith.index_cast %add3A_1254 : i32 to index
        %get3A_1262 = arith.constant 16 : index
        %get3A_1263 = tpu.vector_load %arg9[%get3A_1261, %get3A_1262] {strides = array<i32>} : memref<128x64xf32, #tpu.memory_space<vmem>>, vector<16xf32>,
        tpu.vector_store_idx %arg13[%add3A_8, %add3A_1257], %get3A_1263 : memref<64x129xf32, #tpu.memory_space<vmem>>[vector<16xi32>, vector<16xi32>], vector<16xf32>,
        %get3A_1264 = arith.index_cast %add3A_1254 : i32 to index
        %get3A_1265 = arith.constant 32 : index
        %get3A_1266 = tpu.vector_load %arg9[%get3A_1264, %get3A_1265] {strides = array<i32>} : memref<128x64xf32, #tpu.memory_space<vmem>>, vector<16xf32>,
        tpu.vector_store_idx %arg13[%add3A_11, %add3A_1257], %get3A_1266 : memref<64x129xf32, #tpu.memory_space<vmem>>[vector<16xi32>, vector<16xi32>], vector<16xf32>,
        %get3A_1267 = arith.index_cast %add3A_1254 : i32 to index
        %get3A_1268 = arith.constant 48 : index
        %get3A_1269 = tpu.vector_load %arg9[%get3A_1267, %get3A_1268] {strides = array<i32>} : memref<128x64xf32, #tpu.memory_space<vmem>>, vector<16xf32>,
        tpu.vector_store_idx %arg13[%add3A_14, %add3A_1257], %get3A_1269 : memref<64x129xf32, #tpu.memory_space<vmem>>[vector<16xi32>, vector<16xi32>], vector<16xf32>,
        %mul3A_1270 = arith.constant 8 : i32
        %mul3A_1271 = arith.muli %scan3A_1212, %mul3A_1270 : i32
        %add3A_1272 = arith.constant 3 : i32
        %add3A_1273 = arith.addi %mul3A_1271, %add3A_1272 : i32
        %add3A_1274 = arith.constant 3 : i32
        %add3A_1275 = vector.broadcast %add3A_1274 : i32 to vector<16xi32>
        %add3A_1276 = arith.addi %scan3A_1213, %add3A_1275 : vector<16xi32>
        %get3A_1277 = arith.index_cast %add3A_1273 : i32 to index
        %get3A_1278 = arith.constant 0 : index
        %get3A_1279 = tpu.vector_load %arg9[%get3A_1277, %get3A_1278] {strides = array<i32>} : memref<128x64xf32, #tpu.memory_space<vmem>>, vector<16xf32>,
        tpu.vector_store_idx %arg13[%add3A_5, %add3A_1276], %get3A_1279 : memref<64x129xf32, #tpu.memory_space<vmem>>[vector<16xi32>, vector<16xi32>], vector<16xf32>,
        %get3A_1280 = arith.index_cast %add3A_1273 : i32 to index
        %get3A_1281 = arith.constant 16 : index
        %get3A_1282 = tpu.vector_load %arg9[%get3A_1280, %get3A_1281] {strides = array<i32>} : memref<128x64xf32, #tpu.memory_space<vmem>>, vector<16xf32>,
        tpu.vector_store_idx %arg13[%add3A_8, %add3A_1276], %get3A_1282 : memref<64x129xf32, #tpu.memory_space<vmem>>[vector<16xi32>, vector<16xi32>], vector<16xf32>,
        %get3A_1283 = arith.index_cast %add3A_1273 : i32 to index
        %get3A_1284 = arith.constant 32 : index
        %get3A_1285 = tpu.vector_load %arg9[%get3A_1283, %get3A_1284] {strides = array<i32>} : memref<128x64xf32, #tpu.memory_space<vmem>>, vector<16xf32>,
        tpu.vector_store_idx %arg13[%add3A_11, %add3A_1276], %get3A_1285 : memref<64x129xf32, #tpu.memory_space<vmem>>[vector<16xi32>, vector<16xi32>], vector<16xf32>,
        %get3A_1286 = arith.index_cast %add3A_1273 : i32 to index
        %get3A_1287 = arith.constant 48 : index
        %get3A_1288 = tpu.vector_load %arg9[%get3A_1286, %get3A_1287] {strides = array<i32>} : memref<128x64xf32, #tpu.memory_space<vmem>>, vector<16xf32>,
        tpu.vector_store_idx %arg13[%add3A_14, %add3A_1276], %get3A_1288 : memref<64x129xf32, #tpu.memory_space<vmem>>[vector<16xi32>, vector<16xi32>], vector<16xf32>,
        %mul3A_1289 = arith.constant 8 : i32
        %mul3A_1290 = arith.muli %scan3A_1212, %mul3A_1289 : i32
        %add3A_1291 = arith.constant 4 : i32
        %add3A_1292 = arith.addi %mul3A_1290, %add3A_1291 : i32
        %add3A_1293 = arith.constant 4 : i32
        %add3A_1294 = vector.broadcast %add3A_1293 : i32 to vector<16xi32>
        %add3A_1295 = arith.addi %scan3A_1213, %add3A_1294 : vector<16xi32>
        %get3A_1296 = arith.index_cast %add3A_1292 : i32 to index
        %get3A_1297 = arith.constant 0 : index
        %get3A_1298 = tpu.vector_load %arg9[%get3A_1296, %get3A_1297] {strides = array<i32>} : memref<128x64xf32, #tpu.memory_space<vmem>>, vector<16xf32>,
        tpu.vector_store_idx %arg13[%add3A_5, %add3A_1295], %get3A_1298 : memref<64x129xf32, #tpu.memory_space<vmem>>[vector<16xi32>, vector<16xi32>], vector<16xf32>,
        %get3A_1299 = arith.index_cast %add3A_1292 : i32 to index
        %get3A_1300 = arith.constant 16 : index
        %get3A_1301 = tpu.vector_load %arg9[%get3A_1299, %get3A_1300] {strides = array<i32>} : memref<128x64xf32, #tpu.memory_space<vmem>>, vector<16xf32>,
        tpu.vector_store_idx %arg13[%add3A_8, %add3A_1295], %get3A_1301 : memref<64x129xf32, #tpu.memory_space<vmem>>[vector<16xi32>, vector<16xi32>], vector<16xf32>,
        %get3A_1302 = arith.index_cast %add3A_1292 : i32 to index
        %get3A_1303 = arith.constant 32 : index
        %get3A_1304 = tpu.vector_load %arg9[%get3A_1302, %get3A_1303] {strides = array<i32>} : memref<128x64xf32, #tpu.memory_space<vmem>>, vector<16xf32>,
        tpu.vector_store_idx %arg13[%add3A_11, %add3A_1295], %get3A_1304 : memref<64x129xf32, #tpu.memory_space<vmem>>[vector<16xi32>, vector<16xi32>], vector<16xf32>,
        %get3A_1305 = arith.index_cast %add3A_1292 : i32 to index
        %get3A_1306 = arith.constant 48 : index
        %get3A_1307 = tpu.vector_load %arg9[%get3A_1305, %get3A_1306] {strides = array<i32>} : memref<128x64xf32, #tpu.memory_space<vmem>>, vector<16xf32>,
        tpu.vector_store_idx %arg13[%add3A_14, %add3A_1295], %get3A_1307 : memref<64x129xf32, #tpu.memory_space<vmem>>[vector<16xi32>, vector<16xi32>], vector<16xf32>,
        %mul3A_1308 = arith.constant 8 : i32
        %mul3A_1309 = arith.muli %scan3A_1212, %mul3A_1308 : i32
        %add3A_1310 = arith.constant 5 : i32
        %add3A_1311 = arith.addi %mul3A_1309, %add3A_1310 : i32
        %add3A_1312 = arith.constant 5 : i32
        %add3A_1313 = vector.broadcast %add3A_1312 : i32 to vector<16xi32>
        %add3A_1314 = arith.addi %scan3A_1213, %add3A_1313 : vector<16xi32>
        %get3A_1315 = arith.index_cast %add3A_1311 : i32 to index
        %get3A_1316 = arith.constant 0 : index
        %get3A_1317 = tpu.vector_load %arg9[%get3A_1315, %get3A_1316] {strides = array<i32>} : memref<128x64xf32, #tpu.memory_space<vmem>>, vector<16xf32>,
        tpu.vector_store_idx %arg13[%add3A_5, %add3A_1314], %get3A_1317 : memref<64x129xf32, #tpu.memory_space<vmem>>[vector<16xi32>, vector<16xi32>], vector<16xf32>,
        %get3A_1318 = arith.index_cast %add3A_1311 : i32 to index
        %get3A_1319 = arith.constant 16 : index
        %get3A_1320 = tpu.vector_load %arg9[%get3A_1318, %get3A_1319] {strides = array<i32>} : memref<128x64xf32, #tpu.memory_space<vmem>>, vector<16xf32>,
        tpu.vector_store_idx %arg13[%add3A_8, %add3A_1314], %get3A_1320 : memref<64x129xf32, #tpu.memory_space<vmem>>[vector<16xi32>, vector<16xi32>], vector<16xf32>,
        %get3A_1321 = arith.index_cast %add3A_1311 : i32 to index
        %get3A_1322 = arith.constant 32 : index
        %get3A_1323 = tpu.vector_load %arg9[%get3A_1321, %get3A_1322] {strides = array<i32>} : memref<128x64xf32, #tpu.memory_space<vmem>>, vector<16xf32>,
        tpu.vector_store_idx %arg13[%add3A_11, %add3A_1314], %get3A_1323 : memref<64x129xf32, #tpu.memory_space<vmem>>[vector<16xi32>, vector<16xi32>], vector<16xf32>,
        %get3A_1324 = arith.index_cast %add3A_1311 : i32 to index
        %get3A_1325 = arith.constant 48 : index
        %get3A_1326 = tpu.vector_load %arg9[%get3A_1324, %get3A_1325] {strides = array<i32>} : memref<128x64xf32, #tpu.memory_space<vmem>>, vector<16xf32>,
        tpu.vector_store_idx %arg13[%add3A_14, %add3A_1314], %get3A_1326 : memref<64x129xf32, #tpu.memory_space<vmem>>[vector<16xi32>, vector<16xi32>], vector<16xf32>,
        %mul3A_1327 = arith.constant 8 : i32
        %mul3A_1328 = arith.muli %scan3A_1212, %mul3A_1327 : i32
        %add3A_1329 = arith.constant 6 : i32
        %add3A_1330 = arith.addi %mul3A_1328, %add3A_1329 : i32
        %add3A_1331 = arith.constant 6 : i32
        %add3A_1332 = vector.broadcast %add3A_1331 : i32 to vector<16xi32>
        %add3A_1333 = arith.addi %scan3A_1213, %add3A_1332 : vector<16xi32>
        %get3A_1334 = arith.index_cast %add3A_1330 : i32 to index
        %get3A_1335 = arith.constant 0 : index
        %get3A_1336 = tpu.vector_load %arg9[%get3A_1334, %get3A_1335] {strides = array<i32>} : memref<128x64xf32, #tpu.memory_space<vmem>>, vector<16xf32>,
        tpu.vector_store_idx %arg13[%add3A_5, %add3A_1333], %get3A_1336 : memref<64x129xf32, #tpu.memory_space<vmem>>[vector<16xi32>, vector<16xi32>], vector<16xf32>,
        %get3A_1337 = arith.index_cast %add3A_1330 : i32 to index
        %get3A_1338 = arith.constant 16 : index
        %get3A_1339 = tpu.vector_load %arg9[%get3A_1337, %get3A_1338] {strides = array<i32>} : memref<128x64xf32, #tpu.memory_space<vmem>>, vector<16xf32>,
        tpu.vector_store_idx %arg13[%add3A_8, %add3A_1333], %get3A_1339 : memref<64x129xf32, #tpu.memory_space<vmem>>[vector<16xi32>, vector<16xi32>], vector<16xf32>,
        %get3A_1340 = arith.index_cast %add3A_1330 : i32 to index
        %get3A_1341 = arith.constant 32 : index
        %get3A_1342 = tpu.vector_load %arg9[%get3A_1340, %get3A_1341] {strides = array<i32>} : memref<128x64xf32, #tpu.memory_space<vmem>>, vector<16xf32>,
        tpu.vector_store_idx %arg13[%add3A_11, %add3A_1333], %get3A_1342 : memref<64x129xf32, #tpu.memory_space<vmem>>[vector<16xi32>, vector<16xi32>], vector<16xf32>,
        %get3A_1343 = arith.index_cast %add3A_1330 : i32 to index
        %get3A_1344 = arith.constant 48 : index
        %get3A_1345 = tpu.vector_load %arg9[%get3A_1343, %get3A_1344] {strides = array<i32>} : memref<128x64xf32, #tpu.memory_space<vmem>>, vector<16xf32>,
        tpu.vector_store_idx %arg13[%add3A_14, %add3A_1333], %get3A_1345 : memref<64x129xf32, #tpu.memory_space<vmem>>[vector<16xi32>, vector<16xi32>], vector<16xf32>,
        %mul3A_1346 = arith.constant 8 : i32
        %mul3A_1347 = arith.muli %scan3A_1212, %mul3A_1346 : i32
        %add3A_1348 = arith.constant 7 : i32
        %add3A_1349 = arith.addi %mul3A_1347, %add3A_1348 : i32
        %add3A_1350 = arith.constant 7 : i32
        %add3A_1351 = vector.broadcast %add3A_1350 : i32 to vector<16xi32>
        %add3A_1352 = arith.addi %scan3A_1213, %add3A_1351 : vector<16xi32>
        %get3A_1353 = arith.index_cast %add3A_1349 : i32 to index
        %get3A_1354 = arith.constant 0 : index
        %get3A_1355 = tpu.vector_load %arg9[%get3A_1353, %get3A_1354] {strides = array<i32>} : memref<128x64xf32, #tpu.memory_space<vmem>>, vector<16xf32>,
        tpu.vector_store_idx %arg13[%add3A_5, %add3A_1352], %get3A_1355 : memref<64x129xf32, #tpu.memory_space<vmem>>[vector<16xi32>, vector<16xi32>], vector<16xf32>,
        %get3A_1356 = arith.index_cast %add3A_1349 : i32 to index
        %get3A_1357 = arith.constant 16 : index
        %get3A_1358 = tpu.vector_load %arg9[%get3A_1356, %get3A_1357] {strides = array<i32>} : memref<128x64xf32, #tpu.memory_space<vmem>>, vector<16xf32>,
        tpu.vector_store_idx %arg13[%add3A_8, %add3A_1352], %get3A_1358 : memref<64x129xf32, #tpu.memory_space<vmem>>[vector<16xi32>, vector<16xi32>], vector<16xf32>,
        %get3A_1359 = arith.index_cast %add3A_1349 : i32 to index
        %get3A_1360 = arith.constant 32 : index
        %get3A_1361 = tpu.vector_load %arg9[%get3A_1359, %get3A_1360] {strides = array<i32>} : memref<128x64xf32, #tpu.memory_space<vmem>>, vector<16xf32>,
        tpu.vector_store_idx %arg13[%add3A_11, %add3A_1352], %get3A_1361 : memref<64x129xf32, #tpu.memory_space<vmem>>[vector<16xi32>, vector<16xi32>], vector<16xf32>,
        %get3A_1362 = arith.index_cast %add3A_1349 : i32 to index
        %get3A_1363 = arith.constant 48 : index
        %get3A_1364 = tpu.vector_load %arg9[%get3A_1362, %get3A_1363] {strides = array<i32>} : memref<128x64xf32, #tpu.memory_space<vmem>>, vector<16xf32>,
        tpu.vector_store_idx %arg13[%add3A_14, %add3A_1352], %get3A_1364 : memref<64x129xf32, #tpu.memory_space<vmem>>[vector<16xi32>, vector<16xi32>], vector<16xf32>,
        %add3A_1365 = arith.constant 8 : i32
        %add3A_1366 = vector.broadcast %add3A_1365 : i32 to vector<16xi32>
        %add3A_1367 = arith.addi %scan3A_1213, %add3A_1366 : vector<16xi32>
        scf.yield %add3A_1367 : vector<16xi32>
      }
      %scan3A_617 = arith.constant 16 : i32
      %shift_right_logical3A_618 = arith.constant 7 : i32
      %shift_right_logical3A_619 = arith.shrui %add3A_601, %shift_right_logical3A_618 : i32
      %and3A_620 = arith.constant 127 : i32
      %and3A_621 = arith.andi %add3A_601, %and3A_620 : i32
      %dma_start3A_622 = arith.constant 0 : i32
      %dma_start3A_623 = arith.constant 0 : i32
      %dma_start3A_624 = arith.constant 0 : i32
      %dma_start3A_625 = tpu.memref_slice %arg13[%dma_start3A_623, %dma_start3A_624] : memref<64x129xf32, #tpu.memory_space<vmem>> -> memref<8x128xf32, #tpu.memory_space<vmem>>
      %dma_start3A_626 = arith.constant 0 : i32
      %dma_start3A_627 = arith.constant 0 : i32
      %dma_start3A_628 = tpu.memref_slice %arg4[%shift_right_logical3A_619, %dma_start3A_622, %and3A_621, %dma_start3A_626, %dma_start3A_627] : memref<50x8x128x8x128xf32, #tpu.memory_space<hbm>> -> memref<1x1x1x8x128xf32, #tpu.memory_space<hbm>>
      %dma_start3A_629 = tpu.memref_squeeze %dma_start3A_628 : memref<1x1x1x8x128xf32, #tpu.memory_space<hbm>> -> memref<8x128xf32, #tpu.memory_space<hbm>>
      %dma_start3A_630 = arith.constant 0 : i32
      %dma_start3A_631 = arith.constant 0 : i32
      %dma_start3A_632 = tpu.memref_slice %arg4[%shift_right_logical3A_619, %dma_start3A_622, %and3A_621, %dma_start3A_630, %dma_start3A_631] : memref<50x8x128x8x128xf32, #tpu.memory_space<hbm>> -> memref<1x1x1x8x128xf32, #tpu.memory_space<hbm>>
      %dma_start3A_633 = tpu.memref_squeeze %dma_start3A_632 : memref<1x1x1x8x128xf32, #tpu.memory_space<hbm>> -> memref<8x128xf32, #tpu.memory_space<hbm>>
      %dma_start3A_634 = arith.constant 0 : i32
      %dma_start3A_635 = arith.constant 0 : i32
      %dma_start3A_636 = tpu.memref_slice %arg13[%dma_start3A_634, %dma_start3A_635] : memref<64x129xf32, #tpu.memory_space<vmem>> -> memref<8x128xf32, #tpu.memory_space<vmem>>
      tpu.enqueue_dma source(%dma_start3A_636 : memref<8x128xf32, #tpu.memory_space<vmem>>) target(%dma_start3A_633 : memref<8x128xf32, #tpu.memory_space<hbm>>) target_semaphore(%arg25 : memref<!tpu.dma_semaphore, #tpu.memory_space<semaphore_mem>>)
      %dma_start3A_637 = arith.constant 1 : i32
      %dma_start3A_638 = arith.constant 8 : i32
      %dma_start3A_639 = arith.constant 0 : i32
      %dma_start3A_640 = tpu.memref_slice %arg13[%dma_start3A_638, %dma_start3A_639] : memref<64x129xf32, #tpu.memory_space<vmem>> -> memref<8x128xf32, #tpu.memory_space<vmem>>
      %dma_start3A_641 = arith.constant 0 : i32
      %dma_start3A_642 = arith.constant 0 : i32
      %dma_start3A_643 = tpu.memref_slice %arg4[%shift_right_logical3A_619, %dma_start3A_637, %and3A_621, %dma_start3A_641, %dma_start3A_642] : memref<50x8x128x8x128xf32, #tpu.memory_space<hbm>> -> memref<1x1x1x8x128xf32, #tpu.memory_space<hbm>>
      %dma_start3A_644 = tpu.memref_squeeze %dma_start3A_643 : memref<1x1x1x8x128xf32, #tpu.memory_space<hbm>> -> memref<8x128xf32, #tpu.memory_space<hbm>>
      %dma_start3A_645 = arith.constant 0 : i32
      %dma_start3A_646 = arith.constant 0 : i32
      %dma_start3A_647 = tpu.memref_slice %arg4[%shift_right_logical3A_619, %dma_start3A_637, %and3A_621, %dma_start3A_645, %dma_start3A_646] : memref<50x8x128x8x128xf32, #tpu.memory_space<hbm>> -> memref<1x1x1x8x128xf32, #tpu.memory_space<hbm>>
      %dma_start3A_648 = tpu.memref_squeeze %dma_start3A_647 : memref<1x1x1x8x128xf32, #tpu.memory_space<hbm>> -> memref<8x128xf32, #tpu.memory_space<hbm>>
      %dma_start3A_649 = arith.constant 8 : i32
      %dma_start3A_650 = arith.constant 0 : i32
      %dma_start3A_651 = tpu.memref_slice %arg13[%dma_start3A_649, %dma_start3A_650] : memref<64x129xf32, #tpu.memory_space<vmem>> -> memref<8x128xf32, #tpu.memory_space<vmem>>
      tpu.enqueue_dma source(%dma_start3A_651 : memref<8x128xf32, #tpu.memory_space<vmem>>) target(%dma_start3A_648 : memref<8x128xf32, #tpu.memory_space<hbm>>) target_semaphore(%arg25 : memref<!tpu.dma_semaphore, #tpu.memory_space<semaphore_mem>>)
      %dma_start3A_652 = arith.constant 2 : i32
      %dma_start3A_653 = arith.constant 16 : i32
      %dma_start3A_654 = arith.constant 0 : i32
      %dma_start3A_655 = tpu.memref_slice %arg13[%dma_start3A_653, %dma_start3A_654] : memref<64x129xf32, #tpu.memory_space<vmem>> -> memref<8x128xf32, #tpu.memory_space<vmem>>
      %dma_start3A_656 = arith.constant 0 : i32
      %dma_start3A_657 = arith.constant 0 : i32
      %dma_start3A_658 = tpu.memref_slice %arg4[%shift_right_logical3A_619, %dma_start3A_652, %and3A_621, %dma_start3A_656, %dma_start3A_657] : memref<50x8x128x8x128xf32, #tpu.memory_space<hbm>> -> memref<1x1x1x8x128xf32, #tpu.memory_space<hbm>>
      %dma_start3A_659 = tpu.memref_squeeze %dma_start3A_658 : memref<1x1x1x8x128xf32, #tpu.memory_space<hbm>> -> memref<8x128xf32, #tpu.memory_space<hbm>>
      %dma_start3A_660 = arith.constant 0 : i32
      %dma_start3A_661 = arith.constant 0 : i32
      %dma_start3A_662 = tpu.memref_slice %arg4[%shift_right_logical3A_619, %dma_start3A_652, %and3A_621, %dma_start3A_660, %dma_start3A_661] : memref<50x8x128x8x128xf32, #tpu.memory_space<hbm>> -> memref<1x1x1x8x128xf32, #tpu.memory_space<hbm>>
      %dma_start3A_663 = tpu.memref_squeeze %dma_start3A_662 : memref<1x1x1x8x128xf32, #tpu.memory_space<hbm>> -> memref<8x128xf32, #tpu.memory_space<hbm>>
      %dma_start3A_664 = arith.constant 16 : i32
      %dma_start3A_665 = arith.constant 0 : i32
      %dma_start3A_666 = tpu.memref_slice %arg13[%dma_start3A_664, %dma_start3A_665] : memref<64x129xf32, #tpu.memory_space<vmem>> -> memref<8x128xf32, #tpu.memory_space<vmem>>
      tpu.enqueue_dma source(%dma_start3A_666 : memref<8x128xf32, #tpu.memory_space<vmem>>) target(%dma_start3A_663 : memref<8x128xf32, #tpu.memory_space<hbm>>) target_semaphore(%arg25 : memref<!tpu.dma_semaphore, #tpu.memory_space<semaphore_mem>>)
      %dma_start3A_667 = arith.constant 3 : i32
      %dma_start3A_668 = arith.constant 24 : i32
      %dma_start3A_669 = arith.constant 0 : i32
      %dma_start3A_670 = tpu.memref_slice %arg13[%dma_start3A_668, %dma_start3A_669] : memref<64x129xf32, #tpu.memory_space<vmem>> -> memref<8x128xf32, #tpu.memory_space<vmem>>
      %dma_start3A_671 = arith.constant 0 : i32
      %dma_start3A_672 = arith.constant 0 : i32
      %dma_start3A_673 = tpu.memref_slice %arg4[%shift_right_logical3A_619, %dma_start3A_667, %and3A_621, %dma_start3A_671, %dma_start3A_672] : memref<50x8x128x8x128xf32, #tpu.memory_space<hbm>> -> memref<1x1x1x8x128xf32, #tpu.memory_space<hbm>>
      %dma_start3A_674 = tpu.memref_squeeze %dma_start3A_673 : memref<1x1x1x8x128xf32, #tpu.memory_space<hbm>> -> memref<8x128xf32, #tpu.memory_space<hbm>>
      %dma_start3A_675 = arith.constant 0 : i32
      %dma_start3A_676 = arith.constant 0 : i32
      %dma_start3A_677 = tpu.memref_slice %arg4[%shift_right_logical3A_619, %dma_start3A_667, %and3A_621, %dma_start3A_675, %dma_start3A_676] : memref<50x8x128x8x128xf32, #tpu.memory_space<hbm>> -> memref<1x1x1x8x128xf32, #tpu.memory_space<hbm>>
      %dma_start3A_678 = tpu.memref_squeeze %dma_start3A_677 : memref<1x1x1x8x128xf32, #tpu.memory_space<hbm>> -> memref<8x128xf32, #tpu.memory_space<hbm>>
      %dma_start3A_679 = arith.constant 24 : i32
      %dma_start3A_680 = arith.constant 0 : i32
      %dma_start3A_681 = tpu.memref_slice %arg13[%dma_start3A_679, %dma_start3A_680] : memref<64x129xf32, #tpu.memory_space<vmem>> -> memref<8x128xf32, #tpu.memory_space<vmem>>
      tpu.enqueue_dma source(%dma_start3A_681 : memref<8x128xf32, #tpu.memory_space<vmem>>) target(%dma_start3A_678 : memref<8x128xf32, #tpu.memory_space<hbm>>) target_semaphore(%arg25 : memref<!tpu.dma_semaphore, #tpu.memory_space<semaphore_mem>>)
      %dma_start3A_682 = arith.constant 4 : i32
      %dma_start3A_683 = arith.constant 32 : i32
      %dma_start3A_684 = arith.constant 0 : i32
      %dma_start3A_685 = tpu.memref_slice %arg13[%dma_start3A_683, %dma_start3A_684] : memref<64x129xf32, #tpu.memory_space<vmem>> -> memref<8x128xf32, #tpu.memory_space<vmem>>
      %dma_start3A_686 = arith.constant 0 : i32
      %dma_start3A_687 = arith.constant 0 : i32
      %dma_start3A_688 = tpu.memref_slice %arg4[%shift_right_logical3A_619, %dma_start3A_682, %and3A_621, %dma_start3A_686, %dma_start3A_687] : memref<50x8x128x8x128xf32, #tpu.memory_space<hbm>> -> memref<1x1x1x8x128xf32, #tpu.memory_space<hbm>>
      %dma_start3A_689 = tpu.memref_squeeze %dma_start3A_688 : memref<1x1x1x8x128xf32, #tpu.memory_space<hbm>> -> memref<8x128xf32, #tpu.memory_space<hbm>>
      %dma_start3A_690 = arith.constant 0 : i32
      %dma_start3A_691 = arith.constant 0 : i32
      %dma_start3A_692 = tpu.memref_slice %arg4[%shift_right_logical3A_619, %dma_start3A_682, %and3A_621, %dma_start3A_690, %dma_start3A_691] : memref<50x8x128x8x128xf32, #tpu.memory_space<hbm>> -> memref<1x1x1x8x128xf32, #tpu.memory_space<hbm>>
      %dma_start3A_693 = tpu.memref_squeeze %dma_start3A_692 : memref<1x1x1x8x128xf32, #tpu.memory_space<hbm>> -> memref<8x128xf32, #tpu.memory_space<hbm>>
      %dma_start3A_694 = arith.constant 32 : i32
      %dma_start3A_695 = arith.constant 0 : i32
      %dma_start3A_696 = tpu.memref_slice %arg13[%dma_start3A_694, %dma_start3A_695] : memref<64x129xf32, #tpu.memory_space<vmem>> -> memref<8x128xf32, #tpu.memory_space<vmem>>
      tpu.enqueue_dma source(%dma_start3A_696 : memref<8x128xf32, #tpu.memory_space<vmem>>) target(%dma_start3A_693 : memref<8x128xf32, #tpu.memory_space<hbm>>) target_semaphore(%arg25 : memref<!tpu.dma_semaphore, #tpu.memory_space<semaphore_mem>>)
      %dma_start3A_697 = arith.constant 5 : i32
      %dma_start3A_698 = arith.constant 40 : i32
      %dma_start3A_699 = arith.constant 0 : i32
      %dma_start3A_700 = tpu.memref_slice %arg13[%dma_start3A_698, %dma_start3A_699] : memref<64x129xf32, #tpu.memory_space<vmem>> -> memref<8x128xf32, #tpu.memory_space<vmem>>
      %dma_start3A_701 = arith.constant 0 : i32
      %dma_start3A_702 = arith.constant 0 : i32
      %dma_start3A_703 = tpu.memref_slice %arg4[%shift_right_logical3A_619, %dma_start3A_697, %and3A_621, %dma_start3A_701, %dma_start3A_702] : memref<50x8x128x8x128xf32, #tpu.memory_space<hbm>> -> memref<1x1x1x8x128xf32, #tpu.memory_space<hbm>>
      %dma_start3A_704 = tpu.memref_squeeze %dma_start3A_703 : memref<1x1x1x8x128xf32, #tpu.memory_space<hbm>> -> memref<8x128xf32, #tpu.memory_space<hbm>>
      %dma_start3A_705 = arith.constant 0 : i32
      %dma_start3A_706 = arith.constant 0 : i32
      %dma_start3A_707 = tpu.memref_slice %arg4[%shift_right_logical3A_619, %dma_start3A_697, %and3A_621, %dma_start3A_705, %dma_start3A_706] : memref<50x8x128x8x128xf32, #tpu.memory_space<hbm>> -> memref<1x1x1x8x128xf32, #tpu.memory_space<hbm>>
      %dma_start3A_708 = tpu.memref_squeeze %dma_start3A_707 : memref<1x1x1x8x128xf32, #tpu.memory_space<hbm>> -> memref<8x128xf32, #tpu.memory_space<hbm>>
      %dma_start3A_709 = arith.constant 40 : i32
      %dma_start3A_710 = arith.constant 0 : i32
      %dma_start3A_711 = tpu.memref_slice %arg13[%dma_start3A_709, %dma_start3A_710] : memref<64x129xf32, #tpu.memory_space<vmem>> -> memref<8x128xf32, #tpu.memory_space<vmem>>
      tpu.enqueue_dma source(%dma_start3A_711 : memref<8x128xf32, #tpu.memory_space<vmem>>) target(%dma_start3A_708 : memref<8x128xf32, #tpu.memory_space<hbm>>) target_semaphore(%arg25 : memref<!tpu.dma_semaphore, #tpu.memory_space<semaphore_mem>>)
      %dma_start3A_712 = arith.constant 6 : i32
      %dma_start3A_713 = arith.constant 48 : i32
      %dma_start3A_714 = arith.constant 0 : i32
      %dma_start3A_715 = tpu.memref_slice %arg13[%dma_start3A_713, %dma_start3A_714] : memref<64x129xf32, #tpu.memory_space<vmem>> -> memref<8x128xf32, #tpu.memory_space<vmem>>
      %dma_start3A_716 = arith.constant 0 : i32
      %dma_start3A_717 = arith.constant 0 : i32
      %dma_start3A_718 = tpu.memref_slice %arg4[%shift_right_logical3A_619, %dma_start3A_712, %and3A_621, %dma_start3A_716, %dma_start3A_717] : memref<50x8x128x8x128xf32, #tpu.memory_space<hbm>> -> memref<1x1x1x8x128xf32, #tpu.memory_space<hbm>>
      %dma_start3A_719 = tpu.memref_squeeze %dma_start3A_718 : memref<1x1x1x8x128xf32, #tpu.memory_space<hbm>> -> memref<8x128xf32, #tpu.memory_space<hbm>>
      %dma_start3A_720 = arith.constant 0 : i32
      %dma_start3A_721 = arith.constant 0 : i32
      %dma_start3A_722 = tpu.memref_slice %arg4[%shift_right_logical3A_619, %dma_start3A_712, %and3A_621, %dma_start3A_720, %dma_start3A_721] : memref<50x8x128x8x128xf32, #tpu.memory_space<hbm>> -> memref<1x1x1x8x128xf32, #tpu.memory_space<hbm>>
      %dma_start3A_723 = tpu.memref_squeeze %dma_start3A_722 : memref<1x1x1x8x128xf32, #tpu.memory_space<hbm>> -> memref<8x128xf32, #tpu.memory_space<hbm>>
      %dma_start3A_724 = arith.constant 48 : i32
      %dma_start3A_725 = arith.constant 0 : i32
      %dma_start3A_726 = tpu.memref_slice %arg13[%dma_start3A_724, %dma_start3A_725] : memref<64x129xf32, #tpu.memory_space<vmem>> -> memref<8x128xf32, #tpu.memory_space<vmem>>
      tpu.enqueue_dma source(%dma_start3A_726 : memref<8x128xf32, #tpu.memory_space<vmem>>) target(%dma_start3A_723 : memref<8x128xf32, #tpu.memory_space<hbm>>) target_semaphore(%arg25 : memref<!tpu.dma_semaphore, #tpu.memory_space<semaphore_mem>>)
      %dma_start3A_727 = arith.constant 7 : i32
      %dma_start3A_728 = arith.constant 56 : i32
      %dma_start3A_729 = arith.constant 0 : i32
      %dma_start3A_730 = tpu.memref_slice %arg13[%dma_start3A_728, %dma_start3A_729] : memref<64x129xf32, #tpu.memory_space<vmem>> -> memref<8x128xf32, #tpu.memory_space<vmem>>
      %dma_start3A_731 = arith.constant 0 : i32
      %dma_start3A_732 = arith.constant 0 : i32
      %dma_start3A_733 = tpu.memref_slice %arg4[%shift_right_logical3A_619, %dma_start3A_727, %and3A_621, %dma_start3A_731, %dma_start3A_732] : memref<50x8x128x8x128xf32, #tpu.memory_space<hbm>> -> memref<1x1x1x8x128xf32, #tpu.memory_space<hbm>>
      %dma_start3A_734 = tpu.memref_squeeze %dma_start3A_733 : memref<1x1x1x8x128xf32, #tpu.memory_space<hbm>> -> memref<8x128xf32, #tpu.memory_space<hbm>>
      %dma_start3A_735 = arith.constant 0 : i32
      %dma_start3A_736 = arith.constant 0 : i32
      %dma_start3A_737 = tpu.memref_slice %arg4[%shift_right_logical3A_619, %dma_start3A_727, %and3A_621, %dma_start3A_735, %dma_start3A_736] : memref<50x8x128x8x128xf32, #tpu.memory_space<hbm>> -> memref<1x1x1x8x128xf32, #tpu.memory_space<hbm>>
      %dma_start3A_738 = tpu.memref_squeeze %dma_start3A_737 : memref<1x1x1x8x128xf32, #tpu.memory_space<hbm>> -> memref<8x128xf32, #tpu.memory_space<hbm>>
      %dma_start3A_739 = arith.constant 56 : i32
      %dma_start3A_740 = arith.constant 0 : i32
      %dma_start3A_741 = tpu.memref_slice %arg13[%dma_start3A_739, %dma_start3A_740] : memref<64x129xf32, #tpu.memory_space<vmem>> -> memref<8x128xf32, #tpu.memory_space<vmem>>
      tpu.enqueue_dma source(%dma_start3A_741 : memref<8x128xf32, #tpu.memory_space<vmem>>) target(%dma_start3A_738 : memref<8x128xf32, #tpu.memory_space<hbm>>) target_semaphore(%arg25 : memref<!tpu.dma_semaphore, #tpu.memory_space<semaphore_mem>>)
      %lt3A_742 = arith.constant 49 : i32
      %lt3A_743 = arith.cmpi slt, %scan3A_596, %lt3A_742 : i32
      %convert_element_type3A_744 = arith.extui %lt3A_743 : i1 to i32
      %cond3A_745 = arith.constant 0 : i32
      %cond3A_746 = arith.cmpi ne, %convert_element_type3A_744, %cond3A_745 : i32
      scf.if %cond3A_746 {
        %add3A_1212 = arith.constant 4 : i32
        %add3A_1213 = arith.addi %add3A_601, %add3A_1212 : i32
        %mul3A_1214 = arith.constant 128 : i32
        %mul3A_1215 = arith.muli %add3A_1213, %mul3A_1214 : i32
        %dma_wait3A_1216 = tpu.memref_slice %arg3[%mul3A_1215] : memref<819200xi32, #tpu.memory_space<hbm>> -> memref<128xi32, #tpu.memory_space<hbm>>
        %dma_wait3A_1217 = tpu.memref_slice %arg3[%mul3A_1215] : memref<819200xi32, #tpu.memory_space<hbm>> -> memref<128xi32, #tpu.memory_space<hbm>>
        tpu.wait_dma2 semaphore(%arg17 : memref<!tpu.dma_semaphore, #tpu.memory_space<semaphore_mem>>) src(%dma_wait3A_1217 : memref<128xi32, #tpu.memory_space<hbm>>) dst(%arg5 : memref<128xi32, #tpu.memory_space<vmem>>)
        %add3A_1218 = arith.constant 4 : i32
        %add3A_1219 = arith.addi %add3A_601, %add3A_1218 : i32
        %dma_start3A_1220 = arith.constant 0 : i32
        %dma_start3A_1221 = arith.constant 0 : i32
        %dma_start3A_1222 = tpu.memref_slice %arg2[%dma_start3A_1220, %dma_start3A_1221] : memref<1000000x64xf32, #tpu.memory_space<hbm>> -> memref<1000000x64xf32, #tpu.memory_space<hbm>>
        tpu.enqueue_indirect_dma source(%dma_start3A_1222 : memref<1000000x64xf32, #tpu.memory_space<hbm>>) target(%arg9 : memref<128x64xf32, #tpu.memory_space<vmem>>) offsets(%arg5 : memref<128xi32, #tpu.memory_space<vmem>>) semaphore(%arg21 : memref<!tpu.dma_semaphore, #tpu.memory_space<semaphore_mem>>)
      } else {
      }
      %mul3A_747 = arith.constant 4 : i32
      %mul3A_748 = arith.muli %scan3A_596, %mul3A_747 : i32
      %add3A_749 = arith.addi %mul3A_2, %mul3A_748 : i32
      %add3A_750 = arith.constant 1 : i32
      %add3A_751 = arith.addi %add3A_749, %add3A_750 : i32
      %dma_wait3A_752 = arith.constant 0 : i32
      %dma_wait3A_753 = arith.constant 0 : i32
      %dma_wait3A_754 = tpu.memref_slice %arg2[%dma_wait3A_752, %dma_wait3A_753] : memref<1000000x64xf32, #tpu.memory_space<hbm>> -> memref<1000000x64xf32, #tpu.memory_space<hbm>>
      tpu.wait_indirect_dma semaphore(%arg22 : memref<!tpu.dma_semaphore, #tpu.memory_space<semaphore_mem>>) src(%dma_wait3A_754 : memref<1000000x64xf32, #tpu.memory_space<hbm>>) dst(%arg10 : memref<128x64xf32, #tpu.memory_space<vmem>>)
      %lt3A_755 = arith.constant 49 : i32
      %lt3A_756 = arith.cmpi slt, %scan3A_596, %lt3A_755 : i32
      %convert_element_type3A_757 = arith.extui %lt3A_756 : i1 to i32
      %cond3A_758 = arith.constant 0 : i32
      %cond3A_759 = arith.cmpi ne, %convert_element_type3A_757, %cond3A_758 : i32
      scf.if %cond3A_759 {
        %add3A_1212 = arith.constant 4 : i32
        %add3A_1213 = arith.addi %add3A_751, %add3A_1212 : i32
        %mul3A_1214 = arith.constant 128 : i32
        %mul3A_1215 = arith.muli %add3A_1213, %mul3A_1214 : i32
        %dma_start3A_1216 = tpu.memref_slice %arg3[%mul3A_1215] : memref<819200xi32, #tpu.memory_space<hbm>> -> memref<128xi32, #tpu.memory_space<hbm>>
        %dma_start3A_1217 = tpu.memref_slice %arg3[%mul3A_1215] : memref<819200xi32, #tpu.memory_space<hbm>> -> memref<128xi32, #tpu.memory_space<hbm>>
        tpu.enqueue_dma source(%dma_start3A_1217 : memref<128xi32, #tpu.memory_space<hbm>>) target(%arg6 : memref<128xi32, #tpu.memory_space<vmem>>) target_semaphore(%arg18 : memref<!tpu.dma_semaphore, #tpu.memory_space<semaphore_mem>>)
      } else {
      }
      %gt3A_760 = arith.constant 0 : i32
      %gt3A_761 = arith.cmpi sgt, %scan3A_596, %gt3A_760 : i32
      %convert_element_type3A_762 = arith.extui %gt3A_761 : i1 to i32
      %cond3A_763 = arith.constant 0 : i32
      %cond3A_764 = arith.cmpi ne, %convert_element_type3A_762, %cond3A_763 : i32
      scf.if %cond3A_764 {
        %sub3A = arith.constant 4 : i32
        %sub3A_1212 = arith.subi %add3A_751, %sub3A : i32
        %shift_right_logical3A_1213 = arith.constant 7 : i32
        %shift_right_logical3A_1214 = arith.shrui %sub3A_1212, %shift_right_logical3A_1213 : i32
        %and3A_1215 = arith.constant 127 : i32
        %and3A_1216 = arith.andi %sub3A_1212, %and3A_1215 : i32
        %dma_wait3A_1217 = arith.constant 0 : i32
        %dma_wait3A_1218 = arith.constant 0 : i32
        %dma_wait3A_1219 = arith.constant 0 : i32
        %dma_wait3A_1220 = tpu.memref_slice %arg14[%dma_wait3A_1218, %dma_wait3A_1219] : memref<64x129xf32, #tpu.memory_space<vmem>> -> memref<8x128xf32, #tpu.memory_space<vmem>>
        %dma_wait3A_1221 = arith.constant 0 : i32
        %dma_wait3A_1222 = arith.constant 0 : i32
        %dma_wait3A_1223 = tpu.memref_slice %arg4[%shift_right_logical3A_1214, %dma_wait3A_1217, %and3A_1216, %dma_wait3A_1221, %dma_wait3A_1222] : memref<50x8x128x8x128xf32, #tpu.memory_space<hbm>> -> memref<1x1x1x8x128xf32, #tpu.memory_space<hbm>>
        %dma_wait3A_1224 = tpu.memref_squeeze %dma_wait3A_1223 : memref<1x1x1x8x128xf32, #tpu.memory_space<hbm>> -> memref<8x128xf32, #tpu.memory_space<hbm>>
        %dma_wait3A_1225 = arith.constant 0 : i32
        %dma_wait3A_1226 = arith.constant 0 : i32
        %dma_wait3A_1227 = tpu.memref_slice %arg4[%shift_right_logical3A_1214, %dma_wait3A_1217, %and3A_1216, %dma_wait3A_1225, %dma_wait3A_1226] : memref<50x8x128x8x128xf32, #tpu.memory_space<hbm>> -> memref<1x1x1x8x128xf32, #tpu.memory_space<hbm>>
        %dma_wait3A_1228 = tpu.memref_squeeze %dma_wait3A_1227 : memref<1x1x1x8x128xf32, #tpu.memory_space<hbm>> -> memref<8x128xf32, #tpu.memory_space<hbm>>
        %dma_wait3A_1229 = arith.constant 0 : i32
        %dma_wait3A_1230 = arith.constant 0 : i32
        %dma_wait3A_1231 = tpu.memref_slice %arg14[%dma_wait3A_1229, %dma_wait3A_1230] : memref<64x129xf32, #tpu.memory_space<vmem>> -> memref<8x128xf32, #tpu.memory_space<vmem>>
        tpu.wait_dma2 semaphore(%arg26 : memref<!tpu.dma_semaphore, #tpu.memory_space<semaphore_mem>>) src(%dma_wait3A_1231 : memref<8x128xf32, #tpu.memory_space<vmem>>) dst(%dma_wait3A_1228 : memref<8x128xf32, #tpu.memory_space<hbm>>)
        %dma_wait3A_1232 = arith.constant 1 : i32
        %dma_wait3A_1233 = arith.constant 8 : i32
        %dma_wait3A_1234 = arith.constant 0 : i32
        %dma_wait3A_1235 = tpu.memref_slice %arg14[%dma_wait3A_1233, %dma_wait3A_1234] : memref<64x129xf32, #tpu.memory_space<vmem>> -> memref<8x128xf32, #tpu.memory_space<vmem>>
        %dma_wait3A_1236 = arith.constant 0 : i32
        %dma_wait3A_1237 = arith.constant 0 : i32
        %dma_wait3A_1238 = tpu.memref_slice %arg4[%shift_right_logical3A_1214, %dma_wait3A_1232, %and3A_1216, %dma_wait3A_1236, %dma_wait3A_1237] : memref<50x8x128x8x128xf32, #tpu.memory_space<hbm>> -> memref<1x1x1x8x128xf32, #tpu.memory_space<hbm>>
        %dma_wait3A_1239 = tpu.memref_squeeze %dma_wait3A_1238 : memref<1x1x1x8x128xf32, #tpu.memory_space<hbm>> -> memref<8x128xf32, #tpu.memory_space<hbm>>
        %dma_wait3A_1240 = arith.constant 0 : i32
        %dma_wait3A_1241 = arith.constant 0 : i32
        %dma_wait3A_1242 = tpu.memref_slice %arg4[%shift_right_logical3A_1214, %dma_wait3A_1232, %and3A_1216, %dma_wait3A_1240, %dma_wait3A_1241] : memref<50x8x128x8x128xf32, #tpu.memory_space<hbm>> -> memref<1x1x1x8x128xf32, #tpu.memory_space<hbm>>
        %dma_wait3A_1243 = tpu.memref_squeeze %dma_wait3A_1242 : memref<1x1x1x8x128xf32, #tpu.memory_space<hbm>> -> memref<8x128xf32, #tpu.memory_space<hbm>>
        %dma_wait3A_1244 = arith.constant 8 : i32
        %dma_wait3A_1245 = arith.constant 0 : i32
        %dma_wait3A_1246 = tpu.memref_slice %arg14[%dma_wait3A_1244, %dma_wait3A_1245] : memref<64x129xf32, #tpu.memory_space<vmem>> -> memref<8x128xf32, #tpu.memory_space<vmem>>
        tpu.wait_dma2 semaphore(%arg26 : memref<!tpu.dma_semaphore, #tpu.memory_space<semaphore_mem>>) src(%dma_wait3A_1246 : memref<8x128xf32, #tpu.memory_space<vmem>>) dst(%dma_wait3A_1243 : memref<8x128xf32, #tpu.memory_space<hbm>>)
        %dma_wait3A_1247 = arith.constant 2 : i32
        %dma_wait3A_1248 = arith.constant 16 : i32
        %dma_wait3A_1249 = arith.constant 0 : i32
        %dma_wait3A_1250 = tpu.memref_slice %arg14[%dma_wait3A_1248, %dma_wait3A_1249] : memref<64x129xf32, #tpu.memory_space<vmem>> -> memref<8x128xf32, #tpu.memory_space<vmem>>
        %dma_wait3A_1251 = arith.constant 0 : i32
        %dma_wait3A_1252 = arith.constant 0 : i32
        %dma_wait3A_1253 = tpu.memref_slice %arg4[%shift_right_logical3A_1214, %dma_wait3A_1247, %and3A_1216, %dma_wait3A_1251, %dma_wait3A_1252] : memref<50x8x128x8x128xf32, #tpu.memory_space<hbm>> -> memref<1x1x1x8x128xf32, #tpu.memory_space<hbm>>
        %dma_wait3A_1254 = tpu.memref_squeeze %dma_wait3A_1253 : memref<1x1x1x8x128xf32, #tpu.memory_space<hbm>> -> memref<8x128xf32, #tpu.memory_space<hbm>>
        %dma_wait3A_1255 = arith.constant 0 : i32
        %dma_wait3A_1256 = arith.constant 0 : i32
        %dma_wait3A_1257 = tpu.memref_slice %arg4[%shift_right_logical3A_1214, %dma_wait3A_1247, %and3A_1216, %dma_wait3A_1255, %dma_wait3A_1256] : memref<50x8x128x8x128xf32, #tpu.memory_space<hbm>> -> memref<1x1x1x8x128xf32, #tpu.memory_space<hbm>>
        %dma_wait3A_1258 = tpu.memref_squeeze %dma_wait3A_1257 : memref<1x1x1x8x128xf32, #tpu.memory_space<hbm>> -> memref<8x128xf32, #tpu.memory_space<hbm>>
        %dma_wait3A_1259 = arith.constant 16 : i32
        %dma_wait3A_1260 = arith.constant 0 : i32
        %dma_wait3A_1261 = tpu.memref_slice %arg14[%dma_wait3A_1259, %dma_wait3A_1260] : memref<64x129xf32, #tpu.memory_space<vmem>> -> memref<8x128xf32, #tpu.memory_space<vmem>>
        tpu.wait_dma2 semaphore(%arg26 : memref<!tpu.dma_semaphore, #tpu.memory_space<semaphore_mem>>) src(%dma_wait3A_1261 : memref<8x128xf32, #tpu.memory_space<vmem>>) dst(%dma_wait3A_1258 : memref<8x128xf32, #tpu.memory_space<hbm>>)
        %dma_wait3A_1262 = arith.constant 3 : i32
        %dma_wait3A_1263 = arith.constant 24 : i32
        %dma_wait3A_1264 = arith.constant 0 : i32
        %dma_wait3A_1265 = tpu.memref_slice %arg14[%dma_wait3A_1263, %dma_wait3A_1264] : memref<64x129xf32, #tpu.memory_space<vmem>> -> memref<8x128xf32, #tpu.memory_space<vmem>>
        %dma_wait3A_1266 = arith.constant 0 : i32
        %dma_wait3A_1267 = arith.constant 0 : i32
        %dma_wait3A_1268 = tpu.memref_slice %arg4[%shift_right_logical3A_1214, %dma_wait3A_1262, %and3A_1216, %dma_wait3A_1266, %dma_wait3A_1267] : memref<50x8x128x8x128xf32, #tpu.memory_space<hbm>> -> memref<1x1x1x8x128xf32, #tpu.memory_space<hbm>>
        %dma_wait3A_1269 = tpu.memref_squeeze %dma_wait3A_1268 : memref<1x1x1x8x128xf32, #tpu.memory_space<hbm>> -> memref<8x128xf32, #tpu.memory_space<hbm>>
        %dma_wait3A_1270 = arith.constant 0 : i32
        %dma_wait3A_1271 = arith.constant 0 : i32
        %dma_wait3A_1272 = tpu.memref_slice %arg4[%shift_right_logical3A_1214, %dma_wait3A_1262, %and3A_1216, %dma_wait3A_1270, %dma_wait3A_1271] : memref<50x8x128x8x128xf32, #tpu.memory_space<hbm>> -> memref<1x1x1x8x128xf32, #tpu.memory_space<hbm>>
        %dma_wait3A_1273 = tpu.memref_squeeze %dma_wait3A_1272 : memref<1x1x1x8x128xf32, #tpu.memory_space<hbm>> -> memref<8x128xf32, #tpu.memory_space<hbm>>
        %dma_wait3A_1274 = arith.constant 24 : i32
        %dma_wait3A_1275 = arith.constant 0 : i32
        %dma_wait3A_1276 = tpu.memref_slice %arg14[%dma_wait3A_1274, %dma_wait3A_1275] : memref<64x129xf32, #tpu.memory_space<vmem>> -> memref<8x128xf32, #tpu.memory_space<vmem>>
        tpu.wait_dma2 semaphore(%arg26 : memref<!tpu.dma_semaphore, #tpu.memory_space<semaphore_mem>>) src(%dma_wait3A_1276 : memref<8x128xf32, #tpu.memory_space<vmem>>) dst(%dma_wait3A_1273 : memref<8x128xf32, #tpu.memory_space<hbm>>)
        %dma_wait3A_1277 = arith.constant 4 : i32
        %dma_wait3A_1278 = arith.constant 32 : i32
        %dma_wait3A_1279 = arith.constant 0 : i32
        %dma_wait3A_1280 = tpu.memref_slice %arg14[%dma_wait3A_1278, %dma_wait3A_1279] : memref<64x129xf32, #tpu.memory_space<vmem>> -> memref<8x128xf32, #tpu.memory_space<vmem>>
        %dma_wait3A_1281 = arith.constant 0 : i32
        %dma_wait3A_1282 = arith.constant 0 : i32
        %dma_wait3A_1283 = tpu.memref_slice %arg4[%shift_right_logical3A_1214, %dma_wait3A_1277, %and3A_1216, %dma_wait3A_1281, %dma_wait3A_1282] : memref<50x8x128x8x128xf32, #tpu.memory_space<hbm>> -> memref<1x1x1x8x128xf32, #tpu.memory_space<hbm>>
        %dma_wait3A_1284 = tpu.memref_squeeze %dma_wait3A_1283 : memref<1x1x1x8x128xf32, #tpu.memory_space<hbm>> -> memref<8x128xf32, #tpu.memory_space<hbm>>
        %dma_wait3A_1285 = arith.constant 0 : i32
        %dma_wait3A_1286 = arith.constant 0 : i32
        %dma_wait3A_1287 = tpu.memref_slice %arg4[%shift_right_logical3A_1214, %dma_wait3A_1277, %and3A_1216, %dma_wait3A_1285, %dma_wait3A_1286] : memref<50x8x128x8x128xf32, #tpu.memory_space<hbm>> -> memref<1x1x1x8x128xf32, #tpu.memory_space<hbm>>
        %dma_wait3A_1288 = tpu.memref_squeeze %dma_wait3A_1287 : memref<1x1x1x8x128xf32, #tpu.memory_space<hbm>> -> memref<8x128xf32, #tpu.memory_space<hbm>>
        %dma_wait3A_1289 = arith.constant 32 : i32
        %dma_wait3A_1290 = arith.constant 0 : i32
        %dma_wait3A_1291 = tpu.memref_slice %arg14[%dma_wait3A_1289, %dma_wait3A_1290] : memref<64x129xf32, #tpu.memory_space<vmem>> -> memref<8x128xf32, #tpu.memory_space<vmem>>
        tpu.wait_dma2 semaphore(%arg26 : memref<!tpu.dma_semaphore, #tpu.memory_space<semaphore_mem>>) src(%dma_wait3A_1291 : memref<8x128xf32, #tpu.memory_space<vmem>>) dst(%dma_wait3A_1288 : memref<8x128xf32, #tpu.memory_space<hbm>>)
        %dma_wait3A_1292 = arith.constant 5 : i32
        %dma_wait3A_1293 = arith.constant 40 : i32
        %dma_wait3A_1294 = arith.constant 0 : i32
        %dma_wait3A_1295 = tpu.memref_slice %arg14[%dma_wait3A_1293, %dma_wait3A_1294] : memref<64x129xf32, #tpu.memory_space<vmem>> -> memref<8x128xf32, #tpu.memory_space<vmem>>
        %dma_wait3A_1296 = arith.constant 0 : i32
        %dma_wait3A_1297 = arith.constant 0 : i32
        %dma_wait3A_1298 = tpu.memref_slice %arg4[%shift_right_logical3A_1214, %dma_wait3A_1292, %and3A_1216, %dma_wait3A_1296, %dma_wait3A_1297] : memref<50x8x128x8x128xf32, #tpu.memory_space<hbm>> -> memref<1x1x1x8x128xf32, #tpu.memory_space<hbm>>
        %dma_wait3A_1299 = tpu.memref_squeeze %dma_wait3A_1298 : memref<1x1x1x8x128xf32, #tpu.memory_space<hbm>> -> memref<8x128xf32, #tpu.memory_space<hbm>>
        %dma_wait3A_1300 = arith.constant 0 : i32
        %dma_wait3A_1301 = arith.constant 0 : i32
        %dma_wait3A_1302 = tpu.memref_slice %arg4[%shift_right_logical3A_1214, %dma_wait3A_1292, %and3A_1216, %dma_wait3A_1300, %dma_wait3A_1301] : memref<50x8x128x8x128xf32, #tpu.memory_space<hbm>> -> memref<1x1x1x8x128xf32, #tpu.memory_space<hbm>>
        %dma_wait3A_1303 = tpu.memref_squeeze %dma_wait3A_1302 : memref<1x1x1x8x128xf32, #tpu.memory_space<hbm>> -> memref<8x128xf32, #tpu.memory_space<hbm>>
        %dma_wait3A_1304 = arith.constant 40 : i32
        %dma_wait3A_1305 = arith.constant 0 : i32
        %dma_wait3A_1306 = tpu.memref_slice %arg14[%dma_wait3A_1304, %dma_wait3A_1305] : memref<64x129xf32, #tpu.memory_space<vmem>> -> memref<8x128xf32, #tpu.memory_space<vmem>>
        tpu.wait_dma2 semaphore(%arg26 : memref<!tpu.dma_semaphore, #tpu.memory_space<semaphore_mem>>) src(%dma_wait3A_1306 : memref<8x128xf32, #tpu.memory_space<vmem>>) dst(%dma_wait3A_1303 : memref<8x128xf32, #tpu.memory_space<hbm>>)
        %dma_wait3A_1307 = arith.constant 6 : i32
        %dma_wait3A_1308 = arith.constant 48 : i32
        %dma_wait3A_1309 = arith.constant 0 : i32
        %dma_wait3A_1310 = tpu.memref_slice %arg14[%dma_wait3A_1308, %dma_wait3A_1309] : memref<64x129xf32, #tpu.memory_space<vmem>> -> memref<8x128xf32, #tpu.memory_space<vmem>>
        %dma_wait3A_1311 = arith.constant 0 : i32
        %dma_wait3A_1312 = arith.constant 0 : i32
        %dma_wait3A_1313 = tpu.memref_slice %arg4[%shift_right_logical3A_1214, %dma_wait3A_1307, %and3A_1216, %dma_wait3A_1311, %dma_wait3A_1312] : memref<50x8x128x8x128xf32, #tpu.memory_space<hbm>> -> memref<1x1x1x8x128xf32, #tpu.memory_space<hbm>>
        %dma_wait3A_1314 = tpu.memref_squeeze %dma_wait3A_1313 : memref<1x1x1x8x128xf32, #tpu.memory_space<hbm>> -> memref<8x128xf32, #tpu.memory_space<hbm>>
        %dma_wait3A_1315 = arith.constant 0 : i32
        %dma_wait3A_1316 = arith.constant 0 : i32
        %dma_wait3A_1317 = tpu.memref_slice %arg4[%shift_right_logical3A_1214, %dma_wait3A_1307, %and3A_1216, %dma_wait3A_1315, %dma_wait3A_1316] : memref<50x8x128x8x128xf32, #tpu.memory_space<hbm>> -> memref<1x1x1x8x128xf32, #tpu.memory_space<hbm>>
        %dma_wait3A_1318 = tpu.memref_squeeze %dma_wait3A_1317 : memref<1x1x1x8x128xf32, #tpu.memory_space<hbm>> -> memref<8x128xf32, #tpu.memory_space<hbm>>
        %dma_wait3A_1319 = arith.constant 48 : i32
        %dma_wait3A_1320 = arith.constant 0 : i32
        %dma_wait3A_1321 = tpu.memref_slice %arg14[%dma_wait3A_1319, %dma_wait3A_1320] : memref<64x129xf32, #tpu.memory_space<vmem>> -> memref<8x128xf32, #tpu.memory_space<vmem>>
        tpu.wait_dma2 semaphore(%arg26 : memref<!tpu.dma_semaphore, #tpu.memory_space<semaphore_mem>>) src(%dma_wait3A_1321 : memref<8x128xf32, #tpu.memory_space<vmem>>) dst(%dma_wait3A_1318 : memref<8x128xf32, #tpu.memory_space<hbm>>)
        %dma_wait3A_1322 = arith.constant 7 : i32
        %dma_wait3A_1323 = arith.constant 56 : i32
        %dma_wait3A_1324 = arith.constant 0 : i32
        %dma_wait3A_1325 = tpu.memref_slice %arg14[%dma_wait3A_1323, %dma_wait3A_1324] : memref<64x129xf32, #tpu.memory_space<vmem>> -> memref<8x128xf32, #tpu.memory_space<vmem>>
        %dma_wait3A_1326 = arith.constant 0 : i32
        %dma_wait3A_1327 = arith.constant 0 : i32
        %dma_wait3A_1328 = tpu.memref_slice %arg4[%shift_right_logical3A_1214, %dma_wait3A_1322, %and3A_1216, %dma_wait3A_1326, %dma_wait3A_1327] : memref<50x8x128x8x128xf32, #tpu.memory_space<hbm>> -> memref<1x1x1x8x128xf32, #tpu.memory_space<hbm>>
        %dma_wait3A_1329 = tpu.memref_squeeze %dma_wait3A_1328 : memref<1x1x1x8x128xf32, #tpu.memory_space<hbm>> -> memref<8x128xf32, #tpu.memory_space<hbm>>
        %dma_wait3A_1330 = arith.constant 0 : i32
        %dma_wait3A_1331 = arith.constant 0 : i32
        %dma_wait3A_1332 = tpu.memref_slice %arg4[%shift_right_logical3A_1214, %dma_wait3A_1322, %and3A_1216, %dma_wait3A_1330, %dma_wait3A_1331] : memref<50x8x128x8x128xf32, #tpu.memory_space<hbm>> -> memref<1x1x1x8x128xf32, #tpu.memory_space<hbm>>
        %dma_wait3A_1333 = tpu.memref_squeeze %dma_wait3A_1332 : memref<1x1x1x8x128xf32, #tpu.memory_space<hbm>> -> memref<8x128xf32, #tpu.memory_space<hbm>>
        %dma_wait3A_1334 = arith.constant 56 : i32
        %dma_wait3A_1335 = arith.constant 0 : i32
        %dma_wait3A_1336 = tpu.memref_slice %arg14[%dma_wait3A_1334, %dma_wait3A_1335] : memref<64x129xf32, #tpu.memory_space<vmem>> -> memref<8x128xf32, #tpu.memory_space<vmem>>
        tpu.wait_dma2 semaphore(%arg26 : memref<!tpu.dma_semaphore, #tpu.memory_space<semaphore_mem>>) src(%dma_wait3A_1336 : memref<8x128xf32, #tpu.memory_space<vmem>>) dst(%dma_wait3A_1333 : memref<8x128xf32, #tpu.memory_space<hbm>>)
      } else {
      }
      %broadcast_in_dim3A_765 = arith.constant 0 : i32
      %broadcast_in_dim3A_766 = vector.broadcast %broadcast_in_dim3A_765 : i32 to vector<16xi32>
      %scan3A_767 = arith.constant 0 : i32
      %scan3A_768 = arith.constant 16 : i32
      %scan3A_769 = arith.addi %scan3A_767, %scan3A_768 : i32
      %scan3A_770 = arith.constant 1 : i32
      %scan3A_771 = scf.for %scan3A_1212 = %scan3A_767 to %scan3A_769 step %scan3A_770 iter_args(%scan3A_1213 = %broadcast_in_dim3A_766) -> (vector<16xi32>)  : i32 {
        %mul3A_1214 = arith.constant 8 : i32
        %mul3A_1215 = arith.muli %scan3A_1212, %mul3A_1214 : i32
        %add3A_1216 = arith.constant 0 : i32
        %add3A_1217 = arith.addi %mul3A_1215, %add3A_1216 : i32
        %add3A_1218 = arith.constant 0 : i32
        %add3A_1219 = vector.broadcast %add3A_1218 : i32 to vector<16xi32>
        %add3A_1220 = arith.addi %scan3A_1213, %add3A_1219 : vector<16xi32>
        %get3A = arith.index_cast %add3A_1217 : i32 to index
        %get3A_1221 = arith.constant 0 : index
        %get3A_1222 = tpu.vector_load %arg10[%get3A, %get3A_1221] {strides = array<i32>} : memref<128x64xf32, #tpu.memory_space<vmem>>, vector<16xf32>,
        tpu.vector_store_idx %arg14[%add3A_5, %add3A_1220], %get3A_1222 : memref<64x129xf32, #tpu.memory_space<vmem>>[vector<16xi32>, vector<16xi32>], vector<16xf32>,
        %get3A_1223 = arith.index_cast %add3A_1217 : i32 to index
        %get3A_1224 = arith.constant 16 : index
        %get3A_1225 = tpu.vector_load %arg10[%get3A_1223, %get3A_1224] {strides = array<i32>} : memref<128x64xf32, #tpu.memory_space<vmem>>, vector<16xf32>,
        tpu.vector_store_idx %arg14[%add3A_8, %add3A_1220], %get3A_1225 : memref<64x129xf32, #tpu.memory_space<vmem>>[vector<16xi32>, vector<16xi32>], vector<16xf32>,
        %get3A_1226 = arith.index_cast %add3A_1217 : i32 to index
        %get3A_1227 = arith.constant 32 : index
        %get3A_1228 = tpu.vector_load %arg10[%get3A_1226, %get3A_1227] {strides = array<i32>} : memref<128x64xf32, #tpu.memory_space<vmem>>, vector<16xf32>,
        tpu.vector_store_idx %arg14[%add3A_11, %add3A_1220], %get3A_1228 : memref<64x129xf32, #tpu.memory_space<vmem>>[vector<16xi32>, vector<16xi32>], vector<16xf32>,
        %get3A_1229 = arith.index_cast %add3A_1217 : i32 to index
        %get3A_1230 = arith.constant 48 : index
        %get3A_1231 = tpu.vector_load %arg10[%get3A_1229, %get3A_1230] {strides = array<i32>} : memref<128x64xf32, #tpu.memory_space<vmem>>, vector<16xf32>,
        tpu.vector_store_idx %arg14[%add3A_14, %add3A_1220], %get3A_1231 : memref<64x129xf32, #tpu.memory_space<vmem>>[vector<16xi32>, vector<16xi32>], vector<16xf32>,
        %mul3A_1232 = arith.constant 8 : i32
        %mul3A_1233 = arith.muli %scan3A_1212, %mul3A_1232 : i32
        %add3A_1234 = arith.constant 1 : i32
        %add3A_1235 = arith.addi %mul3A_1233, %add3A_1234 : i32
        %add3A_1236 = arith.constant 1 : i32
        %add3A_1237 = vector.broadcast %add3A_1236 : i32 to vector<16xi32>
        %add3A_1238 = arith.addi %scan3A_1213, %add3A_1237 : vector<16xi32>
        %get3A_1239 = arith.index_cast %add3A_1235 : i32 to index
        %get3A_1240 = arith.constant 0 : index
        %get3A_1241 = tpu.vector_load %arg10[%get3A_1239, %get3A_1240] {strides = array<i32>} : memref<128x64xf32, #tpu.memory_space<vmem>>, vector<16xf32>,
        tpu.vector_store_idx %arg14[%add3A_5, %add3A_1238], %get3A_1241 : memref<64x129xf32, #tpu.memory_space<vmem>>[vector<16xi32>, vector<16xi32>], vector<16xf32>,
        %get3A_1242 = arith.index_cast %add3A_1235 : i32 to index
        %get3A_1243 = arith.constant 16 : index
        %get3A_1244 = tpu.vector_load %arg10[%get3A_1242, %get3A_1243] {strides = array<i32>} : memref<128x64xf32, #tpu.memory_space<vmem>>, vector<16xf32>,
        tpu.vector_store_idx %arg14[%add3A_8, %add3A_1238], %get3A_1244 : memref<64x129xf32, #tpu.memory_space<vmem>>[vector<16xi32>, vector<16xi32>], vector<16xf32>,
        %get3A_1245 = arith.index_cast %add3A_1235 : i32 to index
        %get3A_1246 = arith.constant 32 : index
        %get3A_1247 = tpu.vector_load %arg10[%get3A_1245, %get3A_1246] {strides = array<i32>} : memref<128x64xf32, #tpu.memory_space<vmem>>, vector<16xf32>,
        tpu.vector_store_idx %arg14[%add3A_11, %add3A_1238], %get3A_1247 : memref<64x129xf32, #tpu.memory_space<vmem>>[vector<16xi32>, vector<16xi32>], vector<16xf32>,
        %get3A_1248 = arith.index_cast %add3A_1235 : i32 to index
        %get3A_1249 = arith.constant 48 : index
        %get3A_1250 = tpu.vector_load %arg10[%get3A_1248, %get3A_1249] {strides = array<i32>} : memref<128x64xf32, #tpu.memory_space<vmem>>, vector<16xf32>,
        tpu.vector_store_idx %arg14[%add3A_14, %add3A_1238], %get3A_1250 : memref<64x129xf32, #tpu.memory_space<vmem>>[vector<16xi32>, vector<16xi32>], vector<16xf32>,
        %mul3A_1251 = arith.constant 8 : i32
        %mul3A_1252 = arith.muli %scan3A_1212, %mul3A_1251 : i32
        %add3A_1253 = arith.constant 2 : i32
        %add3A_1254 = arith.addi %mul3A_1252, %add3A_1253 : i32
        %add3A_1255 = arith.constant 2 : i32
        %add3A_1256 = vector.broadcast %add3A_1255 : i32 to vector<16xi32>
        %add3A_1257 = arith.addi %scan3A_1213, %add3A_1256 : vector<16xi32>
        %get3A_1258 = arith.index_cast %add3A_1254 : i32 to index
        %get3A_1259 = arith.constant 0 : index
        %get3A_1260 = tpu.vector_load %arg10[%get3A_1258, %get3A_1259] {strides = array<i32>} : memref<128x64xf32, #tpu.memory_space<vmem>>, vector<16xf32>,
        tpu.vector_store_idx %arg14[%add3A_5, %add3A_1257], %get3A_1260 : memref<64x129xf32, #tpu.memory_space<vmem>>[vector<16xi32>, vector<16xi32>], vector<16xf32>,
        %get3A_1261 = arith.index_cast %add3A_1254 : i32 to index
        %get3A_1262 = arith.constant 16 : index
        %get3A_1263 = tpu.vector_load %arg10[%get3A_1261, %get3A_1262] {strides = array<i32>} : memref<128x64xf32, #tpu.memory_space<vmem>>, vector<16xf32>,
        tpu.vector_store_idx %arg14[%add3A_8, %add3A_1257], %get3A_1263 : memref<64x129xf32, #tpu.memory_space<vmem>>[vector<16xi32>, vector<16xi32>], vector<16xf32>,
        %get3A_1264 = arith.index_cast %add3A_1254 : i32 to index
        %get3A_1265 = arith.constant 32 : index
        %get3A_1266 = tpu.vector_load %arg10[%get3A_1264, %get3A_1265] {strides = array<i32>} : memref<128x64xf32, #tpu.memory_space<vmem>>, vector<16xf32>,
        tpu.vector_store_idx %arg14[%add3A_11, %add3A_1257], %get3A_1266 : memref<64x129xf32, #tpu.memory_space<vmem>>[vector<16xi32>, vector<16xi32>], vector<16xf32>,
        %get3A_1267 = arith.index_cast %add3A_1254 : i32 to index
        %get3A_1268 = arith.constant 48 : index
        %get3A_1269 = tpu.vector_load %arg10[%get3A_1267, %get3A_1268] {strides = array<i32>} : memref<128x64xf32, #tpu.memory_space<vmem>>, vector<16xf32>,
        tpu.vector_store_idx %arg14[%add3A_14, %add3A_1257], %get3A_1269 : memref<64x129xf32, #tpu.memory_space<vmem>>[vector<16xi32>, vector<16xi32>], vector<16xf32>,
        %mul3A_1270 = arith.constant 8 : i32
        %mul3A_1271 = arith.muli %scan3A_1212, %mul3A_1270 : i32
        %add3A_1272 = arith.constant 3 : i32
        %add3A_1273 = arith.addi %mul3A_1271, %add3A_1272 : i32
        %add3A_1274 = arith.constant 3 : i32
        %add3A_1275 = vector.broadcast %add3A_1274 : i32 to vector<16xi32>
        %add3A_1276 = arith.addi %scan3A_1213, %add3A_1275 : vector<16xi32>
        %get3A_1277 = arith.index_cast %add3A_1273 : i32 to index
        %get3A_1278 = arith.constant 0 : index
        %get3A_1279 = tpu.vector_load %arg10[%get3A_1277, %get3A_1278] {strides = array<i32>} : memref<128x64xf32, #tpu.memory_space<vmem>>, vector<16xf32>,
        tpu.vector_store_idx %arg14[%add3A_5, %add3A_1276], %get3A_1279 : memref<64x129xf32, #tpu.memory_space<vmem>>[vector<16xi32>, vector<16xi32>], vector<16xf32>,
        %get3A_1280 = arith.index_cast %add3A_1273 : i32 to index
        %get3A_1281 = arith.constant 16 : index
        %get3A_1282 = tpu.vector_load %arg10[%get3A_1280, %get3A_1281] {strides = array<i32>} : memref<128x64xf32, #tpu.memory_space<vmem>>, vector<16xf32>,
        tpu.vector_store_idx %arg14[%add3A_8, %add3A_1276], %get3A_1282 : memref<64x129xf32, #tpu.memory_space<vmem>>[vector<16xi32>, vector<16xi32>], vector<16xf32>,
        %get3A_1283 = arith.index_cast %add3A_1273 : i32 to index
        %get3A_1284 = arith.constant 32 : index
        %get3A_1285 = tpu.vector_load %arg10[%get3A_1283, %get3A_1284] {strides = array<i32>} : memref<128x64xf32, #tpu.memory_space<vmem>>, vector<16xf32>,
        tpu.vector_store_idx %arg14[%add3A_11, %add3A_1276], %get3A_1285 : memref<64x129xf32, #tpu.memory_space<vmem>>[vector<16xi32>, vector<16xi32>], vector<16xf32>,
        %get3A_1286 = arith.index_cast %add3A_1273 : i32 to index
        %get3A_1287 = arith.constant 48 : index
        %get3A_1288 = tpu.vector_load %arg10[%get3A_1286, %get3A_1287] {strides = array<i32>} : memref<128x64xf32, #tpu.memory_space<vmem>>, vector<16xf32>,
        tpu.vector_store_idx %arg14[%add3A_14, %add3A_1276], %get3A_1288 : memref<64x129xf32, #tpu.memory_space<vmem>>[vector<16xi32>, vector<16xi32>], vector<16xf32>,
        %mul3A_1289 = arith.constant 8 : i32
        %mul3A_1290 = arith.muli %scan3A_1212, %mul3A_1289 : i32
        %add3A_1291 = arith.constant 4 : i32
        %add3A_1292 = arith.addi %mul3A_1290, %add3A_1291 : i32
        %add3A_1293 = arith.constant 4 : i32
        %add3A_1294 = vector.broadcast %add3A_1293 : i32 to vector<16xi32>
        %add3A_1295 = arith.addi %scan3A_1213, %add3A_1294 : vector<16xi32>
        %get3A_1296 = arith.index_cast %add3A_1292 : i32 to index
        %get3A_1297 = arith.constant 0 : index
        %get3A_1298 = tpu.vector_load %arg10[%get3A_1296, %get3A_1297] {strides = array<i32>} : memref<128x64xf32, #tpu.memory_space<vmem>>, vector<16xf32>,
        tpu.vector_store_idx %arg14[%add3A_5, %add3A_1295], %get3A_1298 : memref<64x129xf32, #tpu.memory_space<vmem>>[vector<16xi32>, vector<16xi32>], vector<16xf32>,
        %get3A_1299 = arith.index_cast %add3A_1292 : i32 to index
        %get3A_1300 = arith.constant 16 : index
        %get3A_1301 = tpu.vector_load %arg10[%get3A_1299, %get3A_1300] {strides = array<i32>} : memref<128x64xf32, #tpu.memory_space<vmem>>, vector<16xf32>,
        tpu.vector_store_idx %arg14[%add3A_8, %add3A_1295], %get3A_1301 : memref<64x129xf32, #tpu.memory_space<vmem>>[vector<16xi32>, vector<16xi32>], vector<16xf32>,
        %get3A_1302 = arith.index_cast %add3A_1292 : i32 to index
        %get3A_1303 = arith.constant 32 : index
        %get3A_1304 = tpu.vector_load %arg10[%get3A_1302, %get3A_1303] {strides = array<i32>} : memref<128x64xf32, #tpu.memory_space<vmem>>, vector<16xf32>,
        tpu.vector_store_idx %arg14[%add3A_11, %add3A_1295], %get3A_1304 : memref<64x129xf32, #tpu.memory_space<vmem>>[vector<16xi32>, vector<16xi32>], vector<16xf32>,
        %get3A_1305 = arith.index_cast %add3A_1292 : i32 to index
        %get3A_1306 = arith.constant 48 : index
        %get3A_1307 = tpu.vector_load %arg10[%get3A_1305, %get3A_1306] {strides = array<i32>} : memref<128x64xf32, #tpu.memory_space<vmem>>, vector<16xf32>,
        tpu.vector_store_idx %arg14[%add3A_14, %add3A_1295], %get3A_1307 : memref<64x129xf32, #tpu.memory_space<vmem>>[vector<16xi32>, vector<16xi32>], vector<16xf32>,
        %mul3A_1308 = arith.constant 8 : i32
        %mul3A_1309 = arith.muli %scan3A_1212, %mul3A_1308 : i32
        %add3A_1310 = arith.constant 5 : i32
        %add3A_1311 = arith.addi %mul3A_1309, %add3A_1310 : i32
        %add3A_1312 = arith.constant 5 : i32
        %add3A_1313 = vector.broadcast %add3A_1312 : i32 to vector<16xi32>
        %add3A_1314 = arith.addi %scan3A_1213, %add3A_1313 : vector<16xi32>
        %get3A_1315 = arith.index_cast %add3A_1311 : i32 to index
        %get3A_1316 = arith.constant 0 : index
        %get3A_1317 = tpu.vector_load %arg10[%get3A_1315, %get3A_1316] {strides = array<i32>} : memref<128x64xf32, #tpu.memory_space<vmem>>, vector<16xf32>,
        tpu.vector_store_idx %arg14[%add3A_5, %add3A_1314], %get3A_1317 : memref<64x129xf32, #tpu.memory_space<vmem>>[vector<16xi32>, vector<16xi32>], vector<16xf32>,
        %get3A_1318 = arith.index_cast %add3A_1311 : i32 to index
        %get3A_1319 = arith.constant 16 : index
        %get3A_1320 = tpu.vector_load %arg10[%get3A_1318, %get3A_1319] {strides = array<i32>} : memref<128x64xf32, #tpu.memory_space<vmem>>, vector<16xf32>,
        tpu.vector_store_idx %arg14[%add3A_8, %add3A_1314], %get3A_1320 : memref<64x129xf32, #tpu.memory_space<vmem>>[vector<16xi32>, vector<16xi32>], vector<16xf32>,
        %get3A_1321 = arith.index_cast %add3A_1311 : i32 to index
        %get3A_1322 = arith.constant 32 : index
        %get3A_1323 = tpu.vector_load %arg10[%get3A_1321, %get3A_1322] {strides = array<i32>} : memref<128x64xf32, #tpu.memory_space<vmem>>, vector<16xf32>,
        tpu.vector_store_idx %arg14[%add3A_11, %add3A_1314], %get3A_1323 : memref<64x129xf32, #tpu.memory_space<vmem>>[vector<16xi32>, vector<16xi32>], vector<16xf32>,
        %get3A_1324 = arith.index_cast %add3A_1311 : i32 to index
        %get3A_1325 = arith.constant 48 : index
        %get3A_1326 = tpu.vector_load %arg10[%get3A_1324, %get3A_1325] {strides = array<i32>} : memref<128x64xf32, #tpu.memory_space<vmem>>, vector<16xf32>,
        tpu.vector_store_idx %arg14[%add3A_14, %add3A_1314], %get3A_1326 : memref<64x129xf32, #tpu.memory_space<vmem>>[vector<16xi32>, vector<16xi32>], vector<16xf32>,
        %mul3A_1327 = arith.constant 8 : i32
        %mul3A_1328 = arith.muli %scan3A_1212, %mul3A_1327 : i32
        %add3A_1329 = arith.constant 6 : i32
        %add3A_1330 = arith.addi %mul3A_1328, %add3A_1329 : i32
        %add3A_1331 = arith.constant 6 : i32
        %add3A_1332 = vector.broadcast %add3A_1331 : i32 to vector<16xi32>
        %add3A_1333 = arith.addi %scan3A_1213, %add3A_1332 : vector<16xi32>
        %get3A_1334 = arith.index_cast %add3A_1330 : i32 to index
        %get3A_1335 = arith.constant 0 : index
        %get3A_1336 = tpu.vector_load %arg10[%get3A_1334, %get3A_1335] {strides = array<i32>} : memref<128x64xf32, #tpu.memory_space<vmem>>, vector<16xf32>,
        tpu.vector_store_idx %arg14[%add3A_5, %add3A_1333], %get3A_1336 : memref<64x129xf32, #tpu.memory_space<vmem>>[vector<16xi32>, vector<16xi32>], vector<16xf32>,
        %get3A_1337 = arith.index_cast %add3A_1330 : i32 to index
        %get3A_1338 = arith.constant 16 : index
        %get3A_1339 = tpu.vector_load %arg10[%get3A_1337, %get3A_1338] {strides = array<i32>} : memref<128x64xf32, #tpu.memory_space<vmem>>, vector<16xf32>,
        tpu.vector_store_idx %arg14[%add3A_8, %add3A_1333], %get3A_1339 : memref<64x129xf32, #tpu.memory_space<vmem>>[vector<16xi32>, vector<16xi32>], vector<16xf32>,
        %get3A_1340 = arith.index_cast %add3A_1330 : i32 to index
        %get3A_1341 = arith.constant 32 : index
        %get3A_1342 = tpu.vector_load %arg10[%get3A_1340, %get3A_1341] {strides = array<i32>} : memref<128x64xf32, #tpu.memory_space<vmem>>, vector<16xf32>,
        tpu.vector_store_idx %arg14[%add3A_11, %add3A_1333], %get3A_1342 : memref<64x129xf32, #tpu.memory_space<vmem>>[vector<16xi32>, vector<16xi32>], vector<16xf32>,
        %get3A_1343 = arith.index_cast %add3A_1330 : i32 to index
        %get3A_1344 = arith.constant 48 : index
        %get3A_1345 = tpu.vector_load %arg10[%get3A_1343, %get3A_1344] {strides = array<i32>} : memref<128x64xf32, #tpu.memory_space<vmem>>, vector<16xf32>,
        tpu.vector_store_idx %arg14[%add3A_14, %add3A_1333], %get3A_1345 : memref<64x129xf32, #tpu.memory_space<vmem>>[vector<16xi32>, vector<16xi32>], vector<16xf32>,
        %mul3A_1346 = arith.constant 8 : i32
        %mul3A_1347 = arith.muli %scan3A_1212, %mul3A_1346 : i32
        %add3A_1348 = arith.constant 7 : i32
        %add3A_1349 = arith.addi %mul3A_1347, %add3A_1348 : i32
        %add3A_1350 = arith.constant 7 : i32
        %add3A_1351 = vector.broadcast %add3A_1350 : i32 to vector<16xi32>
        %add3A_1352 = arith.addi %scan3A_1213, %add3A_1351 : vector<16xi32>
        %get3A_1353 = arith.index_cast %add3A_1349 : i32 to index
        %get3A_1354 = arith.constant 0 : index
        %get3A_1355 = tpu.vector_load %arg10[%get3A_1353, %get3A_1354] {strides = array<i32>} : memref<128x64xf32, #tpu.memory_space<vmem>>, vector<16xf32>,
        tpu.vector_store_idx %arg14[%add3A_5, %add3A_1352], %get3A_1355 : memref<64x129xf32, #tpu.memory_space<vmem>>[vector<16xi32>, vector<16xi32>], vector<16xf32>,
        %get3A_1356 = arith.index_cast %add3A_1349 : i32 to index
        %get3A_1357 = arith.constant 16 : index
        %get3A_1358 = tpu.vector_load %arg10[%get3A_1356, %get3A_1357] {strides = array<i32>} : memref<128x64xf32, #tpu.memory_space<vmem>>, vector<16xf32>,
        tpu.vector_store_idx %arg14[%add3A_8, %add3A_1352], %get3A_1358 : memref<64x129xf32, #tpu.memory_space<vmem>>[vector<16xi32>, vector<16xi32>], vector<16xf32>,
        %get3A_1359 = arith.index_cast %add3A_1349 : i32 to index
        %get3A_1360 = arith.constant 32 : index
        %get3A_1361 = tpu.vector_load %arg10[%get3A_1359, %get3A_1360] {strides = array<i32>} : memref<128x64xf32, #tpu.memory_space<vmem>>, vector<16xf32>,
        tpu.vector_store_idx %arg14[%add3A_11, %add3A_1352], %get3A_1361 : memref<64x129xf32, #tpu.memory_space<vmem>>[vector<16xi32>, vector<16xi32>], vector<16xf32>,
        %get3A_1362 = arith.index_cast %add3A_1349 : i32 to index
        %get3A_1363 = arith.constant 48 : index
        %get3A_1364 = tpu.vector_load %arg10[%get3A_1362, %get3A_1363] {strides = array<i32>} : memref<128x64xf32, #tpu.memory_space<vmem>>, vector<16xf32>,
        tpu.vector_store_idx %arg14[%add3A_14, %add3A_1352], %get3A_1364 : memref<64x129xf32, #tpu.memory_space<vmem>>[vector<16xi32>, vector<16xi32>], vector<16xf32>,
        %add3A_1365 = arith.constant 8 : i32
        %add3A_1366 = vector.broadcast %add3A_1365 : i32 to vector<16xi32>
        %add3A_1367 = arith.addi %scan3A_1213, %add3A_1366 : vector<16xi32>
        scf.yield %add3A_1367 : vector<16xi32>
      }
      %scan3A_772 = arith.constant 16 : i32
      %shift_right_logical3A_773 = arith.constant 7 : i32
      %shift_right_logical3A_774 = arith.shrui %add3A_751, %shift_right_logical3A_773 : i32
      %and3A_775 = arith.constant 127 : i32
      %and3A_776 = arith.andi %add3A_751, %and3A_775 : i32
      %dma_start3A_777 = arith.constant 0 : i32
      %dma_start3A_778 = arith.constant 0 : i32
      %dma_start3A_779 = arith.constant 0 : i32
      %dma_start3A_780 = tpu.memref_slice %arg14[%dma_start3A_778, %dma_start3A_779] : memref<64x129xf32, #tpu.memory_space<vmem>> -> memref<8x128xf32, #tpu.memory_space<vmem>>
      %dma_start3A_781 = arith.constant 0 : i32
      %dma_start3A_782 = arith.constant 0 : i32
      %dma_start3A_783 = tpu.memref_slice %arg4[%shift_right_logical3A_774, %dma_start3A_777, %and3A_776, %dma_start3A_781, %dma_start3A_782] : memref<50x8x128x8x128xf32, #tpu.memory_space<hbm>> -> memref<1x1x1x8x128xf32, #tpu.memory_space<hbm>>
      %dma_start3A_784 = tpu.memref_squeeze %dma_start3A_783 : memref<1x1x1x8x128xf32, #tpu.memory_space<hbm>> -> memref<8x128xf32, #tpu.memory_space<hbm>>
      %dma_start3A_785 = arith.constant 0 : i32
      %dma_start3A_786 = arith.constant 0 : i32
      %dma_start3A_787 = tpu.memref_slice %arg4[%shift_right_logical3A_774, %dma_start3A_777, %and3A_776, %dma_start3A_785, %dma_start3A_786] : memref<50x8x128x8x128xf32, #tpu.memory_space<hbm>> -> memref<1x1x1x8x128xf32, #tpu.memory_space<hbm>>
      %dma_start3A_788 = tpu.memref_squeeze %dma_start3A_787 : memref<1x1x1x8x128xf32, #tpu.memory_space<hbm>> -> memref<8x128xf32, #tpu.memory_space<hbm>>
      %dma_start3A_789 = arith.constant 0 : i32
      %dma_start3A_790 = arith.constant 0 : i32
      %dma_start3A_791 = tpu.memref_slice %arg14[%dma_start3A_789, %dma_start3A_790] : memref<64x129xf32, #tpu.memory_space<vmem>> -> memref<8x128xf32, #tpu.memory_space<vmem>>
      tpu.enqueue_dma source(%dma_start3A_791 : memref<8x128xf32, #tpu.memory_space<vmem>>) target(%dma_start3A_788 : memref<8x128xf32, #tpu.memory_space<hbm>>) target_semaphore(%arg26 : memref<!tpu.dma_semaphore, #tpu.memory_space<semaphore_mem>>)
      %dma_start3A_792 = arith.constant 1 : i32
      %dma_start3A_793 = arith.constant 8 : i32
      %dma_start3A_794 = arith.constant 0 : i32
      %dma_start3A_795 = tpu.memref_slice %arg14[%dma_start3A_793, %dma_start3A_794] : memref<64x129xf32, #tpu.memory_space<vmem>> -> memref<8x128xf32, #tpu.memory_space<vmem>>
      %dma_start3A_796 = arith.constant 0 : i32
      %dma_start3A_797 = arith.constant 0 : i32
      %dma_start3A_798 = tpu.memref_slice %arg4[%shift_right_logical3A_774, %dma_start3A_792, %and3A_776, %dma_start3A_796, %dma_start3A_797] : memref<50x8x128x8x128xf32, #tpu.memory_space<hbm>> -> memref<1x1x1x8x128xf32, #tpu.memory_space<hbm>>
      %dma_start3A_799 = tpu.memref_squeeze %dma_start3A_798 : memref<1x1x1x8x128xf32, #tpu.memory_space<hbm>> -> memref<8x128xf32, #tpu.memory_space<hbm>>
      %dma_start3A_800 = arith.constant 0 : i32
      %dma_start3A_801 = arith.constant 0 : i32
      %dma_start3A_802 = tpu.memref_slice %arg4[%shift_right_logical3A_774, %dma_start3A_792, %and3A_776, %dma_start3A_800, %dma_start3A_801] : memref<50x8x128x8x128xf32, #tpu.memory_space<hbm>> -> memref<1x1x1x8x128xf32, #tpu.memory_space<hbm>>
      %dma_start3A_803 = tpu.memref_squeeze %dma_start3A_802 : memref<1x1x1x8x128xf32, #tpu.memory_space<hbm>> -> memref<8x128xf32, #tpu.memory_space<hbm>>
      %dma_start3A_804 = arith.constant 8 : i32
      %dma_start3A_805 = arith.constant 0 : i32
      %dma_start3A_806 = tpu.memref_slice %arg14[%dma_start3A_804, %dma_start3A_805] : memref<64x129xf32, #tpu.memory_space<vmem>> -> memref<8x128xf32, #tpu.memory_space<vmem>>
      tpu.enqueue_dma source(%dma_start3A_806 : memref<8x128xf32, #tpu.memory_space<vmem>>) target(%dma_start3A_803 : memref<8x128xf32, #tpu.memory_space<hbm>>) target_semaphore(%arg26 : memref<!tpu.dma_semaphore, #tpu.memory_space<semaphore_mem>>)
      %dma_start3A_807 = arith.constant 2 : i32
      %dma_start3A_808 = arith.constant 16 : i32
      %dma_start3A_809 = arith.constant 0 : i32
      %dma_start3A_810 = tpu.memref_slice %arg14[%dma_start3A_808, %dma_start3A_809] : memref<64x129xf32, #tpu.memory_space<vmem>> -> memref<8x128xf32, #tpu.memory_space<vmem>>
      %dma_start3A_811 = arith.constant 0 : i32
      %dma_start3A_812 = arith.constant 0 : i32
      %dma_start3A_813 = tpu.memref_slice %arg4[%shift_right_logical3A_774, %dma_start3A_807, %and3A_776, %dma_start3A_811, %dma_start3A_812] : memref<50x8x128x8x128xf32, #tpu.memory_space<hbm>> -> memref<1x1x1x8x128xf32, #tpu.memory_space<hbm>>
      %dma_start3A_814 = tpu.memref_squeeze %dma_start3A_813 : memref<1x1x1x8x128xf32, #tpu.memory_space<hbm>> -> memref<8x128xf32, #tpu.memory_space<hbm>>
      %dma_start3A_815 = arith.constant 0 : i32
      %dma_start3A_816 = arith.constant 0 : i32
      %dma_start3A_817 = tpu.memref_slice %arg4[%shift_right_logical3A_774, %dma_start3A_807, %and3A_776, %dma_start3A_815, %dma_start3A_816] : memref<50x8x128x8x128xf32, #tpu.memory_space<hbm>> -> memref<1x1x1x8x128xf32, #tpu.memory_space<hbm>>
      %dma_start3A_818 = tpu.memref_squeeze %dma_start3A_817 : memref<1x1x1x8x128xf32, #tpu.memory_space<hbm>> -> memref<8x128xf32, #tpu.memory_space<hbm>>
      %dma_start3A_819 = arith.constant 16 : i32
      %dma_start3A_820 = arith.constant 0 : i32
      %dma_start3A_821 = tpu.memref_slice %arg14[%dma_start3A_819, %dma_start3A_820] : memref<64x129xf32, #tpu.memory_space<vmem>> -> memref<8x128xf32, #tpu.memory_space<vmem>>
      tpu.enqueue_dma source(%dma_start3A_821 : memref<8x128xf32, #tpu.memory_space<vmem>>) target(%dma_start3A_818 : memref<8x128xf32, #tpu.memory_space<hbm>>) target_semaphore(%arg26 : memref<!tpu.dma_semaphore, #tpu.memory_space<semaphore_mem>>)
      %dma_start3A_822 = arith.constant 3 : i32
      %dma_start3A_823 = arith.constant 24 : i32
      %dma_start3A_824 = arith.constant 0 : i32
      %dma_start3A_825 = tpu.memref_slice %arg14[%dma_start3A_823, %dma_start3A_824] : memref<64x129xf32, #tpu.memory_space<vmem>> -> memref<8x128xf32, #tpu.memory_space<vmem>>
      %dma_start3A_826 = arith.constant 0 : i32
      %dma_start3A_827 = arith.constant 0 : i32
      %dma_start3A_828 = tpu.memref_slice %arg4[%shift_right_logical3A_774, %dma_start3A_822, %and3A_776, %dma_start3A_826, %dma_start3A_827] : memref<50x8x128x8x128xf32, #tpu.memory_space<hbm>> -> memref<1x1x1x8x128xf32, #tpu.memory_space<hbm>>
      %dma_start3A_829 = tpu.memref_squeeze %dma_start3A_828 : memref<1x1x1x8x128xf32, #tpu.memory_space<hbm>> -> memref<8x128xf32, #tpu.memory_space<hbm>>
      %dma_start3A_830 = arith.constant 0 : i32
      %dma_start3A_831 = arith.constant 0 : i32
      %dma_start3A_832 = tpu.memref_slice %arg4[%shift_right_logical3A_774, %dma_start3A_822, %and3A_776, %dma_start3A_830, %dma_start3A_831] : memref<50x8x128x8x128xf32, #tpu.memory_space<hbm>> -> memref<1x1x1x8x128xf32, #tpu.memory_space<hbm>>
      %dma_start3A_833 = tpu.memref_squeeze %dma_start3A_832 : memref<1x1x1x8x128xf32, #tpu.memory_space<hbm>> -> memref<8x128xf32, #tpu.memory_space<hbm>>
      %dma_start3A_834 = arith.constant 24 : i32
      %dma_start3A_835 = arith.constant 0 : i32
      %dma_start3A_836 = tpu.memref_slice %arg14[%dma_start3A_834, %dma_start3A_835] : memref<64x129xf32, #tpu.memory_space<vmem>> -> memref<8x128xf32, #tpu.memory_space<vmem>>
      tpu.enqueue_dma source(%dma_start3A_836 : memref<8x128xf32, #tpu.memory_space<vmem>>) target(%dma_start3A_833 : memref<8x128xf32, #tpu.memory_space<hbm>>) target_semaphore(%arg26 : memref<!tpu.dma_semaphore, #tpu.memory_space<semaphore_mem>>)
      %dma_start3A_837 = arith.constant 4 : i32
      %dma_start3A_838 = arith.constant 32 : i32
      %dma_start3A_839 = arith.constant 0 : i32
      %dma_start3A_840 = tpu.memref_slice %arg14[%dma_start3A_838, %dma_start3A_839] : memref<64x129xf32, #tpu.memory_space<vmem>> -> memref<8x128xf32, #tpu.memory_space<vmem>>
      %dma_start3A_841 = arith.constant 0 : i32
      %dma_start3A_842 = arith.constant 0 : i32
      %dma_start3A_843 = tpu.memref_slice %arg4[%shift_right_logical3A_774, %dma_start3A_837, %and3A_776, %dma_start3A_841, %dma_start3A_842] : memref<50x8x128x8x128xf32, #tpu.memory_space<hbm>> -> memref<1x1x1x8x128xf32, #tpu.memory_space<hbm>>
      %dma_start3A_844 = tpu.memref_squeeze %dma_start3A_843 : memref<1x1x1x8x128xf32, #tpu.memory_space<hbm>> -> memref<8x128xf32, #tpu.memory_space<hbm>>
      %dma_start3A_845 = arith.constant 0 : i32
      %dma_start3A_846 = arith.constant 0 : i32
      %dma_start3A_847 = tpu.memref_slice %arg4[%shift_right_logical3A_774, %dma_start3A_837, %and3A_776, %dma_start3A_845, %dma_start3A_846] : memref<50x8x128x8x128xf32, #tpu.memory_space<hbm>> -> memref<1x1x1x8x128xf32, #tpu.memory_space<hbm>>
      %dma_start3A_848 = tpu.memref_squeeze %dma_start3A_847 : memref<1x1x1x8x128xf32, #tpu.memory_space<hbm>> -> memref<8x128xf32, #tpu.memory_space<hbm>>
      %dma_start3A_849 = arith.constant 32 : i32
      %dma_start3A_850 = arith.constant 0 : i32
      %dma_start3A_851 = tpu.memref_slice %arg14[%dma_start3A_849, %dma_start3A_850] : memref<64x129xf32, #tpu.memory_space<vmem>> -> memref<8x128xf32, #tpu.memory_space<vmem>>
      tpu.enqueue_dma source(%dma_start3A_851 : memref<8x128xf32, #tpu.memory_space<vmem>>) target(%dma_start3A_848 : memref<8x128xf32, #tpu.memory_space<hbm>>) target_semaphore(%arg26 : memref<!tpu.dma_semaphore, #tpu.memory_space<semaphore_mem>>)
      %dma_start3A_852 = arith.constant 5 : i32
      %dma_start3A_853 = arith.constant 40 : i32
      %dma_start3A_854 = arith.constant 0 : i32
      %dma_start3A_855 = tpu.memref_slice %arg14[%dma_start3A_853, %dma_start3A_854] : memref<64x129xf32, #tpu.memory_space<vmem>> -> memref<8x128xf32, #tpu.memory_space<vmem>>
      %dma_start3A_856 = arith.constant 0 : i32
      %dma_start3A_857 = arith.constant 0 : i32
      %dma_start3A_858 = tpu.memref_slice %arg4[%shift_right_logical3A_774, %dma_start3A_852, %and3A_776, %dma_start3A_856, %dma_start3A_857] : memref<50x8x128x8x128xf32, #tpu.memory_space<hbm>> -> memref<1x1x1x8x128xf32, #tpu.memory_space<hbm>>
      %dma_start3A_859 = tpu.memref_squeeze %dma_start3A_858 : memref<1x1x1x8x128xf32, #tpu.memory_space<hbm>> -> memref<8x128xf32, #tpu.memory_space<hbm>>
      %dma_start3A_860 = arith.constant 0 : i32
      %dma_start3A_861 = arith.constant 0 : i32
      %dma_start3A_862 = tpu.memref_slice %arg4[%shift_right_logical3A_774, %dma_start3A_852, %and3A_776, %dma_start3A_860, %dma_start3A_861] : memref<50x8x128x8x128xf32, #tpu.memory_space<hbm>> -> memref<1x1x1x8x128xf32, #tpu.memory_space<hbm>>
      %dma_start3A_863 = tpu.memref_squeeze %dma_start3A_862 : memref<1x1x1x8x128xf32, #tpu.memory_space<hbm>> -> memref<8x128xf32, #tpu.memory_space<hbm>>
      %dma_start3A_864 = arith.constant 40 : i32
      %dma_start3A_865 = arith.constant 0 : i32
      %dma_start3A_866 = tpu.memref_slice %arg14[%dma_start3A_864, %dma_start3A_865] : memref<64x129xf32, #tpu.memory_space<vmem>> -> memref<8x128xf32, #tpu.memory_space<vmem>>
      tpu.enqueue_dma source(%dma_start3A_866 : memref<8x128xf32, #tpu.memory_space<vmem>>) target(%dma_start3A_863 : memref<8x128xf32, #tpu.memory_space<hbm>>) target_semaphore(%arg26 : memref<!tpu.dma_semaphore, #tpu.memory_space<semaphore_mem>>)
      %dma_start3A_867 = arith.constant 6 : i32
      %dma_start3A_868 = arith.constant 48 : i32
      %dma_start3A_869 = arith.constant 0 : i32
      %dma_start3A_870 = tpu.memref_slice %arg14[%dma_start3A_868, %dma_start3A_869] : memref<64x129xf32, #tpu.memory_space<vmem>> -> memref<8x128xf32, #tpu.memory_space<vmem>>
      %dma_start3A_871 = arith.constant 0 : i32
      %dma_start3A_872 = arith.constant 0 : i32
      %dma_start3A_873 = tpu.memref_slice %arg4[%shift_right_logical3A_774, %dma_start3A_867, %and3A_776, %dma_start3A_871, %dma_start3A_872] : memref<50x8x128x8x128xf32, #tpu.memory_space<hbm>> -> memref<1x1x1x8x128xf32, #tpu.memory_space<hbm>>
      %dma_start3A_874 = tpu.memref_squeeze %dma_start3A_873 : memref<1x1x1x8x128xf32, #tpu.memory_space<hbm>> -> memref<8x128xf32, #tpu.memory_space<hbm>>
      %dma_start3A_875 = arith.constant 0 : i32
      %dma_start3A_876 = arith.constant 0 : i32
      %dma_start3A_877 = tpu.memref_slice %arg4[%shift_right_logical3A_774, %dma_start3A_867, %and3A_776, %dma_start3A_875, %dma_start3A_876] : memref<50x8x128x8x128xf32, #tpu.memory_space<hbm>> -> memref<1x1x1x8x128xf32, #tpu.memory_space<hbm>>
      %dma_start3A_878 = tpu.memref_squeeze %dma_start3A_877 : memref<1x1x1x8x128xf32, #tpu.memory_space<hbm>> -> memref<8x128xf32, #tpu.memory_space<hbm>>
      %dma_start3A_879 = arith.constant 48 : i32
      %dma_start3A_880 = arith.constant 0 : i32
      %dma_start3A_881 = tpu.memref_slice %arg14[%dma_start3A_879, %dma_start3A_880] : memref<64x129xf32, #tpu.memory_space<vmem>> -> memref<8x128xf32, #tpu.memory_space<vmem>>
      tpu.enqueue_dma source(%dma_start3A_881 : memref<8x128xf32, #tpu.memory_space<vmem>>) target(%dma_start3A_878 : memref<8x128xf32, #tpu.memory_space<hbm>>) target_semaphore(%arg26 : memref<!tpu.dma_semaphore, #tpu.memory_space<semaphore_mem>>)
      %dma_start3A_882 = arith.constant 7 : i32
      %dma_start3A_883 = arith.constant 56 : i32
      %dma_start3A_884 = arith.constant 0 : i32
      %dma_start3A_885 = tpu.memref_slice %arg14[%dma_start3A_883, %dma_start3A_884] : memref<64x129xf32, #tpu.memory_space<vmem>> -> memref<8x128xf32, #tpu.memory_space<vmem>>
      %dma_start3A_886 = arith.constant 0 : i32
      %dma_start3A_887 = arith.constant 0 : i32
      %dma_start3A_888 = tpu.memref_slice %arg4[%shift_right_logical3A_774, %dma_start3A_882, %and3A_776, %dma_start3A_886, %dma_start3A_887] : memref<50x8x128x8x128xf32, #tpu.memory_space<hbm>> -> memref<1x1x1x8x128xf32, #tpu.memory_space<hbm>>
      %dma_start3A_889 = tpu.memref_squeeze %dma_start3A_888 : memref<1x1x1x8x128xf32, #tpu.memory_space<hbm>> -> memref<8x128xf32, #tpu.memory_space<hbm>>
      %dma_start3A_890 = arith.constant 0 : i32
      %dma_start3A_891 = arith.constant 0 : i32
      %dma_start3A_892 = tpu.memref_slice %arg4[%shift_right_logical3A_774, %dma_start3A_882, %and3A_776, %dma_start3A_890, %dma_start3A_891] : memref<50x8x128x8x128xf32, #tpu.memory_space<hbm>> -> memref<1x1x1x8x128xf32, #tpu.memory_space<hbm>>
      %dma_start3A_893 = tpu.memref_squeeze %dma_start3A_892 : memref<1x1x1x8x128xf32, #tpu.memory_space<hbm>> -> memref<8x128xf32, #tpu.memory_space<hbm>>
      %dma_start3A_894 = arith.constant 56 : i32
      %dma_start3A_895 = arith.constant 0 : i32
      %dma_start3A_896 = tpu.memref_slice %arg14[%dma_start3A_894, %dma_start3A_895] : memref<64x129xf32, #tpu.memory_space<vmem>> -> memref<8x128xf32, #tpu.memory_space<vmem>>
      tpu.enqueue_dma source(%dma_start3A_896 : memref<8x128xf32, #tpu.memory_space<vmem>>) target(%dma_start3A_893 : memref<8x128xf32, #tpu.memory_space<hbm>>) target_semaphore(%arg26 : memref<!tpu.dma_semaphore, #tpu.memory_space<semaphore_mem>>)
      %lt3A_897 = arith.constant 49 : i32
      %lt3A_898 = arith.cmpi slt, %scan3A_596, %lt3A_897 : i32
      %convert_element_type3A_899 = arith.extui %lt3A_898 : i1 to i32
      %cond3A_900 = arith.constant 0 : i32
      %cond3A_901 = arith.cmpi ne, %convert_element_type3A_899, %cond3A_900 : i32
      scf.if %cond3A_901 {
        %add3A_1212 = arith.constant 4 : i32
        %add3A_1213 = arith.addi %add3A_751, %add3A_1212 : i32
        %mul3A_1214 = arith.constant 128 : i32
        %mul3A_1215 = arith.muli %add3A_1213, %mul3A_1214 : i32
        %dma_wait3A_1216 = tpu.memref_slice %arg3[%mul3A_1215] : memref<819200xi32, #tpu.memory_space<hbm>> -> memref<128xi32, #tpu.memory_space<hbm>>
        %dma_wait3A_1217 = tpu.memref_slice %arg3[%mul3A_1215] : memref<819200xi32, #tpu.memory_space<hbm>> -> memref<128xi32, #tpu.memory_space<hbm>>
        tpu.wait_dma2 semaphore(%arg18 : memref<!tpu.dma_semaphore, #tpu.memory_space<semaphore_mem>>) src(%dma_wait3A_1217 : memref<128xi32, #tpu.memory_space<hbm>>) dst(%arg6 : memref<128xi32, #tpu.memory_space<vmem>>)
        %add3A_1218 = arith.constant 4 : i32
        %add3A_1219 = arith.addi %add3A_751, %add3A_1218 : i32
        %dma_start3A_1220 = arith.constant 0 : i32
        %dma_start3A_1221 = arith.constant 0 : i32
        %dma_start3A_1222 = tpu.memref_slice %arg2[%dma_start3A_1220, %dma_start3A_1221] : memref<1000000x64xf32, #tpu.memory_space<hbm>> -> memref<1000000x64xf32, #tpu.memory_space<hbm>>
        tpu.enqueue_indirect_dma source(%dma_start3A_1222 : memref<1000000x64xf32, #tpu.memory_space<hbm>>) target(%arg10 : memref<128x64xf32, #tpu.memory_space<vmem>>) offsets(%arg6 : memref<128xi32, #tpu.memory_space<vmem>>) semaphore(%arg22 : memref<!tpu.dma_semaphore, #tpu.memory_space<semaphore_mem>>)
      } else {
      }
      %mul3A_902 = arith.constant 4 : i32
      %mul3A_903 = arith.muli %scan3A_596, %mul3A_902 : i32
      %add3A_904 = arith.addi %mul3A_2, %mul3A_903 : i32
      %add3A_905 = arith.constant 2 : i32
      %add3A_906 = arith.addi %add3A_904, %add3A_905 : i32
      %dma_wait3A_907 = arith.constant 0 : i32
      %dma_wait3A_908 = arith.constant 0 : i32
      %dma_wait3A_909 = tpu.memref_slice %arg2[%dma_wait3A_907, %dma_wait3A_908] : memref<1000000x64xf32, #tpu.memory_space<hbm>> -> memref<1000000x64xf32, #tpu.memory_space<hbm>>
      tpu.wait_indirect_dma semaphore(%arg23 : memref<!tpu.dma_semaphore, #tpu.memory_space<semaphore_mem>>) src(%dma_wait3A_909 : memref<1000000x64xf32, #tpu.memory_space<hbm>>) dst(%arg11 : memref<128x64xf32, #tpu.memory_space<vmem>>)
      %lt3A_910 = arith.constant 49 : i32
      %lt3A_911 = arith.cmpi slt, %scan3A_596, %lt3A_910 : i32
      %convert_element_type3A_912 = arith.extui %lt3A_911 : i1 to i32
      %cond3A_913 = arith.constant 0 : i32
      %cond3A_914 = arith.cmpi ne, %convert_element_type3A_912, %cond3A_913 : i32
      scf.if %cond3A_914 {
        %add3A_1212 = arith.constant 4 : i32
        %add3A_1213 = arith.addi %add3A_906, %add3A_1212 : i32
        %mul3A_1214 = arith.constant 128 : i32
        %mul3A_1215 = arith.muli %add3A_1213, %mul3A_1214 : i32
        %dma_start3A_1216 = tpu.memref_slice %arg3[%mul3A_1215] : memref<819200xi32, #tpu.memory_space<hbm>> -> memref<128xi32, #tpu.memory_space<hbm>>
        %dma_start3A_1217 = tpu.memref_slice %arg3[%mul3A_1215] : memref<819200xi32, #tpu.memory_space<hbm>> -> memref<128xi32, #tpu.memory_space<hbm>>
        tpu.enqueue_dma source(%dma_start3A_1217 : memref<128xi32, #tpu.memory_space<hbm>>) target(%arg7 : memref<128xi32, #tpu.memory_space<vmem>>) target_semaphore(%arg19 : memref<!tpu.dma_semaphore, #tpu.memory_space<semaphore_mem>>)
      } else {
      }
      %gt3A_915 = arith.constant 0 : i32
      %gt3A_916 = arith.cmpi sgt, %scan3A_596, %gt3A_915 : i32
      %convert_element_type3A_917 = arith.extui %gt3A_916 : i1 to i32
      %cond3A_918 = arith.constant 0 : i32
      %cond3A_919 = arith.cmpi ne, %convert_element_type3A_917, %cond3A_918 : i32
      scf.if %cond3A_919 {
        %sub3A = arith.constant 4 : i32
        %sub3A_1212 = arith.subi %add3A_906, %sub3A : i32
        %shift_right_logical3A_1213 = arith.constant 7 : i32
        %shift_right_logical3A_1214 = arith.shrui %sub3A_1212, %shift_right_logical3A_1213 : i32
        %and3A_1215 = arith.constant 127 : i32
        %and3A_1216 = arith.andi %sub3A_1212, %and3A_1215 : i32
        %dma_wait3A_1217 = arith.constant 0 : i32
        %dma_wait3A_1218 = arith.constant 0 : i32
        %dma_wait3A_1219 = arith.constant 0 : i32
        %dma_wait3A_1220 = tpu.memref_slice %arg15[%dma_wait3A_1218, %dma_wait3A_1219] : memref<64x129xf32, #tpu.memory_space<vmem>> -> memref<8x128xf32, #tpu.memory_space<vmem>>
        %dma_wait3A_1221 = arith.constant 0 : i32
        %dma_wait3A_1222 = arith.constant 0 : i32
        %dma_wait3A_1223 = tpu.memref_slice %arg4[%shift_right_logical3A_1214, %dma_wait3A_1217, %and3A_1216, %dma_wait3A_1221, %dma_wait3A_1222] : memref<50x8x128x8x128xf32, #tpu.memory_space<hbm>> -> memref<1x1x1x8x128xf32, #tpu.memory_space<hbm>>
        %dma_wait3A_1224 = tpu.memref_squeeze %dma_wait3A_1223 : memref<1x1x1x8x128xf32, #tpu.memory_space<hbm>> -> memref<8x128xf32, #tpu.memory_space<hbm>>
        %dma_wait3A_1225 = arith.constant 0 : i32
        %dma_wait3A_1226 = arith.constant 0 : i32
        %dma_wait3A_1227 = tpu.memref_slice %arg4[%shift_right_logical3A_1214, %dma_wait3A_1217, %and3A_1216, %dma_wait3A_1225, %dma_wait3A_1226] : memref<50x8x128x8x128xf32, #tpu.memory_space<hbm>> -> memref<1x1x1x8x128xf32, #tpu.memory_space<hbm>>
        %dma_wait3A_1228 = tpu.memref_squeeze %dma_wait3A_1227 : memref<1x1x1x8x128xf32, #tpu.memory_space<hbm>> -> memref<8x128xf32, #tpu.memory_space<hbm>>
        %dma_wait3A_1229 = arith.constant 0 : i32
        %dma_wait3A_1230 = arith.constant 0 : i32
        %dma_wait3A_1231 = tpu.memref_slice %arg15[%dma_wait3A_1229, %dma_wait3A_1230] : memref<64x129xf32, #tpu.memory_space<vmem>> -> memref<8x128xf32, #tpu.memory_space<vmem>>
        tpu.wait_dma2 semaphore(%arg27 : memref<!tpu.dma_semaphore, #tpu.memory_space<semaphore_mem>>) src(%dma_wait3A_1231 : memref<8x128xf32, #tpu.memory_space<vmem>>) dst(%dma_wait3A_1228 : memref<8x128xf32, #tpu.memory_space<hbm>>)
        %dma_wait3A_1232 = arith.constant 1 : i32
        %dma_wait3A_1233 = arith.constant 8 : i32
        %dma_wait3A_1234 = arith.constant 0 : i32
        %dma_wait3A_1235 = tpu.memref_slice %arg15[%dma_wait3A_1233, %dma_wait3A_1234] : memref<64x129xf32, #tpu.memory_space<vmem>> -> memref<8x128xf32, #tpu.memory_space<vmem>>
        %dma_wait3A_1236 = arith.constant 0 : i32
        %dma_wait3A_1237 = arith.constant 0 : i32
        %dma_wait3A_1238 = tpu.memref_slice %arg4[%shift_right_logical3A_1214, %dma_wait3A_1232, %and3A_1216, %dma_wait3A_1236, %dma_wait3A_1237] : memref<50x8x128x8x128xf32, #tpu.memory_space<hbm>> -> memref<1x1x1x8x128xf32, #tpu.memory_space<hbm>>
        %dma_wait3A_1239 = tpu.memref_squeeze %dma_wait3A_1238 : memref<1x1x1x8x128xf32, #tpu.memory_space<hbm>> -> memref<8x128xf32, #tpu.memory_space<hbm>>
        %dma_wait3A_1240 = arith.constant 0 : i32
        %dma_wait3A_1241 = arith.constant 0 : i32
        %dma_wait3A_1242 = tpu.memref_slice %arg4[%shift_right_logical3A_1214, %dma_wait3A_1232, %and3A_1216, %dma_wait3A_1240, %dma_wait3A_1241] : memref<50x8x128x8x128xf32, #tpu.memory_space<hbm>> -> memref<1x1x1x8x128xf32, #tpu.memory_space<hbm>>
        %dma_wait3A_1243 = tpu.memref_squeeze %dma_wait3A_1242 : memref<1x1x1x8x128xf32, #tpu.memory_space<hbm>> -> memref<8x128xf32, #tpu.memory_space<hbm>>
        %dma_wait3A_1244 = arith.constant 8 : i32
        %dma_wait3A_1245 = arith.constant 0 : i32
        %dma_wait3A_1246 = tpu.memref_slice %arg15[%dma_wait3A_1244, %dma_wait3A_1245] : memref<64x129xf32, #tpu.memory_space<vmem>> -> memref<8x128xf32, #tpu.memory_space<vmem>>
        tpu.wait_dma2 semaphore(%arg27 : memref<!tpu.dma_semaphore, #tpu.memory_space<semaphore_mem>>) src(%dma_wait3A_1246 : memref<8x128xf32, #tpu.memory_space<vmem>>) dst(%dma_wait3A_1243 : memref<8x128xf32, #tpu.memory_space<hbm>>)
        %dma_wait3A_1247 = arith.constant 2 : i32
        %dma_wait3A_1248 = arith.constant 16 : i32
        %dma_wait3A_1249 = arith.constant 0 : i32
        %dma_wait3A_1250 = tpu.memref_slice %arg15[%dma_wait3A_1248, %dma_wait3A_1249] : memref<64x129xf32, #tpu.memory_space<vmem>> -> memref<8x128xf32, #tpu.memory_space<vmem>>
        %dma_wait3A_1251 = arith.constant 0 : i32
        %dma_wait3A_1252 = arith.constant 0 : i32
        %dma_wait3A_1253 = tpu.memref_slice %arg4[%shift_right_logical3A_1214, %dma_wait3A_1247, %and3A_1216, %dma_wait3A_1251, %dma_wait3A_1252] : memref<50x8x128x8x128xf32, #tpu.memory_space<hbm>> -> memref<1x1x1x8x128xf32, #tpu.memory_space<hbm>>
        %dma_wait3A_1254 = tpu.memref_squeeze %dma_wait3A_1253 : memref<1x1x1x8x128xf32, #tpu.memory_space<hbm>> -> memref<8x128xf32, #tpu.memory_space<hbm>>
        %dma_wait3A_1255 = arith.constant 0 : i32
        %dma_wait3A_1256 = arith.constant 0 : i32
        %dma_wait3A_1257 = tpu.memref_slice %arg4[%shift_right_logical3A_1214, %dma_wait3A_1247, %and3A_1216, %dma_wait3A_1255, %dma_wait3A_1256] : memref<50x8x128x8x128xf32, #tpu.memory_space<hbm>> -> memref<1x1x1x8x128xf32, #tpu.memory_space<hbm>>
        %dma_wait3A_1258 = tpu.memref_squeeze %dma_wait3A_1257 : memref<1x1x1x8x128xf32, #tpu.memory_space<hbm>> -> memref<8x128xf32, #tpu.memory_space<hbm>>
        %dma_wait3A_1259 = arith.constant 16 : i32
        %dma_wait3A_1260 = arith.constant 0 : i32
        %dma_wait3A_1261 = tpu.memref_slice %arg15[%dma_wait3A_1259, %dma_wait3A_1260] : memref<64x129xf32, #tpu.memory_space<vmem>> -> memref<8x128xf32, #tpu.memory_space<vmem>>
        tpu.wait_dma2 semaphore(%arg27 : memref<!tpu.dma_semaphore, #tpu.memory_space<semaphore_mem>>) src(%dma_wait3A_1261 : memref<8x128xf32, #tpu.memory_space<vmem>>) dst(%dma_wait3A_1258 : memref<8x128xf32, #tpu.memory_space<hbm>>)
        %dma_wait3A_1262 = arith.constant 3 : i32
        %dma_wait3A_1263 = arith.constant 24 : i32
        %dma_wait3A_1264 = arith.constant 0 : i32
        %dma_wait3A_1265 = tpu.memref_slice %arg15[%dma_wait3A_1263, %dma_wait3A_1264] : memref<64x129xf32, #tpu.memory_space<vmem>> -> memref<8x128xf32, #tpu.memory_space<vmem>>
        %dma_wait3A_1266 = arith.constant 0 : i32
        %dma_wait3A_1267 = arith.constant 0 : i32
        %dma_wait3A_1268 = tpu.memref_slice %arg4[%shift_right_logical3A_1214, %dma_wait3A_1262, %and3A_1216, %dma_wait3A_1266, %dma_wait3A_1267] : memref<50x8x128x8x128xf32, #tpu.memory_space<hbm>> -> memref<1x1x1x8x128xf32, #tpu.memory_space<hbm>>
        %dma_wait3A_1269 = tpu.memref_squeeze %dma_wait3A_1268 : memref<1x1x1x8x128xf32, #tpu.memory_space<hbm>> -> memref<8x128xf32, #tpu.memory_space<hbm>>
        %dma_wait3A_1270 = arith.constant 0 : i32
        %dma_wait3A_1271 = arith.constant 0 : i32
        %dma_wait3A_1272 = tpu.memref_slice %arg4[%shift_right_logical3A_1214, %dma_wait3A_1262, %and3A_1216, %dma_wait3A_1270, %dma_wait3A_1271] : memref<50x8x128x8x128xf32, #tpu.memory_space<hbm>> -> memref<1x1x1x8x128xf32, #tpu.memory_space<hbm>>
        %dma_wait3A_1273 = tpu.memref_squeeze %dma_wait3A_1272 : memref<1x1x1x8x128xf32, #tpu.memory_space<hbm>> -> memref<8x128xf32, #tpu.memory_space<hbm>>
        %dma_wait3A_1274 = arith.constant 24 : i32
        %dma_wait3A_1275 = arith.constant 0 : i32
        %dma_wait3A_1276 = tpu.memref_slice %arg15[%dma_wait3A_1274, %dma_wait3A_1275] : memref<64x129xf32, #tpu.memory_space<vmem>> -> memref<8x128xf32, #tpu.memory_space<vmem>>
        tpu.wait_dma2 semaphore(%arg27 : memref<!tpu.dma_semaphore, #tpu.memory_space<semaphore_mem>>) src(%dma_wait3A_1276 : memref<8x128xf32, #tpu.memory_space<vmem>>) dst(%dma_wait3A_1273 : memref<8x128xf32, #tpu.memory_space<hbm>>)
        %dma_wait3A_1277 = arith.constant 4 : i32
        %dma_wait3A_1278 = arith.constant 32 : i32
        %dma_wait3A_1279 = arith.constant 0 : i32
        %dma_wait3A_1280 = tpu.memref_slice %arg15[%dma_wait3A_1278, %dma_wait3A_1279] : memref<64x129xf32, #tpu.memory_space<vmem>> -> memref<8x128xf32, #tpu.memory_space<vmem>>
        %dma_wait3A_1281 = arith.constant 0 : i32
        %dma_wait3A_1282 = arith.constant 0 : i32
        %dma_wait3A_1283 = tpu.memref_slice %arg4[%shift_right_logical3A_1214, %dma_wait3A_1277, %and3A_1216, %dma_wait3A_1281, %dma_wait3A_1282] : memref<50x8x128x8x128xf32, #tpu.memory_space<hbm>> -> memref<1x1x1x8x128xf32, #tpu.memory_space<hbm>>
        %dma_wait3A_1284 = tpu.memref_squeeze %dma_wait3A_1283 : memref<1x1x1x8x128xf32, #tpu.memory_space<hbm>> -> memref<8x128xf32, #tpu.memory_space<hbm>>
        %dma_wait3A_1285 = arith.constant 0 : i32
        %dma_wait3A_1286 = arith.constant 0 : i32
        %dma_wait3A_1287 = tpu.memref_slice %arg4[%shift_right_logical3A_1214, %dma_wait3A_1277, %and3A_1216, %dma_wait3A_1285, %dma_wait3A_1286] : memref<50x8x128x8x128xf32, #tpu.memory_space<hbm>> -> memref<1x1x1x8x128xf32, #tpu.memory_space<hbm>>
        %dma_wait3A_1288 = tpu.memref_squeeze %dma_wait3A_1287 : memref<1x1x1x8x128xf32, #tpu.memory_space<hbm>> -> memref<8x128xf32, #tpu.memory_space<hbm>>
        %dma_wait3A_1289 = arith.constant 32 : i32
        %dma_wait3A_1290 = arith.constant 0 : i32
        %dma_wait3A_1291 = tpu.memref_slice %arg15[%dma_wait3A_1289, %dma_wait3A_1290] : memref<64x129xf32, #tpu.memory_space<vmem>> -> memref<8x128xf32, #tpu.memory_space<vmem>>
        tpu.wait_dma2 semaphore(%arg27 : memref<!tpu.dma_semaphore, #tpu.memory_space<semaphore_mem>>) src(%dma_wait3A_1291 : memref<8x128xf32, #tpu.memory_space<vmem>>) dst(%dma_wait3A_1288 : memref<8x128xf32, #tpu.memory_space<hbm>>)
        %dma_wait3A_1292 = arith.constant 5 : i32
        %dma_wait3A_1293 = arith.constant 40 : i32
        %dma_wait3A_1294 = arith.constant 0 : i32
        %dma_wait3A_1295 = tpu.memref_slice %arg15[%dma_wait3A_1293, %dma_wait3A_1294] : memref<64x129xf32, #tpu.memory_space<vmem>> -> memref<8x128xf32, #tpu.memory_space<vmem>>
        %dma_wait3A_1296 = arith.constant 0 : i32
        %dma_wait3A_1297 = arith.constant 0 : i32
        %dma_wait3A_1298 = tpu.memref_slice %arg4[%shift_right_logical3A_1214, %dma_wait3A_1292, %and3A_1216, %dma_wait3A_1296, %dma_wait3A_1297] : memref<50x8x128x8x128xf32, #tpu.memory_space<hbm>> -> memref<1x1x1x8x128xf32, #tpu.memory_space<hbm>>
        %dma_wait3A_1299 = tpu.memref_squeeze %dma_wait3A_1298 : memref<1x1x1x8x128xf32, #tpu.memory_space<hbm>> -> memref<8x128xf32, #tpu.memory_space<hbm>>
        %dma_wait3A_1300 = arith.constant 0 : i32
        %dma_wait3A_1301 = arith.constant 0 : i32
        %dma_wait3A_1302 = tpu.memref_slice %arg4[%shift_right_logical3A_1214, %dma_wait3A_1292, %and3A_1216, %dma_wait3A_1300, %dma_wait3A_1301] : memref<50x8x128x8x128xf32, #tpu.memory_space<hbm>> -> memref<1x1x1x8x128xf32, #tpu.memory_space<hbm>>
        %dma_wait3A_1303 = tpu.memref_squeeze %dma_wait3A_1302 : memref<1x1x1x8x128xf32, #tpu.memory_space<hbm>> -> memref<8x128xf32, #tpu.memory_space<hbm>>
        %dma_wait3A_1304 = arith.constant 40 : i32
        %dma_wait3A_1305 = arith.constant 0 : i32
        %dma_wait3A_1306 = tpu.memref_slice %arg15[%dma_wait3A_1304, %dma_wait3A_1305] : memref<64x129xf32, #tpu.memory_space<vmem>> -> memref<8x128xf32, #tpu.memory_space<vmem>>
        tpu.wait_dma2 semaphore(%arg27 : memref<!tpu.dma_semaphore, #tpu.memory_space<semaphore_mem>>) src(%dma_wait3A_1306 : memref<8x128xf32, #tpu.memory_space<vmem>>) dst(%dma_wait3A_1303 : memref<8x128xf32, #tpu.memory_space<hbm>>)
        %dma_wait3A_1307 = arith.constant 6 : i32
        %dma_wait3A_1308 = arith.constant 48 : i32
        %dma_wait3A_1309 = arith.constant 0 : i32
        %dma_wait3A_1310 = tpu.memref_slice %arg15[%dma_wait3A_1308, %dma_wait3A_1309] : memref<64x129xf32, #tpu.memory_space<vmem>> -> memref<8x128xf32, #tpu.memory_space<vmem>>
        %dma_wait3A_1311 = arith.constant 0 : i32
        %dma_wait3A_1312 = arith.constant 0 : i32
        %dma_wait3A_1313 = tpu.memref_slice %arg4[%shift_right_logical3A_1214, %dma_wait3A_1307, %and3A_1216, %dma_wait3A_1311, %dma_wait3A_1312] : memref<50x8x128x8x128xf32, #tpu.memory_space<hbm>> -> memref<1x1x1x8x128xf32, #tpu.memory_space<hbm>>
        %dma_wait3A_1314 = tpu.memref_squeeze %dma_wait3A_1313 : memref<1x1x1x8x128xf32, #tpu.memory_space<hbm>> -> memref<8x128xf32, #tpu.memory_space<hbm>>
        %dma_wait3A_1315 = arith.constant 0 : i32
        %dma_wait3A_1316 = arith.constant 0 : i32
        %dma_wait3A_1317 = tpu.memref_slice %arg4[%shift_right_logical3A_1214, %dma_wait3A_1307, %and3A_1216, %dma_wait3A_1315, %dma_wait3A_1316] : memref<50x8x128x8x128xf32, #tpu.memory_space<hbm>> -> memref<1x1x1x8x128xf32, #tpu.memory_space<hbm>>
        %dma_wait3A_1318 = tpu.memref_squeeze %dma_wait3A_1317 : memref<1x1x1x8x128xf32, #tpu.memory_space<hbm>> -> memref<8x128xf32, #tpu.memory_space<hbm>>
        %dma_wait3A_1319 = arith.constant 48 : i32
        %dma_wait3A_1320 = arith.constant 0 : i32
        %dma_wait3A_1321 = tpu.memref_slice %arg15[%dma_wait3A_1319, %dma_wait3A_1320] : memref<64x129xf32, #tpu.memory_space<vmem>> -> memref<8x128xf32, #tpu.memory_space<vmem>>
        tpu.wait_dma2 semaphore(%arg27 : memref<!tpu.dma_semaphore, #tpu.memory_space<semaphore_mem>>) src(%dma_wait3A_1321 : memref<8x128xf32, #tpu.memory_space<vmem>>) dst(%dma_wait3A_1318 : memref<8x128xf32, #tpu.memory_space<hbm>>)
        %dma_wait3A_1322 = arith.constant 7 : i32
        %dma_wait3A_1323 = arith.constant 56 : i32
        %dma_wait3A_1324 = arith.constant 0 : i32
        %dma_wait3A_1325 = tpu.memref_slice %arg15[%dma_wait3A_1323, %dma_wait3A_1324] : memref<64x129xf32, #tpu.memory_space<vmem>> -> memref<8x128xf32, #tpu.memory_space<vmem>>
        %dma_wait3A_1326 = arith.constant 0 : i32
        %dma_wait3A_1327 = arith.constant 0 : i32
        %dma_wait3A_1328 = tpu.memref_slice %arg4[%shift_right_logical3A_1214, %dma_wait3A_1322, %and3A_1216, %dma_wait3A_1326, %dma_wait3A_1327] : memref<50x8x128x8x128xf32, #tpu.memory_space<hbm>> -> memref<1x1x1x8x128xf32, #tpu.memory_space<hbm>>
        %dma_wait3A_1329 = tpu.memref_squeeze %dma_wait3A_1328 : memref<1x1x1x8x128xf32, #tpu.memory_space<hbm>> -> memref<8x128xf32, #tpu.memory_space<hbm>>
        %dma_wait3A_1330 = arith.constant 0 : i32
        %dma_wait3A_1331 = arith.constant 0 : i32
        %dma_wait3A_1332 = tpu.memref_slice %arg4[%shift_right_logical3A_1214, %dma_wait3A_1322, %and3A_1216, %dma_wait3A_1330, %dma_wait3A_1331] : memref<50x8x128x8x128xf32, #tpu.memory_space<hbm>> -> memref<1x1x1x8x128xf32, #tpu.memory_space<hbm>>
        %dma_wait3A_1333 = tpu.memref_squeeze %dma_wait3A_1332 : memref<1x1x1x8x128xf32, #tpu.memory_space<hbm>> -> memref<8x128xf32, #tpu.memory_space<hbm>>
        %dma_wait3A_1334 = arith.constant 56 : i32
        %dma_wait3A_1335 = arith.constant 0 : i32
        %dma_wait3A_1336 = tpu.memref_slice %arg15[%dma_wait3A_1334, %dma_wait3A_1335] : memref<64x129xf32, #tpu.memory_space<vmem>> -> memref<8x128xf32, #tpu.memory_space<vmem>>
        tpu.wait_dma2 semaphore(%arg27 : memref<!tpu.dma_semaphore, #tpu.memory_space<semaphore_mem>>) src(%dma_wait3A_1336 : memref<8x128xf32, #tpu.memory_space<vmem>>) dst(%dma_wait3A_1333 : memref<8x128xf32, #tpu.memory_space<hbm>>)
      } else {
      }
      %broadcast_in_dim3A_920 = arith.constant 0 : i32
      %broadcast_in_dim3A_921 = vector.broadcast %broadcast_in_dim3A_920 : i32 to vector<16xi32>
      %scan3A_922 = arith.constant 0 : i32
      %scan3A_923 = arith.constant 16 : i32
      %scan3A_924 = arith.addi %scan3A_922, %scan3A_923 : i32
      %scan3A_925 = arith.constant 1 : i32
      %scan3A_926 = scf.for %scan3A_1212 = %scan3A_922 to %scan3A_924 step %scan3A_925 iter_args(%scan3A_1213 = %broadcast_in_dim3A_921) -> (vector<16xi32>)  : i32 {
        %mul3A_1214 = arith.constant 8 : i32
        %mul3A_1215 = arith.muli %scan3A_1212, %mul3A_1214 : i32
        %add3A_1216 = arith.constant 0 : i32
        %add3A_1217 = arith.addi %mul3A_1215, %add3A_1216 : i32
        %add3A_1218 = arith.constant 0 : i32
        %add3A_1219 = vector.broadcast %add3A_1218 : i32 to vector<16xi32>
        %add3A_1220 = arith.addi %scan3A_1213, %add3A_1219 : vector<16xi32>
        %get3A = arith.index_cast %add3A_1217 : i32 to index
        %get3A_1221 = arith.constant 0 : index
        %get3A_1222 = tpu.vector_load %arg11[%get3A, %get3A_1221] {strides = array<i32>} : memref<128x64xf32, #tpu.memory_space<vmem>>, vector<16xf32>,
        tpu.vector_store_idx %arg15[%add3A_5, %add3A_1220], %get3A_1222 : memref<64x129xf32, #tpu.memory_space<vmem>>[vector<16xi32>, vector<16xi32>], vector<16xf32>,
        %get3A_1223 = arith.index_cast %add3A_1217 : i32 to index
        %get3A_1224 = arith.constant 16 : index
        %get3A_1225 = tpu.vector_load %arg11[%get3A_1223, %get3A_1224] {strides = array<i32>} : memref<128x64xf32, #tpu.memory_space<vmem>>, vector<16xf32>,
        tpu.vector_store_idx %arg15[%add3A_8, %add3A_1220], %get3A_1225 : memref<64x129xf32, #tpu.memory_space<vmem>>[vector<16xi32>, vector<16xi32>], vector<16xf32>,
        %get3A_1226 = arith.index_cast %add3A_1217 : i32 to index
        %get3A_1227 = arith.constant 32 : index
        %get3A_1228 = tpu.vector_load %arg11[%get3A_1226, %get3A_1227] {strides = array<i32>} : memref<128x64xf32, #tpu.memory_space<vmem>>, vector<16xf32>,
        tpu.vector_store_idx %arg15[%add3A_11, %add3A_1220], %get3A_1228 : memref<64x129xf32, #tpu.memory_space<vmem>>[vector<16xi32>, vector<16xi32>], vector<16xf32>,
        %get3A_1229 = arith.index_cast %add3A_1217 : i32 to index
        %get3A_1230 = arith.constant 48 : index
        %get3A_1231 = tpu.vector_load %arg11[%get3A_1229, %get3A_1230] {strides = array<i32>} : memref<128x64xf32, #tpu.memory_space<vmem>>, vector<16xf32>,
        tpu.vector_store_idx %arg15[%add3A_14, %add3A_1220], %get3A_1231 : memref<64x129xf32, #tpu.memory_space<vmem>>[vector<16xi32>, vector<16xi32>], vector<16xf32>,
        %mul3A_1232 = arith.constant 8 : i32
        %mul3A_1233 = arith.muli %scan3A_1212, %mul3A_1232 : i32
        %add3A_1234 = arith.constant 1 : i32
        %add3A_1235 = arith.addi %mul3A_1233, %add3A_1234 : i32
        %add3A_1236 = arith.constant 1 : i32
        %add3A_1237 = vector.broadcast %add3A_1236 : i32 to vector<16xi32>
        %add3A_1238 = arith.addi %scan3A_1213, %add3A_1237 : vector<16xi32>
        %get3A_1239 = arith.index_cast %add3A_1235 : i32 to index
        %get3A_1240 = arith.constant 0 : index
        %get3A_1241 = tpu.vector_load %arg11[%get3A_1239, %get3A_1240] {strides = array<i32>} : memref<128x64xf32, #tpu.memory_space<vmem>>, vector<16xf32>,
        tpu.vector_store_idx %arg15[%add3A_5, %add3A_1238], %get3A_1241 : memref<64x129xf32, #tpu.memory_space<vmem>>[vector<16xi32>, vector<16xi32>], vector<16xf32>,
        %get3A_1242 = arith.index_cast %add3A_1235 : i32 to index
        %get3A_1243 = arith.constant 16 : index
        %get3A_1244 = tpu.vector_load %arg11[%get3A_1242, %get3A_1243] {strides = array<i32>} : memref<128x64xf32, #tpu.memory_space<vmem>>, vector<16xf32>,
        tpu.vector_store_idx %arg15[%add3A_8, %add3A_1238], %get3A_1244 : memref<64x129xf32, #tpu.memory_space<vmem>>[vector<16xi32>, vector<16xi32>], vector<16xf32>,
        %get3A_1245 = arith.index_cast %add3A_1235 : i32 to index
        %get3A_1246 = arith.constant 32 : index
        %get3A_1247 = tpu.vector_load %arg11[%get3A_1245, %get3A_1246] {strides = array<i32>} : memref<128x64xf32, #tpu.memory_space<vmem>>, vector<16xf32>,
        tpu.vector_store_idx %arg15[%add3A_11, %add3A_1238], %get3A_1247 : memref<64x129xf32, #tpu.memory_space<vmem>>[vector<16xi32>, vector<16xi32>], vector<16xf32>,
        %get3A_1248 = arith.index_cast %add3A_1235 : i32 to index
        %get3A_1249 = arith.constant 48 : index
        %get3A_1250 = tpu.vector_load %arg11[%get3A_1248, %get3A_1249] {strides = array<i32>} : memref<128x64xf32, #tpu.memory_space<vmem>>, vector<16xf32>,
        tpu.vector_store_idx %arg15[%add3A_14, %add3A_1238], %get3A_1250 : memref<64x129xf32, #tpu.memory_space<vmem>>[vector<16xi32>, vector<16xi32>], vector<16xf32>,
        %mul3A_1251 = arith.constant 8 : i32
        %mul3A_1252 = arith.muli %scan3A_1212, %mul3A_1251 : i32
        %add3A_1253 = arith.constant 2 : i32
        %add3A_1254 = arith.addi %mul3A_1252, %add3A_1253 : i32
        %add3A_1255 = arith.constant 2 : i32
        %add3A_1256 = vector.broadcast %add3A_1255 : i32 to vector<16xi32>
        %add3A_1257 = arith.addi %scan3A_1213, %add3A_1256 : vector<16xi32>
        %get3A_1258 = arith.index_cast %add3A_1254 : i32 to index
        %get3A_1259 = arith.constant 0 : index
        %get3A_1260 = tpu.vector_load %arg11[%get3A_1258, %get3A_1259] {strides = array<i32>} : memref<128x64xf32, #tpu.memory_space<vmem>>, vector<16xf32>,
        tpu.vector_store_idx %arg15[%add3A_5, %add3A_1257], %get3A_1260 : memref<64x129xf32, #tpu.memory_space<vmem>>[vector<16xi32>, vector<16xi32>], vector<16xf32>,
        %get3A_1261 = arith.index_cast %add3A_1254 : i32 to index
        %get3A_1262 = arith.constant 16 : index
        %get3A_1263 = tpu.vector_load %arg11[%get3A_1261, %get3A_1262] {strides = array<i32>} : memref<128x64xf32, #tpu.memory_space<vmem>>, vector<16xf32>,
        tpu.vector_store_idx %arg15[%add3A_8, %add3A_1257], %get3A_1263 : memref<64x129xf32, #tpu.memory_space<vmem>>[vector<16xi32>, vector<16xi32>], vector<16xf32>,
        %get3A_1264 = arith.index_cast %add3A_1254 : i32 to index
        %get3A_1265 = arith.constant 32 : index
        %get3A_1266 = tpu.vector_load %arg11[%get3A_1264, %get3A_1265] {strides = array<i32>} : memref<128x64xf32, #tpu.memory_space<vmem>>, vector<16xf32>,
        tpu.vector_store_idx %arg15[%add3A_11, %add3A_1257], %get3A_1266 : memref<64x129xf32, #tpu.memory_space<vmem>>[vector<16xi32>, vector<16xi32>], vector<16xf32>,
        %get3A_1267 = arith.index_cast %add3A_1254 : i32 to index
        %get3A_1268 = arith.constant 48 : index
        %get3A_1269 = tpu.vector_load %arg11[%get3A_1267, %get3A_1268] {strides = array<i32>} : memref<128x64xf32, #tpu.memory_space<vmem>>, vector<16xf32>,
        tpu.vector_store_idx %arg15[%add3A_14, %add3A_1257], %get3A_1269 : memref<64x129xf32, #tpu.memory_space<vmem>>[vector<16xi32>, vector<16xi32>], vector<16xf32>,
        %mul3A_1270 = arith.constant 8 : i32
        %mul3A_1271 = arith.muli %scan3A_1212, %mul3A_1270 : i32
        %add3A_1272 = arith.constant 3 : i32
        %add3A_1273 = arith.addi %mul3A_1271, %add3A_1272 : i32
        %add3A_1274 = arith.constant 3 : i32
        %add3A_1275 = vector.broadcast %add3A_1274 : i32 to vector<16xi32>
        %add3A_1276 = arith.addi %scan3A_1213, %add3A_1275 : vector<16xi32>
        %get3A_1277 = arith.index_cast %add3A_1273 : i32 to index
        %get3A_1278 = arith.constant 0 : index
        %get3A_1279 = tpu.vector_load %arg11[%get3A_1277, %get3A_1278] {strides = array<i32>} : memref<128x64xf32, #tpu.memory_space<vmem>>, vector<16xf32>,
        tpu.vector_store_idx %arg15[%add3A_5, %add3A_1276], %get3A_1279 : memref<64x129xf32, #tpu.memory_space<vmem>>[vector<16xi32>, vector<16xi32>], vector<16xf32>,
        %get3A_1280 = arith.index_cast %add3A_1273 : i32 to index
        %get3A_1281 = arith.constant 16 : index
        %get3A_1282 = tpu.vector_load %arg11[%get3A_1280, %get3A_1281] {strides = array<i32>} : memref<128x64xf32, #tpu.memory_space<vmem>>, vector<16xf32>,
        tpu.vector_store_idx %arg15[%add3A_8, %add3A_1276], %get3A_1282 : memref<64x129xf32, #tpu.memory_space<vmem>>[vector<16xi32>, vector<16xi32>], vector<16xf32>,
        %get3A_1283 = arith.index_cast %add3A_1273 : i32 to index
        %get3A_1284 = arith.constant 32 : index
        %get3A_1285 = tpu.vector_load %arg11[%get3A_1283, %get3A_1284] {strides = array<i32>} : memref<128x64xf32, #tpu.memory_space<vmem>>, vector<16xf32>,
        tpu.vector_store_idx %arg15[%add3A_11, %add3A_1276], %get3A_1285 : memref<64x129xf32, #tpu.memory_space<vmem>>[vector<16xi32>, vector<16xi32>], vector<16xf32>,
        %get3A_1286 = arith.index_cast %add3A_1273 : i32 to index
        %get3A_1287 = arith.constant 48 : index
        %get3A_1288 = tpu.vector_load %arg11[%get3A_1286, %get3A_1287] {strides = array<i32>} : memref<128x64xf32, #tpu.memory_space<vmem>>, vector<16xf32>,
        tpu.vector_store_idx %arg15[%add3A_14, %add3A_1276], %get3A_1288 : memref<64x129xf32, #tpu.memory_space<vmem>>[vector<16xi32>, vector<16xi32>], vector<16xf32>,
        %mul3A_1289 = arith.constant 8 : i32
        %mul3A_1290 = arith.muli %scan3A_1212, %mul3A_1289 : i32
        %add3A_1291 = arith.constant 4 : i32
        %add3A_1292 = arith.addi %mul3A_1290, %add3A_1291 : i32
        %add3A_1293 = arith.constant 4 : i32
        %add3A_1294 = vector.broadcast %add3A_1293 : i32 to vector<16xi32>
        %add3A_1295 = arith.addi %scan3A_1213, %add3A_1294 : vector<16xi32>
        %get3A_1296 = arith.index_cast %add3A_1292 : i32 to index
        %get3A_1297 = arith.constant 0 : index
        %get3A_1298 = tpu.vector_load %arg11[%get3A_1296, %get3A_1297] {strides = array<i32>} : memref<128x64xf32, #tpu.memory_space<vmem>>, vector<16xf32>,
        tpu.vector_store_idx %arg15[%add3A_5, %add3A_1295], %get3A_1298 : memref<64x129xf32, #tpu.memory_space<vmem>>[vector<16xi32>, vector<16xi32>], vector<16xf32>,
        %get3A_1299 = arith.index_cast %add3A_1292 : i32 to index
        %get3A_1300 = arith.constant 16 : index
        %get3A_1301 = tpu.vector_load %arg11[%get3A_1299, %get3A_1300] {strides = array<i32>} : memref<128x64xf32, #tpu.memory_space<vmem>>, vector<16xf32>,
        tpu.vector_store_idx %arg15[%add3A_8, %add3A_1295], %get3A_1301 : memref<64x129xf32, #tpu.memory_space<vmem>>[vector<16xi32>, vector<16xi32>], vector<16xf32>,
        %get3A_1302 = arith.index_cast %add3A_1292 : i32 to index
        %get3A_1303 = arith.constant 32 : index
        %get3A_1304 = tpu.vector_load %arg11[%get3A_1302, %get3A_1303] {strides = array<i32>} : memref<128x64xf32, #tpu.memory_space<vmem>>, vector<16xf32>,
        tpu.vector_store_idx %arg15[%add3A_11, %add3A_1295], %get3A_1304 : memref<64x129xf32, #tpu.memory_space<vmem>>[vector<16xi32>, vector<16xi32>], vector<16xf32>,
        %get3A_1305 = arith.index_cast %add3A_1292 : i32 to index
        %get3A_1306 = arith.constant 48 : index
        %get3A_1307 = tpu.vector_load %arg11[%get3A_1305, %get3A_1306] {strides = array<i32>} : memref<128x64xf32, #tpu.memory_space<vmem>>, vector<16xf32>,
        tpu.vector_store_idx %arg15[%add3A_14, %add3A_1295], %get3A_1307 : memref<64x129xf32, #tpu.memory_space<vmem>>[vector<16xi32>, vector<16xi32>], vector<16xf32>,
        %mul3A_1308 = arith.constant 8 : i32
        %mul3A_1309 = arith.muli %scan3A_1212, %mul3A_1308 : i32
        %add3A_1310 = arith.constant 5 : i32
        %add3A_1311 = arith.addi %mul3A_1309, %add3A_1310 : i32
        %add3A_1312 = arith.constant 5 : i32
        %add3A_1313 = vector.broadcast %add3A_1312 : i32 to vector<16xi32>
        %add3A_1314 = arith.addi %scan3A_1213, %add3A_1313 : vector<16xi32>
        %get3A_1315 = arith.index_cast %add3A_1311 : i32 to index
        %get3A_1316 = arith.constant 0 : index
        %get3A_1317 = tpu.vector_load %arg11[%get3A_1315, %get3A_1316] {strides = array<i32>} : memref<128x64xf32, #tpu.memory_space<vmem>>, vector<16xf32>,
        tpu.vector_store_idx %arg15[%add3A_5, %add3A_1314], %get3A_1317 : memref<64x129xf32, #tpu.memory_space<vmem>>[vector<16xi32>, vector<16xi32>], vector<16xf32>,
        %get3A_1318 = arith.index_cast %add3A_1311 : i32 to index
        %get3A_1319 = arith.constant 16 : index
        %get3A_1320 = tpu.vector_load %arg11[%get3A_1318, %get3A_1319] {strides = array<i32>} : memref<128x64xf32, #tpu.memory_space<vmem>>, vector<16xf32>,
        tpu.vector_store_idx %arg15[%add3A_8, %add3A_1314], %get3A_1320 : memref<64x129xf32, #tpu.memory_space<vmem>>[vector<16xi32>, vector<16xi32>], vector<16xf32>,
        %get3A_1321 = arith.index_cast %add3A_1311 : i32 to index
        %get3A_1322 = arith.constant 32 : index
        %get3A_1323 = tpu.vector_load %arg11[%get3A_1321, %get3A_1322] {strides = array<i32>} : memref<128x64xf32, #tpu.memory_space<vmem>>, vector<16xf32>,
        tpu.vector_store_idx %arg15[%add3A_11, %add3A_1314], %get3A_1323 : memref<64x129xf32, #tpu.memory_space<vmem>>[vector<16xi32>, vector<16xi32>], vector<16xf32>,
        %get3A_1324 = arith.index_cast %add3A_1311 : i32 to index
        %get3A_1325 = arith.constant 48 : index
        %get3A_1326 = tpu.vector_load %arg11[%get3A_1324, %get3A_1325] {strides = array<i32>} : memref<128x64xf32, #tpu.memory_space<vmem>>, vector<16xf32>,
        tpu.vector_store_idx %arg15[%add3A_14, %add3A_1314], %get3A_1326 : memref<64x129xf32, #tpu.memory_space<vmem>>[vector<16xi32>, vector<16xi32>], vector<16xf32>,
        %mul3A_1327 = arith.constant 8 : i32
        %mul3A_1328 = arith.muli %scan3A_1212, %mul3A_1327 : i32
        %add3A_1329 = arith.constant 6 : i32
        %add3A_1330 = arith.addi %mul3A_1328, %add3A_1329 : i32
        %add3A_1331 = arith.constant 6 : i32
        %add3A_1332 = vector.broadcast %add3A_1331 : i32 to vector<16xi32>
        %add3A_1333 = arith.addi %scan3A_1213, %add3A_1332 : vector<16xi32>
        %get3A_1334 = arith.index_cast %add3A_1330 : i32 to index
        %get3A_1335 = arith.constant 0 : index
        %get3A_1336 = tpu.vector_load %arg11[%get3A_1334, %get3A_1335] {strides = array<i32>} : memref<128x64xf32, #tpu.memory_space<vmem>>, vector<16xf32>,
        tpu.vector_store_idx %arg15[%add3A_5, %add3A_1333], %get3A_1336 : memref<64x129xf32, #tpu.memory_space<vmem>>[vector<16xi32>, vector<16xi32>], vector<16xf32>,
        %get3A_1337 = arith.index_cast %add3A_1330 : i32 to index
        %get3A_1338 = arith.constant 16 : index
        %get3A_1339 = tpu.vector_load %arg11[%get3A_1337, %get3A_1338] {strides = array<i32>} : memref<128x64xf32, #tpu.memory_space<vmem>>, vector<16xf32>,
        tpu.vector_store_idx %arg15[%add3A_8, %add3A_1333], %get3A_1339 : memref<64x129xf32, #tpu.memory_space<vmem>>[vector<16xi32>, vector<16xi32>], vector<16xf32>,
        %get3A_1340 = arith.index_cast %add3A_1330 : i32 to index
        %get3A_1341 = arith.constant 32 : index
        %get3A_1342 = tpu.vector_load %arg11[%get3A_1340, %get3A_1341] {strides = array<i32>} : memref<128x64xf32, #tpu.memory_space<vmem>>, vector<16xf32>,
        tpu.vector_store_idx %arg15[%add3A_11, %add3A_1333], %get3A_1342 : memref<64x129xf32, #tpu.memory_space<vmem>>[vector<16xi32>, vector<16xi32>], vector<16xf32>,
        %get3A_1343 = arith.index_cast %add3A_1330 : i32 to index
        %get3A_1344 = arith.constant 48 : index
        %get3A_1345 = tpu.vector_load %arg11[%get3A_1343, %get3A_1344] {strides = array<i32>} : memref<128x64xf32, #tpu.memory_space<vmem>>, vector<16xf32>,
        tpu.vector_store_idx %arg15[%add3A_14, %add3A_1333], %get3A_1345 : memref<64x129xf32, #tpu.memory_space<vmem>>[vector<16xi32>, vector<16xi32>], vector<16xf32>,
        %mul3A_1346 = arith.constant 8 : i32
        %mul3A_1347 = arith.muli %scan3A_1212, %mul3A_1346 : i32
        %add3A_1348 = arith.constant 7 : i32
        %add3A_1349 = arith.addi %mul3A_1347, %add3A_1348 : i32
        %add3A_1350 = arith.constant 7 : i32
        %add3A_1351 = vector.broadcast %add3A_1350 : i32 to vector<16xi32>
        %add3A_1352 = arith.addi %scan3A_1213, %add3A_1351 : vector<16xi32>
        %get3A_1353 = arith.index_cast %add3A_1349 : i32 to index
        %get3A_1354 = arith.constant 0 : index
        %get3A_1355 = tpu.vector_load %arg11[%get3A_1353, %get3A_1354] {strides = array<i32>} : memref<128x64xf32, #tpu.memory_space<vmem>>, vector<16xf32>,
        tpu.vector_store_idx %arg15[%add3A_5, %add3A_1352], %get3A_1355 : memref<64x129xf32, #tpu.memory_space<vmem>>[vector<16xi32>, vector<16xi32>], vector<16xf32>,
        %get3A_1356 = arith.index_cast %add3A_1349 : i32 to index
        %get3A_1357 = arith.constant 16 : index
        %get3A_1358 = tpu.vector_load %arg11[%get3A_1356, %get3A_1357] {strides = array<i32>} : memref<128x64xf32, #tpu.memory_space<vmem>>, vector<16xf32>,
        tpu.vector_store_idx %arg15[%add3A_8, %add3A_1352], %get3A_1358 : memref<64x129xf32, #tpu.memory_space<vmem>>[vector<16xi32>, vector<16xi32>], vector<16xf32>,
        %get3A_1359 = arith.index_cast %add3A_1349 : i32 to index
        %get3A_1360 = arith.constant 32 : index
        %get3A_1361 = tpu.vector_load %arg11[%get3A_1359, %get3A_1360] {strides = array<i32>} : memref<128x64xf32, #tpu.memory_space<vmem>>, vector<16xf32>,
        tpu.vector_store_idx %arg15[%add3A_11, %add3A_1352], %get3A_1361 : memref<64x129xf32, #tpu.memory_space<vmem>>[vector<16xi32>, vector<16xi32>], vector<16xf32>,
        %get3A_1362 = arith.index_cast %add3A_1349 : i32 to index
        %get3A_1363 = arith.constant 48 : index
        %get3A_1364 = tpu.vector_load %arg11[%get3A_1362, %get3A_1363] {strides = array<i32>} : memref<128x64xf32, #tpu.memory_space<vmem>>, vector<16xf32>,
        tpu.vector_store_idx %arg15[%add3A_14, %add3A_1352], %get3A_1364 : memref<64x129xf32, #tpu.memory_space<vmem>>[vector<16xi32>, vector<16xi32>], vector<16xf32>,
        %add3A_1365 = arith.constant 8 : i32
        %add3A_1366 = vector.broadcast %add3A_1365 : i32 to vector<16xi32>
        %add3A_1367 = arith.addi %scan3A_1213, %add3A_1366 : vector<16xi32>
        scf.yield %add3A_1367 : vector<16xi32>
      }
      %scan3A_927 = arith.constant 16 : i32
      %shift_right_logical3A_928 = arith.constant 7 : i32
      %shift_right_logical3A_929 = arith.shrui %add3A_906, %shift_right_logical3A_928 : i32
      %and3A_930 = arith.constant 127 : i32
      %and3A_931 = arith.andi %add3A_906, %and3A_930 : i32
      %dma_start3A_932 = arith.constant 0 : i32
      %dma_start3A_933 = arith.constant 0 : i32
      %dma_start3A_934 = arith.constant 0 : i32
      %dma_start3A_935 = tpu.memref_slice %arg15[%dma_start3A_933, %dma_start3A_934] : memref<64x129xf32, #tpu.memory_space<vmem>> -> memref<8x128xf32, #tpu.memory_space<vmem>>
      %dma_start3A_936 = arith.constant 0 : i32
      %dma_start3A_937 = arith.constant 0 : i32
      %dma_start3A_938 = tpu.memref_slice %arg4[%shift_right_logical3A_929, %dma_start3A_932, %and3A_931, %dma_start3A_936, %dma_start3A_937] : memref<50x8x128x8x128xf32, #tpu.memory_space<hbm>> -> memref<1x1x1x8x128xf32, #tpu.memory_space<hbm>>
      %dma_start3A_939 = tpu.memref_squeeze %dma_start3A_938 : memref<1x1x1x8x128xf32, #tpu.memory_space<hbm>> -> memref<8x128xf32, #tpu.memory_space<hbm>>
      %dma_start3A_940 = arith.constant 0 : i32
      %dma_start3A_941 = arith.constant 0 : i32
      %dma_start3A_942 = tpu.memref_slice %arg4[%shift_right_logical3A_929, %dma_start3A_932, %and3A_931, %dma_start3A_940, %dma_start3A_941] : memref<50x8x128x8x128xf32, #tpu.memory_space<hbm>> -> memref<1x1x1x8x128xf32, #tpu.memory_space<hbm>>
      %dma_start3A_943 = tpu.memref_squeeze %dma_start3A_942 : memref<1x1x1x8x128xf32, #tpu.memory_space<hbm>> -> memref<8x128xf32, #tpu.memory_space<hbm>>
      %dma_start3A_944 = arith.constant 0 : i32
      %dma_start3A_945 = arith.constant 0 : i32
      %dma_start3A_946 = tpu.memref_slice %arg15[%dma_start3A_944, %dma_start3A_945] : memref<64x129xf32, #tpu.memory_space<vmem>> -> memref<8x128xf32, #tpu.memory_space<vmem>>
      tpu.enqueue_dma source(%dma_start3A_946 : memref<8x128xf32, #tpu.memory_space<vmem>>) target(%dma_start3A_943 : memref<8x128xf32, #tpu.memory_space<hbm>>) target_semaphore(%arg27 : memref<!tpu.dma_semaphore, #tpu.memory_space<semaphore_mem>>)
      %dma_start3A_947 = arith.constant 1 : i32
      %dma_start3A_948 = arith.constant 8 : i32
      %dma_start3A_949 = arith.constant 0 : i32
      %dma_start3A_950 = tpu.memref_slice %arg15[%dma_start3A_948, %dma_start3A_949] : memref<64x129xf32, #tpu.memory_space<vmem>> -> memref<8x128xf32, #tpu.memory_space<vmem>>
      %dma_start3A_951 = arith.constant 0 : i32
      %dma_start3A_952 = arith.constant 0 : i32
      %dma_start3A_953 = tpu.memref_slice %arg4[%shift_right_logical3A_929, %dma_start3A_947, %and3A_931, %dma_start3A_951, %dma_start3A_952] : memref<50x8x128x8x128xf32, #tpu.memory_space<hbm>> -> memref<1x1x1x8x128xf32, #tpu.memory_space<hbm>>
      %dma_start3A_954 = tpu.memref_squeeze %dma_start3A_953 : memref<1x1x1x8x128xf32, #tpu.memory_space<hbm>> -> memref<8x128xf32, #tpu.memory_space<hbm>>
      %dma_start3A_955 = arith.constant 0 : i32
      %dma_start3A_956 = arith.constant 0 : i32
      %dma_start3A_957 = tpu.memref_slice %arg4[%shift_right_logical3A_929, %dma_start3A_947, %and3A_931, %dma_start3A_955, %dma_start3A_956] : memref<50x8x128x8x128xf32, #tpu.memory_space<hbm>> -> memref<1x1x1x8x128xf32, #tpu.memory_space<hbm>>
      %dma_start3A_958 = tpu.memref_squeeze %dma_start3A_957 : memref<1x1x1x8x128xf32, #tpu.memory_space<hbm>> -> memref<8x128xf32, #tpu.memory_space<hbm>>
      %dma_start3A_959 = arith.constant 8 : i32
      %dma_start3A_960 = arith.constant 0 : i32
      %dma_start3A_961 = tpu.memref_slice %arg15[%dma_start3A_959, %dma_start3A_960] : memref<64x129xf32, #tpu.memory_space<vmem>> -> memref<8x128xf32, #tpu.memory_space<vmem>>
      tpu.enqueue_dma source(%dma_start3A_961 : memref<8x128xf32, #tpu.memory_space<vmem>>) target(%dma_start3A_958 : memref<8x128xf32, #tpu.memory_space<hbm>>) target_semaphore(%arg27 : memref<!tpu.dma_semaphore, #tpu.memory_space<semaphore_mem>>)
      %dma_start3A_962 = arith.constant 2 : i32
      %dma_start3A_963 = arith.constant 16 : i32
      %dma_start3A_964 = arith.constant 0 : i32
      %dma_start3A_965 = tpu.memref_slice %arg15[%dma_start3A_963, %dma_start3A_964] : memref<64x129xf32, #tpu.memory_space<vmem>> -> memref<8x128xf32, #tpu.memory_space<vmem>>
      %dma_start3A_966 = arith.constant 0 : i32
      %dma_start3A_967 = arith.constant 0 : i32
      %dma_start3A_968 = tpu.memref_slice %arg4[%shift_right_logical3A_929, %dma_start3A_962, %and3A_931, %dma_start3A_966, %dma_start3A_967] : memref<50x8x128x8x128xf32, #tpu.memory_space<hbm>> -> memref<1x1x1x8x128xf32, #tpu.memory_space<hbm>>
      %dma_start3A_969 = tpu.memref_squeeze %dma_start3A_968 : memref<1x1x1x8x128xf32, #tpu.memory_space<hbm>> -> memref<8x128xf32, #tpu.memory_space<hbm>>
      %dma_start3A_970 = arith.constant 0 : i32
      %dma_start3A_971 = arith.constant 0 : i32
      %dma_start3A_972 = tpu.memref_slice %arg4[%shift_right_logical3A_929, %dma_start3A_962, %and3A_931, %dma_start3A_970, %dma_start3A_971] : memref<50x8x128x8x128xf32, #tpu.memory_space<hbm>> -> memref<1x1x1x8x128xf32, #tpu.memory_space<hbm>>
      %dma_start3A_973 = tpu.memref_squeeze %dma_start3A_972 : memref<1x1x1x8x128xf32, #tpu.memory_space<hbm>> -> memref<8x128xf32, #tpu.memory_space<hbm>>
      %dma_start3A_974 = arith.constant 16 : i32
      %dma_start3A_975 = arith.constant 0 : i32
      %dma_start3A_976 = tpu.memref_slice %arg15[%dma_start3A_974, %dma_start3A_975] : memref<64x129xf32, #tpu.memory_space<vmem>> -> memref<8x128xf32, #tpu.memory_space<vmem>>
      tpu.enqueue_dma source(%dma_start3A_976 : memref<8x128xf32, #tpu.memory_space<vmem>>) target(%dma_start3A_973 : memref<8x128xf32, #tpu.memory_space<hbm>>) target_semaphore(%arg27 : memref<!tpu.dma_semaphore, #tpu.memory_space<semaphore_mem>>)
      %dma_start3A_977 = arith.constant 3 : i32
      %dma_start3A_978 = arith.constant 24 : i32
      %dma_start3A_979 = arith.constant 0 : i32
      %dma_start3A_980 = tpu.memref_slice %arg15[%dma_start3A_978, %dma_start3A_979] : memref<64x129xf32, #tpu.memory_space<vmem>> -> memref<8x128xf32, #tpu.memory_space<vmem>>
      %dma_start3A_981 = arith.constant 0 : i32
      %dma_start3A_982 = arith.constant 0 : i32
      %dma_start3A_983 = tpu.memref_slice %arg4[%shift_right_logical3A_929, %dma_start3A_977, %and3A_931, %dma_start3A_981, %dma_start3A_982] : memref<50x8x128x8x128xf32, #tpu.memory_space<hbm>> -> memref<1x1x1x8x128xf32, #tpu.memory_space<hbm>>
      %dma_start3A_984 = tpu.memref_squeeze %dma_start3A_983 : memref<1x1x1x8x128xf32, #tpu.memory_space<hbm>> -> memref<8x128xf32, #tpu.memory_space<hbm>>
      %dma_start3A_985 = arith.constant 0 : i32
      %dma_start3A_986 = arith.constant 0 : i32
      %dma_start3A_987 = tpu.memref_slice %arg4[%shift_right_logical3A_929, %dma_start3A_977, %and3A_931, %dma_start3A_985, %dma_start3A_986] : memref<50x8x128x8x128xf32, #tpu.memory_space<hbm>> -> memref<1x1x1x8x128xf32, #tpu.memory_space<hbm>>
      %dma_start3A_988 = tpu.memref_squeeze %dma_start3A_987 : memref<1x1x1x8x128xf32, #tpu.memory_space<hbm>> -> memref<8x128xf32, #tpu.memory_space<hbm>>
      %dma_start3A_989 = arith.constant 24 : i32
      %dma_start3A_990 = arith.constant 0 : i32
      %dma_start3A_991 = tpu.memref_slice %arg15[%dma_start3A_989, %dma_start3A_990] : memref<64x129xf32, #tpu.memory_space<vmem>> -> memref<8x128xf32, #tpu.memory_space<vmem>>
      tpu.enqueue_dma source(%dma_start3A_991 : memref<8x128xf32, #tpu.memory_space<vmem>>) target(%dma_start3A_988 : memref<8x128xf32, #tpu.memory_space<hbm>>) target_semaphore(%arg27 : memref<!tpu.dma_semaphore, #tpu.memory_space<semaphore_mem>>)
      %dma_start3A_992 = arith.constant 4 : i32
      %dma_start3A_993 = arith.constant 32 : i32
      %dma_start3A_994 = arith.constant 0 : i32
      %dma_start3A_995 = tpu.memref_slice %arg15[%dma_start3A_993, %dma_start3A_994] : memref<64x129xf32, #tpu.memory_space<vmem>> -> memref<8x128xf32, #tpu.memory_space<vmem>>
      %dma_start3A_996 = arith.constant 0 : i32
      %dma_start3A_997 = arith.constant 0 : i32
      %dma_start3A_998 = tpu.memref_slice %arg4[%shift_right_logical3A_929, %dma_start3A_992, %and3A_931, %dma_start3A_996, %dma_start3A_997] : memref<50x8x128x8x128xf32, #tpu.memory_space<hbm>> -> memref<1x1x1x8x128xf32, #tpu.memory_space<hbm>>
      %dma_start3A_999 = tpu.memref_squeeze %dma_start3A_998 : memref<1x1x1x8x128xf32, #tpu.memory_space<hbm>> -> memref<8x128xf32, #tpu.memory_space<hbm>>
      %dma_start3A_1000 = arith.constant 0 : i32
      %dma_start3A_1001 = arith.constant 0 : i32
      %dma_start3A_1002 = tpu.memref_slice %arg4[%shift_right_logical3A_929, %dma_start3A_992, %and3A_931, %dma_start3A_1000, %dma_start3A_1001] : memref<50x8x128x8x128xf32, #tpu.memory_space<hbm>> -> memref<1x1x1x8x128xf32, #tpu.memory_space<hbm>>
      %dma_start3A_1003 = tpu.memref_squeeze %dma_start3A_1002 : memref<1x1x1x8x128xf32, #tpu.memory_space<hbm>> -> memref<8x128xf32, #tpu.memory_space<hbm>>
      %dma_start3A_1004 = arith.constant 32 : i32
      %dma_start3A_1005 = arith.constant 0 : i32
      %dma_start3A_1006 = tpu.memref_slice %arg15[%dma_start3A_1004, %dma_start3A_1005] : memref<64x129xf32, #tpu.memory_space<vmem>> -> memref<8x128xf32, #tpu.memory_space<vmem>>
      tpu.enqueue_dma source(%dma_start3A_1006 : memref<8x128xf32, #tpu.memory_space<vmem>>) target(%dma_start3A_1003 : memref<8x128xf32, #tpu.memory_space<hbm>>) target_semaphore(%arg27 : memref<!tpu.dma_semaphore, #tpu.memory_space<semaphore_mem>>)
      %dma_start3A_1007 = arith.constant 5 : i32
      %dma_start3A_1008 = arith.constant 40 : i32
      %dma_start3A_1009 = arith.constant 0 : i32
      %dma_start3A_1010 = tpu.memref_slice %arg15[%dma_start3A_1008, %dma_start3A_1009] : memref<64x129xf32, #tpu.memory_space<vmem>> -> memref<8x128xf32, #tpu.memory_space<vmem>>
      %dma_start3A_1011 = arith.constant 0 : i32
      %dma_start3A_1012 = arith.constant 0 : i32
      %dma_start3A_1013 = tpu.memref_slice %arg4[%shift_right_logical3A_929, %dma_start3A_1007, %and3A_931, %dma_start3A_1011, %dma_start3A_1012] : memref<50x8x128x8x128xf32, #tpu.memory_space<hbm>> -> memref<1x1x1x8x128xf32, #tpu.memory_space<hbm>>
      %dma_start3A_1014 = tpu.memref_squeeze %dma_start3A_1013 : memref<1x1x1x8x128xf32, #tpu.memory_space<hbm>> -> memref<8x128xf32, #tpu.memory_space<hbm>>
      %dma_start3A_1015 = arith.constant 0 : i32
      %dma_start3A_1016 = arith.constant 0 : i32
      %dma_start3A_1017 = tpu.memref_slice %arg4[%shift_right_logical3A_929, %dma_start3A_1007, %and3A_931, %dma_start3A_1015, %dma_start3A_1016] : memref<50x8x128x8x128xf32, #tpu.memory_space<hbm>> -> memref<1x1x1x8x128xf32, #tpu.memory_space<hbm>>
      %dma_start3A_1018 = tpu.memref_squeeze %dma_start3A_1017 : memref<1x1x1x8x128xf32, #tpu.memory_space<hbm>> -> memref<8x128xf32, #tpu.memory_space<hbm>>
      %dma_start3A_1019 = arith.constant 40 : i32
      %dma_start3A_1020 = arith.constant 0 : i32
      %dma_start3A_1021 = tpu.memref_slice %arg15[%dma_start3A_1019, %dma_start3A_1020] : memref<64x129xf32, #tpu.memory_space<vmem>> -> memref<8x128xf32, #tpu.memory_space<vmem>>
      tpu.enqueue_dma source(%dma_start3A_1021 : memref<8x128xf32, #tpu.memory_space<vmem>>) target(%dma_start3A_1018 : memref<8x128xf32, #tpu.memory_space<hbm>>) target_semaphore(%arg27 : memref<!tpu.dma_semaphore, #tpu.memory_space<semaphore_mem>>)
      %dma_start3A_1022 = arith.constant 6 : i32
      %dma_start3A_1023 = arith.constant 48 : i32
      %dma_start3A_1024 = arith.constant 0 : i32
      %dma_start3A_1025 = tpu.memref_slice %arg15[%dma_start3A_1023, %dma_start3A_1024] : memref<64x129xf32, #tpu.memory_space<vmem>> -> memref<8x128xf32, #tpu.memory_space<vmem>>
      %dma_start3A_1026 = arith.constant 0 : i32
      %dma_start3A_1027 = arith.constant 0 : i32
      %dma_start3A_1028 = tpu.memref_slice %arg4[%shift_right_logical3A_929, %dma_start3A_1022, %and3A_931, %dma_start3A_1026, %dma_start3A_1027] : memref<50x8x128x8x128xf32, #tpu.memory_space<hbm>> -> memref<1x1x1x8x128xf32, #tpu.memory_space<hbm>>
      %dma_start3A_1029 = tpu.memref_squeeze %dma_start3A_1028 : memref<1x1x1x8x128xf32, #tpu.memory_space<hbm>> -> memref<8x128xf32, #tpu.memory_space<hbm>>
      %dma_start3A_1030 = arith.constant 0 : i32
      %dma_start3A_1031 = arith.constant 0 : i32
      %dma_start3A_1032 = tpu.memref_slice %arg4[%shift_right_logical3A_929, %dma_start3A_1022, %and3A_931, %dma_start3A_1030, %dma_start3A_1031] : memref<50x8x128x8x128xf32, #tpu.memory_space<hbm>> -> memref<1x1x1x8x128xf32, #tpu.memory_space<hbm>>
      %dma_start3A_1033 = tpu.memref_squeeze %dma_start3A_1032 : memref<1x1x1x8x128xf32, #tpu.memory_space<hbm>> -> memref<8x128xf32, #tpu.memory_space<hbm>>
      %dma_start3A_1034 = arith.constant 48 : i32
      %dma_start3A_1035 = arith.constant 0 : i32
      %dma_start3A_1036 = tpu.memref_slice %arg15[%dma_start3A_1034, %dma_start3A_1035] : memref<64x129xf32, #tpu.memory_space<vmem>> -> memref<8x128xf32, #tpu.memory_space<vmem>>
      tpu.enqueue_dma source(%dma_start3A_1036 : memref<8x128xf32, #tpu.memory_space<vmem>>) target(%dma_start3A_1033 : memref<8x128xf32, #tpu.memory_space<hbm>>) target_semaphore(%arg27 : memref<!tpu.dma_semaphore, #tpu.memory_space<semaphore_mem>>)
      %dma_start3A_1037 = arith.constant 7 : i32
      %dma_start3A_1038 = arith.constant 56 : i32
      %dma_start3A_1039 = arith.constant 0 : i32
      %dma_start3A_1040 = tpu.memref_slice %arg15[%dma_start3A_1038, %dma_start3A_1039] : memref<64x129xf32, #tpu.memory_space<vmem>> -> memref<8x128xf32, #tpu.memory_space<vmem>>
      %dma_start3A_1041 = arith.constant 0 : i32
      %dma_start3A_1042 = arith.constant 0 : i32
      %dma_start3A_1043 = tpu.memref_slice %arg4[%shift_right_logical3A_929, %dma_start3A_1037, %and3A_931, %dma_start3A_1041, %dma_start3A_1042] : memref<50x8x128x8x128xf32, #tpu.memory_space<hbm>> -> memref<1x1x1x8x128xf32, #tpu.memory_space<hbm>>
      %dma_start3A_1044 = tpu.memref_squeeze %dma_start3A_1043 : memref<1x1x1x8x128xf32, #tpu.memory_space<hbm>> -> memref<8x128xf32, #tpu.memory_space<hbm>>
      %dma_start3A_1045 = arith.constant 0 : i32
      %dma_start3A_1046 = arith.constant 0 : i32
      %dma_start3A_1047 = tpu.memref_slice %arg4[%shift_right_logical3A_929, %dma_start3A_1037, %and3A_931, %dma_start3A_1045, %dma_start3A_1046] : memref<50x8x128x8x128xf32, #tpu.memory_space<hbm>> -> memref<1x1x1x8x128xf32, #tpu.memory_space<hbm>>
      %dma_start3A_1048 = tpu.memref_squeeze %dma_start3A_1047 : memref<1x1x1x8x128xf32, #tpu.memory_space<hbm>> -> memref<8x128xf32, #tpu.memory_space<hbm>>
      %dma_start3A_1049 = arith.constant 56 : i32
      %dma_start3A_1050 = arith.constant 0 : i32
      %dma_start3A_1051 = tpu.memref_slice %arg15[%dma_start3A_1049, %dma_start3A_1050] : memref<64x129xf32, #tpu.memory_space<vmem>> -> memref<8x128xf32, #tpu.memory_space<vmem>>
      tpu.enqueue_dma source(%dma_start3A_1051 : memref<8x128xf32, #tpu.memory_space<vmem>>) target(%dma_start3A_1048 : memref<8x128xf32, #tpu.memory_space<hbm>>) target_semaphore(%arg27 : memref<!tpu.dma_semaphore, #tpu.memory_space<semaphore_mem>>)
      %lt3A_1052 = arith.constant 49 : i32
      %lt3A_1053 = arith.cmpi slt, %scan3A_596, %lt3A_1052 : i32
      %convert_element_type3A_1054 = arith.extui %lt3A_1053 : i1 to i32
      %cond3A_1055 = arith.constant 0 : i32
      %cond3A_1056 = arith.cmpi ne, %convert_element_type3A_1054, %cond3A_1055 : i32
      scf.if %cond3A_1056 {
        %add3A_1212 = arith.constant 4 : i32
        %add3A_1213 = arith.addi %add3A_906, %add3A_1212 : i32
        %mul3A_1214 = arith.constant 128 : i32
        %mul3A_1215 = arith.muli %add3A_1213, %mul3A_1214 : i32
        %dma_wait3A_1216 = tpu.memref_slice %arg3[%mul3A_1215] : memref<819200xi32, #tpu.memory_space<hbm>> -> memref<128xi32, #tpu.memory_space<hbm>>
        %dma_wait3A_1217 = tpu.memref_slice %arg3[%mul3A_1215] : memref<819200xi32, #tpu.memory_space<hbm>> -> memref<128xi32, #tpu.memory_space<hbm>>
        tpu.wait_dma2 semaphore(%arg19 : memref<!tpu.dma_semaphore, #tpu.memory_space<semaphore_mem>>) src(%dma_wait3A_1217 : memref<128xi32, #tpu.memory_space<hbm>>) dst(%arg7 : memref<128xi32, #tpu.memory_space<vmem>>)
        %add3A_1218 = arith.constant 4 : i32
        %add3A_1219 = arith.addi %add3A_906, %add3A_1218 : i32
        %dma_start3A_1220 = arith.constant 0 : i32
        %dma_start3A_1221 = arith.constant 0 : i32
        %dma_start3A_1222 = tpu.memref_slice %arg2[%dma_start3A_1220, %dma_start3A_1221] : memref<1000000x64xf32, #tpu.memory_space<hbm>> -> memref<1000000x64xf32, #tpu.memory_space<hbm>>
        tpu.enqueue_indirect_dma source(%dma_start3A_1222 : memref<1000000x64xf32, #tpu.memory_space<hbm>>) target(%arg11 : memref<128x64xf32, #tpu.memory_space<vmem>>) offsets(%arg7 : memref<128xi32, #tpu.memory_space<vmem>>) semaphore(%arg23 : memref<!tpu.dma_semaphore, #tpu.memory_space<semaphore_mem>>)
      } else {
      }
      %mul3A_1057 = arith.constant 4 : i32
      %mul3A_1058 = arith.muli %scan3A_596, %mul3A_1057 : i32
      %add3A_1059 = arith.addi %mul3A_2, %mul3A_1058 : i32
      %add3A_1060 = arith.constant 3 : i32
      %add3A_1061 = arith.addi %add3A_1059, %add3A_1060 : i32
      %dma_wait3A_1062 = arith.constant 0 : i32
      %dma_wait3A_1063 = arith.constant 0 : i32
      %dma_wait3A_1064 = tpu.memref_slice %arg2[%dma_wait3A_1062, %dma_wait3A_1063] : memref<1000000x64xf32, #tpu.memory_space<hbm>> -> memref<1000000x64xf32, #tpu.memory_space<hbm>>
      tpu.wait_indirect_dma semaphore(%arg24 : memref<!tpu.dma_semaphore, #tpu.memory_space<semaphore_mem>>) src(%dma_wait3A_1064 : memref<1000000x64xf32, #tpu.memory_space<hbm>>) dst(%arg12 : memref<128x64xf32, #tpu.memory_space<vmem>>)
      %lt3A_1065 = arith.constant 49 : i32
      %lt3A_1066 = arith.cmpi slt, %scan3A_596, %lt3A_1065 : i32
      %convert_element_type3A_1067 = arith.extui %lt3A_1066 : i1 to i32
      %cond3A_1068 = arith.constant 0 : i32
      %cond3A_1069 = arith.cmpi ne, %convert_element_type3A_1067, %cond3A_1068 : i32
      scf.if %cond3A_1069 {
        %add3A_1212 = arith.constant 4 : i32
        %add3A_1213 = arith.addi %add3A_1061, %add3A_1212 : i32
        %mul3A_1214 = arith.constant 128 : i32
        %mul3A_1215 = arith.muli %add3A_1213, %mul3A_1214 : i32
        %dma_start3A_1216 = tpu.memref_slice %arg3[%mul3A_1215] : memref<819200xi32, #tpu.memory_space<hbm>> -> memref<128xi32, #tpu.memory_space<hbm>>
        %dma_start3A_1217 = tpu.memref_slice %arg3[%mul3A_1215] : memref<819200xi32, #tpu.memory_space<hbm>> -> memref<128xi32, #tpu.memory_space<hbm>>
        tpu.enqueue_dma source(%dma_start3A_1217 : memref<128xi32, #tpu.memory_space<hbm>>) target(%arg8 : memref<128xi32, #tpu.memory_space<vmem>>) target_semaphore(%arg20 : memref<!tpu.dma_semaphore, #tpu.memory_space<semaphore_mem>>)
      } else {
      }
      %gt3A_1070 = arith.constant 0 : i32
      %gt3A_1071 = arith.cmpi sgt, %scan3A_596, %gt3A_1070 : i32
      %convert_element_type3A_1072 = arith.extui %gt3A_1071 : i1 to i32
      %cond3A_1073 = arith.constant 0 : i32
      %cond3A_1074 = arith.cmpi ne, %convert_element_type3A_1072, %cond3A_1073 : i32
      scf.if %cond3A_1074 {
        %sub3A = arith.constant 4 : i32
        %sub3A_1212 = arith.subi %add3A_1061, %sub3A : i32
        %shift_right_logical3A_1213 = arith.constant 7 : i32
        %shift_right_logical3A_1214 = arith.shrui %sub3A_1212, %shift_right_logical3A_1213 : i32
        %and3A_1215 = arith.constant 127 : i32
        %and3A_1216 = arith.andi %sub3A_1212, %and3A_1215 : i32
        %dma_wait3A_1217 = arith.constant 0 : i32
        %dma_wait3A_1218 = arith.constant 0 : i32
        %dma_wait3A_1219 = arith.constant 0 : i32
        %dma_wait3A_1220 = tpu.memref_slice %arg16[%dma_wait3A_1218, %dma_wait3A_1219] : memref<64x129xf32, #tpu.memory_space<vmem>> -> memref<8x128xf32, #tpu.memory_space<vmem>>
        %dma_wait3A_1221 = arith.constant 0 : i32
        %dma_wait3A_1222 = arith.constant 0 : i32
        %dma_wait3A_1223 = tpu.memref_slice %arg4[%shift_right_logical3A_1214, %dma_wait3A_1217, %and3A_1216, %dma_wait3A_1221, %dma_wait3A_1222] : memref<50x8x128x8x128xf32, #tpu.memory_space<hbm>> -> memref<1x1x1x8x128xf32, #tpu.memory_space<hbm>>
        %dma_wait3A_1224 = tpu.memref_squeeze %dma_wait3A_1223 : memref<1x1x1x8x128xf32, #tpu.memory_space<hbm>> -> memref<8x128xf32, #tpu.memory_space<hbm>>
        %dma_wait3A_1225 = arith.constant 0 : i32
        %dma_wait3A_1226 = arith.constant 0 : i32
        %dma_wait3A_1227 = tpu.memref_slice %arg4[%shift_right_logical3A_1214, %dma_wait3A_1217, %and3A_1216, %dma_wait3A_1225, %dma_wait3A_1226] : memref<50x8x128x8x128xf32, #tpu.memory_space<hbm>> -> memref<1x1x1x8x128xf32, #tpu.memory_space<hbm>>
        %dma_wait3A_1228 = tpu.memref_squeeze %dma_wait3A_1227 : memref<1x1x1x8x128xf32, #tpu.memory_space<hbm>> -> memref<8x128xf32, #tpu.memory_space<hbm>>
        %dma_wait3A_1229 = arith.constant 0 : i32
        %dma_wait3A_1230 = arith.constant 0 : i32
        %dma_wait3A_1231 = tpu.memref_slice %arg16[%dma_wait3A_1229, %dma_wait3A_1230] : memref<64x129xf32, #tpu.memory_space<vmem>> -> memref<8x128xf32, #tpu.memory_space<vmem>>
        tpu.wait_dma2 semaphore(%arg28 : memref<!tpu.dma_semaphore, #tpu.memory_space<semaphore_mem>>) src(%dma_wait3A_1231 : memref<8x128xf32, #tpu.memory_space<vmem>>) dst(%dma_wait3A_1228 : memref<8x128xf32, #tpu.memory_space<hbm>>)
        %dma_wait3A_1232 = arith.constant 1 : i32
        %dma_wait3A_1233 = arith.constant 8 : i32
        %dma_wait3A_1234 = arith.constant 0 : i32
        %dma_wait3A_1235 = tpu.memref_slice %arg16[%dma_wait3A_1233, %dma_wait3A_1234] : memref<64x129xf32, #tpu.memory_space<vmem>> -> memref<8x128xf32, #tpu.memory_space<vmem>>
        %dma_wait3A_1236 = arith.constant 0 : i32
        %dma_wait3A_1237 = arith.constant 0 : i32
        %dma_wait3A_1238 = tpu.memref_slice %arg4[%shift_right_logical3A_1214, %dma_wait3A_1232, %and3A_1216, %dma_wait3A_1236, %dma_wait3A_1237] : memref<50x8x128x8x128xf32, #tpu.memory_space<hbm>> -> memref<1x1x1x8x128xf32, #tpu.memory_space<hbm>>
        %dma_wait3A_1239 = tpu.memref_squeeze %dma_wait3A_1238 : memref<1x1x1x8x128xf32, #tpu.memory_space<hbm>> -> memref<8x128xf32, #tpu.memory_space<hbm>>
        %dma_wait3A_1240 = arith.constant 0 : i32
        %dma_wait3A_1241 = arith.constant 0 : i32
        %dma_wait3A_1242 = tpu.memref_slice %arg4[%shift_right_logical3A_1214, %dma_wait3A_1232, %and3A_1216, %dma_wait3A_1240, %dma_wait3A_1241] : memref<50x8x128x8x128xf32, #tpu.memory_space<hbm>> -> memref<1x1x1x8x128xf32, #tpu.memory_space<hbm>>
        %dma_wait3A_1243 = tpu.memref_squeeze %dma_wait3A_1242 : memref<1x1x1x8x128xf32, #tpu.memory_space<hbm>> -> memref<8x128xf32, #tpu.memory_space<hbm>>
        %dma_wait3A_1244 = arith.constant 8 : i32
        %dma_wait3A_1245 = arith.constant 0 : i32
        %dma_wait3A_1246 = tpu.memref_slice %arg16[%dma_wait3A_1244, %dma_wait3A_1245] : memref<64x129xf32, #tpu.memory_space<vmem>> -> memref<8x128xf32, #tpu.memory_space<vmem>>
        tpu.wait_dma2 semaphore(%arg28 : memref<!tpu.dma_semaphore, #tpu.memory_space<semaphore_mem>>) src(%dma_wait3A_1246 : memref<8x128xf32, #tpu.memory_space<vmem>>) dst(%dma_wait3A_1243 : memref<8x128xf32, #tpu.memory_space<hbm>>)
        %dma_wait3A_1247 = arith.constant 2 : i32
        %dma_wait3A_1248 = arith.constant 16 : i32
        %dma_wait3A_1249 = arith.constant 0 : i32
        %dma_wait3A_1250 = tpu.memref_slice %arg16[%dma_wait3A_1248, %dma_wait3A_1249] : memref<64x129xf32, #tpu.memory_space<vmem>> -> memref<8x128xf32, #tpu.memory_space<vmem>>
        %dma_wait3A_1251 = arith.constant 0 : i32
        %dma_wait3A_1252 = arith.constant 0 : i32
        %dma_wait3A_1253 = tpu.memref_slice %arg4[%shift_right_logical3A_1214, %dma_wait3A_1247, %and3A_1216, %dma_wait3A_1251, %dma_wait3A_1252] : memref<50x8x128x8x128xf32, #tpu.memory_space<hbm>> -> memref<1x1x1x8x128xf32, #tpu.memory_space<hbm>>
        %dma_wait3A_1254 = tpu.memref_squeeze %dma_wait3A_1253 : memref<1x1x1x8x128xf32, #tpu.memory_space<hbm>> -> memref<8x128xf32, #tpu.memory_space<hbm>>
        %dma_wait3A_1255 = arith.constant 0 : i32
        %dma_wait3A_1256 = arith.constant 0 : i32
        %dma_wait3A_1257 = tpu.memref_slice %arg4[%shift_right_logical3A_1214, %dma_wait3A_1247, %and3A_1216, %dma_wait3A_1255, %dma_wait3A_1256] : memref<50x8x128x8x128xf32, #tpu.memory_space<hbm>> -> memref<1x1x1x8x128xf32, #tpu.memory_space<hbm>>
        %dma_wait3A_1258 = tpu.memref_squeeze %dma_wait3A_1257 : memref<1x1x1x8x128xf32, #tpu.memory_space<hbm>> -> memref<8x128xf32, #tpu.memory_space<hbm>>
        %dma_wait3A_1259 = arith.constant 16 : i32
        %dma_wait3A_1260 = arith.constant 0 : i32
        %dma_wait3A_1261 = tpu.memref_slice %arg16[%dma_wait3A_1259, %dma_wait3A_1260] : memref<64x129xf32, #tpu.memory_space<vmem>> -> memref<8x128xf32, #tpu.memory_space<vmem>>
        tpu.wait_dma2 semaphore(%arg28 : memref<!tpu.dma_semaphore, #tpu.memory_space<semaphore_mem>>) src(%dma_wait3A_1261 : memref<8x128xf32, #tpu.memory_space<vmem>>) dst(%dma_wait3A_1258 : memref<8x128xf32, #tpu.memory_space<hbm>>)
        %dma_wait3A_1262 = arith.constant 3 : i32
        %dma_wait3A_1263 = arith.constant 24 : i32
        %dma_wait3A_1264 = arith.constant 0 : i32
        %dma_wait3A_1265 = tpu.memref_slice %arg16[%dma_wait3A_1263, %dma_wait3A_1264] : memref<64x129xf32, #tpu.memory_space<vmem>> -> memref<8x128xf32, #tpu.memory_space<vmem>>
        %dma_wait3A_1266 = arith.constant 0 : i32
        %dma_wait3A_1267 = arith.constant 0 : i32
        %dma_wait3A_1268 = tpu.memref_slice %arg4[%shift_right_logical3A_1214, %dma_wait3A_1262, %and3A_1216, %dma_wait3A_1266, %dma_wait3A_1267] : memref<50x8x128x8x128xf32, #tpu.memory_space<hbm>> -> memref<1x1x1x8x128xf32, #tpu.memory_space<hbm>>
        %dma_wait3A_1269 = tpu.memref_squeeze %dma_wait3A_1268 : memref<1x1x1x8x128xf32, #tpu.memory_space<hbm>> -> memref<8x128xf32, #tpu.memory_space<hbm>>
        %dma_wait3A_1270 = arith.constant 0 : i32
        %dma_wait3A_1271 = arith.constant 0 : i32
        %dma_wait3A_1272 = tpu.memref_slice %arg4[%shift_right_logical3A_1214, %dma_wait3A_1262, %and3A_1216, %dma_wait3A_1270, %dma_wait3A_1271] : memref<50x8x128x8x128xf32, #tpu.memory_space<hbm>> -> memref<1x1x1x8x128xf32, #tpu.memory_space<hbm>>
        %dma_wait3A_1273 = tpu.memref_squeeze %dma_wait3A_1272 : memref<1x1x1x8x128xf32, #tpu.memory_space<hbm>> -> memref<8x128xf32, #tpu.memory_space<hbm>>
        %dma_wait3A_1274 = arith.constant 24 : i32
        %dma_wait3A_1275 = arith.constant 0 : i32
        %dma_wait3A_1276 = tpu.memref_slice %arg16[%dma_wait3A_1274, %dma_wait3A_1275] : memref<64x129xf32, #tpu.memory_space<vmem>> -> memref<8x128xf32, #tpu.memory_space<vmem>>
        tpu.wait_dma2 semaphore(%arg28 : memref<!tpu.dma_semaphore, #tpu.memory_space<semaphore_mem>>) src(%dma_wait3A_1276 : memref<8x128xf32, #tpu.memory_space<vmem>>) dst(%dma_wait3A_1273 : memref<8x128xf32, #tpu.memory_space<hbm>>)
        %dma_wait3A_1277 = arith.constant 4 : i32
        %dma_wait3A_1278 = arith.constant 32 : i32
        %dma_wait3A_1279 = arith.constant 0 : i32
        %dma_wait3A_1280 = tpu.memref_slice %arg16[%dma_wait3A_1278, %dma_wait3A_1279] : memref<64x129xf32, #tpu.memory_space<vmem>> -> memref<8x128xf32, #tpu.memory_space<vmem>>
        %dma_wait3A_1281 = arith.constant 0 : i32
        %dma_wait3A_1282 = arith.constant 0 : i32
        %dma_wait3A_1283 = tpu.memref_slice %arg4[%shift_right_logical3A_1214, %dma_wait3A_1277, %and3A_1216, %dma_wait3A_1281, %dma_wait3A_1282] : memref<50x8x128x8x128xf32, #tpu.memory_space<hbm>> -> memref<1x1x1x8x128xf32, #tpu.memory_space<hbm>>
        %dma_wait3A_1284 = tpu.memref_squeeze %dma_wait3A_1283 : memref<1x1x1x8x128xf32, #tpu.memory_space<hbm>> -> memref<8x128xf32, #tpu.memory_space<hbm>>
        %dma_wait3A_1285 = arith.constant 0 : i32
        %dma_wait3A_1286 = arith.constant 0 : i32
        %dma_wait3A_1287 = tpu.memref_slice %arg4[%shift_right_logical3A_1214, %dma_wait3A_1277, %and3A_1216, %dma_wait3A_1285, %dma_wait3A_1286] : memref<50x8x128x8x128xf32, #tpu.memory_space<hbm>> -> memref<1x1x1x8x128xf32, #tpu.memory_space<hbm>>
        %dma_wait3A_1288 = tpu.memref_squeeze %dma_wait3A_1287 : memref<1x1x1x8x128xf32, #tpu.memory_space<hbm>> -> memref<8x128xf32, #tpu.memory_space<hbm>>
        %dma_wait3A_1289 = arith.constant 32 : i32
        %dma_wait3A_1290 = arith.constant 0 : i32
        %dma_wait3A_1291 = tpu.memref_slice %arg16[%dma_wait3A_1289, %dma_wait3A_1290] : memref<64x129xf32, #tpu.memory_space<vmem>> -> memref<8x128xf32, #tpu.memory_space<vmem>>
        tpu.wait_dma2 semaphore(%arg28 : memref<!tpu.dma_semaphore, #tpu.memory_space<semaphore_mem>>) src(%dma_wait3A_1291 : memref<8x128xf32, #tpu.memory_space<vmem>>) dst(%dma_wait3A_1288 : memref<8x128xf32, #tpu.memory_space<hbm>>)
        %dma_wait3A_1292 = arith.constant 5 : i32
        %dma_wait3A_1293 = arith.constant 40 : i32
        %dma_wait3A_1294 = arith.constant 0 : i32
        %dma_wait3A_1295 = tpu.memref_slice %arg16[%dma_wait3A_1293, %dma_wait3A_1294] : memref<64x129xf32, #tpu.memory_space<vmem>> -> memref<8x128xf32, #tpu.memory_space<vmem>>
        %dma_wait3A_1296 = arith.constant 0 : i32
        %dma_wait3A_1297 = arith.constant 0 : i32
        %dma_wait3A_1298 = tpu.memref_slice %arg4[%shift_right_logical3A_1214, %dma_wait3A_1292, %and3A_1216, %dma_wait3A_1296, %dma_wait3A_1297] : memref<50x8x128x8x128xf32, #tpu.memory_space<hbm>> -> memref<1x1x1x8x128xf32, #tpu.memory_space<hbm>>
        %dma_wait3A_1299 = tpu.memref_squeeze %dma_wait3A_1298 : memref<1x1x1x8x128xf32, #tpu.memory_space<hbm>> -> memref<8x128xf32, #tpu.memory_space<hbm>>
        %dma_wait3A_1300 = arith.constant 0 : i32
        %dma_wait3A_1301 = arith.constant 0 : i32
        %dma_wait3A_1302 = tpu.memref_slice %arg4[%shift_right_logical3A_1214, %dma_wait3A_1292, %and3A_1216, %dma_wait3A_1300, %dma_wait3A_1301] : memref<50x8x128x8x128xf32, #tpu.memory_space<hbm>> -> memref<1x1x1x8x128xf32, #tpu.memory_space<hbm>>
        %dma_wait3A_1303 = tpu.memref_squeeze %dma_wait3A_1302 : memref<1x1x1x8x128xf32, #tpu.memory_space<hbm>> -> memref<8x128xf32, #tpu.memory_space<hbm>>
        %dma_wait3A_1304 = arith.constant 40 : i32
        %dma_wait3A_1305 = arith.constant 0 : i32
        %dma_wait3A_1306 = tpu.memref_slice %arg16[%dma_wait3A_1304, %dma_wait3A_1305] : memref<64x129xf32, #tpu.memory_space<vmem>> -> memref<8x128xf32, #tpu.memory_space<vmem>>
        tpu.wait_dma2 semaphore(%arg28 : memref<!tpu.dma_semaphore, #tpu.memory_space<semaphore_mem>>) src(%dma_wait3A_1306 : memref<8x128xf32, #tpu.memory_space<vmem>>) dst(%dma_wait3A_1303 : memref<8x128xf32, #tpu.memory_space<hbm>>)
        %dma_wait3A_1307 = arith.constant 6 : i32
        %dma_wait3A_1308 = arith.constant 48 : i32
        %dma_wait3A_1309 = arith.constant 0 : i32
        %dma_wait3A_1310 = tpu.memref_slice %arg16[%dma_wait3A_1308, %dma_wait3A_1309] : memref<64x129xf32, #tpu.memory_space<vmem>> -> memref<8x128xf32, #tpu.memory_space<vmem>>
        %dma_wait3A_1311 = arith.constant 0 : i32
        %dma_wait3A_1312 = arith.constant 0 : i32
        %dma_wait3A_1313 = tpu.memref_slice %arg4[%shift_right_logical3A_1214, %dma_wait3A_1307, %and3A_1216, %dma_wait3A_1311, %dma_wait3A_1312] : memref<50x8x128x8x128xf32, #tpu.memory_space<hbm>> -> memref<1x1x1x8x128xf32, #tpu.memory_space<hbm>>
        %dma_wait3A_1314 = tpu.memref_squeeze %dma_wait3A_1313 : memref<1x1x1x8x128xf32, #tpu.memory_space<hbm>> -> memref<8x128xf32, #tpu.memory_space<hbm>>
        %dma_wait3A_1315 = arith.constant 0 : i32
        %dma_wait3A_1316 = arith.constant 0 : i32
        %dma_wait3A_1317 = tpu.memref_slice %arg4[%shift_right_logical3A_1214, %dma_wait3A_1307, %and3A_1216, %dma_wait3A_1315, %dma_wait3A_1316] : memref<50x8x128x8x128xf32, #tpu.memory_space<hbm>> -> memref<1x1x1x8x128xf32, #tpu.memory_space<hbm>>
        %dma_wait3A_1318 = tpu.memref_squeeze %dma_wait3A_1317 : memref<1x1x1x8x128xf32, #tpu.memory_space<hbm>> -> memref<8x128xf32, #tpu.memory_space<hbm>>
        %dma_wait3A_1319 = arith.constant 48 : i32
        %dma_wait3A_1320 = arith.constant 0 : i32
        %dma_wait3A_1321 = tpu.memref_slice %arg16[%dma_wait3A_1319, %dma_wait3A_1320] : memref<64x129xf32, #tpu.memory_space<vmem>> -> memref<8x128xf32, #tpu.memory_space<vmem>>
        tpu.wait_dma2 semaphore(%arg28 : memref<!tpu.dma_semaphore, #tpu.memory_space<semaphore_mem>>) src(%dma_wait3A_1321 : memref<8x128xf32, #tpu.memory_space<vmem>>) dst(%dma_wait3A_1318 : memref<8x128xf32, #tpu.memory_space<hbm>>)
        %dma_wait3A_1322 = arith.constant 7 : i32
        %dma_wait3A_1323 = arith.constant 56 : i32
        %dma_wait3A_1324 = arith.constant 0 : i32
        %dma_wait3A_1325 = tpu.memref_slice %arg16[%dma_wait3A_1323, %dma_wait3A_1324] : memref<64x129xf32, #tpu.memory_space<vmem>> -> memref<8x128xf32, #tpu.memory_space<vmem>>
        %dma_wait3A_1326 = arith.constant 0 : i32
        %dma_wait3A_1327 = arith.constant 0 : i32
        %dma_wait3A_1328 = tpu.memref_slice %arg4[%shift_right_logical3A_1214, %dma_wait3A_1322, %and3A_1216, %dma_wait3A_1326, %dma_wait3A_1327] : memref<50x8x128x8x128xf32, #tpu.memory_space<hbm>> -> memref<1x1x1x8x128xf32, #tpu.memory_space<hbm>>
        %dma_wait3A_1329 = tpu.memref_squeeze %dma_wait3A_1328 : memref<1x1x1x8x128xf32, #tpu.memory_space<hbm>> -> memref<8x128xf32, #tpu.memory_space<hbm>>
        %dma_wait3A_1330 = arith.constant 0 : i32
        %dma_wait3A_1331 = arith.constant 0 : i32
        %dma_wait3A_1332 = tpu.memref_slice %arg4[%shift_right_logical3A_1214, %dma_wait3A_1322, %and3A_1216, %dma_wait3A_1330, %dma_wait3A_1331] : memref<50x8x128x8x128xf32, #tpu.memory_space<hbm>> -> memref<1x1x1x8x128xf32, #tpu.memory_space<hbm>>
        %dma_wait3A_1333 = tpu.memref_squeeze %dma_wait3A_1332 : memref<1x1x1x8x128xf32, #tpu.memory_space<hbm>> -> memref<8x128xf32, #tpu.memory_space<hbm>>
        %dma_wait3A_1334 = arith.constant 56 : i32
        %dma_wait3A_1335 = arith.constant 0 : i32
        %dma_wait3A_1336 = tpu.memref_slice %arg16[%dma_wait3A_1334, %dma_wait3A_1335] : memref<64x129xf32, #tpu.memory_space<vmem>> -> memref<8x128xf32, #tpu.memory_space<vmem>>
        tpu.wait_dma2 semaphore(%arg28 : memref<!tpu.dma_semaphore, #tpu.memory_space<semaphore_mem>>) src(%dma_wait3A_1336 : memref<8x128xf32, #tpu.memory_space<vmem>>) dst(%dma_wait3A_1333 : memref<8x128xf32, #tpu.memory_space<hbm>>)
      } else {
      }
      %broadcast_in_dim3A_1075 = arith.constant 0 : i32
      %broadcast_in_dim3A_1076 = vector.broadcast %broadcast_in_dim3A_1075 : i32 to vector<16xi32>
      %scan3A_1077 = arith.constant 0 : i32
      %scan3A_1078 = arith.constant 16 : i32
      %scan3A_1079 = arith.addi %scan3A_1077, %scan3A_1078 : i32
      %scan3A_1080 = arith.constant 1 : i32
      %scan3A_1081 = scf.for %scan3A_1212 = %scan3A_1077 to %scan3A_1079 step %scan3A_1080 iter_args(%scan3A_1213 = %broadcast_in_dim3A_1076) -> (vector<16xi32>)  : i32 {
        %mul3A_1214 = arith.constant 8 : i32
        %mul3A_1215 = arith.muli %scan3A_1212, %mul3A_1214 : i32
        %add3A_1216 = arith.constant 0 : i32
        %add3A_1217 = arith.addi %mul3A_1215, %add3A_1216 : i32
        %add3A_1218 = arith.constant 0 : i32
        %add3A_1219 = vector.broadcast %add3A_1218 : i32 to vector<16xi32>
        %add3A_1220 = arith.addi %scan3A_1213, %add3A_1219 : vector<16xi32>
        %get3A = arith.index_cast %add3A_1217 : i32 to index
        %get3A_1221 = arith.constant 0 : index
        %get3A_1222 = tpu.vector_load %arg12[%get3A, %get3A_1221] {strides = array<i32>} : memref<128x64xf32, #tpu.memory_space<vmem>>, vector<16xf32>,
        tpu.vector_store_idx %arg16[%add3A_5, %add3A_1220], %get3A_1222 : memref<64x129xf32, #tpu.memory_space<vmem>>[vector<16xi32>, vector<16xi32>], vector<16xf32>,
        %get3A_1223 = arith.index_cast %add3A_1217 : i32 to index
        %get3A_1224 = arith.constant 16 : index
        %get3A_1225 = tpu.vector_load %arg12[%get3A_1223, %get3A_1224] {strides = array<i32>} : memref<128x64xf32, #tpu.memory_space<vmem>>, vector<16xf32>,
        tpu.vector_store_idx %arg16[%add3A_8, %add3A_1220], %get3A_1225 : memref<64x129xf32, #tpu.memory_space<vmem>>[vector<16xi32>, vector<16xi32>], vector<16xf32>,
        %get3A_1226 = arith.index_cast %add3A_1217 : i32 to index
        %get3A_1227 = arith.constant 32 : index
        %get3A_1228 = tpu.vector_load %arg12[%get3A_1226, %get3A_1227] {strides = array<i32>} : memref<128x64xf32, #tpu.memory_space<vmem>>, vector<16xf32>,
        tpu.vector_store_idx %arg16[%add3A_11, %add3A_1220], %get3A_1228 : memref<64x129xf32, #tpu.memory_space<vmem>>[vector<16xi32>, vector<16xi32>], vector<16xf32>,
        %get3A_1229 = arith.index_cast %add3A_1217 : i32 to index
        %get3A_1230 = arith.constant 48 : index
        %get3A_1231 = tpu.vector_load %arg12[%get3A_1229, %get3A_1230] {strides = array<i32>} : memref<128x64xf32, #tpu.memory_space<vmem>>, vector<16xf32>,
        tpu.vector_store_idx %arg16[%add3A_14, %add3A_1220], %get3A_1231 : memref<64x129xf32, #tpu.memory_space<vmem>>[vector<16xi32>, vector<16xi32>], vector<16xf32>,
        %mul3A_1232 = arith.constant 8 : i32
        %mul3A_1233 = arith.muli %scan3A_1212, %mul3A_1232 : i32
        %add3A_1234 = arith.constant 1 : i32
        %add3A_1235 = arith.addi %mul3A_1233, %add3A_1234 : i32
        %add3A_1236 = arith.constant 1 : i32
        %add3A_1237 = vector.broadcast %add3A_1236 : i32 to vector<16xi32>
        %add3A_1238 = arith.addi %scan3A_1213, %add3A_1237 : vector<16xi32>
        %get3A_1239 = arith.index_cast %add3A_1235 : i32 to index
        %get3A_1240 = arith.constant 0 : index
        %get3A_1241 = tpu.vector_load %arg12[%get3A_1239, %get3A_1240] {strides = array<i32>} : memref<128x64xf32, #tpu.memory_space<vmem>>, vector<16xf32>,
        tpu.vector_store_idx %arg16[%add3A_5, %add3A_1238], %get3A_1241 : memref<64x129xf32, #tpu.memory_space<vmem>>[vector<16xi32>, vector<16xi32>], vector<16xf32>,
        %get3A_1242 = arith.index_cast %add3A_1235 : i32 to index
        %get3A_1243 = arith.constant 16 : index
        %get3A_1244 = tpu.vector_load %arg12[%get3A_1242, %get3A_1243] {strides = array<i32>} : memref<128x64xf32, #tpu.memory_space<vmem>>, vector<16xf32>,
        tpu.vector_store_idx %arg16[%add3A_8, %add3A_1238], %get3A_1244 : memref<64x129xf32, #tpu.memory_space<vmem>>[vector<16xi32>, vector<16xi32>], vector<16xf32>,
        %get3A_1245 = arith.index_cast %add3A_1235 : i32 to index
        %get3A_1246 = arith.constant 32 : index
        %get3A_1247 = tpu.vector_load %arg12[%get3A_1245, %get3A_1246] {strides = array<i32>} : memref<128x64xf32, #tpu.memory_space<vmem>>, vector<16xf32>,
        tpu.vector_store_idx %arg16[%add3A_11, %add3A_1238], %get3A_1247 : memref<64x129xf32, #tpu.memory_space<vmem>>[vector<16xi32>, vector<16xi32>], vector<16xf32>,
        %get3A_1248 = arith.index_cast %add3A_1235 : i32 to index
        %get3A_1249 = arith.constant 48 : index
        %get3A_1250 = tpu.vector_load %arg12[%get3A_1248, %get3A_1249] {strides = array<i32>} : memref<128x64xf32, #tpu.memory_space<vmem>>, vector<16xf32>,
        tpu.vector_store_idx %arg16[%add3A_14, %add3A_1238], %get3A_1250 : memref<64x129xf32, #tpu.memory_space<vmem>>[vector<16xi32>, vector<16xi32>], vector<16xf32>,
        %mul3A_1251 = arith.constant 8 : i32
        %mul3A_1252 = arith.muli %scan3A_1212, %mul3A_1251 : i32
        %add3A_1253 = arith.constant 2 : i32
        %add3A_1254 = arith.addi %mul3A_1252, %add3A_1253 : i32
        %add3A_1255 = arith.constant 2 : i32
        %add3A_1256 = vector.broadcast %add3A_1255 : i32 to vector<16xi32>
        %add3A_1257 = arith.addi %scan3A_1213, %add3A_1256 : vector<16xi32>
        %get3A_1258 = arith.index_cast %add3A_1254 : i32 to index
        %get3A_1259 = arith.constant 0 : index
        %get3A_1260 = tpu.vector_load %arg12[%get3A_1258, %get3A_1259] {strides = array<i32>} : memref<128x64xf32, #tpu.memory_space<vmem>>, vector<16xf32>,
        tpu.vector_store_idx %arg16[%add3A_5, %add3A_1257], %get3A_1260 : memref<64x129xf32, #tpu.memory_space<vmem>>[vector<16xi32>, vector<16xi32>], vector<16xf32>,
        %get3A_1261 = arith.index_cast %add3A_1254 : i32 to index
        %get3A_1262 = arith.constant 16 : index
        %get3A_1263 = tpu.vector_load %arg12[%get3A_1261, %get3A_1262] {strides = array<i32>} : memref<128x64xf32, #tpu.memory_space<vmem>>, vector<16xf32>,
        tpu.vector_store_idx %arg16[%add3A_8, %add3A_1257], %get3A_1263 : memref<64x129xf32, #tpu.memory_space<vmem>>[vector<16xi32>, vector<16xi32>], vector<16xf32>,
        %get3A_1264 = arith.index_cast %add3A_1254 : i32 to index
        %get3A_1265 = arith.constant 32 : index
        %get3A_1266 = tpu.vector_load %arg12[%get3A_1264, %get3A_1265] {strides = array<i32>} : memref<128x64xf32, #tpu.memory_space<vmem>>, vector<16xf32>,
        tpu.vector_store_idx %arg16[%add3A_11, %add3A_1257], %get3A_1266 : memref<64x129xf32, #tpu.memory_space<vmem>>[vector<16xi32>, vector<16xi32>], vector<16xf32>,
        %get3A_1267 = arith.index_cast %add3A_1254 : i32 to index
        %get3A_1268 = arith.constant 48 : index
        %get3A_1269 = tpu.vector_load %arg12[%get3A_1267, %get3A_1268] {strides = array<i32>} : memref<128x64xf32, #tpu.memory_space<vmem>>, vector<16xf32>,
        tpu.vector_store_idx %arg16[%add3A_14, %add3A_1257], %get3A_1269 : memref<64x129xf32, #tpu.memory_space<vmem>>[vector<16xi32>, vector<16xi32>], vector<16xf32>,
        %mul3A_1270 = arith.constant 8 : i32
        %mul3A_1271 = arith.muli %scan3A_1212, %mul3A_1270 : i32
        %add3A_1272 = arith.constant 3 : i32
        %add3A_1273 = arith.addi %mul3A_1271, %add3A_1272 : i32
        %add3A_1274 = arith.constant 3 : i32
        %add3A_1275 = vector.broadcast %add3A_1274 : i32 to vector<16xi32>
        %add3A_1276 = arith.addi %scan3A_1213, %add3A_1275 : vector<16xi32>
        %get3A_1277 = arith.index_cast %add3A_1273 : i32 to index
        %get3A_1278 = arith.constant 0 : index
        %get3A_1279 = tpu.vector_load %arg12[%get3A_1277, %get3A_1278] {strides = array<i32>} : memref<128x64xf32, #tpu.memory_space<vmem>>, vector<16xf32>,
        tpu.vector_store_idx %arg16[%add3A_5, %add3A_1276], %get3A_1279 : memref<64x129xf32, #tpu.memory_space<vmem>>[vector<16xi32>, vector<16xi32>], vector<16xf32>,
        %get3A_1280 = arith.index_cast %add3A_1273 : i32 to index
        %get3A_1281 = arith.constant 16 : index
        %get3A_1282 = tpu.vector_load %arg12[%get3A_1280, %get3A_1281] {strides = array<i32>} : memref<128x64xf32, #tpu.memory_space<vmem>>, vector<16xf32>,
        tpu.vector_store_idx %arg16[%add3A_8, %add3A_1276], %get3A_1282 : memref<64x129xf32, #tpu.memory_space<vmem>>[vector<16xi32>, vector<16xi32>], vector<16xf32>,
        %get3A_1283 = arith.index_cast %add3A_1273 : i32 to index
        %get3A_1284 = arith.constant 32 : index
        %get3A_1285 = tpu.vector_load %arg12[%get3A_1283, %get3A_1284] {strides = array<i32>} : memref<128x64xf32, #tpu.memory_space<vmem>>, vector<16xf32>,
        tpu.vector_store_idx %arg16[%add3A_11, %add3A_1276], %get3A_1285 : memref<64x129xf32, #tpu.memory_space<vmem>>[vector<16xi32>, vector<16xi32>], vector<16xf32>,
        %get3A_1286 = arith.index_cast %add3A_1273 : i32 to index
        %get3A_1287 = arith.constant 48 : index
        %get3A_1288 = tpu.vector_load %arg12[%get3A_1286, %get3A_1287] {strides = array<i32>} : memref<128x64xf32, #tpu.memory_space<vmem>>, vector<16xf32>,
        tpu.vector_store_idx %arg16[%add3A_14, %add3A_1276], %get3A_1288 : memref<64x129xf32, #tpu.memory_space<vmem>>[vector<16xi32>, vector<16xi32>], vector<16xf32>,
        %mul3A_1289 = arith.constant 8 : i32
        %mul3A_1290 = arith.muli %scan3A_1212, %mul3A_1289 : i32
        %add3A_1291 = arith.constant 4 : i32
        %add3A_1292 = arith.addi %mul3A_1290, %add3A_1291 : i32
        %add3A_1293 = arith.constant 4 : i32
        %add3A_1294 = vector.broadcast %add3A_1293 : i32 to vector<16xi32>
        %add3A_1295 = arith.addi %scan3A_1213, %add3A_1294 : vector<16xi32>
        %get3A_1296 = arith.index_cast %add3A_1292 : i32 to index
        %get3A_1297 = arith.constant 0 : index
        %get3A_1298 = tpu.vector_load %arg12[%get3A_1296, %get3A_1297] {strides = array<i32>} : memref<128x64xf32, #tpu.memory_space<vmem>>, vector<16xf32>,
        tpu.vector_store_idx %arg16[%add3A_5, %add3A_1295], %get3A_1298 : memref<64x129xf32, #tpu.memory_space<vmem>>[vector<16xi32>, vector<16xi32>], vector<16xf32>,
        %get3A_1299 = arith.index_cast %add3A_1292 : i32 to index
        %get3A_1300 = arith.constant 16 : index
        %get3A_1301 = tpu.vector_load %arg12[%get3A_1299, %get3A_1300] {strides = array<i32>} : memref<128x64xf32, #tpu.memory_space<vmem>>, vector<16xf32>,
        tpu.vector_store_idx %arg16[%add3A_8, %add3A_1295], %get3A_1301 : memref<64x129xf32, #tpu.memory_space<vmem>>[vector<16xi32>, vector<16xi32>], vector<16xf32>,
        %get3A_1302 = arith.index_cast %add3A_1292 : i32 to index
        %get3A_1303 = arith.constant 32 : index
        %get3A_1304 = tpu.vector_load %arg12[%get3A_1302, %get3A_1303] {strides = array<i32>} : memref<128x64xf32, #tpu.memory_space<vmem>>, vector<16xf32>,
        tpu.vector_store_idx %arg16[%add3A_11, %add3A_1295], %get3A_1304 : memref<64x129xf32, #tpu.memory_space<vmem>>[vector<16xi32>, vector<16xi32>], vector<16xf32>,
        %get3A_1305 = arith.index_cast %add3A_1292 : i32 to index
        %get3A_1306 = arith.constant 48 : index
        %get3A_1307 = tpu.vector_load %arg12[%get3A_1305, %get3A_1306] {strides = array<i32>} : memref<128x64xf32, #tpu.memory_space<vmem>>, vector<16xf32>,
        tpu.vector_store_idx %arg16[%add3A_14, %add3A_1295], %get3A_1307 : memref<64x129xf32, #tpu.memory_space<vmem>>[vector<16xi32>, vector<16xi32>], vector<16xf32>,
        %mul3A_1308 = arith.constant 8 : i32
        %mul3A_1309 = arith.muli %scan3A_1212, %mul3A_1308 : i32
        %add3A_1310 = arith.constant 5 : i32
        %add3A_1311 = arith.addi %mul3A_1309, %add3A_1310 : i32
        %add3A_1312 = arith.constant 5 : i32
        %add3A_1313 = vector.broadcast %add3A_1312 : i32 to vector<16xi32>
        %add3A_1314 = arith.addi %scan3A_1213, %add3A_1313 : vector<16xi32>
        %get3A_1315 = arith.index_cast %add3A_1311 : i32 to index
        %get3A_1316 = arith.constant 0 : index
        %get3A_1317 = tpu.vector_load %arg12[%get3A_1315, %get3A_1316] {strides = array<i32>} : memref<128x64xf32, #tpu.memory_space<vmem>>, vector<16xf32>,
        tpu.vector_store_idx %arg16[%add3A_5, %add3A_1314], %get3A_1317 : memref<64x129xf32, #tpu.memory_space<vmem>>[vector<16xi32>, vector<16xi32>], vector<16xf32>,
        %get3A_1318 = arith.index_cast %add3A_1311 : i32 to index
        %get3A_1319 = arith.constant 16 : index
        %get3A_1320 = tpu.vector_load %arg12[%get3A_1318, %get3A_1319] {strides = array<i32>} : memref<128x64xf32, #tpu.memory_space<vmem>>, vector<16xf32>,
        tpu.vector_store_idx %arg16[%add3A_8, %add3A_1314], %get3A_1320 : memref<64x129xf32, #tpu.memory_space<vmem>>[vector<16xi32>, vector<16xi32>], vector<16xf32>,
        %get3A_1321 = arith.index_cast %add3A_1311 : i32 to index
        %get3A_1322 = arith.constant 32 : index
        %get3A_1323 = tpu.vector_load %arg12[%get3A_1321, %get3A_1322] {strides = array<i32>} : memref<128x64xf32, #tpu.memory_space<vmem>>, vector<16xf32>,
        tpu.vector_store_idx %arg16[%add3A_11, %add3A_1314], %get3A_1323 : memref<64x129xf32, #tpu.memory_space<vmem>>[vector<16xi32>, vector<16xi32>], vector<16xf32>,
        %get3A_1324 = arith.index_cast %add3A_1311 : i32 to index
        %get3A_1325 = arith.constant 48 : index
        %get3A_1326 = tpu.vector_load %arg12[%get3A_1324, %get3A_1325] {strides = array<i32>} : memref<128x64xf32, #tpu.memory_space<vmem>>, vector<16xf32>,
        tpu.vector_store_idx %arg16[%add3A_14, %add3A_1314], %get3A_1326 : memref<64x129xf32, #tpu.memory_space<vmem>>[vector<16xi32>, vector<16xi32>], vector<16xf32>,
        %mul3A_1327 = arith.constant 8 : i32
        %mul3A_1328 = arith.muli %scan3A_1212, %mul3A_1327 : i32
        %add3A_1329 = arith.constant 6 : i32
        %add3A_1330 = arith.addi %mul3A_1328, %add3A_1329 : i32
        %add3A_1331 = arith.constant 6 : i32
        %add3A_1332 = vector.broadcast %add3A_1331 : i32 to vector<16xi32>
        %add3A_1333 = arith.addi %scan3A_1213, %add3A_1332 : vector<16xi32>
        %get3A_1334 = arith.index_cast %add3A_1330 : i32 to index
        %get3A_1335 = arith.constant 0 : index
        %get3A_1336 = tpu.vector_load %arg12[%get3A_1334, %get3A_1335] {strides = array<i32>} : memref<128x64xf32, #tpu.memory_space<vmem>>, vector<16xf32>,
        tpu.vector_store_idx %arg16[%add3A_5, %add3A_1333], %get3A_1336 : memref<64x129xf32, #tpu.memory_space<vmem>>[vector<16xi32>, vector<16xi32>], vector<16xf32>,
        %get3A_1337 = arith.index_cast %add3A_1330 : i32 to index
        %get3A_1338 = arith.constant 16 : index
        %get3A_1339 = tpu.vector_load %arg12[%get3A_1337, %get3A_1338] {strides = array<i32>} : memref<128x64xf32, #tpu.memory_space<vmem>>, vector<16xf32>,
        tpu.vector_store_idx %arg16[%add3A_8, %add3A_1333], %get3A_1339 : memref<64x129xf32, #tpu.memory_space<vmem>>[vector<16xi32>, vector<16xi32>], vector<16xf32>,
        %get3A_1340 = arith.index_cast %add3A_1330 : i32 to index
        %get3A_1341 = arith.constant 32 : index
        %get3A_1342 = tpu.vector_load %arg12[%get3A_1340, %get3A_1341] {strides = array<i32>} : memref<128x64xf32, #tpu.memory_space<vmem>>, vector<16xf32>,
        tpu.vector_store_idx %arg16[%add3A_11, %add3A_1333], %get3A_1342 : memref<64x129xf32, #tpu.memory_space<vmem>>[vector<16xi32>, vector<16xi32>], vector<16xf32>,
        %get3A_1343 = arith.index_cast %add3A_1330 : i32 to index
        %get3A_1344 = arith.constant 48 : index
        %get3A_1345 = tpu.vector_load %arg12[%get3A_1343, %get3A_1344] {strides = array<i32>} : memref<128x64xf32, #tpu.memory_space<vmem>>, vector<16xf32>,
        tpu.vector_store_idx %arg16[%add3A_14, %add3A_1333], %get3A_1345 : memref<64x129xf32, #tpu.memory_space<vmem>>[vector<16xi32>, vector<16xi32>], vector<16xf32>,
        %mul3A_1346 = arith.constant 8 : i32
        %mul3A_1347 = arith.muli %scan3A_1212, %mul3A_1346 : i32
        %add3A_1348 = arith.constant 7 : i32
        %add3A_1349 = arith.addi %mul3A_1347, %add3A_1348 : i32
        %add3A_1350 = arith.constant 7 : i32
        %add3A_1351 = vector.broadcast %add3A_1350 : i32 to vector<16xi32>
        %add3A_1352 = arith.addi %scan3A_1213, %add3A_1351 : vector<16xi32>
        %get3A_1353 = arith.index_cast %add3A_1349 : i32 to index
        %get3A_1354 = arith.constant 0 : index
        %get3A_1355 = tpu.vector_load %arg12[%get3A_1353, %get3A_1354] {strides = array<i32>} : memref<128x64xf32, #tpu.memory_space<vmem>>, vector<16xf32>,
        tpu.vector_store_idx %arg16[%add3A_5, %add3A_1352], %get3A_1355 : memref<64x129xf32, #tpu.memory_space<vmem>>[vector<16xi32>, vector<16xi32>], vector<16xf32>,
        %get3A_1356 = arith.index_cast %add3A_1349 : i32 to index
        %get3A_1357 = arith.constant 16 : index
        %get3A_1358 = tpu.vector_load %arg12[%get3A_1356, %get3A_1357] {strides = array<i32>} : memref<128x64xf32, #tpu.memory_space<vmem>>, vector<16xf32>,
        tpu.vector_store_idx %arg16[%add3A_8, %add3A_1352], %get3A_1358 : memref<64x129xf32, #tpu.memory_space<vmem>>[vector<16xi32>, vector<16xi32>], vector<16xf32>,
        %get3A_1359 = arith.index_cast %add3A_1349 : i32 to index
        %get3A_1360 = arith.constant 32 : index
        %get3A_1361 = tpu.vector_load %arg12[%get3A_1359, %get3A_1360] {strides = array<i32>} : memref<128x64xf32, #tpu.memory_space<vmem>>, vector<16xf32>,
        tpu.vector_store_idx %arg16[%add3A_11, %add3A_1352], %get3A_1361 : memref<64x129xf32, #tpu.memory_space<vmem>>[vector<16xi32>, vector<16xi32>], vector<16xf32>,
        %get3A_1362 = arith.index_cast %add3A_1349 : i32 to index
        %get3A_1363 = arith.constant 48 : index
        %get3A_1364 = tpu.vector_load %arg12[%get3A_1362, %get3A_1363] {strides = array<i32>} : memref<128x64xf32, #tpu.memory_space<vmem>>, vector<16xf32>,
        tpu.vector_store_idx %arg16[%add3A_14, %add3A_1352], %get3A_1364 : memref<64x129xf32, #tpu.memory_space<vmem>>[vector<16xi32>, vector<16xi32>], vector<16xf32>,
        %add3A_1365 = arith.constant 8 : i32
        %add3A_1366 = vector.broadcast %add3A_1365 : i32 to vector<16xi32>
        %add3A_1367 = arith.addi %scan3A_1213, %add3A_1366 : vector<16xi32>
        scf.yield %add3A_1367 : vector<16xi32>
      }
      %scan3A_1082 = arith.constant 16 : i32
      %shift_right_logical3A_1083 = arith.constant 7 : i32
      %shift_right_logical3A_1084 = arith.shrui %add3A_1061, %shift_right_logical3A_1083 : i32
      %and3A_1085 = arith.constant 127 : i32
      %and3A_1086 = arith.andi %add3A_1061, %and3A_1085 : i32
      %dma_start3A_1087 = arith.constant 0 : i32
      %dma_start3A_1088 = arith.constant 0 : i32
      %dma_start3A_1089 = arith.constant 0 : i32
      %dma_start3A_1090 = tpu.memref_slice %arg16[%dma_start3A_1088, %dma_start3A_1089] : memref<64x129xf32, #tpu.memory_space<vmem>> -> memref<8x128xf32, #tpu.memory_space<vmem>>
      %dma_start3A_1091 = arith.constant 0 : i32
      %dma_start3A_1092 = arith.constant 0 : i32
      %dma_start3A_1093 = tpu.memref_slice %arg4[%shift_right_logical3A_1084, %dma_start3A_1087, %and3A_1086, %dma_start3A_1091, %dma_start3A_1092] : memref<50x8x128x8x128xf32, #tpu.memory_space<hbm>> -> memref<1x1x1x8x128xf32, #tpu.memory_space<hbm>>
      %dma_start3A_1094 = tpu.memref_squeeze %dma_start3A_1093 : memref<1x1x1x8x128xf32, #tpu.memory_space<hbm>> -> memref<8x128xf32, #tpu.memory_space<hbm>>
      %dma_start3A_1095 = arith.constant 0 : i32
      %dma_start3A_1096 = arith.constant 0 : i32
      %dma_start3A_1097 = tpu.memref_slice %arg4[%shift_right_logical3A_1084, %dma_start3A_1087, %and3A_1086, %dma_start3A_1095, %dma_start3A_1096] : memref<50x8x128x8x128xf32, #tpu.memory_space<hbm>> -> memref<1x1x1x8x128xf32, #tpu.memory_space<hbm>>
      %dma_start3A_1098 = tpu.memref_squeeze %dma_start3A_1097 : memref<1x1x1x8x128xf32, #tpu.memory_space<hbm>> -> memref<8x128xf32, #tpu.memory_space<hbm>>
      %dma_start3A_1099 = arith.constant 0 : i32
      %dma_start3A_1100 = arith.constant 0 : i32
      %dma_start3A_1101 = tpu.memref_slice %arg16[%dma_start3A_1099, %dma_start3A_1100] : memref<64x129xf32, #tpu.memory_space<vmem>> -> memref<8x128xf32, #tpu.memory_space<vmem>>
      tpu.enqueue_dma source(%dma_start3A_1101 : memref<8x128xf32, #tpu.memory_space<vmem>>) target(%dma_start3A_1098 : memref<8x128xf32, #tpu.memory_space<hbm>>) target_semaphore(%arg28 : memref<!tpu.dma_semaphore, #tpu.memory_space<semaphore_mem>>)
      %dma_start3A_1102 = arith.constant 1 : i32
      %dma_start3A_1103 = arith.constant 8 : i32
      %dma_start3A_1104 = arith.constant 0 : i32
      %dma_start3A_1105 = tpu.memref_slice %arg16[%dma_start3A_1103, %dma_start3A_1104] : memref<64x129xf32, #tpu.memory_space<vmem>> -> memref<8x128xf32, #tpu.memory_space<vmem>>
      %dma_start3A_1106 = arith.constant 0 : i32
      %dma_start3A_1107 = arith.constant 0 : i32
      %dma_start3A_1108 = tpu.memref_slice %arg4[%shift_right_logical3A_1084, %dma_start3A_1102, %and3A_1086, %dma_start3A_1106, %dma_start3A_1107] : memref<50x8x128x8x128xf32, #tpu.memory_space<hbm>> -> memref<1x1x1x8x128xf32, #tpu.memory_space<hbm>>
      %dma_start3A_1109 = tpu.memref_squeeze %dma_start3A_1108 : memref<1x1x1x8x128xf32, #tpu.memory_space<hbm>> -> memref<8x128xf32, #tpu.memory_space<hbm>>
      %dma_start3A_1110 = arith.constant 0 : i32
      %dma_start3A_1111 = arith.constant 0 : i32
      %dma_start3A_1112 = tpu.memref_slice %arg4[%shift_right_logical3A_1084, %dma_start3A_1102, %and3A_1086, %dma_start3A_1110, %dma_start3A_1111] : memref<50x8x128x8x128xf32, #tpu.memory_space<hbm>> -> memref<1x1x1x8x128xf32, #tpu.memory_space<hbm>>
      %dma_start3A_1113 = tpu.memref_squeeze %dma_start3A_1112 : memref<1x1x1x8x128xf32, #tpu.memory_space<hbm>> -> memref<8x128xf32, #tpu.memory_space<hbm>>
      %dma_start3A_1114 = arith.constant 8 : i32
      %dma_start3A_1115 = arith.constant 0 : i32
      %dma_start3A_1116 = tpu.memref_slice %arg16[%dma_start3A_1114, %dma_start3A_1115] : memref<64x129xf32, #tpu.memory_space<vmem>> -> memref<8x128xf32, #tpu.memory_space<vmem>>
      tpu.enqueue_dma source(%dma_start3A_1116 : memref<8x128xf32, #tpu.memory_space<vmem>>) target(%dma_start3A_1113 : memref<8x128xf32, #tpu.memory_space<hbm>>) target_semaphore(%arg28 : memref<!tpu.dma_semaphore, #tpu.memory_space<semaphore_mem>>)
      %dma_start3A_1117 = arith.constant 2 : i32
      %dma_start3A_1118 = arith.constant 16 : i32
      %dma_start3A_1119 = arith.constant 0 : i32
      %dma_start3A_1120 = tpu.memref_slice %arg16[%dma_start3A_1118, %dma_start3A_1119] : memref<64x129xf32, #tpu.memory_space<vmem>> -> memref<8x128xf32, #tpu.memory_space<vmem>>
      %dma_start3A_1121 = arith.constant 0 : i32
      %dma_start3A_1122 = arith.constant 0 : i32
      %dma_start3A_1123 = tpu.memref_slice %arg4[%shift_right_logical3A_1084, %dma_start3A_1117, %and3A_1086, %dma_start3A_1121, %dma_start3A_1122] : memref<50x8x128x8x128xf32, #tpu.memory_space<hbm>> -> memref<1x1x1x8x128xf32, #tpu.memory_space<hbm>>
      %dma_start3A_1124 = tpu.memref_squeeze %dma_start3A_1123 : memref<1x1x1x8x128xf32, #tpu.memory_space<hbm>> -> memref<8x128xf32, #tpu.memory_space<hbm>>
      %dma_start3A_1125 = arith.constant 0 : i32
      %dma_start3A_1126 = arith.constant 0 : i32
      %dma_start3A_1127 = tpu.memref_slice %arg4[%shift_right_logical3A_1084, %dma_start3A_1117, %and3A_1086, %dma_start3A_1125, %dma_start3A_1126] : memref<50x8x128x8x128xf32, #tpu.memory_space<hbm>> -> memref<1x1x1x8x128xf32, #tpu.memory_space<hbm>>
      %dma_start3A_1128 = tpu.memref_squeeze %dma_start3A_1127 : memref<1x1x1x8x128xf32, #tpu.memory_space<hbm>> -> memref<8x128xf32, #tpu.memory_space<hbm>>
      %dma_start3A_1129 = arith.constant 16 : i32
      %dma_start3A_1130 = arith.constant 0 : i32
      %dma_start3A_1131 = tpu.memref_slice %arg16[%dma_start3A_1129, %dma_start3A_1130] : memref<64x129xf32, #tpu.memory_space<vmem>> -> memref<8x128xf32, #tpu.memory_space<vmem>>
      tpu.enqueue_dma source(%dma_start3A_1131 : memref<8x128xf32, #tpu.memory_space<vmem>>) target(%dma_start3A_1128 : memref<8x128xf32, #tpu.memory_space<hbm>>) target_semaphore(%arg28 : memref<!tpu.dma_semaphore, #tpu.memory_space<semaphore_mem>>)
      %dma_start3A_1132 = arith.constant 3 : i32
      %dma_start3A_1133 = arith.constant 24 : i32
      %dma_start3A_1134 = arith.constant 0 : i32
      %dma_start3A_1135 = tpu.memref_slice %arg16[%dma_start3A_1133, %dma_start3A_1134] : memref<64x129xf32, #tpu.memory_space<vmem>> -> memref<8x128xf32, #tpu.memory_space<vmem>>
      %dma_start3A_1136 = arith.constant 0 : i32
      %dma_start3A_1137 = arith.constant 0 : i32
      %dma_start3A_1138 = tpu.memref_slice %arg4[%shift_right_logical3A_1084, %dma_start3A_1132, %and3A_1086, %dma_start3A_1136, %dma_start3A_1137] : memref<50x8x128x8x128xf32, #tpu.memory_space<hbm>> -> memref<1x1x1x8x128xf32, #tpu.memory_space<hbm>>
      %dma_start3A_1139 = tpu.memref_squeeze %dma_start3A_1138 : memref<1x1x1x8x128xf32, #tpu.memory_space<hbm>> -> memref<8x128xf32, #tpu.memory_space<hbm>>
      %dma_start3A_1140 = arith.constant 0 : i32
      %dma_start3A_1141 = arith.constant 0 : i32
      %dma_start3A_1142 = tpu.memref_slice %arg4[%shift_right_logical3A_1084, %dma_start3A_1132, %and3A_1086, %dma_start3A_1140, %dma_start3A_1141] : memref<50x8x128x8x128xf32, #tpu.memory_space<hbm>> -> memref<1x1x1x8x128xf32, #tpu.memory_space<hbm>>
      %dma_start3A_1143 = tpu.memref_squeeze %dma_start3A_1142 : memref<1x1x1x8x128xf32, #tpu.memory_space<hbm>> -> memref<8x128xf32, #tpu.memory_space<hbm>>
      %dma_start3A_1144 = arith.constant 24 : i32
      %dma_start3A_1145 = arith.constant 0 : i32
      %dma_start3A_1146 = tpu.memref_slice %arg16[%dma_start3A_1144, %dma_start3A_1145] : memref<64x129xf32, #tpu.memory_space<vmem>> -> memref<8x128xf32, #tpu.memory_space<vmem>>
      tpu.enqueue_dma source(%dma_start3A_1146 : memref<8x128xf32, #tpu.memory_space<vmem>>) target(%dma_start3A_1143 : memref<8x128xf32, #tpu.memory_space<hbm>>) target_semaphore(%arg28 : memref<!tpu.dma_semaphore, #tpu.memory_space<semaphore_mem>>)
      %dma_start3A_1147 = arith.constant 4 : i32
      %dma_start3A_1148 = arith.constant 32 : i32
      %dma_start3A_1149 = arith.constant 0 : i32
      %dma_start3A_1150 = tpu.memref_slice %arg16[%dma_start3A_1148, %dma_start3A_1149] : memref<64x129xf32, #tpu.memory_space<vmem>> -> memref<8x128xf32, #tpu.memory_space<vmem>>
      %dma_start3A_1151 = arith.constant 0 : i32
      %dma_start3A_1152 = arith.constant 0 : i32
      %dma_start3A_1153 = tpu.memref_slice %arg4[%shift_right_logical3A_1084, %dma_start3A_1147, %and3A_1086, %dma_start3A_1151, %dma_start3A_1152] : memref<50x8x128x8x128xf32, #tpu.memory_space<hbm>> -> memref<1x1x1x8x128xf32, #tpu.memory_space<hbm>>
      %dma_start3A_1154 = tpu.memref_squeeze %dma_start3A_1153 : memref<1x1x1x8x128xf32, #tpu.memory_space<hbm>> -> memref<8x128xf32, #tpu.memory_space<hbm>>
      %dma_start3A_1155 = arith.constant 0 : i32
      %dma_start3A_1156 = arith.constant 0 : i32
      %dma_start3A_1157 = tpu.memref_slice %arg4[%shift_right_logical3A_1084, %dma_start3A_1147, %and3A_1086, %dma_start3A_1155, %dma_start3A_1156] : memref<50x8x128x8x128xf32, #tpu.memory_space<hbm>> -> memref<1x1x1x8x128xf32, #tpu.memory_space<hbm>>
      %dma_start3A_1158 = tpu.memref_squeeze %dma_start3A_1157 : memref<1x1x1x8x128xf32, #tpu.memory_space<hbm>> -> memref<8x128xf32, #tpu.memory_space<hbm>>
      %dma_start3A_1159 = arith.constant 32 : i32
      %dma_start3A_1160 = arith.constant 0 : i32
      %dma_start3A_1161 = tpu.memref_slice %arg16[%dma_start3A_1159, %dma_start3A_1160] : memref<64x129xf32, #tpu.memory_space<vmem>> -> memref<8x128xf32, #tpu.memory_space<vmem>>
      tpu.enqueue_dma source(%dma_start3A_1161 : memref<8x128xf32, #tpu.memory_space<vmem>>) target(%dma_start3A_1158 : memref<8x128xf32, #tpu.memory_space<hbm>>) target_semaphore(%arg28 : memref<!tpu.dma_semaphore, #tpu.memory_space<semaphore_mem>>)
      %dma_start3A_1162 = arith.constant 5 : i32
      %dma_start3A_1163 = arith.constant 40 : i32
      %dma_start3A_1164 = arith.constant 0 : i32
      %dma_start3A_1165 = tpu.memref_slice %arg16[%dma_start3A_1163, %dma_start3A_1164] : memref<64x129xf32, #tpu.memory_space<vmem>> -> memref<8x128xf32, #tpu.memory_space<vmem>>
      %dma_start3A_1166 = arith.constant 0 : i32
      %dma_start3A_1167 = arith.constant 0 : i32
      %dma_start3A_1168 = tpu.memref_slice %arg4[%shift_right_logical3A_1084, %dma_start3A_1162, %and3A_1086, %dma_start3A_1166, %dma_start3A_1167] : memref<50x8x128x8x128xf32, #tpu.memory_space<hbm>> -> memref<1x1x1x8x128xf32, #tpu.memory_space<hbm>>
      %dma_start3A_1169 = tpu.memref_squeeze %dma_start3A_1168 : memref<1x1x1x8x128xf32, #tpu.memory_space<hbm>> -> memref<8x128xf32, #tpu.memory_space<hbm>>
      %dma_start3A_1170 = arith.constant 0 : i32
      %dma_start3A_1171 = arith.constant 0 : i32
      %dma_start3A_1172 = tpu.memref_slice %arg4[%shift_right_logical3A_1084, %dma_start3A_1162, %and3A_1086, %dma_start3A_1170, %dma_start3A_1171] : memref<50x8x128x8x128xf32, #tpu.memory_space<hbm>> -> memref<1x1x1x8x128xf32, #tpu.memory_space<hbm>>
      %dma_start3A_1173 = tpu.memref_squeeze %dma_start3A_1172 : memref<1x1x1x8x128xf32, #tpu.memory_space<hbm>> -> memref<8x128xf32, #tpu.memory_space<hbm>>
      %dma_start3A_1174 = arith.constant 40 : i32
      %dma_start3A_1175 = arith.constant 0 : i32
      %dma_start3A_1176 = tpu.memref_slice %arg16[%dma_start3A_1174, %dma_start3A_1175] : memref<64x129xf32, #tpu.memory_space<vmem>> -> memref<8x128xf32, #tpu.memory_space<vmem>>
      tpu.enqueue_dma source(%dma_start3A_1176 : memref<8x128xf32, #tpu.memory_space<vmem>>) target(%dma_start3A_1173 : memref<8x128xf32, #tpu.memory_space<hbm>>) target_semaphore(%arg28 : memref<!tpu.dma_semaphore, #tpu.memory_space<semaphore_mem>>)
      %dma_start3A_1177 = arith.constant 6 : i32
      %dma_start3A_1178 = arith.constant 48 : i32
      %dma_start3A_1179 = arith.constant 0 : i32
      %dma_start3A_1180 = tpu.memref_slice %arg16[%dma_start3A_1178, %dma_start3A_1179] : memref<64x129xf32, #tpu.memory_space<vmem>> -> memref<8x128xf32, #tpu.memory_space<vmem>>
      %dma_start3A_1181 = arith.constant 0 : i32
      %dma_start3A_1182 = arith.constant 0 : i32
      %dma_start3A_1183 = tpu.memref_slice %arg4[%shift_right_logical3A_1084, %dma_start3A_1177, %and3A_1086, %dma_start3A_1181, %dma_start3A_1182] : memref<50x8x128x8x128xf32, #tpu.memory_space<hbm>> -> memref<1x1x1x8x128xf32, #tpu.memory_space<hbm>>
      %dma_start3A_1184 = tpu.memref_squeeze %dma_start3A_1183 : memref<1x1x1x8x128xf32, #tpu.memory_space<hbm>> -> memref<8x128xf32, #tpu.memory_space<hbm>>
      %dma_start3A_1185 = arith.constant 0 : i32
      %dma_start3A_1186 = arith.constant 0 : i32
      %dma_start3A_1187 = tpu.memref_slice %arg4[%shift_right_logical3A_1084, %dma_start3A_1177, %and3A_1086, %dma_start3A_1185, %dma_start3A_1186] : memref<50x8x128x8x128xf32, #tpu.memory_space<hbm>> -> memref<1x1x1x8x128xf32, #tpu.memory_space<hbm>>
      %dma_start3A_1188 = tpu.memref_squeeze %dma_start3A_1187 : memref<1x1x1x8x128xf32, #tpu.memory_space<hbm>> -> memref<8x128xf32, #tpu.memory_space<hbm>>
      %dma_start3A_1189 = arith.constant 48 : i32
      %dma_start3A_1190 = arith.constant 0 : i32
      %dma_start3A_1191 = tpu.memref_slice %arg16[%dma_start3A_1189, %dma_start3A_1190] : memref<64x129xf32, #tpu.memory_space<vmem>> -> memref<8x128xf32, #tpu.memory_space<vmem>>
      tpu.enqueue_dma source(%dma_start3A_1191 : memref<8x128xf32, #tpu.memory_space<vmem>>) target(%dma_start3A_1188 : memref<8x128xf32, #tpu.memory_space<hbm>>) target_semaphore(%arg28 : memref<!tpu.dma_semaphore, #tpu.memory_space<semaphore_mem>>)
      %dma_start3A_1192 = arith.constant 7 : i32
      %dma_start3A_1193 = arith.constant 56 : i32
      %dma_start3A_1194 = arith.constant 0 : i32
      %dma_start3A_1195 = tpu.memref_slice %arg16[%dma_start3A_1193, %dma_start3A_1194] : memref<64x129xf32, #tpu.memory_space<vmem>> -> memref<8x128xf32, #tpu.memory_space<vmem>>
      %dma_start3A_1196 = arith.constant 0 : i32
      %dma_start3A_1197 = arith.constant 0 : i32
      %dma_start3A_1198 = tpu.memref_slice %arg4[%shift_right_logical3A_1084, %dma_start3A_1192, %and3A_1086, %dma_start3A_1196, %dma_start3A_1197] : memref<50x8x128x8x128xf32, #tpu.memory_space<hbm>> -> memref<1x1x1x8x128xf32, #tpu.memory_space<hbm>>
      %dma_start3A_1199 = tpu.memref_squeeze %dma_start3A_1198 : memref<1x1x1x8x128xf32, #tpu.memory_space<hbm>> -> memref<8x128xf32, #tpu.memory_space<hbm>>
      %dma_start3A_1200 = arith.constant 0 : i32
      %dma_start3A_1201 = arith.constant 0 : i32
      %dma_start3A_1202 = tpu.memref_slice %arg4[%shift_right_logical3A_1084, %dma_start3A_1192, %and3A_1086, %dma_start3A_1200, %dma_start3A_1201] : memref<50x8x128x8x128xf32, #tpu.memory_space<hbm>> -> memref<1x1x1x8x128xf32, #tpu.memory_space<hbm>>
      %dma_start3A_1203 = tpu.memref_squeeze %dma_start3A_1202 : memref<1x1x1x8x128xf32, #tpu.memory_space<hbm>> -> memref<8x128xf32, #tpu.memory_space<hbm>>
      %dma_start3A_1204 = arith.constant 56 : i32
      %dma_start3A_1205 = arith.constant 0 : i32
      %dma_start3A_1206 = tpu.memref_slice %arg16[%dma_start3A_1204, %dma_start3A_1205] : memref<64x129xf32, #tpu.memory_space<vmem>> -> memref<8x128xf32, #tpu.memory_space<vmem>>
      tpu.enqueue_dma source(%dma_start3A_1206 : memref<8x128xf32, #tpu.memory_space<vmem>>) target(%dma_start3A_1203 : memref<8x128xf32, #tpu.memory_space<hbm>>) target_semaphore(%arg28 : memref<!tpu.dma_semaphore, #tpu.memory_space<semaphore_mem>>)
      %lt3A_1207 = arith.constant 49 : i32
      %lt3A_1208 = arith.cmpi slt, %scan3A_596, %lt3A_1207 : i32
      %convert_element_type3A_1209 = arith.extui %lt3A_1208 : i1 to i32
      %cond3A_1210 = arith.constant 0 : i32
      %cond3A_1211 = arith.cmpi ne, %convert_element_type3A_1209, %cond3A_1210 : i32
      scf.if %cond3A_1211 {
        %add3A_1212 = arith.constant 4 : i32
        %add3A_1213 = arith.addi %add3A_1061, %add3A_1212 : i32
        %mul3A_1214 = arith.constant 128 : i32
        %mul3A_1215 = arith.muli %add3A_1213, %mul3A_1214 : i32
        %dma_wait3A_1216 = tpu.memref_slice %arg3[%mul3A_1215] : memref<819200xi32, #tpu.memory_space<hbm>> -> memref<128xi32, #tpu.memory_space<hbm>>
        %dma_wait3A_1217 = tpu.memref_slice %arg3[%mul3A_1215] : memref<819200xi32, #tpu.memory_space<hbm>> -> memref<128xi32, #tpu.memory_space<hbm>>
        tpu.wait_dma2 semaphore(%arg20 : memref<!tpu.dma_semaphore, #tpu.memory_space<semaphore_mem>>) src(%dma_wait3A_1217 : memref<128xi32, #tpu.memory_space<hbm>>) dst(%arg8 : memref<128xi32, #tpu.memory_space<vmem>>)
        %add3A_1218 = arith.constant 4 : i32
        %add3A_1219 = arith.addi %add3A_1061, %add3A_1218 : i32
        %dma_start3A_1220 = arith.constant 0 : i32
        %dma_start3A_1221 = arith.constant 0 : i32
        %dma_start3A_1222 = tpu.memref_slice %arg2[%dma_start3A_1220, %dma_start3A_1221] : memref<1000000x64xf32, #tpu.memory_space<hbm>> -> memref<1000000x64xf32, #tpu.memory_space<hbm>>
        tpu.enqueue_indirect_dma source(%dma_start3A_1222 : memref<1000000x64xf32, #tpu.memory_space<hbm>>) target(%arg12 : memref<128x64xf32, #tpu.memory_space<vmem>>) offsets(%arg8 : memref<128xi32, #tpu.memory_space<vmem>>) semaphore(%arg24 : memref<!tpu.dma_semaphore, #tpu.memory_space<semaphore_mem>>)
      } else {
      }
    }
    %scan3A_85 = arith.constant 50 : i32
    %add3A_86 = arith.constant 196 : i32
    %add3A_87 = arith.addi %mul3A_2, %add3A_86 : i32
    %add3A_88 = arith.constant 0 : i32
    %add3A_89 = arith.addi %add3A_87, %add3A_88 : i32
    %shift_right_logical3A = arith.constant 7 : i32
    %shift_right_logical3A_90 = arith.shrui %add3A_89, %shift_right_logical3A : i32
    %and3A = arith.constant 127 : i32
    %and3A_91 = arith.andi %add3A_89, %and3A : i32
    %dma_wait3A_92 = arith.constant 0 : i32
    %dma_wait3A_93 = arith.constant 0 : i32
    %dma_wait3A_94 = arith.constant 0 : i32
    %dma_wait3A_95 = tpu.memref_slice %arg13[%dma_wait3A_93, %dma_wait3A_94] : memref<64x129xf32, #tpu.memory_space<vmem>> -> memref<8x128xf32, #tpu.memory_space<vmem>>
    %dma_wait3A_96 = arith.constant 0 : i32
    %dma_wait3A_97 = arith.constant 0 : i32
    %dma_wait3A_98 = tpu.memref_slice %arg4[%shift_right_logical3A_90, %dma_wait3A_92, %and3A_91, %dma_wait3A_96, %dma_wait3A_97] : memref<50x8x128x8x128xf32, #tpu.memory_space<hbm>> -> memref<1x1x1x8x128xf32, #tpu.memory_space<hbm>>
    %dma_wait3A_99 = tpu.memref_squeeze %dma_wait3A_98 : memref<1x1x1x8x128xf32, #tpu.memory_space<hbm>> -> memref<8x128xf32, #tpu.memory_space<hbm>>
    %dma_wait3A_100 = arith.constant 0 : i32
    %dma_wait3A_101 = arith.constant 0 : i32
    %dma_wait3A_102 = tpu.memref_slice %arg4[%shift_right_logical3A_90, %dma_wait3A_92, %and3A_91, %dma_wait3A_100, %dma_wait3A_101] : memref<50x8x128x8x128xf32, #tpu.memory_space<hbm>> -> memref<1x1x1x8x128xf32, #tpu.memory_space<hbm>>
    %dma_wait3A_103 = tpu.memref_squeeze %dma_wait3A_102 : memref<1x1x1x8x128xf32, #tpu.memory_space<hbm>> -> memref<8x128xf32, #tpu.memory_space<hbm>>
    %dma_wait3A_104 = arith.constant 0 : i32
    %dma_wait3A_105 = arith.constant 0 : i32
    %dma_wait3A_106 = tpu.memref_slice %arg13[%dma_wait3A_104, %dma_wait3A_105] : memref<64x129xf32, #tpu.memory_space<vmem>> -> memref<8x128xf32, #tpu.memory_space<vmem>>
    tpu.wait_dma2 semaphore(%arg25 : memref<!tpu.dma_semaphore, #tpu.memory_space<semaphore_mem>>) src(%dma_wait3A_106 : memref<8x128xf32, #tpu.memory_space<vmem>>) dst(%dma_wait3A_103 : memref<8x128xf32, #tpu.memory_space<hbm>>)
    %dma_wait3A_107 = arith.constant 1 : i32
    %dma_wait3A_108 = arith.constant 8 : i32
    %dma_wait3A_109 = arith.constant 0 : i32
    %dma_wait3A_110 = tpu.memref_slice %arg13[%dma_wait3A_108, %dma_wait3A_109] : memref<64x129xf32, #tpu.memory_space<vmem>> -> memref<8x128xf32, #tpu.memory_space<vmem>>
    %dma_wait3A_111 = arith.constant 0 : i32
    %dma_wait3A_112 = arith.constant 0 : i32
    %dma_wait3A_113 = tpu.memref_slice %arg4[%shift_right_logical3A_90, %dma_wait3A_107, %and3A_91, %dma_wait3A_111, %dma_wait3A_112] : memref<50x8x128x8x128xf32, #tpu.memory_space<hbm>> -> memref<1x1x1x8x128xf32, #tpu.memory_space<hbm>>
    %dma_wait3A_114 = tpu.memref_squeeze %dma_wait3A_113 : memref<1x1x1x8x128xf32, #tpu.memory_space<hbm>> -> memref<8x128xf32, #tpu.memory_space<hbm>>
    %dma_wait3A_115 = arith.constant 0 : i32
    %dma_wait3A_116 = arith.constant 0 : i32
    %dma_wait3A_117 = tpu.memref_slice %arg4[%shift_right_logical3A_90, %dma_wait3A_107, %and3A_91, %dma_wait3A_115, %dma_wait3A_116] : memref<50x8x128x8x128xf32, #tpu.memory_space<hbm>> -> memref<1x1x1x8x128xf32, #tpu.memory_space<hbm>>
    %dma_wait3A_118 = tpu.memref_squeeze %dma_wait3A_117 : memref<1x1x1x8x128xf32, #tpu.memory_space<hbm>> -> memref<8x128xf32, #tpu.memory_space<hbm>>
    %dma_wait3A_119 = arith.constant 8 : i32
    %dma_wait3A_120 = arith.constant 0 : i32
    %dma_wait3A_121 = tpu.memref_slice %arg13[%dma_wait3A_119, %dma_wait3A_120] : memref<64x129xf32, #tpu.memory_space<vmem>> -> memref<8x128xf32, #tpu.memory_space<vmem>>
    tpu.wait_dma2 semaphore(%arg25 : memref<!tpu.dma_semaphore, #tpu.memory_space<semaphore_mem>>) src(%dma_wait3A_121 : memref<8x128xf32, #tpu.memory_space<vmem>>) dst(%dma_wait3A_118 : memref<8x128xf32, #tpu.memory_space<hbm>>)
    %dma_wait3A_122 = arith.constant 2 : i32
    %dma_wait3A_123 = arith.constant 16 : i32
    %dma_wait3A_124 = arith.constant 0 : i32
    %dma_wait3A_125 = tpu.memref_slice %arg13[%dma_wait3A_123, %dma_wait3A_124] : memref<64x129xf32, #tpu.memory_space<vmem>> -> memref<8x128xf32, #tpu.memory_space<vmem>>
    %dma_wait3A_126 = arith.constant 0 : i32
    %dma_wait3A_127 = arith.constant 0 : i32
    %dma_wait3A_128 = tpu.memref_slice %arg4[%shift_right_logical3A_90, %dma_wait3A_122, %and3A_91, %dma_wait3A_126, %dma_wait3A_127] : memref<50x8x128x8x128xf32, #tpu.memory_space<hbm>> -> memref<1x1x1x8x128xf32, #tpu.memory_space<hbm>>
    %dma_wait3A_129 = tpu.memref_squeeze %dma_wait3A_128 : memref<1x1x1x8x128xf32, #tpu.memory_space<hbm>> -> memref<8x128xf32, #tpu.memory_space<hbm>>
    %dma_wait3A_130 = arith.constant 0 : i32
    %dma_wait3A_131 = arith.constant 0 : i32
    %dma_wait3A_132 = tpu.memref_slice %arg4[%shift_right_logical3A_90, %dma_wait3A_122, %and3A_91, %dma_wait3A_130, %dma_wait3A_131] : memref<50x8x128x8x128xf32, #tpu.memory_space<hbm>> -> memref<1x1x1x8x128xf32, #tpu.memory_space<hbm>>
    %dma_wait3A_133 = tpu.memref_squeeze %dma_wait3A_132 : memref<1x1x1x8x128xf32, #tpu.memory_space<hbm>> -> memref<8x128xf32, #tpu.memory_space<hbm>>
    %dma_wait3A_134 = arith.constant 16 : i32
    %dma_wait3A_135 = arith.constant 0 : i32
    %dma_wait3A_136 = tpu.memref_slice %arg13[%dma_wait3A_134, %dma_wait3A_135] : memref<64x129xf32, #tpu.memory_space<vmem>> -> memref<8x128xf32, #tpu.memory_space<vmem>>
    tpu.wait_dma2 semaphore(%arg25 : memref<!tpu.dma_semaphore, #tpu.memory_space<semaphore_mem>>) src(%dma_wait3A_136 : memref<8x128xf32, #tpu.memory_space<vmem>>) dst(%dma_wait3A_133 : memref<8x128xf32, #tpu.memory_space<hbm>>)
    %dma_wait3A_137 = arith.constant 3 : i32
    %dma_wait3A_138 = arith.constant 24 : i32
    %dma_wait3A_139 = arith.constant 0 : i32
    %dma_wait3A_140 = tpu.memref_slice %arg13[%dma_wait3A_138, %dma_wait3A_139] : memref<64x129xf32, #tpu.memory_space<vmem>> -> memref<8x128xf32, #tpu.memory_space<vmem>>
    %dma_wait3A_141 = arith.constant 0 : i32
    %dma_wait3A_142 = arith.constant 0 : i32
    %dma_wait3A_143 = tpu.memref_slice %arg4[%shift_right_logical3A_90, %dma_wait3A_137, %and3A_91, %dma_wait3A_141, %dma_wait3A_142] : memref<50x8x128x8x128xf32, #tpu.memory_space<hbm>> -> memref<1x1x1x8x128xf32, #tpu.memory_space<hbm>>
    %dma_wait3A_144 = tpu.memref_squeeze %dma_wait3A_143 : memref<1x1x1x8x128xf32, #tpu.memory_space<hbm>> -> memref<8x128xf32, #tpu.memory_space<hbm>>
    %dma_wait3A_145 = arith.constant 0 : i32
    %dma_wait3A_146 = arith.constant 0 : i32
    %dma_wait3A_147 = tpu.memref_slice %arg4[%shift_right_logical3A_90, %dma_wait3A_137, %and3A_91, %dma_wait3A_145, %dma_wait3A_146] : memref<50x8x128x8x128xf32, #tpu.memory_space<hbm>> -> memref<1x1x1x8x128xf32, #tpu.memory_space<hbm>>
    %dma_wait3A_148 = tpu.memref_squeeze %dma_wait3A_147 : memref<1x1x1x8x128xf32, #tpu.memory_space<hbm>> -> memref<8x128xf32, #tpu.memory_space<hbm>>
    %dma_wait3A_149 = arith.constant 24 : i32
    %dma_wait3A_150 = arith.constant 0 : i32
    %dma_wait3A_151 = tpu.memref_slice %arg13[%dma_wait3A_149, %dma_wait3A_150] : memref<64x129xf32, #tpu.memory_space<vmem>> -> memref<8x128xf32, #tpu.memory_space<vmem>>
    tpu.wait_dma2 semaphore(%arg25 : memref<!tpu.dma_semaphore, #tpu.memory_space<semaphore_mem>>) src(%dma_wait3A_151 : memref<8x128xf32, #tpu.memory_space<vmem>>) dst(%dma_wait3A_148 : memref<8x128xf32, #tpu.memory_space<hbm>>)
    %dma_wait3A_152 = arith.constant 4 : i32
    %dma_wait3A_153 = arith.constant 32 : i32
    %dma_wait3A_154 = arith.constant 0 : i32
    %dma_wait3A_155 = tpu.memref_slice %arg13[%dma_wait3A_153, %dma_wait3A_154] : memref<64x129xf32, #tpu.memory_space<vmem>> -> memref<8x128xf32, #tpu.memory_space<vmem>>
    %dma_wait3A_156 = arith.constant 0 : i32
    %dma_wait3A_157 = arith.constant 0 : i32
    %dma_wait3A_158 = tpu.memref_slice %arg4[%shift_right_logical3A_90, %dma_wait3A_152, %and3A_91, %dma_wait3A_156, %dma_wait3A_157] : memref<50x8x128x8x128xf32, #tpu.memory_space<hbm>> -> memref<1x1x1x8x128xf32, #tpu.memory_space<hbm>>
    %dma_wait3A_159 = tpu.memref_squeeze %dma_wait3A_158 : memref<1x1x1x8x128xf32, #tpu.memory_space<hbm>> -> memref<8x128xf32, #tpu.memory_space<hbm>>
    %dma_wait3A_160 = arith.constant 0 : i32
    %dma_wait3A_161 = arith.constant 0 : i32
    %dma_wait3A_162 = tpu.memref_slice %arg4[%shift_right_logical3A_90, %dma_wait3A_152, %and3A_91, %dma_wait3A_160, %dma_wait3A_161] : memref<50x8x128x8x128xf32, #tpu.memory_space<hbm>> -> memref<1x1x1x8x128xf32, #tpu.memory_space<hbm>>
    %dma_wait3A_163 = tpu.memref_squeeze %dma_wait3A_162 : memref<1x1x1x8x128xf32, #tpu.memory_space<hbm>> -> memref<8x128xf32, #tpu.memory_space<hbm>>
    %dma_wait3A_164 = arith.constant 32 : i32
    %dma_wait3A_165 = arith.constant 0 : i32
    %dma_wait3A_166 = tpu.memref_slice %arg13[%dma_wait3A_164, %dma_wait3A_165] : memref<64x129xf32, #tpu.memory_space<vmem>> -> memref<8x128xf32, #tpu.memory_space<vmem>>
    tpu.wait_dma2 semaphore(%arg25 : memref<!tpu.dma_semaphore, #tpu.memory_space<semaphore_mem>>) src(%dma_wait3A_166 : memref<8x128xf32, #tpu.memory_space<vmem>>) dst(%dma_wait3A_163 : memref<8x128xf32, #tpu.memory_space<hbm>>)
    %dma_wait3A_167 = arith.constant 5 : i32
    %dma_wait3A_168 = arith.constant 40 : i32
    %dma_wait3A_169 = arith.constant 0 : i32
    %dma_wait3A_170 = tpu.memref_slice %arg13[%dma_wait3A_168, %dma_wait3A_169] : memref<64x129xf32, #tpu.memory_space<vmem>> -> memref<8x128xf32, #tpu.memory_space<vmem>>
    %dma_wait3A_171 = arith.constant 0 : i32
    %dma_wait3A_172 = arith.constant 0 : i32
    %dma_wait3A_173 = tpu.memref_slice %arg4[%shift_right_logical3A_90, %dma_wait3A_167, %and3A_91, %dma_wait3A_171, %dma_wait3A_172] : memref<50x8x128x8x128xf32, #tpu.memory_space<hbm>> -> memref<1x1x1x8x128xf32, #tpu.memory_space<hbm>>
    %dma_wait3A_174 = tpu.memref_squeeze %dma_wait3A_173 : memref<1x1x1x8x128xf32, #tpu.memory_space<hbm>> -> memref<8x128xf32, #tpu.memory_space<hbm>>
    %dma_wait3A_175 = arith.constant 0 : i32
    %dma_wait3A_176 = arith.constant 0 : i32
    %dma_wait3A_177 = tpu.memref_slice %arg4[%shift_right_logical3A_90, %dma_wait3A_167, %and3A_91, %dma_wait3A_175, %dma_wait3A_176] : memref<50x8x128x8x128xf32, #tpu.memory_space<hbm>> -> memref<1x1x1x8x128xf32, #tpu.memory_space<hbm>>
    %dma_wait3A_178 = tpu.memref_squeeze %dma_wait3A_177 : memref<1x1x1x8x128xf32, #tpu.memory_space<hbm>> -> memref<8x128xf32, #tpu.memory_space<hbm>>
    %dma_wait3A_179 = arith.constant 40 : i32
    %dma_wait3A_180 = arith.constant 0 : i32
    %dma_wait3A_181 = tpu.memref_slice %arg13[%dma_wait3A_179, %dma_wait3A_180] : memref<64x129xf32, #tpu.memory_space<vmem>> -> memref<8x128xf32, #tpu.memory_space<vmem>>
    tpu.wait_dma2 semaphore(%arg25 : memref<!tpu.dma_semaphore, #tpu.memory_space<semaphore_mem>>) src(%dma_wait3A_181 : memref<8x128xf32, #tpu.memory_space<vmem>>) dst(%dma_wait3A_178 : memref<8x128xf32, #tpu.memory_space<hbm>>)
    %dma_wait3A_182 = arith.constant 6 : i32
    %dma_wait3A_183 = arith.constant 48 : i32
    %dma_wait3A_184 = arith.constant 0 : i32
    %dma_wait3A_185 = tpu.memref_slice %arg13[%dma_wait3A_183, %dma_wait3A_184] : memref<64x129xf32, #tpu.memory_space<vmem>> -> memref<8x128xf32, #tpu.memory_space<vmem>>
    %dma_wait3A_186 = arith.constant 0 : i32
    %dma_wait3A_187 = arith.constant 0 : i32
    %dma_wait3A_188 = tpu.memref_slice %arg4[%shift_right_logical3A_90, %dma_wait3A_182, %and3A_91, %dma_wait3A_186, %dma_wait3A_187] : memref<50x8x128x8x128xf32, #tpu.memory_space<hbm>> -> memref<1x1x1x8x128xf32, #tpu.memory_space<hbm>>
    %dma_wait3A_189 = tpu.memref_squeeze %dma_wait3A_188 : memref<1x1x1x8x128xf32, #tpu.memory_space<hbm>> -> memref<8x128xf32, #tpu.memory_space<hbm>>
    %dma_wait3A_190 = arith.constant 0 : i32
    %dma_wait3A_191 = arith.constant 0 : i32
    %dma_wait3A_192 = tpu.memref_slice %arg4[%shift_right_logical3A_90, %dma_wait3A_182, %and3A_91, %dma_wait3A_190, %dma_wait3A_191] : memref<50x8x128x8x128xf32, #tpu.memory_space<hbm>> -> memref<1x1x1x8x128xf32, #tpu.memory_space<hbm>>
    %dma_wait3A_193 = tpu.memref_squeeze %dma_wait3A_192 : memref<1x1x1x8x128xf32, #tpu.memory_space<hbm>> -> memref<8x128xf32, #tpu.memory_space<hbm>>
    %dma_wait3A_194 = arith.constant 48 : i32
    %dma_wait3A_195 = arith.constant 0 : i32
    %dma_wait3A_196 = tpu.memref_slice %arg13[%dma_wait3A_194, %dma_wait3A_195] : memref<64x129xf32, #tpu.memory_space<vmem>> -> memref<8x128xf32, #tpu.memory_space<vmem>>
    tpu.wait_dma2 semaphore(%arg25 : memref<!tpu.dma_semaphore, #tpu.memory_space<semaphore_mem>>) src(%dma_wait3A_196 : memref<8x128xf32, #tpu.memory_space<vmem>>) dst(%dma_wait3A_193 : memref<8x128xf32, #tpu.memory_space<hbm>>)
    %dma_wait3A_197 = arith.constant 7 : i32
    %dma_wait3A_198 = arith.constant 56 : i32
    %dma_wait3A_199 = arith.constant 0 : i32
    %dma_wait3A_200 = tpu.memref_slice %arg13[%dma_wait3A_198, %dma_wait3A_199] : memref<64x129xf32, #tpu.memory_space<vmem>> -> memref<8x128xf32, #tpu.memory_space<vmem>>
    %dma_wait3A_201 = arith.constant 0 : i32
    %dma_wait3A_202 = arith.constant 0 : i32
    %dma_wait3A_203 = tpu.memref_slice %arg4[%shift_right_logical3A_90, %dma_wait3A_197, %and3A_91, %dma_wait3A_201, %dma_wait3A_202] : memref<50x8x128x8x128xf32, #tpu.memory_space<hbm>> -> memref<1x1x1x8x128xf32, #tpu.memory_space<hbm>>
    %dma_wait3A_204 = tpu.memref_squeeze %dma_wait3A_203 : memref<1x1x1x8x128xf32, #tpu.memory_space<hbm>> -> memref<8x128xf32, #tpu.memory_space<hbm>>
    %dma_wait3A_205 = arith.constant 0 : i32
    %dma_wait3A_206 = arith.constant 0 : i32
    %dma_wait3A_207 = tpu.memref_slice %arg4[%shift_right_logical3A_90, %dma_wait3A_197, %and3A_91, %dma_wait3A_205, %dma_wait3A_206] : memref<50x8x128x8x128xf32, #tpu.memory_space<hbm>> -> memref<1x1x1x8x128xf32, #tpu.memory_space<hbm>>
    %dma_wait3A_208 = tpu.memref_squeeze %dma_wait3A_207 : memref<1x1x1x8x128xf32, #tpu.memory_space<hbm>> -> memref<8x128xf32, #tpu.memory_space<hbm>>
    %dma_wait3A_209 = arith.constant 56 : i32
    %dma_wait3A_210 = arith.constant 0 : i32
    %dma_wait3A_211 = tpu.memref_slice %arg13[%dma_wait3A_209, %dma_wait3A_210] : memref<64x129xf32, #tpu.memory_space<vmem>> -> memref<8x128xf32, #tpu.memory_space<vmem>>
    tpu.wait_dma2 semaphore(%arg25 : memref<!tpu.dma_semaphore, #tpu.memory_space<semaphore_mem>>) src(%dma_wait3A_211 : memref<8x128xf32, #tpu.memory_space<vmem>>) dst(%dma_wait3A_208 : memref<8x128xf32, #tpu.memory_space<hbm>>)
    %add3A_212 = arith.constant 196 : i32
    %add3A_213 = arith.addi %mul3A_2, %add3A_212 : i32
    %add3A_214 = arith.constant 1 : i32
    %add3A_215 = arith.addi %add3A_213, %add3A_214 : i32
    %shift_right_logical3A_216 = arith.constant 7 : i32
    %shift_right_logical3A_217 = arith.shrui %add3A_215, %shift_right_logical3A_216 : i32
    %and3A_218 = arith.constant 127 : i32
    %and3A_219 = arith.andi %add3A_215, %and3A_218 : i32
    %dma_wait3A_220 = arith.constant 0 : i32
    %dma_wait3A_221 = arith.constant 0 : i32
    %dma_wait3A_222 = arith.constant 0 : i32
    %dma_wait3A_223 = tpu.memref_slice %arg14[%dma_wait3A_221, %dma_wait3A_222] : memref<64x129xf32, #tpu.memory_space<vmem>> -> memref<8x128xf32, #tpu.memory_space<vmem>>
    %dma_wait3A_224 = arith.constant 0 : i32
    %dma_wait3A_225 = arith.constant 0 : i32
    %dma_wait3A_226 = tpu.memref_slice %arg4[%shift_right_logical3A_217, %dma_wait3A_220, %and3A_219, %dma_wait3A_224, %dma_wait3A_225] : memref<50x8x128x8x128xf32, #tpu.memory_space<hbm>> -> memref<1x1x1x8x128xf32, #tpu.memory_space<hbm>>
    %dma_wait3A_227 = tpu.memref_squeeze %dma_wait3A_226 : memref<1x1x1x8x128xf32, #tpu.memory_space<hbm>> -> memref<8x128xf32, #tpu.memory_space<hbm>>
    %dma_wait3A_228 = arith.constant 0 : i32
    %dma_wait3A_229 = arith.constant 0 : i32
    %dma_wait3A_230 = tpu.memref_slice %arg4[%shift_right_logical3A_217, %dma_wait3A_220, %and3A_219, %dma_wait3A_228, %dma_wait3A_229] : memref<50x8x128x8x128xf32, #tpu.memory_space<hbm>> -> memref<1x1x1x8x128xf32, #tpu.memory_space<hbm>>
    %dma_wait3A_231 = tpu.memref_squeeze %dma_wait3A_230 : memref<1x1x1x8x128xf32, #tpu.memory_space<hbm>> -> memref<8x128xf32, #tpu.memory_space<hbm>>
    %dma_wait3A_232 = arith.constant 0 : i32
    %dma_wait3A_233 = arith.constant 0 : i32
    %dma_wait3A_234 = tpu.memref_slice %arg14[%dma_wait3A_232, %dma_wait3A_233] : memref<64x129xf32, #tpu.memory_space<vmem>> -> memref<8x128xf32, #tpu.memory_space<vmem>>
    tpu.wait_dma2 semaphore(%arg26 : memref<!tpu.dma_semaphore, #tpu.memory_space<semaphore_mem>>) src(%dma_wait3A_234 : memref<8x128xf32, #tpu.memory_space<vmem>>) dst(%dma_wait3A_231 : memref<8x128xf32, #tpu.memory_space<hbm>>)
    %dma_wait3A_235 = arith.constant 1 : i32
    %dma_wait3A_236 = arith.constant 8 : i32
    %dma_wait3A_237 = arith.constant 0 : i32
    %dma_wait3A_238 = tpu.memref_slice %arg14[%dma_wait3A_236, %dma_wait3A_237] : memref<64x129xf32, #tpu.memory_space<vmem>> -> memref<8x128xf32, #tpu.memory_space<vmem>>
    %dma_wait3A_239 = arith.constant 0 : i32
    %dma_wait3A_240 = arith.constant 0 : i32
    %dma_wait3A_241 = tpu.memref_slice %arg4[%shift_right_logical3A_217, %dma_wait3A_235, %and3A_219, %dma_wait3A_239, %dma_wait3A_240] : memref<50x8x128x8x128xf32, #tpu.memory_space<hbm>> -> memref<1x1x1x8x128xf32, #tpu.memory_space<hbm>>
    %dma_wait3A_242 = tpu.memref_squeeze %dma_wait3A_241 : memref<1x1x1x8x128xf32, #tpu.memory_space<hbm>> -> memref<8x128xf32, #tpu.memory_space<hbm>>
    %dma_wait3A_243 = arith.constant 0 : i32
    %dma_wait3A_244 = arith.constant 0 : i32
    %dma_wait3A_245 = tpu.memref_slice %arg4[%shift_right_logical3A_217, %dma_wait3A_235, %and3A_219, %dma_wait3A_243, %dma_wait3A_244] : memref<50x8x128x8x128xf32, #tpu.memory_space<hbm>> -> memref<1x1x1x8x128xf32, #tpu.memory_space<hbm>>
    %dma_wait3A_246 = tpu.memref_squeeze %dma_wait3A_245 : memref<1x1x1x8x128xf32, #tpu.memory_space<hbm>> -> memref<8x128xf32, #tpu.memory_space<hbm>>
    %dma_wait3A_247 = arith.constant 8 : i32
    %dma_wait3A_248 = arith.constant 0 : i32
    %dma_wait3A_249 = tpu.memref_slice %arg14[%dma_wait3A_247, %dma_wait3A_248] : memref<64x129xf32, #tpu.memory_space<vmem>> -> memref<8x128xf32, #tpu.memory_space<vmem>>
    tpu.wait_dma2 semaphore(%arg26 : memref<!tpu.dma_semaphore, #tpu.memory_space<semaphore_mem>>) src(%dma_wait3A_249 : memref<8x128xf32, #tpu.memory_space<vmem>>) dst(%dma_wait3A_246 : memref<8x128xf32, #tpu.memory_space<hbm>>)
    %dma_wait3A_250 = arith.constant 2 : i32
    %dma_wait3A_251 = arith.constant 16 : i32
    %dma_wait3A_252 = arith.constant 0 : i32
    %dma_wait3A_253 = tpu.memref_slice %arg14[%dma_wait3A_251, %dma_wait3A_252] : memref<64x129xf32, #tpu.memory_space<vmem>> -> memref<8x128xf32, #tpu.memory_space<vmem>>
    %dma_wait3A_254 = arith.constant 0 : i32
    %dma_wait3A_255 = arith.constant 0 : i32
    %dma_wait3A_256 = tpu.memref_slice %arg4[%shift_right_logical3A_217, %dma_wait3A_250, %and3A_219, %dma_wait3A_254, %dma_wait3A_255] : memref<50x8x128x8x128xf32, #tpu.memory_space<hbm>> -> memref<1x1x1x8x128xf32, #tpu.memory_space<hbm>>
    %dma_wait3A_257 = tpu.memref_squeeze %dma_wait3A_256 : memref<1x1x1x8x128xf32, #tpu.memory_space<hbm>> -> memref<8x128xf32, #tpu.memory_space<hbm>>
    %dma_wait3A_258 = arith.constant 0 : i32
    %dma_wait3A_259 = arith.constant 0 : i32
    %dma_wait3A_260 = tpu.memref_slice %arg4[%shift_right_logical3A_217, %dma_wait3A_250, %and3A_219, %dma_wait3A_258, %dma_wait3A_259] : memref<50x8x128x8x128xf32, #tpu.memory_space<hbm>> -> memref<1x1x1x8x128xf32, #tpu.memory_space<hbm>>
    %dma_wait3A_261 = tpu.memref_squeeze %dma_wait3A_260 : memref<1x1x1x8x128xf32, #tpu.memory_space<hbm>> -> memref<8x128xf32, #tpu.memory_space<hbm>>
    %dma_wait3A_262 = arith.constant 16 : i32
    %dma_wait3A_263 = arith.constant 0 : i32
    %dma_wait3A_264 = tpu.memref_slice %arg14[%dma_wait3A_262, %dma_wait3A_263] : memref<64x129xf32, #tpu.memory_space<vmem>> -> memref<8x128xf32, #tpu.memory_space<vmem>>
    tpu.wait_dma2 semaphore(%arg26 : memref<!tpu.dma_semaphore, #tpu.memory_space<semaphore_mem>>) src(%dma_wait3A_264 : memref<8x128xf32, #tpu.memory_space<vmem>>) dst(%dma_wait3A_261 : memref<8x128xf32, #tpu.memory_space<hbm>>)
    %dma_wait3A_265 = arith.constant 3 : i32
    %dma_wait3A_266 = arith.constant 24 : i32
    %dma_wait3A_267 = arith.constant 0 : i32
    %dma_wait3A_268 = tpu.memref_slice %arg14[%dma_wait3A_266, %dma_wait3A_267] : memref<64x129xf32, #tpu.memory_space<vmem>> -> memref<8x128xf32, #tpu.memory_space<vmem>>
    %dma_wait3A_269 = arith.constant 0 : i32
    %dma_wait3A_270 = arith.constant 0 : i32
    %dma_wait3A_271 = tpu.memref_slice %arg4[%shift_right_logical3A_217, %dma_wait3A_265, %and3A_219, %dma_wait3A_269, %dma_wait3A_270] : memref<50x8x128x8x128xf32, #tpu.memory_space<hbm>> -> memref<1x1x1x8x128xf32, #tpu.memory_space<hbm>>
    %dma_wait3A_272 = tpu.memref_squeeze %dma_wait3A_271 : memref<1x1x1x8x128xf32, #tpu.memory_space<hbm>> -> memref<8x128xf32, #tpu.memory_space<hbm>>
    %dma_wait3A_273 = arith.constant 0 : i32
    %dma_wait3A_274 = arith.constant 0 : i32
    %dma_wait3A_275 = tpu.memref_slice %arg4[%shift_right_logical3A_217, %dma_wait3A_265, %and3A_219, %dma_wait3A_273, %dma_wait3A_274] : memref<50x8x128x8x128xf32, #tpu.memory_space<hbm>> -> memref<1x1x1x8x128xf32, #tpu.memory_space<hbm>>
    %dma_wait3A_276 = tpu.memref_squeeze %dma_wait3A_275 : memref<1x1x1x8x128xf32, #tpu.memory_space<hbm>> -> memref<8x128xf32, #tpu.memory_space<hbm>>
    %dma_wait3A_277 = arith.constant 24 : i32
    %dma_wait3A_278 = arith.constant 0 : i32
    %dma_wait3A_279 = tpu.memref_slice %arg14[%dma_wait3A_277, %dma_wait3A_278] : memref<64x129xf32, #tpu.memory_space<vmem>> -> memref<8x128xf32, #tpu.memory_space<vmem>>
    tpu.wait_dma2 semaphore(%arg26 : memref<!tpu.dma_semaphore, #tpu.memory_space<semaphore_mem>>) src(%dma_wait3A_279 : memref<8x128xf32, #tpu.memory_space<vmem>>) dst(%dma_wait3A_276 : memref<8x128xf32, #tpu.memory_space<hbm>>)
    %dma_wait3A_280 = arith.constant 4 : i32
    %dma_wait3A_281 = arith.constant 32 : i32
    %dma_wait3A_282 = arith.constant 0 : i32
    %dma_wait3A_283 = tpu.memref_slice %arg14[%dma_wait3A_281, %dma_wait3A_282] : memref<64x129xf32, #tpu.memory_space<vmem>> -> memref<8x128xf32, #tpu.memory_space<vmem>>
    %dma_wait3A_284 = arith.constant 0 : i32
    %dma_wait3A_285 = arith.constant 0 : i32
    %dma_wait3A_286 = tpu.memref_slice %arg4[%shift_right_logical3A_217, %dma_wait3A_280, %and3A_219, %dma_wait3A_284, %dma_wait3A_285] : memref<50x8x128x8x128xf32, #tpu.memory_space<hbm>> -> memref<1x1x1x8x128xf32, #tpu.memory_space<hbm>>
    %dma_wait3A_287 = tpu.memref_squeeze %dma_wait3A_286 : memref<1x1x1x8x128xf32, #tpu.memory_space<hbm>> -> memref<8x128xf32, #tpu.memory_space<hbm>>
    %dma_wait3A_288 = arith.constant 0 : i32
    %dma_wait3A_289 = arith.constant 0 : i32
    %dma_wait3A_290 = tpu.memref_slice %arg4[%shift_right_logical3A_217, %dma_wait3A_280, %and3A_219, %dma_wait3A_288, %dma_wait3A_289] : memref<50x8x128x8x128xf32, #tpu.memory_space<hbm>> -> memref<1x1x1x8x128xf32, #tpu.memory_space<hbm>>
    %dma_wait3A_291 = tpu.memref_squeeze %dma_wait3A_290 : memref<1x1x1x8x128xf32, #tpu.memory_space<hbm>> -> memref<8x128xf32, #tpu.memory_space<hbm>>
    %dma_wait3A_292 = arith.constant 32 : i32
    %dma_wait3A_293 = arith.constant 0 : i32
    %dma_wait3A_294 = tpu.memref_slice %arg14[%dma_wait3A_292, %dma_wait3A_293] : memref<64x129xf32, #tpu.memory_space<vmem>> -> memref<8x128xf32, #tpu.memory_space<vmem>>
    tpu.wait_dma2 semaphore(%arg26 : memref<!tpu.dma_semaphore, #tpu.memory_space<semaphore_mem>>) src(%dma_wait3A_294 : memref<8x128xf32, #tpu.memory_space<vmem>>) dst(%dma_wait3A_291 : memref<8x128xf32, #tpu.memory_space<hbm>>)
    %dma_wait3A_295 = arith.constant 5 : i32
    %dma_wait3A_296 = arith.constant 40 : i32
    %dma_wait3A_297 = arith.constant 0 : i32
    %dma_wait3A_298 = tpu.memref_slice %arg14[%dma_wait3A_296, %dma_wait3A_297] : memref<64x129xf32, #tpu.memory_space<vmem>> -> memref<8x128xf32, #tpu.memory_space<vmem>>
    %dma_wait3A_299 = arith.constant 0 : i32
    %dma_wait3A_300 = arith.constant 0 : i32
    %dma_wait3A_301 = tpu.memref_slice %arg4[%shift_right_logical3A_217, %dma_wait3A_295, %and3A_219, %dma_wait3A_299, %dma_wait3A_300] : memref<50x8x128x8x128xf32, #tpu.memory_space<hbm>> -> memref<1x1x1x8x128xf32, #tpu.memory_space<hbm>>
    %dma_wait3A_302 = tpu.memref_squeeze %dma_wait3A_301 : memref<1x1x1x8x128xf32, #tpu.memory_space<hbm>> -> memref<8x128xf32, #tpu.memory_space<hbm>>
    %dma_wait3A_303 = arith.constant 0 : i32
    %dma_wait3A_304 = arith.constant 0 : i32
    %dma_wait3A_305 = tpu.memref_slice %arg4[%shift_right_logical3A_217, %dma_wait3A_295, %and3A_219, %dma_wait3A_303, %dma_wait3A_304] : memref<50x8x128x8x128xf32, #tpu.memory_space<hbm>> -> memref<1x1x1x8x128xf32, #tpu.memory_space<hbm>>
    %dma_wait3A_306 = tpu.memref_squeeze %dma_wait3A_305 : memref<1x1x1x8x128xf32, #tpu.memory_space<hbm>> -> memref<8x128xf32, #tpu.memory_space<hbm>>
    %dma_wait3A_307 = arith.constant 40 : i32
    %dma_wait3A_308 = arith.constant 0 : i32
    %dma_wait3A_309 = tpu.memref_slice %arg14[%dma_wait3A_307, %dma_wait3A_308] : memref<64x129xf32, #tpu.memory_space<vmem>> -> memref<8x128xf32, #tpu.memory_space<vmem>>
    tpu.wait_dma2 semaphore(%arg26 : memref<!tpu.dma_semaphore, #tpu.memory_space<semaphore_mem>>) src(%dma_wait3A_309 : memref<8x128xf32, #tpu.memory_space<vmem>>) dst(%dma_wait3A_306 : memref<8x128xf32, #tpu.memory_space<hbm>>)
    %dma_wait3A_310 = arith.constant 6 : i32
    %dma_wait3A_311 = arith.constant 48 : i32
    %dma_wait3A_312 = arith.constant 0 : i32
    %dma_wait3A_313 = tpu.memref_slice %arg14[%dma_wait3A_311, %dma_wait3A_312] : memref<64x129xf32, #tpu.memory_space<vmem>> -> memref<8x128xf32, #tpu.memory_space<vmem>>
    %dma_wait3A_314 = arith.constant 0 : i32
    %dma_wait3A_315 = arith.constant 0 : i32
    %dma_wait3A_316 = tpu.memref_slice %arg4[%shift_right_logical3A_217, %dma_wait3A_310, %and3A_219, %dma_wait3A_314, %dma_wait3A_315] : memref<50x8x128x8x128xf32, #tpu.memory_space<hbm>> -> memref<1x1x1x8x128xf32, #tpu.memory_space<hbm>>
    %dma_wait3A_317 = tpu.memref_squeeze %dma_wait3A_316 : memref<1x1x1x8x128xf32, #tpu.memory_space<hbm>> -> memref<8x128xf32, #tpu.memory_space<hbm>>
    %dma_wait3A_318 = arith.constant 0 : i32
    %dma_wait3A_319 = arith.constant 0 : i32
    %dma_wait3A_320 = tpu.memref_slice %arg4[%shift_right_logical3A_217, %dma_wait3A_310, %and3A_219, %dma_wait3A_318, %dma_wait3A_319] : memref<50x8x128x8x128xf32, #tpu.memory_space<hbm>> -> memref<1x1x1x8x128xf32, #tpu.memory_space<hbm>>
    %dma_wait3A_321 = tpu.memref_squeeze %dma_wait3A_320 : memref<1x1x1x8x128xf32, #tpu.memory_space<hbm>> -> memref<8x128xf32, #tpu.memory_space<hbm>>
    %dma_wait3A_322 = arith.constant 48 : i32
    %dma_wait3A_323 = arith.constant 0 : i32
    %dma_wait3A_324 = tpu.memref_slice %arg14[%dma_wait3A_322, %dma_wait3A_323] : memref<64x129xf32, #tpu.memory_space<vmem>> -> memref<8x128xf32, #tpu.memory_space<vmem>>
    tpu.wait_dma2 semaphore(%arg26 : memref<!tpu.dma_semaphore, #tpu.memory_space<semaphore_mem>>) src(%dma_wait3A_324 : memref<8x128xf32, #tpu.memory_space<vmem>>) dst(%dma_wait3A_321 : memref<8x128xf32, #tpu.memory_space<hbm>>)
    %dma_wait3A_325 = arith.constant 7 : i32
    %dma_wait3A_326 = arith.constant 56 : i32
    %dma_wait3A_327 = arith.constant 0 : i32
    %dma_wait3A_328 = tpu.memref_slice %arg14[%dma_wait3A_326, %dma_wait3A_327] : memref<64x129xf32, #tpu.memory_space<vmem>> -> memref<8x128xf32, #tpu.memory_space<vmem>>
    %dma_wait3A_329 = arith.constant 0 : i32
    %dma_wait3A_330 = arith.constant 0 : i32
    %dma_wait3A_331 = tpu.memref_slice %arg4[%shift_right_logical3A_217, %dma_wait3A_325, %and3A_219, %dma_wait3A_329, %dma_wait3A_330] : memref<50x8x128x8x128xf32, #tpu.memory_space<hbm>> -> memref<1x1x1x8x128xf32, #tpu.memory_space<hbm>>
    %dma_wait3A_332 = tpu.memref_squeeze %dma_wait3A_331 : memref<1x1x1x8x128xf32, #tpu.memory_space<hbm>> -> memref<8x128xf32, #tpu.memory_space<hbm>>
    %dma_wait3A_333 = arith.constant 0 : i32
    %dma_wait3A_334 = arith.constant 0 : i32
    %dma_wait3A_335 = tpu.memref_slice %arg4[%shift_right_logical3A_217, %dma_wait3A_325, %and3A_219, %dma_wait3A_333, %dma_wait3A_334] : memref<50x8x128x8x128xf32, #tpu.memory_space<hbm>> -> memref<1x1x1x8x128xf32, #tpu.memory_space<hbm>>
    %dma_wait3A_336 = tpu.memref_squeeze %dma_wait3A_335 : memref<1x1x1x8x128xf32, #tpu.memory_space<hbm>> -> memref<8x128xf32, #tpu.memory_space<hbm>>
    %dma_wait3A_337 = arith.constant 56 : i32
    %dma_wait3A_338 = arith.constant 0 : i32
    %dma_wait3A_339 = tpu.memref_slice %arg14[%dma_wait3A_337, %dma_wait3A_338] : memref<64x129xf32, #tpu.memory_space<vmem>> -> memref<8x128xf32, #tpu.memory_space<vmem>>
    tpu.wait_dma2 semaphore(%arg26 : memref<!tpu.dma_semaphore, #tpu.memory_space<semaphore_mem>>) src(%dma_wait3A_339 : memref<8x128xf32, #tpu.memory_space<vmem>>) dst(%dma_wait3A_336 : memref<8x128xf32, #tpu.memory_space<hbm>>)
    %add3A_340 = arith.constant 196 : i32
    %add3A_341 = arith.addi %mul3A_2, %add3A_340 : i32
    %add3A_342 = arith.constant 2 : i32
    %add3A_343 = arith.addi %add3A_341, %add3A_342 : i32
    %shift_right_logical3A_344 = arith.constant 7 : i32
    %shift_right_logical3A_345 = arith.shrui %add3A_343, %shift_right_logical3A_344 : i32
    %and3A_346 = arith.constant 127 : i32
    %and3A_347 = arith.andi %add3A_343, %and3A_346 : i32
    %dma_wait3A_348 = arith.constant 0 : i32
    %dma_wait3A_349 = arith.constant 0 : i32
    %dma_wait3A_350 = arith.constant 0 : i32
    %dma_wait3A_351 = tpu.memref_slice %arg15[%dma_wait3A_349, %dma_wait3A_350] : memref<64x129xf32, #tpu.memory_space<vmem>> -> memref<8x128xf32, #tpu.memory_space<vmem>>
    %dma_wait3A_352 = arith.constant 0 : i32
    %dma_wait3A_353 = arith.constant 0 : i32
    %dma_wait3A_354 = tpu.memref_slice %arg4[%shift_right_logical3A_345, %dma_wait3A_348, %and3A_347, %dma_wait3A_352, %dma_wait3A_353] : memref<50x8x128x8x128xf32, #tpu.memory_space<hbm>> -> memref<1x1x1x8x128xf32, #tpu.memory_space<hbm>>
    %dma_wait3A_355 = tpu.memref_squeeze %dma_wait3A_354 : memref<1x1x1x8x128xf32, #tpu.memory_space<hbm>> -> memref<8x128xf32, #tpu.memory_space<hbm>>
    %dma_wait3A_356 = arith.constant 0 : i32
    %dma_wait3A_357 = arith.constant 0 : i32
    %dma_wait3A_358 = tpu.memref_slice %arg4[%shift_right_logical3A_345, %dma_wait3A_348, %and3A_347, %dma_wait3A_356, %dma_wait3A_357] : memref<50x8x128x8x128xf32, #tpu.memory_space<hbm>> -> memref<1x1x1x8x128xf32, #tpu.memory_space<hbm>>
    %dma_wait3A_359 = tpu.memref_squeeze %dma_wait3A_358 : memref<1x1x1x8x128xf32, #tpu.memory_space<hbm>> -> memref<8x128xf32, #tpu.memory_space<hbm>>
    %dma_wait3A_360 = arith.constant 0 : i32
    %dma_wait3A_361 = arith.constant 0 : i32
    %dma_wait3A_362 = tpu.memref_slice %arg15[%dma_wait3A_360, %dma_wait3A_361] : memref<64x129xf32, #tpu.memory_space<vmem>> -> memref<8x128xf32, #tpu.memory_space<vmem>>
    tpu.wait_dma2 semaphore(%arg27 : memref<!tpu.dma_semaphore, #tpu.memory_space<semaphore_mem>>) src(%dma_wait3A_362 : memref<8x128xf32, #tpu.memory_space<vmem>>) dst(%dma_wait3A_359 : memref<8x128xf32, #tpu.memory_space<hbm>>)
    %dma_wait3A_363 = arith.constant 1 : i32
    %dma_wait3A_364 = arith.constant 8 : i32
    %dma_wait3A_365 = arith.constant 0 : i32
    %dma_wait3A_366 = tpu.memref_slice %arg15[%dma_wait3A_364, %dma_wait3A_365] : memref<64x129xf32, #tpu.memory_space<vmem>> -> memref<8x128xf32, #tpu.memory_space<vmem>>
    %dma_wait3A_367 = arith.constant 0 : i32
    %dma_wait3A_368 = arith.constant 0 : i32
    %dma_wait3A_369 = tpu.memref_slice %arg4[%shift_right_logical3A_345, %dma_wait3A_363, %and3A_347, %dma_wait3A_367, %dma_wait3A_368] : memref<50x8x128x8x128xf32, #tpu.memory_space<hbm>> -> memref<1x1x1x8x128xf32, #tpu.memory_space<hbm>>
    %dma_wait3A_370 = tpu.memref_squeeze %dma_wait3A_369 : memref<1x1x1x8x128xf32, #tpu.memory_space<hbm>> -> memref<8x128xf32, #tpu.memory_space<hbm>>
    %dma_wait3A_371 = arith.constant 0 : i32
    %dma_wait3A_372 = arith.constant 0 : i32
    %dma_wait3A_373 = tpu.memref_slice %arg4[%shift_right_logical3A_345, %dma_wait3A_363, %and3A_347, %dma_wait3A_371, %dma_wait3A_372] : memref<50x8x128x8x128xf32, #tpu.memory_space<hbm>> -> memref<1x1x1x8x128xf32, #tpu.memory_space<hbm>>
    %dma_wait3A_374 = tpu.memref_squeeze %dma_wait3A_373 : memref<1x1x1x8x128xf32, #tpu.memory_space<hbm>> -> memref<8x128xf32, #tpu.memory_space<hbm>>
    %dma_wait3A_375 = arith.constant 8 : i32
    %dma_wait3A_376 = arith.constant 0 : i32
    %dma_wait3A_377 = tpu.memref_slice %arg15[%dma_wait3A_375, %dma_wait3A_376] : memref<64x129xf32, #tpu.memory_space<vmem>> -> memref<8x128xf32, #tpu.memory_space<vmem>>
    tpu.wait_dma2 semaphore(%arg27 : memref<!tpu.dma_semaphore, #tpu.memory_space<semaphore_mem>>) src(%dma_wait3A_377 : memref<8x128xf32, #tpu.memory_space<vmem>>) dst(%dma_wait3A_374 : memref<8x128xf32, #tpu.memory_space<hbm>>)
    %dma_wait3A_378 = arith.constant 2 : i32
    %dma_wait3A_379 = arith.constant 16 : i32
    %dma_wait3A_380 = arith.constant 0 : i32
    %dma_wait3A_381 = tpu.memref_slice %arg15[%dma_wait3A_379, %dma_wait3A_380] : memref<64x129xf32, #tpu.memory_space<vmem>> -> memref<8x128xf32, #tpu.memory_space<vmem>>
    %dma_wait3A_382 = arith.constant 0 : i32
    %dma_wait3A_383 = arith.constant 0 : i32
    %dma_wait3A_384 = tpu.memref_slice %arg4[%shift_right_logical3A_345, %dma_wait3A_378, %and3A_347, %dma_wait3A_382, %dma_wait3A_383] : memref<50x8x128x8x128xf32, #tpu.memory_space<hbm>> -> memref<1x1x1x8x128xf32, #tpu.memory_space<hbm>>
    %dma_wait3A_385 = tpu.memref_squeeze %dma_wait3A_384 : memref<1x1x1x8x128xf32, #tpu.memory_space<hbm>> -> memref<8x128xf32, #tpu.memory_space<hbm>>
    %dma_wait3A_386 = arith.constant 0 : i32
    %dma_wait3A_387 = arith.constant 0 : i32
    %dma_wait3A_388 = tpu.memref_slice %arg4[%shift_right_logical3A_345, %dma_wait3A_378, %and3A_347, %dma_wait3A_386, %dma_wait3A_387] : memref<50x8x128x8x128xf32, #tpu.memory_space<hbm>> -> memref<1x1x1x8x128xf32, #tpu.memory_space<hbm>>
    %dma_wait3A_389 = tpu.memref_squeeze %dma_wait3A_388 : memref<1x1x1x8x128xf32, #tpu.memory_space<hbm>> -> memref<8x128xf32, #tpu.memory_space<hbm>>
    %dma_wait3A_390 = arith.constant 16 : i32
    %dma_wait3A_391 = arith.constant 0 : i32
    %dma_wait3A_392 = tpu.memref_slice %arg15[%dma_wait3A_390, %dma_wait3A_391] : memref<64x129xf32, #tpu.memory_space<vmem>> -> memref<8x128xf32, #tpu.memory_space<vmem>>
    tpu.wait_dma2 semaphore(%arg27 : memref<!tpu.dma_semaphore, #tpu.memory_space<semaphore_mem>>) src(%dma_wait3A_392 : memref<8x128xf32, #tpu.memory_space<vmem>>) dst(%dma_wait3A_389 : memref<8x128xf32, #tpu.memory_space<hbm>>)
    %dma_wait3A_393 = arith.constant 3 : i32
    %dma_wait3A_394 = arith.constant 24 : i32
    %dma_wait3A_395 = arith.constant 0 : i32
    %dma_wait3A_396 = tpu.memref_slice %arg15[%dma_wait3A_394, %dma_wait3A_395] : memref<64x129xf32, #tpu.memory_space<vmem>> -> memref<8x128xf32, #tpu.memory_space<vmem>>
    %dma_wait3A_397 = arith.constant 0 : i32
    %dma_wait3A_398 = arith.constant 0 : i32
    %dma_wait3A_399 = tpu.memref_slice %arg4[%shift_right_logical3A_345, %dma_wait3A_393, %and3A_347, %dma_wait3A_397, %dma_wait3A_398] : memref<50x8x128x8x128xf32, #tpu.memory_space<hbm>> -> memref<1x1x1x8x128xf32, #tpu.memory_space<hbm>>
    %dma_wait3A_400 = tpu.memref_squeeze %dma_wait3A_399 : memref<1x1x1x8x128xf32, #tpu.memory_space<hbm>> -> memref<8x128xf32, #tpu.memory_space<hbm>>
    %dma_wait3A_401 = arith.constant 0 : i32
    %dma_wait3A_402 = arith.constant 0 : i32
    %dma_wait3A_403 = tpu.memref_slice %arg4[%shift_right_logical3A_345, %dma_wait3A_393, %and3A_347, %dma_wait3A_401, %dma_wait3A_402] : memref<50x8x128x8x128xf32, #tpu.memory_space<hbm>> -> memref<1x1x1x8x128xf32, #tpu.memory_space<hbm>>
    %dma_wait3A_404 = tpu.memref_squeeze %dma_wait3A_403 : memref<1x1x1x8x128xf32, #tpu.memory_space<hbm>> -> memref<8x128xf32, #tpu.memory_space<hbm>>
    %dma_wait3A_405 = arith.constant 24 : i32
    %dma_wait3A_406 = arith.constant 0 : i32
    %dma_wait3A_407 = tpu.memref_slice %arg15[%dma_wait3A_405, %dma_wait3A_406] : memref<64x129xf32, #tpu.memory_space<vmem>> -> memref<8x128xf32, #tpu.memory_space<vmem>>
    tpu.wait_dma2 semaphore(%arg27 : memref<!tpu.dma_semaphore, #tpu.memory_space<semaphore_mem>>) src(%dma_wait3A_407 : memref<8x128xf32, #tpu.memory_space<vmem>>) dst(%dma_wait3A_404 : memref<8x128xf32, #tpu.memory_space<hbm>>)
    %dma_wait3A_408 = arith.constant 4 : i32
    %dma_wait3A_409 = arith.constant 32 : i32
    %dma_wait3A_410 = arith.constant 0 : i32
    %dma_wait3A_411 = tpu.memref_slice %arg15[%dma_wait3A_409, %dma_wait3A_410] : memref<64x129xf32, #tpu.memory_space<vmem>> -> memref<8x128xf32, #tpu.memory_space<vmem>>
    %dma_wait3A_412 = arith.constant 0 : i32
    %dma_wait3A_413 = arith.constant 0 : i32
    %dma_wait3A_414 = tpu.memref_slice %arg4[%shift_right_logical3A_345, %dma_wait3A_408, %and3A_347, %dma_wait3A_412, %dma_wait3A_413] : memref<50x8x128x8x128xf32, #tpu.memory_space<hbm>> -> memref<1x1x1x8x128xf32, #tpu.memory_space<hbm>>
    %dma_wait3A_415 = tpu.memref_squeeze %dma_wait3A_414 : memref<1x1x1x8x128xf32, #tpu.memory_space<hbm>> -> memref<8x128xf32, #tpu.memory_space<hbm>>
    %dma_wait3A_416 = arith.constant 0 : i32
    %dma_wait3A_417 = arith.constant 0 : i32
    %dma_wait3A_418 = tpu.memref_slice %arg4[%shift_right_logical3A_345, %dma_wait3A_408, %and3A_347, %dma_wait3A_416, %dma_wait3A_417] : memref<50x8x128x8x128xf32, #tpu.memory_space<hbm>> -> memref<1x1x1x8x128xf32, #tpu.memory_space<hbm>>
    %dma_wait3A_419 = tpu.memref_squeeze %dma_wait3A_418 : memref<1x1x1x8x128xf32, #tpu.memory_space<hbm>> -> memref<8x128xf32, #tpu.memory_space<hbm>>
    %dma_wait3A_420 = arith.constant 32 : i32
    %dma_wait3A_421 = arith.constant 0 : i32
    %dma_wait3A_422 = tpu.memref_slice %arg15[%dma_wait3A_420, %dma_wait3A_421] : memref<64x129xf32, #tpu.memory_space<vmem>> -> memref<8x128xf32, #tpu.memory_space<vmem>>
    tpu.wait_dma2 semaphore(%arg27 : memref<!tpu.dma_semaphore, #tpu.memory_space<semaphore_mem>>) src(%dma_wait3A_422 : memref<8x128xf32, #tpu.memory_space<vmem>>) dst(%dma_wait3A_419 : memref<8x128xf32, #tpu.memory_space<hbm>>)
    %dma_wait3A_423 = arith.constant 5 : i32
    %dma_wait3A_424 = arith.constant 40 : i32
    %dma_wait3A_425 = arith.constant 0 : i32
    %dma_wait3A_426 = tpu.memref_slice %arg15[%dma_wait3A_424, %dma_wait3A_425] : memref<64x129xf32, #tpu.memory_space<vmem>> -> memref<8x128xf32, #tpu.memory_space<vmem>>
    %dma_wait3A_427 = arith.constant 0 : i32
    %dma_wait3A_428 = arith.constant 0 : i32
    %dma_wait3A_429 = tpu.memref_slice %arg4[%shift_right_logical3A_345, %dma_wait3A_423, %and3A_347, %dma_wait3A_427, %dma_wait3A_428] : memref<50x8x128x8x128xf32, #tpu.memory_space<hbm>> -> memref<1x1x1x8x128xf32, #tpu.memory_space<hbm>>
    %dma_wait3A_430 = tpu.memref_squeeze %dma_wait3A_429 : memref<1x1x1x8x128xf32, #tpu.memory_space<hbm>> -> memref<8x128xf32, #tpu.memory_space<hbm>>
    %dma_wait3A_431 = arith.constant 0 : i32
    %dma_wait3A_432 = arith.constant 0 : i32
    %dma_wait3A_433 = tpu.memref_slice %arg4[%shift_right_logical3A_345, %dma_wait3A_423, %and3A_347, %dma_wait3A_431, %dma_wait3A_432] : memref<50x8x128x8x128xf32, #tpu.memory_space<hbm>> -> memref<1x1x1x8x128xf32, #tpu.memory_space<hbm>>
    %dma_wait3A_434 = tpu.memref_squeeze %dma_wait3A_433 : memref<1x1x1x8x128xf32, #tpu.memory_space<hbm>> -> memref<8x128xf32, #tpu.memory_space<hbm>>
    %dma_wait3A_435 = arith.constant 40 : i32
    %dma_wait3A_436 = arith.constant 0 : i32
    %dma_wait3A_437 = tpu.memref_slice %arg15[%dma_wait3A_435, %dma_wait3A_436] : memref<64x129xf32, #tpu.memory_space<vmem>> -> memref<8x128xf32, #tpu.memory_space<vmem>>
    tpu.wait_dma2 semaphore(%arg27 : memref<!tpu.dma_semaphore, #tpu.memory_space<semaphore_mem>>) src(%dma_wait3A_437 : memref<8x128xf32, #tpu.memory_space<vmem>>) dst(%dma_wait3A_434 : memref<8x128xf32, #tpu.memory_space<hbm>>)
    %dma_wait3A_438 = arith.constant 6 : i32
    %dma_wait3A_439 = arith.constant 48 : i32
    %dma_wait3A_440 = arith.constant 0 : i32
    %dma_wait3A_441 = tpu.memref_slice %arg15[%dma_wait3A_439, %dma_wait3A_440] : memref<64x129xf32, #tpu.memory_space<vmem>> -> memref<8x128xf32, #tpu.memory_space<vmem>>
    %dma_wait3A_442 = arith.constant 0 : i32
    %dma_wait3A_443 = arith.constant 0 : i32
    %dma_wait3A_444 = tpu.memref_slice %arg4[%shift_right_logical3A_345, %dma_wait3A_438, %and3A_347, %dma_wait3A_442, %dma_wait3A_443] : memref<50x8x128x8x128xf32, #tpu.memory_space<hbm>> -> memref<1x1x1x8x128xf32, #tpu.memory_space<hbm>>
    %dma_wait3A_445 = tpu.memref_squeeze %dma_wait3A_444 : memref<1x1x1x8x128xf32, #tpu.memory_space<hbm>> -> memref<8x128xf32, #tpu.memory_space<hbm>>
    %dma_wait3A_446 = arith.constant 0 : i32
    %dma_wait3A_447 = arith.constant 0 : i32
    %dma_wait3A_448 = tpu.memref_slice %arg4[%shift_right_logical3A_345, %dma_wait3A_438, %and3A_347, %dma_wait3A_446, %dma_wait3A_447] : memref<50x8x128x8x128xf32, #tpu.memory_space<hbm>> -> memref<1x1x1x8x128xf32, #tpu.memory_space<hbm>>
    %dma_wait3A_449 = tpu.memref_squeeze %dma_wait3A_448 : memref<1x1x1x8x128xf32, #tpu.memory_space<hbm>> -> memref<8x128xf32, #tpu.memory_space<hbm>>
    %dma_wait3A_450 = arith.constant 48 : i32
    %dma_wait3A_451 = arith.constant 0 : i32
    %dma_wait3A_452 = tpu.memref_slice %arg15[%dma_wait3A_450, %dma_wait3A_451] : memref<64x129xf32, #tpu.memory_space<vmem>> -> memref<8x128xf32, #tpu.memory_space<vmem>>
    tpu.wait_dma2 semaphore(%arg27 : memref<!tpu.dma_semaphore, #tpu.memory_space<semaphore_mem>>) src(%dma_wait3A_452 : memref<8x128xf32, #tpu.memory_space<vmem>>) dst(%dma_wait3A_449 : memref<8x128xf32, #tpu.memory_space<hbm>>)
    %dma_wait3A_453 = arith.constant 7 : i32
    %dma_wait3A_454 = arith.constant 56 : i32
    %dma_wait3A_455 = arith.constant 0 : i32
    %dma_wait3A_456 = tpu.memref_slice %arg15[%dma_wait3A_454, %dma_wait3A_455] : memref<64x129xf32, #tpu.memory_space<vmem>> -> memref<8x128xf32, #tpu.memory_space<vmem>>
    %dma_wait3A_457 = arith.constant 0 : i32
    %dma_wait3A_458 = arith.constant 0 : i32
    %dma_wait3A_459 = tpu.memref_slice %arg4[%shift_right_logical3A_345, %dma_wait3A_453, %and3A_347, %dma_wait3A_457, %dma_wait3A_458] : memref<50x8x128x8x128xf32, #tpu.memory_space<hbm>> -> memref<1x1x1x8x128xf32, #tpu.memory_space<hbm>>
    %dma_wait3A_460 = tpu.memref_squeeze %dma_wait3A_459 : memref<1x1x1x8x128xf32, #tpu.memory_space<hbm>> -> memref<8x128xf32, #tpu.memory_space<hbm>>
    %dma_wait3A_461 = arith.constant 0 : i32
    %dma_wait3A_462 = arith.constant 0 : i32
    %dma_wait3A_463 = tpu.memref_slice %arg4[%shift_right_logical3A_345, %dma_wait3A_453, %and3A_347, %dma_wait3A_461, %dma_wait3A_462] : memref<50x8x128x8x128xf32, #tpu.memory_space<hbm>> -> memref<1x1x1x8x128xf32, #tpu.memory_space<hbm>>
    %dma_wait3A_464 = tpu.memref_squeeze %dma_wait3A_463 : memref<1x1x1x8x128xf32, #tpu.memory_space<hbm>> -> memref<8x128xf32, #tpu.memory_space<hbm>>
    %dma_wait3A_465 = arith.constant 56 : i32
    %dma_wait3A_466 = arith.constant 0 : i32
    %dma_wait3A_467 = tpu.memref_slice %arg15[%dma_wait3A_465, %dma_wait3A_466] : memref<64x129xf32, #tpu.memory_space<vmem>> -> memref<8x128xf32, #tpu.memory_space<vmem>>
    tpu.wait_dma2 semaphore(%arg27 : memref<!tpu.dma_semaphore, #tpu.memory_space<semaphore_mem>>) src(%dma_wait3A_467 : memref<8x128xf32, #tpu.memory_space<vmem>>) dst(%dma_wait3A_464 : memref<8x128xf32, #tpu.memory_space<hbm>>)
    %add3A_468 = arith.constant 196 : i32
    %add3A_469 = arith.addi %mul3A_2, %add3A_468 : i32
    %add3A_470 = arith.constant 3 : i32
    %add3A_471 = arith.addi %add3A_469, %add3A_470 : i32
    %shift_right_logical3A_472 = arith.constant 7 : i32
    %shift_right_logical3A_473 = arith.shrui %add3A_471, %shift_right_logical3A_472 : i32
    %and3A_474 = arith.constant 127 : i32
    %and3A_475 = arith.andi %add3A_471, %and3A_474 : i32
    %dma_wait3A_476 = arith.constant 0 : i32
    %dma_wait3A_477 = arith.constant 0 : i32
    %dma_wait3A_478 = arith.constant 0 : i32
    %dma_wait3A_479 = tpu.memref_slice %arg16[%dma_wait3A_477, %dma_wait3A_478] : memref<64x129xf32, #tpu.memory_space<vmem>> -> memref<8x128xf32, #tpu.memory_space<vmem>>
    %dma_wait3A_480 = arith.constant 0 : i32
    %dma_wait3A_481 = arith.constant 0 : i32
    %dma_wait3A_482 = tpu.memref_slice %arg4[%shift_right_logical3A_473, %dma_wait3A_476, %and3A_475, %dma_wait3A_480, %dma_wait3A_481] : memref<50x8x128x8x128xf32, #tpu.memory_space<hbm>> -> memref<1x1x1x8x128xf32, #tpu.memory_space<hbm>>
    %dma_wait3A_483 = tpu.memref_squeeze %dma_wait3A_482 : memref<1x1x1x8x128xf32, #tpu.memory_space<hbm>> -> memref<8x128xf32, #tpu.memory_space<hbm>>
    %dma_wait3A_484 = arith.constant 0 : i32
    %dma_wait3A_485 = arith.constant 0 : i32
    %dma_wait3A_486 = tpu.memref_slice %arg4[%shift_right_logical3A_473, %dma_wait3A_476, %and3A_475, %dma_wait3A_484, %dma_wait3A_485] : memref<50x8x128x8x128xf32, #tpu.memory_space<hbm>> -> memref<1x1x1x8x128xf32, #tpu.memory_space<hbm>>
    %dma_wait3A_487 = tpu.memref_squeeze %dma_wait3A_486 : memref<1x1x1x8x128xf32, #tpu.memory_space<hbm>> -> memref<8x128xf32, #tpu.memory_space<hbm>>
    %dma_wait3A_488 = arith.constant 0 : i32
    %dma_wait3A_489 = arith.constant 0 : i32
    %dma_wait3A_490 = tpu.memref_slice %arg16[%dma_wait3A_488, %dma_wait3A_489] : memref<64x129xf32, #tpu.memory_space<vmem>> -> memref<8x128xf32, #tpu.memory_space<vmem>>
    tpu.wait_dma2 semaphore(%arg28 : memref<!tpu.dma_semaphore, #tpu.memory_space<semaphore_mem>>) src(%dma_wait3A_490 : memref<8x128xf32, #tpu.memory_space<vmem>>) dst(%dma_wait3A_487 : memref<8x128xf32, #tpu.memory_space<hbm>>)
    %dma_wait3A_491 = arith.constant 1 : i32
    %dma_wait3A_492 = arith.constant 8 : i32
    %dma_wait3A_493 = arith.constant 0 : i32
    %dma_wait3A_494 = tpu.memref_slice %arg16[%dma_wait3A_492, %dma_wait3A_493] : memref<64x129xf32, #tpu.memory_space<vmem>> -> memref<8x128xf32, #tpu.memory_space<vmem>>
    %dma_wait3A_495 = arith.constant 0 : i32
    %dma_wait3A_496 = arith.constant 0 : i32
    %dma_wait3A_497 = tpu.memref_slice %arg4[%shift_right_logical3A_473, %dma_wait3A_491, %and3A_475, %dma_wait3A_495, %dma_wait3A_496] : memref<50x8x128x8x128xf32, #tpu.memory_space<hbm>> -> memref<1x1x1x8x128xf32, #tpu.memory_space<hbm>>
    %dma_wait3A_498 = tpu.memref_squeeze %dma_wait3A_497 : memref<1x1x1x8x128xf32, #tpu.memory_space<hbm>> -> memref<8x128xf32, #tpu.memory_space<hbm>>
    %dma_wait3A_499 = arith.constant 0 : i32
    %dma_wait3A_500 = arith.constant 0 : i32
    %dma_wait3A_501 = tpu.memref_slice %arg4[%shift_right_logical3A_473, %dma_wait3A_491, %and3A_475, %dma_wait3A_499, %dma_wait3A_500] : memref<50x8x128x8x128xf32, #tpu.memory_space<hbm>> -> memref<1x1x1x8x128xf32, #tpu.memory_space<hbm>>
    %dma_wait3A_502 = tpu.memref_squeeze %dma_wait3A_501 : memref<1x1x1x8x128xf32, #tpu.memory_space<hbm>> -> memref<8x128xf32, #tpu.memory_space<hbm>>
    %dma_wait3A_503 = arith.constant 8 : i32
    %dma_wait3A_504 = arith.constant 0 : i32
    %dma_wait3A_505 = tpu.memref_slice %arg16[%dma_wait3A_503, %dma_wait3A_504] : memref<64x129xf32, #tpu.memory_space<vmem>> -> memref<8x128xf32, #tpu.memory_space<vmem>>
    tpu.wait_dma2 semaphore(%arg28 : memref<!tpu.dma_semaphore, #tpu.memory_space<semaphore_mem>>) src(%dma_wait3A_505 : memref<8x128xf32, #tpu.memory_space<vmem>>) dst(%dma_wait3A_502 : memref<8x128xf32, #tpu.memory_space<hbm>>)
    %dma_wait3A_506 = arith.constant 2 : i32
    %dma_wait3A_507 = arith.constant 16 : i32
    %dma_wait3A_508 = arith.constant 0 : i32
    %dma_wait3A_509 = tpu.memref_slice %arg16[%dma_wait3A_507, %dma_wait3A_508] : memref<64x129xf32, #tpu.memory_space<vmem>> -> memref<8x128xf32, #tpu.memory_space<vmem>>
    %dma_wait3A_510 = arith.constant 0 : i32
    %dma_wait3A_511 = arith.constant 0 : i32
    %dma_wait3A_512 = tpu.memref_slice %arg4[%shift_right_logical3A_473, %dma_wait3A_506, %and3A_475, %dma_wait3A_510, %dma_wait3A_511] : memref<50x8x128x8x128xf32, #tpu.memory_space<hbm>> -> memref<1x1x1x8x128xf32, #tpu.memory_space<hbm>>
    %dma_wait3A_513 = tpu.memref_squeeze %dma_wait3A_512 : memref<1x1x1x8x128xf32, #tpu.memory_space<hbm>> -> memref<8x128xf32, #tpu.memory_space<hbm>>
    %dma_wait3A_514 = arith.constant 0 : i32
    %dma_wait3A_515 = arith.constant 0 : i32
    %dma_wait3A_516 = tpu.memref_slice %arg4[%shift_right_logical3A_473, %dma_wait3A_506, %and3A_475, %dma_wait3A_514, %dma_wait3A_515] : memref<50x8x128x8x128xf32, #tpu.memory_space<hbm>> -> memref<1x1x1x8x128xf32, #tpu.memory_space<hbm>>
    %dma_wait3A_517 = tpu.memref_squeeze %dma_wait3A_516 : memref<1x1x1x8x128xf32, #tpu.memory_space<hbm>> -> memref<8x128xf32, #tpu.memory_space<hbm>>
    %dma_wait3A_518 = arith.constant 16 : i32
    %dma_wait3A_519 = arith.constant 0 : i32
    %dma_wait3A_520 = tpu.memref_slice %arg16[%dma_wait3A_518, %dma_wait3A_519] : memref<64x129xf32, #tpu.memory_space<vmem>> -> memref<8x128xf32, #tpu.memory_space<vmem>>
    tpu.wait_dma2 semaphore(%arg28 : memref<!tpu.dma_semaphore, #tpu.memory_space<semaphore_mem>>) src(%dma_wait3A_520 : memref<8x128xf32, #tpu.memory_space<vmem>>) dst(%dma_wait3A_517 : memref<8x128xf32, #tpu.memory_space<hbm>>)
    %dma_wait3A_521 = arith.constant 3 : i32
    %dma_wait3A_522 = arith.constant 24 : i32
    %dma_wait3A_523 = arith.constant 0 : i32
    %dma_wait3A_524 = tpu.memref_slice %arg16[%dma_wait3A_522, %dma_wait3A_523] : memref<64x129xf32, #tpu.memory_space<vmem>> -> memref<8x128xf32, #tpu.memory_space<vmem>>
    %dma_wait3A_525 = arith.constant 0 : i32
    %dma_wait3A_526 = arith.constant 0 : i32
    %dma_wait3A_527 = tpu.memref_slice %arg4[%shift_right_logical3A_473, %dma_wait3A_521, %and3A_475, %dma_wait3A_525, %dma_wait3A_526] : memref<50x8x128x8x128xf32, #tpu.memory_space<hbm>> -> memref<1x1x1x8x128xf32, #tpu.memory_space<hbm>>
    %dma_wait3A_528 = tpu.memref_squeeze %dma_wait3A_527 : memref<1x1x1x8x128xf32, #tpu.memory_space<hbm>> -> memref<8x128xf32, #tpu.memory_space<hbm>>
    %dma_wait3A_529 = arith.constant 0 : i32
    %dma_wait3A_530 = arith.constant 0 : i32
    %dma_wait3A_531 = tpu.memref_slice %arg4[%shift_right_logical3A_473, %dma_wait3A_521, %and3A_475, %dma_wait3A_529, %dma_wait3A_530] : memref<50x8x128x8x128xf32, #tpu.memory_space<hbm>> -> memref<1x1x1x8x128xf32, #tpu.memory_space<hbm>>
    %dma_wait3A_532 = tpu.memref_squeeze %dma_wait3A_531 : memref<1x1x1x8x128xf32, #tpu.memory_space<hbm>> -> memref<8x128xf32, #tpu.memory_space<hbm>>
    %dma_wait3A_533 = arith.constant 24 : i32
    %dma_wait3A_534 = arith.constant 0 : i32
    %dma_wait3A_535 = tpu.memref_slice %arg16[%dma_wait3A_533, %dma_wait3A_534] : memref<64x129xf32, #tpu.memory_space<vmem>> -> memref<8x128xf32, #tpu.memory_space<vmem>>
    tpu.wait_dma2 semaphore(%arg28 : memref<!tpu.dma_semaphore, #tpu.memory_space<semaphore_mem>>) src(%dma_wait3A_535 : memref<8x128xf32, #tpu.memory_space<vmem>>) dst(%dma_wait3A_532 : memref<8x128xf32, #tpu.memory_space<hbm>>)
    %dma_wait3A_536 = arith.constant 4 : i32
    %dma_wait3A_537 = arith.constant 32 : i32
    %dma_wait3A_538 = arith.constant 0 : i32
    %dma_wait3A_539 = tpu.memref_slice %arg16[%dma_wait3A_537, %dma_wait3A_538] : memref<64x129xf32, #tpu.memory_space<vmem>> -> memref<8x128xf32, #tpu.memory_space<vmem>>
    %dma_wait3A_540 = arith.constant 0 : i32
    %dma_wait3A_541 = arith.constant 0 : i32
    %dma_wait3A_542 = tpu.memref_slice %arg4[%shift_right_logical3A_473, %dma_wait3A_536, %and3A_475, %dma_wait3A_540, %dma_wait3A_541] : memref<50x8x128x8x128xf32, #tpu.memory_space<hbm>> -> memref<1x1x1x8x128xf32, #tpu.memory_space<hbm>>
    %dma_wait3A_543 = tpu.memref_squeeze %dma_wait3A_542 : memref<1x1x1x8x128xf32, #tpu.memory_space<hbm>> -> memref<8x128xf32, #tpu.memory_space<hbm>>
    %dma_wait3A_544 = arith.constant 0 : i32
    %dma_wait3A_545 = arith.constant 0 : i32
    %dma_wait3A_546 = tpu.memref_slice %arg4[%shift_right_logical3A_473, %dma_wait3A_536, %and3A_475, %dma_wait3A_544, %dma_wait3A_545] : memref<50x8x128x8x128xf32, #tpu.memory_space<hbm>> -> memref<1x1x1x8x128xf32, #tpu.memory_space<hbm>>
    %dma_wait3A_547 = tpu.memref_squeeze %dma_wait3A_546 : memref<1x1x1x8x128xf32, #tpu.memory_space<hbm>> -> memref<8x128xf32, #tpu.memory_space<hbm>>
    %dma_wait3A_548 = arith.constant 32 : i32
    %dma_wait3A_549 = arith.constant 0 : i32
    %dma_wait3A_550 = tpu.memref_slice %arg16[%dma_wait3A_548, %dma_wait3A_549] : memref<64x129xf32, #tpu.memory_space<vmem>> -> memref<8x128xf32, #tpu.memory_space<vmem>>
    tpu.wait_dma2 semaphore(%arg28 : memref<!tpu.dma_semaphore, #tpu.memory_space<semaphore_mem>>) src(%dma_wait3A_550 : memref<8x128xf32, #tpu.memory_space<vmem>>) dst(%dma_wait3A_547 : memref<8x128xf32, #tpu.memory_space<hbm>>)
    %dma_wait3A_551 = arith.constant 5 : i32
    %dma_wait3A_552 = arith.constant 40 : i32
    %dma_wait3A_553 = arith.constant 0 : i32
    %dma_wait3A_554 = tpu.memref_slice %arg16[%dma_wait3A_552, %dma_wait3A_553] : memref<64x129xf32, #tpu.memory_space<vmem>> -> memref<8x128xf32, #tpu.memory_space<vmem>>
    %dma_wait3A_555 = arith.constant 0 : i32
    %dma_wait3A_556 = arith.constant 0 : i32
    %dma_wait3A_557 = tpu.memref_slice %arg4[%shift_right_logical3A_473, %dma_wait3A_551, %and3A_475, %dma_wait3A_555, %dma_wait3A_556] : memref<50x8x128x8x128xf32, #tpu.memory_space<hbm>> -> memref<1x1x1x8x128xf32, #tpu.memory_space<hbm>>
    %dma_wait3A_558 = tpu.memref_squeeze %dma_wait3A_557 : memref<1x1x1x8x128xf32, #tpu.memory_space<hbm>> -> memref<8x128xf32, #tpu.memory_space<hbm>>
    %dma_wait3A_559 = arith.constant 0 : i32
    %dma_wait3A_560 = arith.constant 0 : i32
    %dma_wait3A_561 = tpu.memref_slice %arg4[%shift_right_logical3A_473, %dma_wait3A_551, %and3A_475, %dma_wait3A_559, %dma_wait3A_560] : memref<50x8x128x8x128xf32, #tpu.memory_space<hbm>> -> memref<1x1x1x8x128xf32, #tpu.memory_space<hbm>>
    %dma_wait3A_562 = tpu.memref_squeeze %dma_wait3A_561 : memref<1x1x1x8x128xf32, #tpu.memory_space<hbm>> -> memref<8x128xf32, #tpu.memory_space<hbm>>
    %dma_wait3A_563 = arith.constant 40 : i32
    %dma_wait3A_564 = arith.constant 0 : i32
    %dma_wait3A_565 = tpu.memref_slice %arg16[%dma_wait3A_563, %dma_wait3A_564] : memref<64x129xf32, #tpu.memory_space<vmem>> -> memref<8x128xf32, #tpu.memory_space<vmem>>
    tpu.wait_dma2 semaphore(%arg28 : memref<!tpu.dma_semaphore, #tpu.memory_space<semaphore_mem>>) src(%dma_wait3A_565 : memref<8x128xf32, #tpu.memory_space<vmem>>) dst(%dma_wait3A_562 : memref<8x128xf32, #tpu.memory_space<hbm>>)
    %dma_wait3A_566 = arith.constant 6 : i32
    %dma_wait3A_567 = arith.constant 48 : i32
    %dma_wait3A_568 = arith.constant 0 : i32
    %dma_wait3A_569 = tpu.memref_slice %arg16[%dma_wait3A_567, %dma_wait3A_568] : memref<64x129xf32, #tpu.memory_space<vmem>> -> memref<8x128xf32, #tpu.memory_space<vmem>>
    %dma_wait3A_570 = arith.constant 0 : i32
    %dma_wait3A_571 = arith.constant 0 : i32
    %dma_wait3A_572 = tpu.memref_slice %arg4[%shift_right_logical3A_473, %dma_wait3A_566, %and3A_475, %dma_wait3A_570, %dma_wait3A_571] : memref<50x8x128x8x128xf32, #tpu.memory_space<hbm>> -> memref<1x1x1x8x128xf32, #tpu.memory_space<hbm>>
    %dma_wait3A_573 = tpu.memref_squeeze %dma_wait3A_572 : memref<1x1x1x8x128xf32, #tpu.memory_space<hbm>> -> memref<8x128xf32, #tpu.memory_space<hbm>>
    %dma_wait3A_574 = arith.constant 0 : i32
    %dma_wait3A_575 = arith.constant 0 : i32
    %dma_wait3A_576 = tpu.memref_slice %arg4[%shift_right_logical3A_473, %dma_wait3A_566, %and3A_475, %dma_wait3A_574, %dma_wait3A_575] : memref<50x8x128x8x128xf32, #tpu.memory_space<hbm>> -> memref<1x1x1x8x128xf32, #tpu.memory_space<hbm>>
    %dma_wait3A_577 = tpu.memref_squeeze %dma_wait3A_576 : memref<1x1x1x8x128xf32, #tpu.memory_space<hbm>> -> memref<8x128xf32, #tpu.memory_space<hbm>>
    %dma_wait3A_578 = arith.constant 48 : i32
    %dma_wait3A_579 = arith.constant 0 : i32
    %dma_wait3A_580 = tpu.memref_slice %arg16[%dma_wait3A_578, %dma_wait3A_579] : memref<64x129xf32, #tpu.memory_space<vmem>> -> memref<8x128xf32, #tpu.memory_space<vmem>>
    tpu.wait_dma2 semaphore(%arg28 : memref<!tpu.dma_semaphore, #tpu.memory_space<semaphore_mem>>) src(%dma_wait3A_580 : memref<8x128xf32, #tpu.memory_space<vmem>>) dst(%dma_wait3A_577 : memref<8x128xf32, #tpu.memory_space<hbm>>)
    %dma_wait3A_581 = arith.constant 7 : i32
    %dma_wait3A_582 = arith.constant 56 : i32
    %dma_wait3A_583 = arith.constant 0 : i32
    %dma_wait3A_584 = tpu.memref_slice %arg16[%dma_wait3A_582, %dma_wait3A_583] : memref<64x129xf32, #tpu.memory_space<vmem>> -> memref<8x128xf32, #tpu.memory_space<vmem>>
    %dma_wait3A_585 = arith.constant 0 : i32
    %dma_wait3A_586 = arith.constant 0 : i32
    %dma_wait3A_587 = tpu.memref_slice %arg4[%shift_right_logical3A_473, %dma_wait3A_581, %and3A_475, %dma_wait3A_585, %dma_wait3A_586] : memref<50x8x128x8x128xf32, #tpu.memory_space<hbm>> -> memref<1x1x1x8x128xf32, #tpu.memory_space<hbm>>
    %dma_wait3A_588 = tpu.memref_squeeze %dma_wait3A_587 : memref<1x1x1x8x128xf32, #tpu.memory_space<hbm>> -> memref<8x128xf32, #tpu.memory_space<hbm>>
    %dma_wait3A_589 = arith.constant 0 : i32
    %dma_wait3A_590 = arith.constant 0 : i32
    %dma_wait3A_591 = tpu.memref_slice %arg4[%shift_right_logical3A_473, %dma_wait3A_581, %and3A_475, %dma_wait3A_589, %dma_wait3A_590] : memref<50x8x128x8x128xf32, #tpu.memory_space<hbm>> -> memref<1x1x1x8x128xf32, #tpu.memory_space<hbm>>
    %dma_wait3A_592 = tpu.memref_squeeze %dma_wait3A_591 : memref<1x1x1x8x128xf32, #tpu.memory_space<hbm>> -> memref<8x128xf32, #tpu.memory_space<hbm>>
    %dma_wait3A_593 = arith.constant 56 : i32
    %dma_wait3A_594 = arith.constant 0 : i32
    %dma_wait3A_595 = tpu.memref_slice %arg16[%dma_wait3A_593, %dma_wait3A_594] : memref<64x129xf32, #tpu.memory_space<vmem>> -> memref<8x128xf32, #tpu.memory_space<vmem>>
    tpu.wait_dma2 semaphore(%arg28 : memref<!tpu.dma_semaphore, #tpu.memory_space<semaphore_mem>>) src(%dma_wait3A_595 : memref<8x128xf32, #tpu.memory_space<vmem>>) dst(%dma_wait3A_592 : memref<8x128xf32, #tpu.memory_space<hbm>>)
    return
  }
}

</mosaic_0001>

<sc_bundles>
// kernel: kernel.3.cloned.1.call-start
scs
__scs_entry_jumppad:
0x0: {  	(pc) =	sbr.rel $0x88, $3  }
0x1: {  	(tag) =	ssettag $0x0;
	lr =	simm.s32 $0x1  }
0x2: {  	[smem:$0x3F9F] =	sst lr;
	_ =	strace $0xD0000000  }
0x3: {  	_ = 	snop  }
0x4: {  	_ = 	snop  }
0x5: {  	_ = 	snop  }
0x6: {  	_ = 	snop  }
0x7: {  	_ = 	snop  }
__scs_overlays_trampoline_lowered:
0x8: {  	[smem:$0x3FAE] =	sst s0  }
0x9: {  	[smem:$0x3FAF] =	sst s1  }
0xa: {  	[smem:$0x3FB0] =	sst s2  }
0xb: {  	[smem:$0x3FB1] =	sst s3  }
0xc: {  	[smem:$0x3FB2] =	sst s4  }
0xd: {  	[smem:$0x3FB3] =	sst s5  }
0xe: {  	[smem:$0x3FB4] =	sst s6  }
0xf: {  	[smem:$0x3FB5] =	sst s7  }
0x10: {  	[smem:$0x3FB6] =	sst s8  }
0x11: {  	[smem:$0x3FB7] =	sst s9;
	s0 =	simm.s32 @!p0 $0x0  }
0x12: {  	s1 =	sld [smem:$0x3F9D];
	s0 =	simm.s32 @p0 $0x1  }
0x13: {  	[smem:$0x3FB8] =	sst s0;
	s0 =	simm.s32 @!p1 $0x0  }
0x14: {  	s2 =	sld [smem:$0x3F9C];
	s0 =	simm.s32 @p1 $0x1  }
0x15: {  	[smem:$0x3FB9] =	sst s0;
	s0 =	simm.s32 @!p2 $0x0  }
0x16: {  	s3 =	sld [smem:$0x3FDB];
	s0 =	simm.s32 @p2 $0x1  }
0x17: {  	s4 =	simm.s32 $0x1BF5;
	[smem:$0x3FBB] =	sst s0  }
0x18: {  	s0 =	sld [smem:$0x3F9E];
	_ =	swait.ge [sflag:s4], $0x0  }
0x19: {  	s7 =	sld [smem:$0x3F9F]  }
0x1a: {  	s8 =	sadd.s32 $0xFFFFE003, lr  }
0x1b: {  	s9 =	sadd.s32 $0xFFFFFEF7, lr;
	s5 =	simm.s32 $0xFFFFFFFF;
	p2 =	slt.u32 s8, $0xFFFFF086  }
0x1c: {  	p1 =	slt.u32 s9, $0xF7A;
	s5 =	simm.s32 @!p2 $0x0  }
0x1d: {  	s5 =	simm.s32 @p1 $0x1;
	p0 =	seq.s32 s7, s2  }
0x1e: {  	s7 =	smul.u32 @!p0 $0xF7A, s2;
	p2 =	seq.s32 @!p0 s5, $0x0  }
0x1f: {  	s9 =	smul.u32 $0xF7A, s1;
	s8 =	simm.s32 @!p0 $0x1BF5;
	p2 =	por !p2, p0  }
0x20: {  	[sflag:s8] =	ssyncset.s32 @!p0 $0xFFFFF086;
	s6 =	sadd.s32 @!p0 s3, s7;
	s7 =	simm.s32 @!p0 $0x108  }
0x21: {  	s3 =	sadd.s32 s3, s9;
	s6 =	sadd.s32 @!p0 $0x88, s6;
	s7 =	simm.s32 @p2 $0x1082  }
0x22: {  	[simem:s7], [sflag:s8] =	dma.local @!p0 [hbm:s6], $0xF7A  }
0x23: {  	s9 =	sor.u32 $0xD0000000, s2;
	s6 =	simm.s32 $0x108;
	_ =	swait.ge @!p0 [sflag:s8], $0x0  }
0x24: {  	s3 =	sadd.s32 $0x88, s3;
	s6 =	simm.s32 @!p1 $0x1082;
	[sflag:s4] =	ssyncset.s32 $0xFFFFF086  }
0x25: {  	[simem:s6], [sflag:s4] =	dma.local [hbm:s3], $0xF7A  }
0x26: {  	[smem:$0x3F9F] =	sst s1;
	(tag) =	ssettag s2;
	_ =	strace s9  }
0x27: {  	s1 =	sld [smem:$0x3FAF]  }
0x28: {  	s2 =	sld [smem:$0x3FB0]  }
0x29: {  	s4 =	sld [smem:$0x3FB2]  }
0x2a: {  	p0 =	seq.s32 s5, $0x0;
	s5 =	sld [smem:$0x3FB3]  }
0x2b: {  	s6 =	sld [smem:$0x3FB4]  }
0x2c: {  	s7 =	sld [smem:$0x3FB5]  }
0x2d: {  	s3 =	simm.s32 $0x108;
	s8 =	sld [smem:$0x3FB6]  }
0x2e: {  	s3 =	simm.s32 @!p0 $0x1082;
	s9 =	sld [smem:$0x3FB7]  }
0x2f: {  	lr =	sadd.s32 s0, s3;
	s0 =	sld [smem:$0x3FAE]  }
0x30: {  	s3 =	sld [smem:$0x3FB1]  }
0x31: {  	[smem:$0x3FBA] =	sst s10  }
0x32: {  	s10 =	sld [smem:$0x3FB8];
	_ =	sdelay $0x3  }
0x33: {  	p0 =	seq.s32 s10, $0x1;
	s10 =	sld [smem:$0x3FBA];
	_ =	sdelay $0x3  }
0x34: {  	[smem:$0x3FBA] =	sst s10  }
0x35: {  	s10 =	sld [smem:$0x3FB9];
	_ =	sdelay $0x3  }
0x36: {  	p1 =	seq.s32 s10, $0x1;
	s10 =	sld [smem:$0x3FBA];
	_ =	sdelay $0x3  }
0x37: {  	[smem:$0x3FBA] =	sst s10  }
0x38: {  	s10 =	sld [smem:$0x3FBB]  }
0x39: {  	_ = 	snop;
	(pc) =	sbr.ind lr, $3  }
0x3a: {  	_ = 	snop  }
0x3b: {  	_ = 	snop  }
0x3c: {  	p2 =	seq.s32 s10, $0x1;
	s10 =	sld [smem:$0x3FBA]  }
0x3d: {  	_ =	shalt  }
0x3e: {  	_ =	shalt  }
0x3f: {  	_ =	shalt  }
0x40: {  	_ =	shalt  }
0x41: {  	_ =	shalt  }
0x42: {  	_ =	shalt  }
0x43: {  	_ =	shalt  }
0x44: {  	_ =	shalt  }
0x45: {  	_ =	shalt  }
0x46: {  	_ =	shalt  }
0x47: {  	_ =	shalt  }
0x48: {  	_ =	shalt  }
0x49: {  	_ =	shalt  }
0x4a: {  	_ =	shalt  }
0x4b: {  	_ =	shalt  }
0x4c: {  	_ =	shalt  }
0x4d: {  	_ =	shalt  }
0x4e: {  	_ =	shalt  }
0x4f: {  	_ =	shalt  }
0x50: {  	_ =	shalt  }
0x51: {  	_ =	shalt  }
0x52: {  	_ =	shalt  }
0x53: {  	_ =	shalt  }
0x54: {  	_ =	shalt  }
0x55: {  	_ =	shalt  }
0x56: {  	_ =	shalt  }
0x57: {  	_ =	shalt  }
0x58: {  	_ =	shalt  }
0x59: {  	_ =	shalt  }
0x5a: {  	_ =	shalt  }
0x5b: {  	_ =	shalt  }
0x5c: {  	_ =	shalt  }
0x5d: {  	_ =	shalt  }
0x5e: {  	_ =	shalt  }
0x5f: {  	_ =	shalt  }
0x60: {  	_ =	shalt  }
0x61: {  	_ =	shalt  }
0x62: {  	_ =	shalt  }
0x63: {  	_ =	shalt  }
0x64: {  	_ =	shalt  }
0x65: {  	_ =	shalt  }
0x66: {  	_ =	shalt  }
0x67: {  	_ =	shalt  }
0x68: {  	_ =	shalt  }
0x69: {  	_ =	shalt  }
0x6a: {  	_ =	shalt  }
0x6b: {  	_ =	shalt  }
0x6c: {  	_ =	shalt  }
0x6d: {  	_ =	shalt  }
0x6e: {  	_ =	shalt  }
0x6f: {  	_ =	shalt  }
0x70: {  	_ =	shalt  }
0x71: {  	_ =	shalt  }
0x72: {  	_ =	shalt  }
0x73: {  	_ =	shalt  }
0x74: {  	_ =	shalt  }
0x75: {  	_ =	shalt  }
0x76: {  	_ =	shalt  }
0x77: {  	_ =	shalt  }
0x78: {  	_ =	shalt  }
0x79: {  	_ =	shalt  }
0x7a: {  	_ =	shalt  }
0x7b: {  	_ =	shalt  }
0x7c: {  	_ =	shalt  }
0x7d: {  	_ =	shalt  }
0x7e: {  	_ =	shalt  }
0x7f: {  	_ =	shalt  }
0x80: {  	_ =	shalt  }
0x81: {  	_ =	shalt  }
0x82: {  	_ =	shalt  }
0x83: {  	_ =	shalt  }
0x84: {  	_ =	shalt  }
0x85: {  	_ =	shalt  }
0x86: {  	_ =	shalt  }
0x87: {  	_ =	shalt  }
.Lfunc_end0:
.L_simem_size_0:
called_computation_lowered:
.L_overlay_start_0:
0x88: {  	s2 =	sld [smem:$0x3FD9]  }
0x89: {  	s3 =	sld [smem:$0x3FFE];
	_ =	sdelay $0x1  }
0x8a: {  	s1 =	srdreg.scid  }
0x8b: {  	s0 =	sand.u32 $0x1, s1  }
0x8c: {  	s17 =	sshll.u32 s0, $0xA;
	s2 =	sadd.s32 s3, s2  }
0x8d: {  	s2 =	sadd.s32 s2, s17  }
0x8e: {  	[smem:$0x3FC6] =	sst s2  }
0x8f: {  	_ = 	snop  }
0x90: {  	s2 =	sld [smem:$0x3FD0];
	(tm) =	ssettm $0x1  }
0x91: {  	s18 =	sld [smem:$0x3FFB];
	_ =	sdelay $0x3  }
0x92: {  	_ =	strace s18  }
0x93: {  	s3 =	sld [smem:$0x3FFC];
	_ =	sdelay $0x3  }
0x94: {  	_ =	strace s3  }
0x95: {  	s3 =	sld [smem:$0x3FFD];
	_ =	sdelay $0x3  }
0x96: {  	_ =	strace s3  }
0x97: {  	_ =	strace $0x8FFFFFFF  }
0x98: {  	s19 =	sld [smem:$0x3FDB];
	_ =	sdelay $0x1  }
0x99: {  	s4 =	simm.s32 $_scs_section_size  }
0x9a: {  	s5 =	simm.s32 $_size__tile_overlayer_lowered;
	s6 =	simm.s32 $_tile_overlayer_lowered  }
0x9b: {  	s22 =	simm.s32 $0x1BFF;
	s21 =	sshll.u32 s6, $0x1;
	s3 =	sadd.s32 s4, s19  }
0x9c: {  	s7 =	simm.s32 $0x0;
	s20 =	sshll.u32 s5, $0x1;
	s5 =	sadd.s32 s21, s3  }
0x9d: {  	[timem:s7], [sflag:s22] =	dma.local [hbm:s5], s20  }
0x9e: {  	_ =	swait.ge [sflag:s22], s20  }
0x9f: {  	s4 =	ssub.s32 $0x0, s20;
	[sflag:s22] =	ssyncset.done $0x0  }
0xa0: {  	[sflag:s22] =	ssyncadd.s32 s4;
	_ =	sdelay $0x1  }
0xa1: {  	s23 =	simm.s32 $0x1B8B  }
0xa2: {  	_ =	swait.ge [sflag:s23], $0x1  }
0xa3: {  	[sflag:s23] =	ssyncset.done $0x0  }
0xa4: {  	s25 =	simm.s32 $0x1B8E;
	s24 =	sld [smem:$0x3FFE];
	[sflag:s23] =	ssyncadd.s32 $0xFFFFFFFF  }
0xa5: {  	s26 =	simm.s32 $execute0_lowered;
	[smem:$0x3FD2] =	sst s25  }
0xa6: {  	s5 =	sshll.u32 s26, $0x1;
	_ =	strace $0x80000046;
	[dreg:$0x1] =	wrdreg $0xFFFFFFFF  }
0xa7: {  	s28 =	simm.s32 $_size_execute0_lowered;
	s3 =	sadd.s32 s3, s5;
	[dreg:$0x0] =	wrdreg $0x0  }
0xa8: {  	s5 =	sshll.u32 s28, $0x1;
	[dreg:$0x2] =	wrdreg s3  }
0xa9: {  	[dreg:$0x3] =	wrdreg s5  }
0xaa: {  	[dreg:$0x4] =	wrdreg $0xC0  }
0xab: {  	_ =	task [dreg:s7], $0x5FFFF  }
0xac: {  	[dreg:$0x1] =	wrdreg $0xFFFFFFFF  }
0xad: {  	[dreg:$0x0] =	wrdreg $0x60  }
0xae: {  	[dreg:$0x2] =	wrdreg s24  }
0xaf: {  	[dreg:$0x3] =	wrdreg s2  }
0xb0: {  	[dreg:$0x4] =	wrdreg $0x9  }
0xb1: {  	_ =	task.clear_ibuf [dreg:s7], $0x5FFFF;
	_ =	strace $0x90000046  }
0xb2: {  	s29 =	simm.s32 $0x9;
	_ =	strace $0x80000048  }
0xb3: {  	_ =	swait.ge [sflag:s29], $0x1  }
0xb4: {  	[sflag:s29] =	ssyncadd.s32 $0xFFFFFFFF  }
0xb5: {  	_ =	strace $0x90000048  }
0xb6: {  	_ =	sfence  }
0xb7: {  	s30 =	sld [smem:$0x0];
	_ =	sdelay $0x2  }
0xb8: {  	s31 =	sshll.u32 s1, $0xD;
	s1 =	sshrl.u32 s1, $0x2  }
0xb9: {  	s3 =	sand.u32 $0x4000, s31;
	s1 =	sadd.s32 s1, s30  }
0xba: {  	s0 =	sor.u32 s3, s0;
	s1 =	sshll.u32 s1, $0x11  }
0xbb: {  	s0 =	sor.u32 s1, s0  }
0xbc: {  	s0 =	sadd.s32 $0x8F2B, s0  }
0xbd: {  	[sflag:s0] =	ssyncadd.remote.s32 $0x1  }
0xbe: {  	_ =	sfence.sel $0xFFFF  }
0xbf: {  	[dreg:$0x0] =	wrdreg $0xFFFFFFFF;
	(pc) =	sbr.abs _section_cstart, $3  }
0xc0: {  	[dreg:$0x1] =	wrdreg $0xFFFFFFFF  }
0xc1: {  	_ =	task.clear_ibuf [dreg:s7], $0x2FFFF;
	_ =	strace $0x9FFFFFFF  }
0xc2: {  	(tm) =	ssettm $0x7FFFFFFF  }
0xc3: {  	_ =	shalt  }
tec
execute0_lowered:
.L_overlay_start_1:
0x0: {  	(tag) =	ssettag $0x1  }
0x1: {  	s0 =	rddreg [dreg:$0x0]  }
0x2: {  	s1 =	srdreg.scid;
	s3 =	stileid.u32  }
0x3: {  	s2 =	rddreg [dreg:$0x1];
	s23 =	simm.s32 $0x80;
	s24 =	simm.s32 $0x5  }
0x4: {  	s22 =	simm.s32 $0xC600;
	s28 =	simm.s32 $0xE800;
	v0 =	vlaneseq.u32;
	s30 =	simm.s32 $0x9  }
0x5: {  	s1 =	sand.u32 $0x1, s1;
	s4 =	sshll.u32 s3, $0x1;
	s3 =	simm.s32 $0x0;
	v0 =	vmul.u32 $0x88, v0  }
0x6: {  	s10 =	sadd.s32 $0x640, s0;
	s11 =	sadd.s32 $0x4000, s2;
	s12 =	sadd.s32 $0x8000, s2  }
0x7: {  	s13 =	sadd.s32 $0xC000, s2;
	s14 =	sadd.s32 $0x10000, s2;
	s15 =	sadd.s32 $0x14000, s2;
	v1 =	vadd.s32 $0x880, v0  }
0x8: {  	s16 =	sadd.s32 $0x18000, s2;
	s17 =	sadd.s32 $0x1C000, s2;
	s18 =	sadd.s32 $0x650, s0;
	v2 =	vadd.s32 $0x1100, v0;
	v3 =	vadd.s32 $0x1980, v0;
	v4 =	vor.u32 $0x1, v0  }
0x9: {  	s19 =	sadd.s32 $0x660, s0;
	s5 =	sor.u32 s1, s4;
	s1 =	ssub.s32 $0x2, s1;
	v5 =	vadd.s32 $0x881, v0;
	v6 =	vadd.s32 $0x1101, v0;
	v7 =	vadd.s32 $0x1981, v0  }
0xa: {  	s20 =	sadd.s32 $0x670, s0;
	s6 =	smul.u32 $0xC80, s5;
	s7 =	sshrl.u32 s1, $0x1;
	v8 =	vor.u32 $0x2, v0;
	v9 =	vadd.s32 $0x882, v0;
	v10 =	vadd.s32 $0x1102, v0  }
0xb: {  	[smem:$0x7FF] =	sst s3;
	s4 =	sadd.s32 $0xF42A00, s0;
	v11 =	vadd.s32 $0x1982, v0;
	v12 =	vor.u32 $0x3, v0;
	v13 =	vadd.s32 $0x883, v0;
	s1 =	ssub.s32 s1, s7  }
0xc: {  	_ =	strace $0x80000047;
	v14 =	vadd.s32 $0x1103, v0;
	v15 =	vadd.s32 $0x1983, v0;
	v16 =	vor.u32 $0x4, v0;
	s6 =	sadd.s32 s6, s0;
	s31 =	smax.u32 s1, $0x1  }
.Ltmp0:
0xd: {  	v17 =	vadd.s32 $0x884, v0;
	v18 =	vadd.s32 $0x1104, v0;
	v19 =	vadd.s32 $0x1984, v0;
	s25 =	sadd.s32 $0x600, s6;
	[dreg:$0x7] =	wrdreg s31;
	(pc) =	sbr.rel .LBB2_1-.Ltmp0, $4  }
0xe: {  	s5 =	smul.u32 $0xC8, s5;
	v20 =	vor.u32 $0x5, v0;
	v21 =	vadd.s32 $0x885, v0;
	v22 =	vadd.s32 $0x1105, v0;
	s26 =	sadd.s32 $0x610, s6;
	[dreg:$0x3] =	wrdreg s25  }
0xf: {  	v23 =	vadd.s32 $0x1985, v0;
	v24 =	vor.u32 $0x6, v0;
	v25 =	vadd.s32 $0x886, v0;
	s7 =	simm.s32 $0x0;
	s29 =	sadd.s32 $0x620, s6;
	[dreg:$0x4] =	wrdreg s26  }
0x10: {  	v26 =	vadd.s32 $0x1106, v0;
	v27 =	vadd.s32 $0x1986, v0;
	v28 =	vor.u32 $0x7, v0;
	s1 =	simm.s32 $0x4;
	s6 =	sadd.s32 $0x630, s6;
	[dreg:$0x5] =	wrdreg s29  }
0x11: {  	v29 =	vadd.s32 $0x887, v0;
	v30 =	vadd.s32 $0x1107, v0;
	v31 =	vadd.s32 $0x1987, v0;
	[dreg:$0x6] =	wrdreg s6;
	s26 =	simm.s32 $0x8200;
	s25 =	simm.s32 $0xA400  }
.LBB2_15:
0x12: {  	_ =	swait.ge [sflag:s30], $0x400  }
0x13: {  	[sflag:s30] =	ssyncset.done $0x0  }
0x14: {  	[sflag:s30] =	ssyncadd.s32 $0xFFFFFC00  }
0x15: {  	_ =	swait.ge [sflag:s30], $0x400  }
0x16: {  	[sflag:s30] =	ssyncset.done $0x0  }
0x17: {  	[sflag:s30] =	ssyncadd.s32 $0xFFFFFC00  }
0x18: {  	_ =	swait.ge [sflag:s30], $0x400  }
0x19: {  	[sflag:s30] =	ssyncset.done $0x0  }
0x1a: {  	[sflag:s30] =	ssyncadd.s32 $0xFFFFFC00  }
0x1b: {  	_ =	swait.ge [sflag:s30], $0x400  }
0x1c: {  	[sflag:s30] =	ssyncset.done $0x0  }
0x1d: {  	[sflag:s30] =	ssyncadd.s32 $0xFFFFFC00  }
0x1e: {  	_ =	swait.ge [sflag:s30], $0x400  }
0x1f: {  	[sflag:s30] =	ssyncset.done $0x0  }
0x20: {  	[sflag:s30] =	ssyncadd.s32 $0xFFFFFC00  }
0x21: {  	_ =	swait.ge [sflag:s30], $0x400  }
0x22: {  	[sflag:s30] =	ssyncset.done $0x0  }
0x23: {  	[sflag:s30] =	ssyncadd.s32 $0xFFFFFC00  }
0x24: {  	_ =	swait.ge [sflag:s30], $0x400  }
0x25: {  	[sflag:s30] =	ssyncset.done $0x0  }
0x26: {  	[sflag:s30] =	ssyncadd.s32 $0xFFFFFC00  }
0x27: {  	_ =	swait.ge [sflag:s30], $0x400  }
0x28: {  	[sflag:s30] =	ssyncset.done $0x0  }
0x29: {  	s0 =	simm.s32 $0xA;
	[sflag:s30] =	ssyncadd.s32 $0xFFFFFC00  }
0x2a: {  	_ =	swait.ge [sflag:s0], $0x400  }
0x2b: {  	[sflag:s0] =	ssyncset.done $0x0  }
0x2c: {  	[sflag:s0] =	ssyncadd.s32 $0xFFFFFC00  }
0x2d: {  	_ =	swait.ge [sflag:s0], $0x400  }
0x2e: {  	[sflag:s0] =	ssyncset.done $0x0  }
0x2f: {  	[sflag:s0] =	ssyncadd.s32 $0xFFFFFC00  }
0x30: {  	_ =	swait.ge [sflag:s0], $0x400  }
0x31: {  	[sflag:s0] =	ssyncset.done $0x0  }
0x32: {  	[sflag:s0] =	ssyncadd.s32 $0xFFFFFC00  }
0x33: {  	_ =	swait.ge [sflag:s0], $0x400  }
0x34: {  	[sflag:s0] =	ssyncset.done $0x0  }
0x35: {  	[sflag:s0] =	ssyncadd.s32 $0xFFFFFC00  }
0x36: {  	_ =	swait.ge [sflag:s0], $0x400  }
0x37: {  	[sflag:s0] =	ssyncset.done $0x0  }
0x38: {  	[sflag:s0] =	ssyncadd.s32 $0xFFFFFC00  }
0x39: {  	_ =	swait.ge [sflag:s0], $0x400  }
0x3a: {  	[sflag:s0] =	ssyncset.done $0x0  }
0x3b: {  	[sflag:s0] =	ssyncadd.s32 $0xFFFFFC00  }
0x3c: {  	_ =	swait.ge [sflag:s0], $0x400  }
0x3d: {  	[sflag:s0] =	ssyncset.done $0x0  }
0x3e: {  	[sflag:s0] =	ssyncadd.s32 $0xFFFFFC00  }
0x3f: {  	_ =	swait.ge [sflag:s0], $0x400  }
0x40: {  	[sflag:s0] =	ssyncset.done $0x0  }
0x41: {  	s29 =	simm.s32 $0xB;
	[sflag:s0] =	ssyncadd.s32 $0xFFFFFC00  }
0x42: {  	_ =	swait.ge [sflag:s29], $0x400  }
0x43: {  	[sflag:s29] =	ssyncset.done $0x0  }
0x44: {  	[sflag:s29] =	ssyncadd.s32 $0xFFFFFC00  }
0x45: {  	_ =	swait.ge [sflag:s29], $0x400  }
0x46: {  	[sflag:s29] =	ssyncset.done $0x0  }
0x47: {  	[sflag:s29] =	ssyncadd.s32 $0xFFFFFC00  }
0x48: {  	_ =	swait.ge [sflag:s29], $0x400  }
0x49: {  	[sflag:s29] =	ssyncset.done $0x0  }
0x4a: {  	[sflag:s29] =	ssyncadd.s32 $0xFFFFFC00  }
0x4b: {  	_ =	swait.ge [sflag:s29], $0x400  }
0x4c: {  	[sflag:s29] =	ssyncset.done $0x0  }
0x4d: {  	[sflag:s29] =	ssyncadd.s32 $0xFFFFFC00  }
0x4e: {  	_ =	swait.ge [sflag:s29], $0x400  }
0x4f: {  	[sflag:s29] =	ssyncset.done $0x0  }
0x50: {  	[sflag:s29] =	ssyncadd.s32 $0xFFFFFC00  }
0x51: {  	_ =	swait.ge [sflag:s29], $0x400  }
0x52: {  	[sflag:s29] =	ssyncset.done $0x0  }
0x53: {  	[sflag:s29] =	ssyncadd.s32 $0xFFFFFC00  }
0x54: {  	_ =	swait.ge [sflag:s29], $0x400  }
0x55: {  	[sflag:s29] =	ssyncset.done $0x0  }
0x56: {  	[sflag:s29] =	ssyncadd.s32 $0xFFFFFC00  }
0x57: {  	_ =	swait.ge [sflag:s29], $0x400  }
0x58: {  	[sflag:s29] =	ssyncset.done $0x0  }
0x59: {  	s6 =	simm.s32 $0xC;
	[sflag:s29] =	ssyncadd.s32 $0xFFFFFC00  }
0x5a: {  	_ =	swait.ge [sflag:s6], $0x400  }
0x5b: {  	[sflag:s6] =	ssyncset.done $0x0  }
0x5c: {  	[sflag:s6] =	ssyncadd.s32 $0xFFFFFC00  }
0x5d: {  	_ =	swait.ge [sflag:s6], $0x400  }
0x5e: {  	[sflag:s6] =	ssyncset.done $0x0  }
0x5f: {  	[sflag:s6] =	ssyncadd.s32 $0xFFFFFC00  }
0x60: {  	_ =	swait.ge [sflag:s6], $0x400  }
0x61: {  	[sflag:s6] =	ssyncset.done $0x0  }
0x62: {  	[sflag:s6] =	ssyncadd.s32 $0xFFFFFC00  }
0x63: {  	_ =	swait.ge [sflag:s6], $0x400  }
0x64: {  	[sflag:s6] =	ssyncset.done $0x0  }
0x65: {  	[sflag:s6] =	ssyncadd.s32 $0xFFFFFC00  }
0x66: {  	_ =	swait.ge [sflag:s6], $0x400  }
0x67: {  	[sflag:s6] =	ssyncset.done $0x0  }
0x68: {  	[sflag:s6] =	ssyncadd.s32 $0xFFFFFC00  }
0x69: {  	_ =	swait.ge [sflag:s6], $0x400  }
0x6a: {  	[sflag:s6] =	ssyncset.done $0x0  }
0x6b: {  	[sflag:s6] =	ssyncadd.s32 $0xFFFFFC00  }
0x6c: {  	_ =	swait.ge [sflag:s6], $0x400  }
0x6d: {  	[sflag:s6] =	ssyncset.done $0x0  }
0x6e: {  	[sflag:s6] =	ssyncadd.s32 $0xFFFFFC00  }
0x6f: {  	_ =	swait.ge [sflag:s6], $0x400  }
0x70: {  	s7 =	rddreg [dreg:$0x8]  }
0x71: {  	s31 =	rddreg [dreg:$0x7];
	s7 =	sadd.s32 $0x1, s7  }
0x72: {  	p0 =	sne.s32 s7, s31  }
.Ltmp1:
0x73: {  	_ = 	snop;
	(pc) =	sbr.rel @!p0 .LBB2_16-.Ltmp1, $3  }
0x74: {  	_ =	sdelay $0x1  }
0x75: {  	[sflag:s6] =	ssyncset.done $0x0  }
0x76: {  	[sflag:s6] =	ssyncadd.s32 $0xFFFFFC00  }
.LBB2_1:
0x77: {  	[dreg:$0x8] =	wrdreg s7  }
0x78: {  	s0 =	rddreg [dreg:$0x3];
	s9 =	simm.s32 $0x1  }
0x79: {  	[tilespmem:s3], [sflag:$0x1] =	stream.linear.gather [hbm4b:s0+s3], $0x80, $0x38;
	[tilespmem:$0x10A00] =	vst v63  }
0x7a: {  	_ =	swait.ge [sflag:s9], $0x80  }
0x7b: {  	[sflag:s9] =	ssyncset.done $0x0  }
0x7c: {  	s21 =	simm.s32 $0x200;
	[sflag:s9] =	ssyncadd.s32 $0xFFFFFF80  }
0x7d: {  	[tilespmem:s21], [sflag:$0x5] =	stream.indirect.gather [hbm4b:s4+s23], $0x40, s3, s23, $0xb8;
	[tilespmem:$0x10A00] =	vst v63  }
0x7e: {  	s31 =	simm.s32 $0x2;
	s29 =	rddreg [dreg:$0x4]  }
0x7f: {  	[tilespmem:s23], [sflag:$0x2] =	stream.linear.gather [hbm4b:s29+s3], $0x80, $0x38;
	[tilespmem:$0x10A00] =	vst v63  }
0x80: {  	_ =	swait.ge [sflag:s31], $0x80  }
0x81: {  	[sflag:s31] =	ssyncset.done $0x0  }
0x82: {  	s6 =	simm.s32 $0x2200;
	[sflag:s31] =	ssyncadd.s32 $0xFFFFFF80  }
0x83: {  	[tilespmem:s6], [sflag:$0x6] =	stream.indirect.gather [hbm4b:s4+s23], $0x40, s23, s23, $0xb8;
	[tilespmem:$0x10A00] =	vst v63  }
0x84: {  	s8 =	simm.s32 $0x3;
	s7 =	rddreg [dreg:$0x5];
	s6 =	simm.s32 $0x100  }
0x85: {  	[tilespmem:s6], [sflag:$0x3] =	stream.linear.gather [hbm4b:s7+s3], $0x80, $0x38;
	[tilespmem:$0x10A00] =	vst v63  }
0x86: {  	_ =	swait.ge [sflag:s8], $0x80  }
0x87: {  	[sflag:s8] =	ssyncset.done $0x0  }
0x88: {  	s9 =	simm.s32 $0x4200;
	[sflag:s8] =	ssyncadd.s32 $0xFFFFFF80  }
0x89: {  	[tilespmem:s9], [sflag:$0x7] =	stream.indirect.gather [hbm4b:s4+s23], $0x40, s6, s23, $0xb8;
	[tilespmem:$0x10A00] =	vst v63  }
0x8a: {  	s29 =	simm.s32 $0x180;
	s21 =	rddreg [dreg:$0x6]  }
0x8b: {  	[tilespmem:s29], [sflag:$0x4] =	stream.linear.gather [hbm4b:s21+s3], $0x80, $0x38;
	[tilespmem:$0x10A00] =	vst v63  }
0x8c: {  	_ =	swait.ge [sflag:s1], $0x80  }
0x8d: {  	s31 =	simm.s32 $0x6200;
	[sflag:s1] =	ssyncset.done $0x0  }
0x8e: {  	s7 =	simm.s32 $0x180;
	s9 =	simm.s32 $0x0;
	[sflag:s1] =	ssyncadd.s32 $0xFFFFFF80  }
0x8f: {  	[tilespmem:s31], [sflag:$0x8] =	stream.indirect.gather [hbm4b:s4+s23], $0x40, s29, s23, $0xb8;
	[tilespmem:$0x10A00] =	vst v63  }
.LBB2_2:
0x90: {  	p0 =	seq.s32 s9, $0x31  }
0x91: {  	p1 =	seq.s32 @!p0 s9, $0x0  }
0x92: {  	p1 =	por p0, !p1  }
.Ltmp2:
0x93: {  	s0 =	sshll.u32 s9, $0x2;
	(pc) =	sbr.rel @!p1 .LBB2_3-.Ltmp2, $4  }
0x94: {  	_ =	swait.ge [sflag:s24], $0x2000;
	s29 =	sadd.s32 s5, s0  }
0x95: {  	[sflag:s24] =	ssyncset.done $0x0;
	s21 =	sshll.u32 @!p0 s29, $0x4  }
0x96: {  	s31 =	simm.s32 @!p0 $0x0;
	[sflag:s24] =	ssyncadd.s32 $0xFFFFE000;
	s0 =	sadd.s32 @!p0 s21, s10  }
0x97: {  	[tilespmem:s31], [sflag:$0x1] =	stream.linear.gather @!p0 [hbm4b:s0+s31], $0x80, $0x38;
	[tilespmem:$0x10A00] =	vst v63  }
0x98: {  	_ =	swait.ge [sflag:s30], $0x400  }
0x99: {  	[sflag:s30] =	ssyncset.done $0x0  }
0x9a: {  	[sflag:s30] =	ssyncadd.s32 $0xFFFFFC00  }
0x9b: {  	_ =	swait.ge [sflag:s30], $0x400  }
0x9c: {  	[sflag:s30] =	ssyncset.done $0x0  }
0x9d: {  	[sflag:s30] =	ssyncadd.s32 $0xFFFFFC00  }
0x9e: {  	_ =	swait.ge [sflag:s30], $0x400  }
0x9f: {  	[sflag:s30] =	ssyncset.done $0x0  }
0xa0: {  	[sflag:s30] =	ssyncadd.s32 $0xFFFFFC00  }
0xa1: {  	_ =	swait.ge [sflag:s30], $0x400  }
0xa2: {  	[sflag:s30] =	ssyncset.done $0x0  }
0xa3: {  	[sflag:s30] =	ssyncadd.s32 $0xFFFFFC00  }
0xa4: {  	_ =	swait.ge [sflag:s30], $0x400  }
0xa5: {  	[sflag:s30] =	ssyncset.done $0x0  }
0xa6: {  	[sflag:s30] =	ssyncadd.s32 $0xFFFFFC00  }
0xa7: {  	_ =	swait.ge [sflag:s30], $0x400  }
0xa8: {  	[sflag:s30] =	ssyncset.done $0x0  }
0xa9: {  	[sflag:s30] =	ssyncadd.s32 $0xFFFFFC00  }
0xaa: {  	_ =	swait.ge [sflag:s30], $0x400  }
.Ltmp3:
0xab: {  	[sflag:s30] =	ssyncset.done $0x0;
	(pc) =	sbr.rel .LBB2_5-.Ltmp3, $4  }
0xac: {  	[sflag:s30] =	ssyncadd.s32 $0xFFFFFC00  }
0xad: {  	_ =	swait.ge [sflag:s30], $0x400  }
0xae: {  	[sflag:s30] =	ssyncset.done $0x0  }
0xaf: {  	p1 =	por $0x0, $0x0;
	[sflag:s30] =	ssyncadd.s32 $0xFFFFFC00  }
.LBB2_3:
0xb0: {  	p1 =	por @!p0 $0x1, $0x1  }
.LBB2_5:
0xb1: {  	v32 =	vimm.s32 $0x0;
	s0 =	simm.s32 $0x0;
	s31 =	simm.s32 $0x800  }
.LBB2_6:
0xb2: {  	p2 =	sne.s32 s31, $0x7800;
	v33 =	vld [tilespmem:s0+$0x200];
	v34 =	vadd.s32 v0, v32;
	_ =	sdelay $0x4  }
0xb3: {  	[tilespmem:v34+s26+$0x0] =	vst.idx.msk $0xffff, v33  }
0xb4: {  	v34 =	vadd.s32 v1, v32;
	v33 =	vld [tilespmem:s0+$0x210];
	_ =	sdelay $0x4  }
0xb5: {  	[tilespmem:v34+s26+$0x0] =	vst.idx.msk $0xffff, v33  }
0xb6: {  	v34 =	vadd.s32 v2, v32;
	v33 =	vld [tilespmem:s0+$0x220];
	_ =	sdelay $0x4  }
0xb7: {  	[tilespmem:v34+s26+$0x0] =	vst.idx.msk $0xffff, v33  }
0xb8: {  	v34 =	vadd.s32 v3, v32;
	v33 =	vld [tilespmem:s0+$0x230];
	_ =	sdelay $0x4  }
0xb9: {  	[tilespmem:v34+s26+$0x0] =	vst.idx.msk $0xffff, v33  }
0xba: {  	v34 =	vadd.s32 v4, v32;
	v33 =	vld [tilespmem:s0+$0x240];
	_ =	sdelay $0x4  }
0xbb: {  	[tilespmem:v34+s26+$0x0] =	vst.idx.msk $0xffff, v33  }
0xbc: {  	v34 =	vadd.s32 v5, v32;
	v33 =	vld [tilespmem:s0+$0x250];
	_ =	sdelay $0x4  }
0xbd: {  	[tilespmem:v34+s26+$0x0] =	vst.idx.msk $0xffff, v33  }
0xbe: {  	v34 =	vadd.s32 v6, v32;
	v33 =	vld [tilespmem:s0+$0x260];
	_ =	sdelay $0x4  }
0xbf: {  	[tilespmem:v34+s26+$0x0] =	vst.idx.msk $0xffff, v33  }
0xc0: {  	v34 =	vadd.s32 v7, v32;
	v33 =	vld [tilespmem:s0+$0x270];
	_ =	sdelay $0x4  }
0xc1: {  	[tilespmem:v34+s26+$0x0] =	vst.idx.msk $0xffff, v33  }
0xc2: {  	v34 =	vadd.s32 v8, v32;
	v33 =	vld [tilespmem:s0+$0x280];
	_ =	sdelay $0x4  }
0xc3: {  	[tilespmem:v34+s26+$0x0] =	vst.idx.msk $0xffff, v33  }
0xc4: {  	v34 =	vadd.s32 v9, v32;
	v33 =	vld [tilespmem:s0+$0x290];
	_ =	sdelay $0x4  }
0xc5: {  	[tilespmem:v34+s26+$0x0] =	vst.idx.msk $0xffff, v33  }
0xc6: {  	v34 =	vadd.s32 v10, v32;
	v33 =	vld [tilespmem:s0+$0x2A0];
	_ =	sdelay $0x4  }
0xc7: {  	[tilespmem:v34+s26+$0x0] =	vst.idx.msk $0xffff, v33  }
0xc8: {  	v34 =	vadd.s32 v11, v32;
	v33 =	vld [tilespmem:s0+$0x2B0];
	_ =	sdelay $0x4  }
0xc9: {  	[tilespmem:v34+s26+$0x0] =	vst.idx.msk $0xffff, v33  }
0xca: {  	v34 =	vadd.s32 v12, v32;
	v33 =	vld [tilespmem:s0+$0x2C0];
	_ =	sdelay $0x4  }
0xcb: {  	[tilespmem:v34+s26+$0x0] =	vst.idx.msk $0xffff, v33  }
0xcc: {  	v34 =	vadd.s32 v13, v32;
	v33 =	vld [tilespmem:s0+$0x2D0];
	_ =	sdelay $0x4  }
0xcd: {  	[tilespmem:v34+s26+$0x0] =	vst.idx.msk $0xffff, v33  }
0xce: {  	v34 =	vadd.s32 v14, v32;
	v33 =	vld [tilespmem:s0+$0x2E0];
	_ =	sdelay $0x4  }
0xcf: {  	[tilespmem:v34+s26+$0x0] =	vst.idx.msk $0xffff, v33  }
0xd0: {  	v34 =	vadd.s32 v15, v32;
	v33 =	vld [tilespmem:s0+$0x2F0];
	_ =	sdelay $0x4  }
0xd1: {  	[tilespmem:v34+s26+$0x0] =	vst.idx.msk $0xffff, v33  }
0xd2: {  	v34 =	vadd.s32 v16, v32;
	v33 =	vld [tilespmem:s0+$0x300];
	_ =	sdelay $0x4  }
0xd3: {  	[tilespmem:v34+s26+$0x0] =	vst.idx.msk $0xffff, v33  }
0xd4: {  	v34 =	vadd.s32 v17, v32;
	v33 =	vld [tilespmem:s0+$0x310];
	_ =	sdelay $0x4  }
0xd5: {  	[tilespmem:v34+s26+$0x0] =	vst.idx.msk $0xffff, v33  }
0xd6: {  	v34 =	vadd.s32 v18, v32;
	v33 =	vld [tilespmem:s0+$0x320];
	_ =	sdelay $0x4  }
0xd7: {  	[tilespmem:v34+s26+$0x0] =	vst.idx.msk $0xffff, v33  }
0xd8: {  	v34 =	vadd.s32 v19, v32;
	v33 =	vld [tilespmem:s0+$0x330];
	_ =	sdelay $0x4  }
0xd9: {  	[tilespmem:v34+s26+$0x0] =	vst.idx.msk $0xffff, v33  }
0xda: {  	v34 =	vadd.s32 v20, v32;
	v33 =	vld [tilespmem:s0+$0x340];
	_ =	sdelay $0x4  }
0xdb: {  	[tilespmem:v34+s26+$0x0] =	vst.idx.msk $0xffff, v33  }
0xdc: {  	v34 =	vadd.s32 v21, v32;
	v33 =	vld [tilespmem:s0+$0x350];
	_ =	sdelay $0x4  }
0xdd: {  	[tilespmem:v34+s26+$0x0] =	vst.idx.msk $0xffff, v33  }
0xde: {  	v34 =	vadd.s32 v22, v32;
	v33 =	vld [tilespmem:s0+$0x360];
	_ =	sdelay $0x4  }
0xdf: {  	[tilespmem:v34+s26+$0x0] =	vst.idx.msk $0xffff, v33  }
0xe0: {  	v34 =	vadd.s32 v23, v32;
	v33 =	vld [tilespmem:s0+$0x370];
	_ =	sdelay $0x4  }
0xe1: {  	[tilespmem:v34+s26+$0x0] =	vst.idx.msk $0xffff, v33  }
0xe2: {  	v34 =	vadd.s32 v24, v32;
	v33 =	vld [tilespmem:s0+$0x380];
	_ =	sdelay $0x4  }
0xe3: {  	[tilespmem:v34+s26+$0x0] =	vst.idx.msk $0xffff, v33  }
0xe4: {  	v34 =	vadd.s32 v25, v32;
	v33 =	vld [tilespmem:s0+$0x390];
	_ =	sdelay $0x4  }
0xe5: {  	[tilespmem:v34+s26+$0x0] =	vst.idx.msk $0xffff, v33  }
0xe6: {  	v34 =	vadd.s32 v26, v32;
	v33 =	vld [tilespmem:s0+$0x3A0];
	_ =	sdelay $0x4  }
0xe7: {  	[tilespmem:v34+s26+$0x0] =	vst.idx.msk $0xffff, v33  }
0xe8: {  	v34 =	vadd.s32 v27, v32;
	v33 =	vld [tilespmem:s0+$0x3B0];
	_ =	sdelay $0x4  }
0xe9: {  	[tilespmem:v34+s26+$0x0] =	vst.idx.msk $0xffff, v33  }
0xea: {  	v34 =	vadd.s32 v28, v32;
	v33 =	vld [tilespmem:s0+$0x3C0];
	_ =	sdelay $0x4  }
0xeb: {  	[tilespmem:v34+s26+$0x0] =	vst.idx.msk $0xffff, v33  }
0xec: {  	v34 =	vadd.s32 v29, v32;
	v33 =	vld [tilespmem:s0+$0x3D0];
	_ =	sdelay $0x4  }
0xed: {  	[tilespmem:v34+s26+$0x0] =	vst.idx.msk $0xffff, v33  }
0xee: {  	v34 =	vadd.s32 v30, v32;
	v33 =	vld [tilespmem:s0+$0x3E0];
	_ =	sdelay $0x4  }
0xef: {  	[tilespmem:v34+s26+$0x0] =	vst.idx.msk $0xffff, v33  }
0xf0: {  	v34 =	vadd.s32 v31, v32;
	v33 =	vld [tilespmem:s0+$0x3F0]  }
.Ltmp4:
0xf1: {  	(pc) =	sbr.rel @p2 .LBB2_6-.Ltmp4, $2  }
0xf2: {  	_ =	sdelay $0x2  }
0xf3: {  	v32 =	vadd.s32 $0x8, v32;
	s0 =	sshra.s32 s31, $0x2;
	s31 =	sadd.s32 $0x800, s31;
	[tilespmem:v34+s26+$0x0] =	vst.idx.msk $0xffff, v33  }
0xf4: {  	v33 =	vld [tilespmem:s0+$0x200];
	v34 =	vadd.s32 v0, v32;
	_ =	sdelay $0x4  }
0xf5: {  	[tilespmem:v34+s26+$0x0] =	vst.idx.msk $0xffff, v33  }
0xf6: {  	v61 =	vadd.s32 v1, v32;
	v33 =	vld [tilespmem:s0+$0x210];
	_ =	sdelay $0x4  }
0xf7: {  	[tilespmem:v61+s26+$0x0] =	vst.idx.msk $0xffff, v33  }
0xf8: {  	v62 =	vadd.s32 v2, v32;
	v33 =	vld [tilespmem:s0+$0x220];
	_ =	sdelay $0x4  }
0xf9: {  	[tilespmem:v62+s26+$0x0] =	vst.idx.msk $0xffff, v33  }
0xfa: {  	v63 =	vadd.s32 v3, v32;
	v33 =	vld [tilespmem:s0+$0x230];
	_ =	sdelay $0x4  }
0xfb: {  	[tilespmem:v63+s26+$0x0] =	vst.idx.msk $0xffff, v33  }
0xfc: {  	v36 =	vadd.s32 v4, v32;
	v33 =	vld [tilespmem:s0+$0x240];
	_ =	sdelay $0x4  }
0xfd: {  	[tilespmem:v36+s26+$0x0] =	vst.idx.msk $0xffff, v33  }
0xfe: {  	v37 =	vadd.s32 v5, v32;
	v33 =	vld [tilespmem:s0+$0x250];
	_ =	sdelay $0x4  }
0xff: {  	[tilespmem:v37+s26+$0x0] =	vst.idx.msk $0xffff, v33  }
0x100: {  	v38 =	vadd.s32 v6, v32;
	v33 =	vld [tilespmem:s0+$0x260];
	_ =	sdelay $0x4  }
0x101: {  	[tilespmem:v38+s26+$0x0] =	vst.idx.msk $0xffff, v33  }
0x102: {  	v39 =	vadd.s32 v7, v32;
	v33 =	vld [tilespmem:s0+$0x270];
	_ =	sdelay $0x4  }
0x103: {  	[tilespmem:v39+s26+$0x0] =	vst.idx.msk $0xffff, v33  }
0x104: {  	v40 =	vadd.s32 v8, v32;
	v33 =	vld [tilespmem:s0+$0x280];
	_ =	sdelay $0x4  }
0x105: {  	[tilespmem:v40+s26+$0x0] =	vst.idx.msk $0xffff, v33  }
0x106: {  	v41 =	vadd.s32 v9, v32;
	v33 =	vld [tilespmem:s0+$0x290];
	_ =	sdelay $0x4  }
0x107: {  	[tilespmem:v41+s26+$0x0] =	vst.idx.msk $0xffff, v33  }
0x108: {  	v42 =	vadd.s32 v10, v32;
	v33 =	vld [tilespmem:s0+$0x2A0];
	_ =	sdelay $0x4  }
0x109: {  	[tilespmem:v42+s26+$0x0] =	vst.idx.msk $0xffff, v33  }
0x10a: {  	v43 =	vadd.s32 v11, v32;
	v33 =	vld [tilespmem:s0+$0x2B0];
	_ =	sdelay $0x4  }
0x10b: {  	[tilespmem:v43+s26+$0x0] =	vst.idx.msk $0xffff, v33  }
0x10c: {  	v44 =	vadd.s32 v12, v32;
	v33 =	vld [tilespmem:s0+$0x2C0];
	_ =	sdelay $0x4  }
0x10d: {  	[tilespmem:v44+s26+$0x0] =	vst.idx.msk $0xffff, v33  }
0x10e: {  	v45 =	vadd.s32 v13, v32;
	v33 =	vld [tilespmem:s0+$0x2D0];
	_ =	sdelay $0x4  }
0x10f: {  	[tilespmem:v45+s26+$0x0] =	vst.idx.msk $0xffff, v33  }
0x110: {  	v46 =	vadd.s32 v14, v32;
	v33 =	vld [tilespmem:s0+$0x2E0];
	_ =	sdelay $0x4  }
0x111: {  	[tilespmem:v46+s26+$0x0] =	vst.idx.msk $0xffff, v33  }
0x112: {  	v47 =	vadd.s32 v15, v32;
	v33 =	vld [tilespmem:s0+$0x2F0];
	_ =	sdelay $0x4  }
0x113: {  	[tilespmem:v47+s26+$0x0] =	vst.idx.msk $0xffff, v33  }
0x114: {  	v48 =	vadd.s32 v16, v32;
	v33 =	vld [tilespmem:s0+$0x300];
	_ =	sdelay $0x4  }
0x115: {  	[tilespmem:v48+s26+$0x0] =	vst.idx.msk $0xffff, v33  }
0x116: {  	v49 =	vadd.s32 v17, v32;
	v33 =	vld [tilespmem:s0+$0x310];
	_ =	sdelay $0x4  }
0x117: {  	[tilespmem:v49+s26+$0x0] =	vst.idx.msk $0xffff, v33  }
0x118: {  	v50 =	vadd.s32 v18, v32;
	v33 =	vld [tilespmem:s0+$0x320];
	_ =	sdelay $0x4  }
0x119: {  	[tilespmem:v50+s26+$0x0] =	vst.idx.msk $0xffff, v33  }
0x11a: {  	v51 =	vadd.s32 v19, v32;
	v33 =	vld [tilespmem:s0+$0x330];
	_ =	sdelay $0x4  }
0x11b: {  	[tilespmem:v51+s26+$0x0] =	vst.idx.msk $0xffff, v33  }
0x11c: {  	v52 =	vadd.s32 v20, v32;
	v33 =	vld [tilespmem:s0+$0x340];
	_ =	sdelay $0x4  }
0x11d: {  	[tilespmem:v52+s26+$0x0] =	vst.idx.msk $0xffff, v33  }
0x11e: {  	v53 =	vadd.s32 v21, v32;
	v33 =	vld [tilespmem:s0+$0x350];
	_ =	sdelay $0x4  }
0x11f: {  	[tilespmem:v53+s26+$0x0] =	vst.idx.msk $0xffff, v33  }
0x120: {  	v54 =	vadd.s32 v22, v32;
	v33 =	vld [tilespmem:s0+$0x360];
	_ =	sdelay $0x4  }
0x121: {  	[tilespmem:v54+s26+$0x0] =	vst.idx.msk $0xffff, v33  }
0x122: {  	v55 =	vadd.s32 v23, v32;
	v33 =	vld [tilespmem:s0+$0x370];
	_ =	sdelay $0x4  }
0x123: {  	[tilespmem:v55+s26+$0x0] =	vst.idx.msk $0xffff, v33  }
0x124: {  	v56 =	vadd.s32 v24, v32;
	v33 =	vld [tilespmem:s0+$0x380];
	_ =	sdelay $0x4  }
0x125: {  	[tilespmem:v56+s26+$0x0] =	vst.idx.msk $0xffff, v33  }
0x126: {  	v57 =	vadd.s32 v25, v32;
	v33 =	vld [tilespmem:s0+$0x390];
	_ =	sdelay $0x4  }
0x127: {  	[tilespmem:v57+s26+$0x0] =	vst.idx.msk $0xffff, v33  }
0x128: {  	v58 =	vadd.s32 v26, v32;
	v33 =	vld [tilespmem:s0+$0x3A0];
	_ =	sdelay $0x4  }
0x129: {  	[tilespmem:v58+s26+$0x0] =	vst.idx.msk $0xffff, v33  }
0x12a: {  	v59 =	vadd.s32 v27, v32;
	v33 =	vld [tilespmem:s0+$0x3B0];
	_ =	sdelay $0x4  }
0x12b: {  	[tilespmem:v59+s26+$0x0] =	vst.idx.msk $0xffff, v33  }
0x12c: {  	v60 =	vadd.s32 v28, v32;
	v33 =	vld [tilespmem:s0+$0x3C0];
	_ =	sdelay $0x4  }
0x12d: {  	[tilespmem:v60+s26+$0x0] =	vst.idx.msk $0xffff, v33  }
0x12e: {  	v61 =	vadd.s32 v29, v32;
	v33 =	vld [tilespmem:s0+$0x3D0];
	_ =	sdelay $0x4  }
0x12f: {  	[tilespmem:v61+s26+$0x0] =	vst.idx.msk $0xffff, v33  }
0x130: {  	v62 =	vadd.s32 v30, v32;
	v33 =	vld [tilespmem:s0+$0x3E0];
	_ =	sdelay $0x4  }
0x131: {  	[tilespmem:v62+s26+$0x0] =	vst.idx.msk $0xffff, v33  }
0x132: {  	v63 =	vadd.s32 v31, v32;
	v33 =	vld [tilespmem:s0+$0x3F0]  }
0x133: {  	s6 =	sshll.u32 s29, $0xD;
	s29 =	sshll.u32 s29, $0xA  }
0x134: {  	s29 =	sand.u32 $0x1F000, s29;
	s0 =	sand.u32 $0x7FF00000, s6  }
0x135: {  	s0 =	sor.u32 s29, s0  }
0x136: {  	s29 =	sshrl.u32 s0, $0x3  }
0x137: {  	s0 =	sadd.s32 s2, s29;
	[tilespmem:v63+s26+$0x0] =	vst.idx.msk $0xffff, v33  }
0x138: {  	[hbm4b:s0+s3] =	stream.linear.scatter [tilespmem:s26], [sflag:$0x9], $0x80, $0x38;
	[tilespmem:$0x10A00] =	vst v63  }
0x139: {  	s6 =	simm.s32 $0x8288;
	s31 =	sadd.s32 $0x10, s0  }
0x13a: {  	[hbm4b:s31+s3] =	stream.linear.scatter [tilespmem:s6], [sflag:$0x9], $0x80, $0x38;
	[tilespmem:$0x10A00] =	vst v63  }
0x13b: {  	s8 =	simm.s32 $0x8310;
	s31 =	sadd.s32 $0x20, s0  }
0x13c: {  	[hbm4b:s31+s3] =	stream.linear.scatter [tilespmem:s8], [sflag:$0x9], $0x80, $0x38;
	[tilespmem:$0x10A00] =	vst v63  }
0x13d: {  	s31 =	sadd.s32 $0x30, s0;
	s8 =	simm.s32 $0x8398  }
0x13e: {  	[hbm4b:s31+s3] =	stream.linear.scatter [tilespmem:s8], [sflag:$0x9], $0x80, $0x38;
	[tilespmem:$0x10A00] =	vst v63  }
0x13f: {  	s31 =	sadd.s32 $0x40, s0;
	s8 =	simm.s32 $0x8420  }
0x140: {  	[hbm4b:s31+s3] =	stream.linear.scatter [tilespmem:s8], [sflag:$0x9], $0x80, $0x38;
	[tilespmem:$0x10A00] =	vst v63  }
0x141: {  	s31 =	sadd.s32 $0x50, s0;
	s8 =	simm.s32 $0x84A8  }
0x142: {  	[hbm4b:s31+s3] =	stream.linear.scatter [tilespmem:s8], [sflag:$0x9], $0x80, $0x38;
	[tilespmem:$0x10A00] =	vst v63  }
0x143: {  	s31 =	sadd.s32 $0x60, s0;
	s8 =	simm.s32 $0x8530  }
0x144: {  	[hbm4b:s31+s3] =	stream.linear.scatter [tilespmem:s8], [sflag:$0x9], $0x80, $0x38;
	[tilespmem:$0x10A00] =	vst v63  }
0x145: {  	s0 =	sadd.s32 $0x70, s0;
	s8 =	simm.s32 $0x85B8  }
0x146: {  	[hbm4b:s0+s3] =	stream.linear.scatter [tilespmem:s8], [sflag:$0x9], $0x80, $0x38;
	[tilespmem:$0x10A00] =	vst v63  }
0x147: {  	s0 =	sadd.s32 s29, s11;
	s8 =	simm.s32 $0x8640  }
0x148: {  	[hbm4b:s0+s3] =	stream.linear.scatter [tilespmem:s8], [sflag:$0x9], $0x80, $0x38;
	[tilespmem:$0x10A00] =	vst v63  }
0x149: {  	s31 =	sadd.s32 $0x10, s0;
	s8 =	simm.s32 $0x86C8  }
0x14a: {  	[hbm4b:s31+s3] =	stream.linear.scatter [tilespmem:s8], [sflag:$0x9], $0x80, $0x38;
	[tilespmem:$0x10A00] =	vst v63  }
0x14b: {  	s31 =	sadd.s32 $0x20, s0;
	s8 =	simm.s32 $0x8750  }
0x14c: {  	[hbm4b:s31+s3] =	stream.linear.scatter [tilespmem:s8], [sflag:$0x9], $0x80, $0x38;
	[tilespmem:$0x10A00] =	vst v63  }
0x14d: {  	s31 =	sadd.s32 $0x30, s0;
	s8 =	simm.s32 $0x87D8  }
0x14e: {  	[hbm4b:s31+s3] =	stream.linear.scatter [tilespmem:s8], [sflag:$0x9], $0x80, $0x38;
	[tilespmem:$0x10A00] =	vst v63  }
0x14f: {  	s31 =	sadd.s32 $0x40, s0;
	s8 =	simm.s32 $0x8860  }
0x150: {  	[hbm4b:s31+s3] =	stream.linear.scatter [tilespmem:s8], [sflag:$0x9], $0x80, $0x38;
	[tilespmem:$0x10A00] =	vst v63  }
0x151: {  	s31 =	sadd.s32 $0x50, s0;
	s8 =	simm.s32 $0x88E8  }
0x152: {  	[hbm4b:s31+s3] =	stream.linear.scatter [tilespmem:s8], [sflag:$0x9], $0x80, $0x38;
	[tilespmem:$0x10A00] =	vst v63  }
0x153: {  	s31 =	sadd.s32 $0x60, s0;
	s8 =	simm.s32 $0x8970  }
0x154: {  	[hbm4b:s31+s3] =	stream.linear.scatter [tilespmem:s8], [sflag:$0x9], $0x80, $0x38;
	[tilespmem:$0x10A00] =	vst v63  }
0x155: {  	s0 =	sadd.s32 $0x70, s0;
	s8 =	simm.s32 $0x89F8  }
0x156: {  	[hbm4b:s0+s3] =	stream.linear.scatter [tilespmem:s8], [sflag:$0x9], $0x80, $0x38;
	[tilespmem:$0x10A00] =	vst v63  }
0x157: {  	s0 =	sadd.s32 s29, s12;
	s8 =	simm.s32 $0x8A80  }
0x158: {  	[hbm4b:s0+s3] =	stream.linear.scatter [tilespmem:s8], [sflag:$0x9], $0x80, $0x38;
	[tilespmem:$0x10A00] =	vst v63  }
0x159: {  	s31 =	sadd.s32 $0x10, s0;
	s8 =	simm.s32 $0x8B08  }
0x15a: {  	[hbm4b:s31+s3] =	stream.linear.scatter [tilespmem:s8], [sflag:$0x9], $0x80, $0x38;
	[tilespmem:$0x10A00] =	vst v63  }
0x15b: {  	s31 =	sadd.s32 $0x20, s0;
	s8 =	simm.s32 $0x8B90  }
0x15c: {  	[hbm4b:s31+s3] =	stream.linear.scatter [tilespmem:s8], [sflag:$0x9], $0x80, $0x38;
	[tilespmem:$0x10A00] =	vst v63  }
0x15d: {  	s31 =	sadd.s32 $0x30, s0;
	s8 =	simm.s32 $0x8C18  }
0x15e: {  	[hbm4b:s31+s3] =	stream.linear.scatter [tilespmem:s8], [sflag:$0x9], $0x80, $0x38;
	[tilespmem:$0x10A00] =	vst v63  }
0x15f: {  	s31 =	sadd.s32 $0x40, s0;
	s8 =	simm.s32 $0x8CA0  }
0x160: {  	[hbm4b:s31+s3] =	stream.linear.scatter [tilespmem:s8], [sflag:$0x9], $0x80, $0x38;
	[tilespmem:$0x10A00] =	vst v63  }
0x161: {  	s31 =	sadd.s32 $0x50, s0;
	s8 =	simm.s32 $0x8D28  }
0x162: {  	[hbm4b:s31+s3] =	stream.linear.scatter [tilespmem:s8], [sflag:$0x9], $0x80, $0x38;
	[tilespmem:$0x10A00] =	vst v63  }
0x163: {  	s31 =	sadd.s32 $0x60, s0;
	s8 =	simm.s32 $0x8DB0  }
0x164: {  	[hbm4b:s31+s3] =	stream.linear.scatter [tilespmem:s8], [sflag:$0x9], $0x80, $0x38;
	[tilespmem:$0x10A00] =	vst v63  }
0x165: {  	s0 =	sadd.s32 $0x70, s0;
	s8 =	simm.s32 $0x8E38  }
0x166: {  	[hbm4b:s0+s3] =	stream.linear.scatter [tilespmem:s8], [sflag:$0x9], $0x80, $0x38;
	[tilespmem:$0x10A00] =	vst v63  }
0x167: {  	s0 =	sadd.s32 s29, s13;
	s8 =	simm.s32 $0x8EC0  }
0x168: {  	[hbm4b:s0+s3] =	stream.linear.scatter [tilespmem:s8], [sflag:$0x9], $0x80, $0x38;
	[tilespmem:$0x10A00] =	vst v63  }
0x169: {  	s31 =	sadd.s32 $0x10, s0;
	s8 =	simm.s32 $0x8F48  }
0x16a: {  	[hbm4b:s31+s3] =	stream.linear.scatter [tilespmem:s8], [sflag:$0x9], $0x80, $0x38;
	[tilespmem:$0x10A00] =	vst v63  }
0x16b: {  	s31 =	sadd.s32 $0x20, s0;
	s8 =	simm.s32 $0x8FD0  }
0x16c: {  	[hbm4b:s31+s3] =	stream.linear.scatter [tilespmem:s8], [sflag:$0x9], $0x80, $0x38;
	[tilespmem:$0x10A00] =	vst v63  }
0x16d: {  	s31 =	sadd.s32 $0x30, s0;
	s8 =	simm.s32 $0x9058  }
0x16e: {  	[hbm4b:s31+s3] =	stream.linear.scatter [tilespmem:s8], [sflag:$0x9], $0x80, $0x38;
	[tilespmem:$0x10A00] =	vst v63  }
0x16f: {  	s31 =	sadd.s32 $0x40, s0;
	s8 =	simm.s32 $0x90E0  }
0x170: {  	[hbm4b:s31+s3] =	stream.linear.scatter [tilespmem:s8], [sflag:$0x9], $0x80, $0x38;
	[tilespmem:$0x10A00] =	vst v63  }
0x171: {  	s31 =	sadd.s32 $0x50, s0;
	s8 =	simm.s32 $0x9168  }
0x172: {  	[hbm4b:s31+s3] =	stream.linear.scatter [tilespmem:s8], [sflag:$0x9], $0x80, $0x38;
	[tilespmem:$0x10A00] =	vst v63  }
0x173: {  	s31 =	sadd.s32 $0x60, s0;
	s8 =	simm.s32 $0x91F0  }
0x174: {  	[hbm4b:s31+s3] =	stream.linear.scatter [tilespmem:s8], [sflag:$0x9], $0x80, $0x38;
	[tilespmem:$0x10A00] =	vst v63  }
0x175: {  	s0 =	sadd.s32 $0x70, s0;
	s8 =	simm.s32 $0x9278  }
0x176: {  	[hbm4b:s0+s3] =	stream.linear.scatter [tilespmem:s8], [sflag:$0x9], $0x80, $0x38;
	[tilespmem:$0x10A00] =	vst v63  }
0x177: {  	s0 =	sadd.s32 s29, s14;
	s8 =	simm.s32 $0x9300  }
0x178: {  	[hbm4b:s0+s3] =	stream.linear.scatter [tilespmem:s8], [sflag:$0x9], $0x80, $0x38;
	[tilespmem:$0x10A00] =	vst v63  }
0x179: {  	s31 =	sadd.s32 $0x10, s0;
	s8 =	simm.s32 $0x9388  }
0x17a: {  	[hbm4b:s31+s3] =	stream.linear.scatter [tilespmem:s8], [sflag:$0x9], $0x80, $0x38;
	[tilespmem:$0x10A00] =	vst v63  }
0x17b: {  	s31 =	sadd.s32 $0x20, s0;
	s8 =	simm.s32 $0x9410  }
0x17c: {  	[hbm4b:s31+s3] =	stream.linear.scatter [tilespmem:s8], [sflag:$0x9], $0x80, $0x38;
	[tilespmem:$0x10A00] =	vst v63  }
0x17d: {  	s31 =	sadd.s32 $0x30, s0;
	s8 =	simm.s32 $0x9498  }
0x17e: {  	[hbm4b:s31+s3] =	stream.linear.scatter [tilespmem:s8], [sflag:$0x9], $0x80, $0x38;
	[tilespmem:$0x10A00] =	vst v63  }
0x17f: {  	s31 =	sadd.s32 $0x40, s0;
	s8 =	simm.s32 $0x9520  }
0x180: {  	[hbm4b:s31+s3] =	stream.linear.scatter [tilespmem:s8], [sflag:$0x9], $0x80, $0x38;
	[tilespmem:$0x10A00] =	vst v63  }
0x181: {  	s31 =	sadd.s32 $0x50, s0;
	s8 =	simm.s32 $0x95A8  }
0x182: {  	[hbm4b:s31+s3] =	stream.linear.scatter [tilespmem:s8], [sflag:$0x9], $0x80, $0x38;
	[tilespmem:$0x10A00] =	vst v63  }
0x183: {  	s31 =	sadd.s32 $0x60, s0;
	s8 =	simm.s32 $0x9630  }
0x184: {  	[hbm4b:s31+s3] =	stream.linear.scatter [tilespmem:s8], [sflag:$0x9], $0x80, $0x38;
	[tilespmem:$0x10A00] =	vst v63  }
0x185: {  	s0 =	sadd.s32 $0x70, s0;
	s8 =	simm.s32 $0x96B8  }
0x186: {  	[hbm4b:s0+s3] =	stream.linear.scatter [tilespmem:s8], [sflag:$0x9], $0x80, $0x38;
	[tilespmem:$0x10A00] =	vst v63  }
0x187: {  	s0 =	sadd.s32 s29, s15;
	s8 =	simm.s32 $0x9740  }
0x188: {  	[hbm4b:s0+s3] =	stream.linear.scatter [tilespmem:s8], [sflag:$0x9], $0x80, $0x38;
	[tilespmem:$0x10A00] =	vst v63  }
0x189: {  	s31 =	sadd.s32 $0x10, s0;
	s8 =	simm.s32 $0x97C8  }
0x18a: {  	[hbm4b:s31+s3] =	stream.linear.scatter [tilespmem:s8], [sflag:$0x9], $0x80, $0x38;
	[tilespmem:$0x10A00] =	vst v63  }
0x18b: {  	s31 =	sadd.s32 $0x20, s0;
	s8 =	simm.s32 $0x9850  }
0x18c: {  	[hbm4b:s31+s3] =	stream.linear.scatter [tilespmem:s8], [sflag:$0x9], $0x80, $0x38;
	[tilespmem:$0x10A00] =	vst v63  }
0x18d: {  	s31 =	sadd.s32 $0x30, s0;
	s8 =	simm.s32 $0x98D8  }
0x18e: {  	[hbm4b:s31+s3] =	stream.linear.scatter [tilespmem:s8], [sflag:$0x9], $0x80, $0x38;
	[tilespmem:$0x10A00] =	vst v63  }
0x18f: {  	s31 =	sadd.s32 $0x40, s0;
	s8 =	simm.s32 $0x9960  }
0x190: {  	[hbm4b:s31+s3] =	stream.linear.scatter [tilespmem:s8], [sflag:$0x9], $0x80, $0x38;
	[tilespmem:$0x10A00] =	vst v63  }
0x191: {  	s31 =	sadd.s32 $0x50, s0;
	s8 =	simm.s32 $0x99E8  }
0x192: {  	[hbm4b:s31+s3] =	stream.linear.scatter [tilespmem:s8], [sflag:$0x9], $0x80, $0x38;
	[tilespmem:$0x10A00] =	vst v63  }
0x193: {  	s31 =	sadd.s32 $0x60, s0;
	s8 =	simm.s32 $0x9A70  }
0x194: {  	[hbm4b:s31+s3] =	stream.linear.scatter [tilespmem:s8], [sflag:$0x9], $0x80, $0x38;
	[tilespmem:$0x10A00] =	vst v63  }
0x195: {  	s0 =	sadd.s32 $0x70, s0;
	s8 =	simm.s32 $0x9AF8  }
0x196: {  	[hbm4b:s0+s3] =	stream.linear.scatter [tilespmem:s8], [sflag:$0x9], $0x80, $0x38;
	[tilespmem:$0x10A00] =	vst v63  }
0x197: {  	s0 =	sadd.s32 s29, s16;
	s8 =	simm.s32 $0x9B80  }
0x198: {  	[hbm4b:s0+s3] =	stream.linear.scatter [tilespmem:s8], [sflag:$0x9], $0x80, $0x38;
	[tilespmem:$0x10A00] =	vst v63  }
0x199: {  	s31 =	sadd.s32 $0x10, s0;
	s8 =	simm.s32 $0x9C08  }
0x19a: {  	[hbm4b:s31+s3] =	stream.linear.scatter [tilespmem:s8], [sflag:$0x9], $0x80, $0x38;
	[tilespmem:$0x10A00] =	vst v63  }
0x19b: {  	s31 =	sadd.s32 $0x20, s0;
	s8 =	simm.s32 $0x9C90  }
0x19c: {  	[hbm4b:s31+s3] =	stream.linear.scatter [tilespmem:s8], [sflag:$0x9], $0x80, $0x38;
	[tilespmem:$0x10A00] =	vst v63  }
0x19d: {  	s31 =	sadd.s32 $0x30, s0;
	s8 =	simm.s32 $0x9D18  }
0x19e: {  	[hbm4b:s31+s3] =	stream.linear.scatter [tilespmem:s8], [sflag:$0x9], $0x80, $0x38;
	[tilespmem:$0x10A00] =	vst v63  }
0x19f: {  	s31 =	sadd.s32 $0x40, s0;
	s8 =	simm.s32 $0x9DA0  }
0x1a0: {  	[hbm4b:s31+s3] =	stream.linear.scatter [tilespmem:s8], [sflag:$0x9], $0x80, $0x38;
	[tilespmem:$0x10A00] =	vst v63  }
0x1a1: {  	s31 =	sadd.s32 $0x50, s0;
	s8 =	simm.s32 $0x9E28  }
0x1a2: {  	[hbm4b:s31+s3] =	stream.linear.scatter [tilespmem:s8], [sflag:$0x9], $0x80, $0x38;
	[tilespmem:$0x10A00] =	vst v63  }
0x1a3: {  	s31 =	sadd.s32 $0x60, s0;
	s8 =	simm.s32 $0x9EB0  }
0x1a4: {  	[hbm4b:s31+s3] =	stream.linear.scatter [tilespmem:s8], [sflag:$0x9], $0x80, $0x38;
	[tilespmem:$0x10A00] =	vst v63  }
0x1a5: {  	s0 =	sadd.s32 $0x70, s0;
	s8 =	simm.s32 $0x9F38  }
0x1a6: {  	[hbm4b:s0+s3] =	stream.linear.scatter [tilespmem:s8], [sflag:$0x9], $0x80, $0x38;
	[tilespmem:$0x10A00] =	vst v63  }
0x1a7: {  	s0 =	sadd.s32 s29, s17;
	s8 =	simm.s32 $0x9FC0  }
0x1a8: {  	[hbm4b:s0+s3] =	stream.linear.scatter [tilespmem:s8], [sflag:$0x9], $0x80, $0x38;
	[tilespmem:$0x10A00] =	vst v63  }
0x1a9: {  	s31 =	sadd.s32 $0x10, s0;
	s8 =	simm.s32 $0xA048  }
0x1aa: {  	[hbm4b:s31+s3] =	stream.linear.scatter [tilespmem:s8], [sflag:$0x9], $0x80, $0x38;
	[tilespmem:$0x10A00] =	vst v63  }
0x1ab: {  	s31 =	sadd.s32 $0x20, s0;
	s8 =	simm.s32 $0xA0D0  }
0x1ac: {  	[hbm4b:s31+s3] =	stream.linear.scatter [tilespmem:s8], [sflag:$0x9], $0x80, $0x38;
	[tilespmem:$0x10A00] =	vst v63  }
0x1ad: {  	s31 =	sadd.s32 $0x30, s0;
	s8 =	simm.s32 $0xA158  }
0x1ae: {  	[hbm4b:s31+s3] =	stream.linear.scatter [tilespmem:s8], [sflag:$0x9], $0x80, $0x38;
	[tilespmem:$0x10A00] =	vst v63  }
0x1af: {  	s31 =	sadd.s32 $0x40, s0;
	s8 =	simm.s32 $0xA1E0  }
0x1b0: {  	[hbm4b:s31+s3] =	stream.linear.scatter [tilespmem:s8], [sflag:$0x9], $0x80, $0x38;
	[tilespmem:$0x10A00] =	vst v63  }
0x1b1: {  	s31 =	sadd.s32 $0x50, s0;
	s8 =	simm.s32 $0xA268  }
0x1b2: {  	[hbm4b:s31+s3] =	stream.linear.scatter [tilespmem:s8], [sflag:$0x9], $0x80, $0x38;
	[tilespmem:$0x10A00] =	vst v63  }
0x1b3: {  	s31 =	sadd.s32 $0x60, s0;
	s8 =	simm.s32 $0xA2F0  }
0x1b4: {  	[hbm4b:s31+s3] =	stream.linear.scatter [tilespmem:s8], [sflag:$0x9], $0x80, $0x38;
	[tilespmem:$0x10A00] =	vst v63  }
0x1b5: {  	s0 =	sadd.s32 $0x70, s0;
	s8 =	simm.s32 $0xA378  }
0x1b6: {  	[hbm4b:s0+s3] =	stream.linear.scatter [tilespmem:s8], [sflag:$0x9], $0x80, $0x38;
	[tilespmem:$0x10A00] =	vst v63  }
0x1b7: {  	s0 =	simm.s32 @p0 $0x6  }
0x1b8: {  	_ =	swait.ge @p0 [sflag:s0], $0x2000  }
0x1b9: {  	[sflag:s0] =	ssyncset.done @p0 $0x0  }
0x1ba: {  	[sflag:s0] =	ssyncadd.s32 @p0 $0xFFFFE000;
	s0 =	simm.s32 @!p0 $0x1  }
0x1bb: {  	_ =	swait.ge @!p0 [sflag:s0], $0x80  }
0x1bc: {  	s6 =	simm.s32 @!p0 $0x200;
	[sflag:s0] =	ssyncset.done @!p0 $0x0  }
0x1bd: {  	s31 =	simm.s32 @!p0 $0x0;
	[sflag:s0] =	ssyncadd.s32 @!p0 $0xFFFFFF80;
	s0 =	simm.s32 @!p0 $0x80  }
0x1be: {  	[tilespmem:s6], [sflag:$0x5] =	stream.indirect.gather @!p0 [hbm4b:s4+s0], $0x40, s31, s0, $0xb8;
	[tilespmem:$0x10A00] =	vst v63  }
0x1bf: {  	s6 =	simm.s32 @!p0 $0x6  }
0x1c0: {  	_ =	swait.ge @!p0 [sflag:s6], $0x2000  }
0x1c1: {  	[sflag:s6] =	ssyncset.done @!p0 $0x0  }
0x1c2: {  	[sflag:s6] =	ssyncadd.s32 @!p0 $0xFFFFE000;
	s6 =	sadd.s32 @!p0 s21, s18  }
0x1c3: {  	[tilespmem:s0], [sflag:$0x2] =	stream.linear.gather @!p0 [hbm4b:s6+s31], $0x80, $0x38;
	[tilespmem:$0x10A00] =	vst v63  }
0x1c4: {  	s0 =	simm.s32 @!p1 $0xA  }
0x1c5: {  	_ =	swait.ge @!p1 [sflag:s0], $0x400  }
0x1c6: {  	[sflag:s0] =	ssyncset.done @!p1 $0x0  }
0x1c7: {  	[sflag:s0] =	ssyncadd.s32 @!p1 $0xFFFFFC00  }
0x1c8: {  	_ =	swait.ge @!p1 [sflag:s0], $0x400  }
0x1c9: {  	[sflag:s0] =	ssyncset.done @!p1 $0x0  }
0x1ca: {  	[sflag:s0] =	ssyncadd.s32 @!p1 $0xFFFFFC00  }
0x1cb: {  	_ =	swait.ge @!p1 [sflag:s0], $0x400  }
0x1cc: {  	[sflag:s0] =	ssyncset.done @!p1 $0x0  }
0x1cd: {  	[sflag:s0] =	ssyncadd.s32 @!p1 $0xFFFFFC00  }
0x1ce: {  	_ =	swait.ge @!p1 [sflag:s0], $0x400  }
0x1cf: {  	[sflag:s0] =	ssyncset.done @!p1 $0x0  }
0x1d0: {  	[sflag:s0] =	ssyncadd.s32 @!p1 $0xFFFFFC00  }
0x1d1: {  	_ =	swait.ge @!p1 [sflag:s0], $0x400  }
0x1d2: {  	[sflag:s0] =	ssyncset.done @!p1 $0x0  }
0x1d3: {  	[sflag:s0] =	ssyncadd.s32 @!p1 $0xFFFFFC00  }
0x1d4: {  	_ =	swait.ge @!p1 [sflag:s0], $0x400  }
0x1d5: {  	[sflag:s0] =	ssyncset.done @!p1 $0x0  }
0x1d6: {  	[sflag:s0] =	ssyncadd.s32 @!p1 $0xFFFFFC00  }
0x1d7: {  	_ =	swait.ge @!p1 [sflag:s0], $0x400  }
0x1d8: {  	[sflag:s0] =	ssyncset.done @!p1 $0x0  }
0x1d9: {  	[sflag:s0] =	ssyncadd.s32 @!p1 $0xFFFFFC00  }
0x1da: {  	_ =	swait.ge @!p1 [sflag:s0], $0x400  }
0x1db: {  	[sflag:s0] =	ssyncset.done @!p1 $0x0  }
0x1dc: {  	v32 =	vimm.s32 $0x0;
	s31 =	simm.s32 $0x800;
	[sflag:s0] =	ssyncadd.s32 @!p1 $0xFFFFFC00;
	s0 =	simm.s32 $0x0  }
.LBB2_8:
0x1dd: {  	p2 =	sne.s32 s31, $0x7800;
	v33 =	vld [tilespmem:s0+$0x2200];
	v34 =	vadd.s32 v0, v32;
	_ =	sdelay $0x4  }
0x1de: {  	[tilespmem:v34+s25+$0x0] =	vst.idx.msk $0xffff, v33  }
0x1df: {  	v34 =	vadd.s32 v1, v32;
	v33 =	vld [tilespmem:s0+$0x2210];
	_ =	sdelay $0x4  }
0x1e0: {  	[tilespmem:v34+s25+$0x0] =	vst.idx.msk $0xffff, v33  }
0x1e1: {  	v34 =	vadd.s32 v2, v32;
	v33 =	vld [tilespmem:s0+$0x2220];
	_ =	sdelay $0x4  }
0x1e2: {  	[tilespmem:v34+s25+$0x0] =	vst.idx.msk $0xffff, v33  }
0x1e3: {  	v34 =	vadd.s32 v3, v32;
	v33 =	vld [tilespmem:s0+$0x2230];
	_ =	sdelay $0x4  }
0x1e4: {  	[tilespmem:v34+s25+$0x0] =	vst.idx.msk $0xffff, v33  }
0x1e5: {  	v34 =	vadd.s32 v4, v32;
	v33 =	vld [tilespmem:s0+$0x2240];
	_ =	sdelay $0x4  }
0x1e6: {  	[tilespmem:v34+s25+$0x0] =	vst.idx.msk $0xffff, v33  }
0x1e7: {  	v34 =	vadd.s32 v5, v32;
	v33 =	vld [tilespmem:s0+$0x2250];
	_ =	sdelay $0x4  }
0x1e8: {  	[tilespmem:v34+s25+$0x0] =	vst.idx.msk $0xffff, v33  }
0x1e9: {  	v34 =	vadd.s32 v6, v32;
	v33 =	vld [tilespmem:s0+$0x2260];
	_ =	sdelay $0x4  }
0x1ea: {  	[tilespmem:v34+s25+$0x0] =	vst.idx.msk $0xffff, v33  }
0x1eb: {  	v34 =	vadd.s32 v7, v32;
	v33 =	vld [tilespmem:s0+$0x2270];
	_ =	sdelay $0x4  }
0x1ec: {  	[tilespmem:v34+s25+$0x0] =	vst.idx.msk $0xffff, v33  }
0x1ed: {  	v34 =	vadd.s32 v8, v32;
	v33 =	vld [tilespmem:s0+$0x2280];
	_ =	sdelay $0x4  }
0x1ee: {  	[tilespmem:v34+s25+$0x0] =	vst.idx.msk $0xffff, v33  }
0x1ef: {  	v34 =	vadd.s32 v9, v32;
	v33 =	vld [tilespmem:s0+$0x2290];
	_ =	sdelay $0x4  }
0x1f0: {  	[tilespmem:v34+s25+$0x0] =	vst.idx.msk $0xffff, v33  }
0x1f1: {  	v34 =	vadd.s32 v10, v32;
	v33 =	vld [tilespmem:s0+$0x22A0];
	_ =	sdelay $0x4  }
0x1f2: {  	[tilespmem:v34+s25+$0x0] =	vst.idx.msk $0xffff, v33  }
0x1f3: {  	v34 =	vadd.s32 v11, v32;
	v33 =	vld [tilespmem:s0+$0x22B0];
	_ =	sdelay $0x4  }
0x1f4: {  	[tilespmem:v34+s25+$0x0] =	vst.idx.msk $0xffff, v33  }
0x1f5: {  	v34 =	vadd.s32 v12, v32;
	v33 =	vld [tilespmem:s0+$0x22C0];
	_ =	sdelay $0x4  }
0x1f6: {  	[tilespmem:v34+s25+$0x0] =	vst.idx.msk $0xffff, v33  }
0x1f7: {  	v34 =	vadd.s32 v13, v32;
	v33 =	vld [tilespmem:s0+$0x22D0];
	_ =	sdelay $0x4  }
0x1f8: {  	[tilespmem:v34+s25+$0x0] =	vst.idx.msk $0xffff, v33  }
0x1f9: {  	v34 =	vadd.s32 v14, v32;
	v33 =	vld [tilespmem:s0+$0x22E0];
	_ =	sdelay $0x4  }
0x1fa: {  	[tilespmem:v34+s25+$0x0] =	vst.idx.msk $0xffff, v33  }
0x1fb: {  	v34 =	vadd.s32 v15, v32;
	v33 =	vld [tilespmem:s0+$0x22F0];
	_ =	sdelay $0x4  }
0x1fc: {  	[tilespmem:v34+s25+$0x0] =	vst.idx.msk $0xffff, v33  }
0x1fd: {  	v34 =	vadd.s32 v16, v32;
	v33 =	vld [tilespmem:s0+$0x2300];
	_ =	sdelay $0x4  }
0x1fe: {  	[tilespmem:v34+s25+$0x0] =	vst.idx.msk $0xffff, v33  }
0x1ff: {  	v34 =	vadd.s32 v17, v32;
	v33 =	vld [tilespmem:s0+$0x2310];
	_ =	sdelay $0x4  }
0x200: {  	[tilespmem:v34+s25+$0x0] =	vst.idx.msk $0xffff, v33  }
0x201: {  	v34 =	vadd.s32 v18, v32;
	v33 =	vld [tilespmem:s0+$0x2320];
	_ =	sdelay $0x4  }
0x202: {  	[tilespmem:v34+s25+$0x0] =	vst.idx.msk $0xffff, v33  }
0x203: {  	v34 =	vadd.s32 v19, v32;
	v33 =	vld [tilespmem:s0+$0x2330];
	_ =	sdelay $0x4  }
0x204: {  	[tilespmem:v34+s25+$0x0] =	vst.idx.msk $0xffff, v33  }
0x205: {  	v34 =	vadd.s32 v20, v32;
	v33 =	vld [tilespmem:s0+$0x2340];
	_ =	sdelay $0x4  }
0x206: {  	[tilespmem:v34+s25+$0x0] =	vst.idx.msk $0xffff, v33  }
0x207: {  	v34 =	vadd.s32 v21, v32;
	v33 =	vld [tilespmem:s0+$0x2350];
	_ =	sdelay $0x4  }
0x208: {  	[tilespmem:v34+s25+$0x0] =	vst.idx.msk $0xffff, v33  }
0x209: {  	v34 =	vadd.s32 v22, v32;
	v33 =	vld [tilespmem:s0+$0x2360];
	_ =	sdelay $0x4  }
0x20a: {  	[tilespmem:v34+s25+$0x0] =	vst.idx.msk $0xffff, v33  }
0x20b: {  	v34 =	vadd.s32 v23, v32;
	v33 =	vld [tilespmem:s0+$0x2370];
	_ =	sdelay $0x4  }
0x20c: {  	[tilespmem:v34+s25+$0x0] =	vst.idx.msk $0xffff, v33  }
0x20d: {  	v34 =	vadd.s32 v24, v32;
	v33 =	vld [tilespmem:s0+$0x2380];
	_ =	sdelay $0x4  }
0x20e: {  	[tilespmem:v34+s25+$0x0] =	vst.idx.msk $0xffff, v33  }
0x20f: {  	v34 =	vadd.s32 v25, v32;
	v33 =	vld [tilespmem:s0+$0x2390];
	_ =	sdelay $0x4  }
0x210: {  	[tilespmem:v34+s25+$0x0] =	vst.idx.msk $0xffff, v33  }
0x211: {  	v34 =	vadd.s32 v26, v32;
	v33 =	vld [tilespmem:s0+$0x23A0];
	_ =	sdelay $0x4  }
0x212: {  	[tilespmem:v34+s25+$0x0] =	vst.idx.msk $0xffff, v33  }
0x213: {  	v34 =	vadd.s32 v27, v32;
	v33 =	vld [tilespmem:s0+$0x23B0];
	_ =	sdelay $0x4  }
0x214: {  	[tilespmem:v34+s25+$0x0] =	vst.idx.msk $0xffff, v33  }
0x215: {  	v34 =	vadd.s32 v28, v32;
	v33 =	vld [tilespmem:s0+$0x23C0];
	_ =	sdelay $0x4  }
0x216: {  	[tilespmem:v34+s25+$0x0] =	vst.idx.msk $0xffff, v33  }
0x217: {  	v34 =	vadd.s32 v29, v32;
	v33 =	vld [tilespmem:s0+$0x23D0];
	_ =	sdelay $0x4  }
0x218: {  	[tilespmem:v34+s25+$0x0] =	vst.idx.msk $0xffff, v33  }
0x219: {  	v34 =	vadd.s32 v30, v32;
	v33 =	vld [tilespmem:s0+$0x23E0];
	_ =	sdelay $0x4  }
0x21a: {  	[tilespmem:v34+s25+$0x0] =	vst.idx.msk $0xffff, v33  }
0x21b: {  	v34 =	vadd.s32 v31, v32;
	v33 =	vld [tilespmem:s0+$0x23F0]  }
.Ltmp5:
0x21c: {  	(pc) =	sbr.rel @p2 .LBB2_8-.Ltmp5, $2  }
0x21d: {  	_ =	sdelay $0x2  }
0x21e: {  	v32 =	vadd.s32 $0x8, v32;
	s0 =	sshra.s32 s31, $0x2;
	s31 =	sadd.s32 $0x800, s31;
	[tilespmem:v34+s25+$0x0] =	vst.idx.msk $0xffff, v33  }
0x21f: {  	v33 =	vld [tilespmem:s0+$0x2200];
	v34 =	vadd.s32 v0, v32;
	_ =	sdelay $0x4  }
0x220: {  	[tilespmem:v34+s25+$0x0] =	vst.idx.msk $0xffff, v33  }
0x221: {  	v61 =	vadd.s32 v1, v32;
	v33 =	vld [tilespmem:s0+$0x2210];
	_ =	sdelay $0x4  }
0x222: {  	[tilespmem:v61+s25+$0x0] =	vst.idx.msk $0xffff, v33  }
0x223: {  	v62 =	vadd.s32 v2, v32;
	v33 =	vld [tilespmem:s0+$0x2220];
	_ =	sdelay $0x4  }
0x224: {  	[tilespmem:v62+s25+$0x0] =	vst.idx.msk $0xffff, v33  }
0x225: {  	v63 =	vadd.s32 v3, v32;
	v33 =	vld [tilespmem:s0+$0x2230];
	_ =	sdelay $0x4  }
0x226: {  	[tilespmem:v63+s25+$0x0] =	vst.idx.msk $0xffff, v33  }
0x227: {  	v36 =	vadd.s32 v4, v32;
	v33 =	vld [tilespmem:s0+$0x2240];
	_ =	sdelay $0x4  }
0x228: {  	[tilespmem:v36+s25+$0x0] =	vst.idx.msk $0xffff, v33  }
0x229: {  	v37 =	vadd.s32 v5, v32;
	v33 =	vld [tilespmem:s0+$0x2250];
	_ =	sdelay $0x4  }
0x22a: {  	[tilespmem:v37+s25+$0x0] =	vst.idx.msk $0xffff, v33  }
0x22b: {  	v38 =	vadd.s32 v6, v32;
	v33 =	vld [tilespmem:s0+$0x2260];
	_ =	sdelay $0x4  }
0x22c: {  	[tilespmem:v38+s25+$0x0] =	vst.idx.msk $0xffff, v33  }
0x22d: {  	v39 =	vadd.s32 v7, v32;
	v33 =	vld [tilespmem:s0+$0x2270];
	_ =	sdelay $0x4  }
0x22e: {  	[tilespmem:v39+s25+$0x0] =	vst.idx.msk $0xffff, v33  }
0x22f: {  	v40 =	vadd.s32 v8, v32;
	v33 =	vld [tilespmem:s0+$0x2280];
	_ =	sdelay $0x4  }
0x230: {  	[tilespmem:v40+s25+$0x0] =	vst.idx.msk $0xffff, v33  }
0x231: {  	v41 =	vadd.s32 v9, v32;
	v33 =	vld [tilespmem:s0+$0x2290];
	_ =	sdelay $0x4  }
0x232: {  	[tilespmem:v41+s25+$0x0] =	vst.idx.msk $0xffff, v33  }
0x233: {  	v42 =	vadd.s32 v10, v32;
	v33 =	vld [tilespmem:s0+$0x22A0];
	_ =	sdelay $0x4  }
0x234: {  	[tilespmem:v42+s25+$0x0] =	vst.idx.msk $0xffff, v33  }
0x235: {  	v43 =	vadd.s32 v11, v32;
	v33 =	vld [tilespmem:s0+$0x22B0];
	_ =	sdelay $0x4  }
0x236: {  	[tilespmem:v43+s25+$0x0] =	vst.idx.msk $0xffff, v33  }
0x237: {  	v44 =	vadd.s32 v12, v32;
	v33 =	vld [tilespmem:s0+$0x22C0];
	_ =	sdelay $0x4  }
0x238: {  	[tilespmem:v44+s25+$0x0] =	vst.idx.msk $0xffff, v33  }
0x239: {  	v45 =	vadd.s32 v13, v32;
	v33 =	vld [tilespmem:s0+$0x22D0];
	_ =	sdelay $0x4  }
0x23a: {  	[tilespmem:v45+s25+$0x0] =	vst.idx.msk $0xffff, v33  }
0x23b: {  	v46 =	vadd.s32 v14, v32;
	v33 =	vld [tilespmem:s0+$0x22E0];
	_ =	sdelay $0x4  }
0x23c: {  	[tilespmem:v46+s25+$0x0] =	vst.idx.msk $0xffff, v33  }
0x23d: {  	v47 =	vadd.s32 v15, v32;
	v33 =	vld [tilespmem:s0+$0x22F0];
	_ =	sdelay $0x4  }
0x23e: {  	[tilespmem:v47+s25+$0x0] =	vst.idx.msk $0xffff, v33  }
0x23f: {  	v48 =	vadd.s32 v16, v32;
	v33 =	vld [tilespmem:s0+$0x2300];
	_ =	sdelay $0x4  }
0x240: {  	[tilespmem:v48+s25+$0x0] =	vst.idx.msk $0xffff, v33  }
0x241: {  	v49 =	vadd.s32 v17, v32;
	v33 =	vld [tilespmem:s0+$0x2310];
	_ =	sdelay $0x4  }
0x242: {  	[tilespmem:v49+s25+$0x0] =	vst.idx.msk $0xffff, v33  }
0x243: {  	v50 =	vadd.s32 v18, v32;
	v33 =	vld [tilespmem:s0+$0x2320];
	_ =	sdelay $0x4  }
0x244: {  	[tilespmem:v50+s25+$0x0] =	vst.idx.msk $0xffff, v33  }
0x245: {  	v51 =	vadd.s32 v19, v32;
	v33 =	vld [tilespmem:s0+$0x2330];
	_ =	sdelay $0x4  }
0x246: {  	[tilespmem:v51+s25+$0x0] =	vst.idx.msk $0xffff, v33  }
0x247: {  	v52 =	vadd.s32 v20, v32;
	v33 =	vld [tilespmem:s0+$0x2340];
	_ =	sdelay $0x4  }
0x248: {  	[tilespmem:v52+s25+$0x0] =	vst.idx.msk $0xffff, v33  }
0x249: {  	v53 =	vadd.s32 v21, v32;
	v33 =	vld [tilespmem:s0+$0x2350];
	_ =	sdelay $0x4  }
0x24a: {  	[tilespmem:v53+s25+$0x0] =	vst.idx.msk $0xffff, v33  }
0x24b: {  	v54 =	vadd.s32 v22, v32;
	v33 =	vld [tilespmem:s0+$0x2360];
	_ =	sdelay $0x4  }
0x24c: {  	[tilespmem:v54+s25+$0x0] =	vst.idx.msk $0xffff, v33  }
0x24d: {  	v55 =	vadd.s32 v23, v32;
	v33 =	vld [tilespmem:s0+$0x2370];
	_ =	sdelay $0x4  }
0x24e: {  	[tilespmem:v55+s25+$0x0] =	vst.idx.msk $0xffff, v33  }
0x24f: {  	v56 =	vadd.s32 v24, v32;
	v33 =	vld [tilespmem:s0+$0x2380];
	_ =	sdelay $0x4  }
0x250: {  	[tilespmem:v56+s25+$0x0] =	vst.idx.msk $0xffff, v33  }
0x251: {  	v57 =	vadd.s32 v25, v32;
	v33 =	vld [tilespmem:s0+$0x2390];
	_ =	sdelay $0x4  }
0x252: {  	[tilespmem:v57+s25+$0x0] =	vst.idx.msk $0xffff, v33  }
0x253: {  	v58 =	vadd.s32 v26, v32;
	v33 =	vld [tilespmem:s0+$0x23A0];
	_ =	sdelay $0x4  }
0x254: {  	[tilespmem:v58+s25+$0x0] =	vst.idx.msk $0xffff, v33  }
0x255: {  	v59 =	vadd.s32 v27, v32;
	v33 =	vld [tilespmem:s0+$0x23B0];
	_ =	sdelay $0x4  }
0x256: {  	[tilespmem:v59+s25+$0x0] =	vst.idx.msk $0xffff, v33  }
0x257: {  	v60 =	vadd.s32 v28, v32;
	v33 =	vld [tilespmem:s0+$0x23C0];
	_ =	sdelay $0x4  }
0x258: {  	[tilespmem:v60+s25+$0x0] =	vst.idx.msk $0xffff, v33  }
0x259: {  	v61 =	vadd.s32 v29, v32;
	v33 =	vld [tilespmem:s0+$0x23D0];
	_ =	sdelay $0x4  }
0x25a: {  	[tilespmem:v61+s25+$0x0] =	vst.idx.msk $0xffff, v33  }
0x25b: {  	v62 =	vadd.s32 v30, v32;
	v33 =	vld [tilespmem:s0+$0x23E0];
	_ =	sdelay $0x4  }
0x25c: {  	[tilespmem:v62+s25+$0x0] =	vst.idx.msk $0xffff, v33  }
0x25d: {  	v63 =	vadd.s32 v31, v32;
	v33 =	vld [tilespmem:s0+$0x23F0];
	_ =	sdelay $0x3  }
0x25e: {  	s0 =	sor.u32 $0x80, s29  }
0x25f: {  	s6 =	sadd.s32 s2, s0;
	[tilespmem:v63+s25+$0x0] =	vst.idx.msk $0xffff, v33  }
0x260: {  	[hbm4b:s6+s3] =	stream.linear.scatter [tilespmem:s25], [sflag:$0xA], $0x80, $0x38;
	[tilespmem:$0x10A00] =	vst v63  }
0x261: {  	s8 =	simm.s32 $0xA488;
	s31 =	sadd.s32 $0x10, s6  }
0x262: {  	[hbm4b:s31+s3] =	stream.linear.scatter [tilespmem:s8], [sflag:$0xA], $0x80, $0x38;
	[tilespmem:$0x10A00] =	vst v63  }
0x263: {  	s31 =	sadd.s32 $0x20, s6;
	s8 =	simm.s32 $0xA510  }
0x264: {  	[hbm4b:s31+s3] =	stream.linear.scatter [tilespmem:s8], [sflag:$0xA], $0x80, $0x38;
	[tilespmem:$0x10A00] =	vst v63  }
0x265: {  	s31 =	sadd.s32 $0x30, s6;
	s8 =	simm.s32 $0xA598  }
0x266: {  	[hbm4b:s31+s3] =	stream.linear.scatter [tilespmem:s8], [sflag:$0xA], $0x80, $0x38;
	[tilespmem:$0x10A00] =	vst v63  }
0x267: {  	s31 =	sadd.s32 $0x40, s6;
	s8 =	simm.s32 $0xA620  }
0x268: {  	[hbm4b:s31+s3] =	stream.linear.scatter [tilespmem:s8], [sflag:$0xA], $0x80, $0x38;
	[tilespmem:$0x10A00] =	vst v63  }
0x269: {  	s31 =	sadd.s32 $0x50, s6;
	s8 =	simm.s32 $0xA6A8  }
0x26a: {  	[hbm4b:s31+s3] =	stream.linear.scatter [tilespmem:s8], [sflag:$0xA], $0x80, $0x38;
	[tilespmem:$0x10A00] =	vst v63  }
0x26b: {  	s31 =	sadd.s32 $0x60, s6;
	s8 =	simm.s32 $0xA730  }
0x26c: {  	[hbm4b:s31+s3] =	stream.linear.scatter [tilespmem:s8], [sflag:$0xA], $0x80, $0x38;
	[tilespmem:$0x10A00] =	vst v63  }
0x26d: {  	s6 =	sadd.s32 $0x70, s6;
	s8 =	simm.s32 $0xA7B8  }
0x26e: {  	[hbm4b:s6+s3] =	stream.linear.scatter [tilespmem:s8], [sflag:$0xA], $0x80, $0x38;
	[tilespmem:$0x10A00] =	vst v63  }
0x26f: {  	s6 =	sadd.s32 s0, s11;
	s8 =	simm.s32 $0xA840  }
0x270: {  	[hbm4b:s6+s3] =	stream.linear.scatter [tilespmem:s8], [sflag:$0xA], $0x80, $0x38;
	[tilespmem:$0x10A00] =	vst v63  }
0x271: {  	s31 =	sadd.s32 $0x10, s6;
	s8 =	simm.s32 $0xA8C8  }
0x272: {  	[hbm4b:s31+s3] =	stream.linear.scatter [tilespmem:s8], [sflag:$0xA], $0x80, $0x38;
	[tilespmem:$0x10A00] =	vst v63  }
0x273: {  	s31 =	sadd.s32 $0x20, s6;
	s8 =	simm.s32 $0xA950  }
0x274: {  	[hbm4b:s31+s3] =	stream.linear.scatter [tilespmem:s8], [sflag:$0xA], $0x80, $0x38;
	[tilespmem:$0x10A00] =	vst v63  }
0x275: {  	s31 =	sadd.s32 $0x30, s6;
	s8 =	simm.s32 $0xA9D8  }
0x276: {  	[hbm4b:s31+s3] =	stream.linear.scatter [tilespmem:s8], [sflag:$0xA], $0x80, $0x38;
	[tilespmem:$0x10A00] =	vst v63  }
0x277: {  	s31 =	sadd.s32 $0x40, s6;
	s8 =	simm.s32 $0xAA60  }
0x278: {  	[hbm4b:s31+s3] =	stream.linear.scatter [tilespmem:s8], [sflag:$0xA], $0x80, $0x38;
	[tilespmem:$0x10A00] =	vst v63  }
0x279: {  	s31 =	sadd.s32 $0x50, s6;
	s8 =	simm.s32 $0xAAE8  }
0x27a: {  	[hbm4b:s31+s3] =	stream.linear.scatter [tilespmem:s8], [sflag:$0xA], $0x80, $0x38;
	[tilespmem:$0x10A00] =	vst v63  }
0x27b: {  	s31 =	sadd.s32 $0x60, s6;
	s8 =	simm.s32 $0xAB70  }
0x27c: {  	[hbm4b:s31+s3] =	stream.linear.scatter [tilespmem:s8], [sflag:$0xA], $0x80, $0x38;
	[tilespmem:$0x10A00] =	vst v63  }
0x27d: {  	s6 =	sadd.s32 $0x70, s6;
	s8 =	simm.s32 $0xABF8  }
0x27e: {  	[hbm4b:s6+s3] =	stream.linear.scatter [tilespmem:s8], [sflag:$0xA], $0x80, $0x38;
	[tilespmem:$0x10A00] =	vst v63  }
0x27f: {  	s6 =	sadd.s32 s0, s12;
	s8 =	simm.s32 $0xAC80  }
0x280: {  	[hbm4b:s6+s3] =	stream.linear.scatter [tilespmem:s8], [sflag:$0xA], $0x80, $0x38;
	[tilespmem:$0x10A00] =	vst v63  }
0x281: {  	s31 =	sadd.s32 $0x10, s6;
	s8 =	simm.s32 $0xAD08  }
0x282: {  	[hbm4b:s31+s3] =	stream.linear.scatter [tilespmem:s8], [sflag:$0xA], $0x80, $0x38;
	[tilespmem:$0x10A00] =	vst v63  }
0x283: {  	s31 =	sadd.s32 $0x20, s6;
	s8 =	simm.s32 $0xAD90  }
0x284: {  	[hbm4b:s31+s3] =	stream.linear.scatter [tilespmem:s8], [sflag:$0xA], $0x80, $0x38;
	[tilespmem:$0x10A00] =	vst v63  }
0x285: {  	s31 =	sadd.s32 $0x30, s6;
	s8 =	simm.s32 $0xAE18  }
0x286: {  	[hbm4b:s31+s3] =	stream.linear.scatter [tilespmem:s8], [sflag:$0xA], $0x80, $0x38;
	[tilespmem:$0x10A00] =	vst v63  }
0x287: {  	s31 =	sadd.s32 $0x40, s6;
	s8 =	simm.s32 $0xAEA0  }
0x288: {  	[hbm4b:s31+s3] =	stream.linear.scatter [tilespmem:s8], [sflag:$0xA], $0x80, $0x38;
	[tilespmem:$0x10A00] =	vst v63  }
0x289: {  	s31 =	sadd.s32 $0x50, s6;
	s8 =	simm.s32 $0xAF28  }
0x28a: {  	[hbm4b:s31+s3] =	stream.linear.scatter [tilespmem:s8], [sflag:$0xA], $0x80, $0x38;
	[tilespmem:$0x10A00] =	vst v63  }
0x28b: {  	s31 =	sadd.s32 $0x60, s6;
	s8 =	simm.s32 $0xAFB0  }
0x28c: {  	[hbm4b:s31+s3] =	stream.linear.scatter [tilespmem:s8], [sflag:$0xA], $0x80, $0x38;
	[tilespmem:$0x10A00] =	vst v63  }
0x28d: {  	s6 =	sadd.s32 $0x70, s6;
	s8 =	simm.s32 $0xB038  }
0x28e: {  	[hbm4b:s6+s3] =	stream.linear.scatter [tilespmem:s8], [sflag:$0xA], $0x80, $0x38;
	[tilespmem:$0x10A00] =	vst v63  }
0x28f: {  	s6 =	sadd.s32 s0, s13;
	s8 =	simm.s32 $0xB0C0  }
0x290: {  	[hbm4b:s6+s3] =	stream.linear.scatter [tilespmem:s8], [sflag:$0xA], $0x80, $0x38;
	[tilespmem:$0x10A00] =	vst v63  }
0x291: {  	s31 =	sadd.s32 $0x10, s6;
	s8 =	simm.s32 $0xB148  }
0x292: {  	[hbm4b:s31+s3] =	stream.linear.scatter [tilespmem:s8], [sflag:$0xA], $0x80, $0x38;
	[tilespmem:$0x10A00] =	vst v63  }
0x293: {  	s31 =	sadd.s32 $0x20, s6;
	s8 =	simm.s32 $0xB1D0  }
0x294: {  	[hbm4b:s31+s3] =	stream.linear.scatter [tilespmem:s8], [sflag:$0xA], $0x80, $0x38;
	[tilespmem:$0x10A00] =	vst v63  }
0x295: {  	s31 =	sadd.s32 $0x30, s6;
	s8 =	simm.s32 $0xB258  }
0x296: {  	[hbm4b:s31+s3] =	stream.linear.scatter [tilespmem:s8], [sflag:$0xA], $0x80, $0x38;
	[tilespmem:$0x10A00] =	vst v63  }
0x297: {  	s31 =	sadd.s32 $0x40, s6;
	s8 =	simm.s32 $0xB2E0  }
0x298: {  	[hbm4b:s31+s3] =	stream.linear.scatter [tilespmem:s8], [sflag:$0xA], $0x80, $0x38;
	[tilespmem:$0x10A00] =	vst v63  }
0x299: {  	s31 =	sadd.s32 $0x50, s6;
	s8 =	simm.s32 $0xB368  }
0x29a: {  	[hbm4b:s31+s3] =	stream.linear.scatter [tilespmem:s8], [sflag:$0xA], $0x80, $0x38;
	[tilespmem:$0x10A00] =	vst v63  }
0x29b: {  	s31 =	sadd.s32 $0x60, s6;
	s8 =	simm.s32 $0xB3F0  }
0x29c: {  	[hbm4b:s31+s3] =	stream.linear.scatter [tilespmem:s8], [sflag:$0xA], $0x80, $0x38;
	[tilespmem:$0x10A00] =	vst v63  }
0x29d: {  	s6 =	sadd.s32 $0x70, s6;
	s8 =	simm.s32 $0xB478  }
0x29e: {  	[hbm4b:s6+s3] =	stream.linear.scatter [tilespmem:s8], [sflag:$0xA], $0x80, $0x38;
	[tilespmem:$0x10A00] =	vst v63  }
0x29f: {  	s6 =	sadd.s32 s0, s14;
	s8 =	simm.s32 $0xB500  }
0x2a0: {  	[hbm4b:s6+s3] =	stream.linear.scatter [tilespmem:s8], [sflag:$0xA], $0x80, $0x38;
	[tilespmem:$0x10A00] =	vst v63  }
0x2a1: {  	s31 =	sadd.s32 $0x10, s6;
	s8 =	simm.s32 $0xB588  }
0x2a2: {  	[hbm4b:s31+s3] =	stream.linear.scatter [tilespmem:s8], [sflag:$0xA], $0x80, $0x38;
	[tilespmem:$0x10A00] =	vst v63  }
0x2a3: {  	s31 =	sadd.s32 $0x20, s6;
	s8 =	simm.s32 $0xB610  }
0x2a4: {  	[hbm4b:s31+s3] =	stream.linear.scatter [tilespmem:s8], [sflag:$0xA], $0x80, $0x38;
	[tilespmem:$0x10A00] =	vst v63  }
0x2a5: {  	s31 =	sadd.s32 $0x30, s6;
	s8 =	simm.s32 $0xB698  }
0x2a6: {  	[hbm4b:s31+s3] =	stream.linear.scatter [tilespmem:s8], [sflag:$0xA], $0x80, $0x38;
	[tilespmem:$0x10A00] =	vst v63  }
0x2a7: {  	s31 =	sadd.s32 $0x40, s6;
	s8 =	simm.s32 $0xB720  }
0x2a8: {  	[hbm4b:s31+s3] =	stream.linear.scatter [tilespmem:s8], [sflag:$0xA], $0x80, $0x38;
	[tilespmem:$0x10A00] =	vst v63  }
0x2a9: {  	s31 =	sadd.s32 $0x50, s6;
	s8 =	simm.s32 $0xB7A8  }
0x2aa: {  	[hbm4b:s31+s3] =	stream.linear.scatter [tilespmem:s8], [sflag:$0xA], $0x80, $0x38;
	[tilespmem:$0x10A00] =	vst v63  }
0x2ab: {  	s31 =	sadd.s32 $0x60, s6;
	s8 =	simm.s32 $0xB830  }
0x2ac: {  	[hbm4b:s31+s3] =	stream.linear.scatter [tilespmem:s8], [sflag:$0xA], $0x80, $0x38;
	[tilespmem:$0x10A00] =	vst v63  }
0x2ad: {  	s6 =	sadd.s32 $0x70, s6;
	s8 =	simm.s32 $0xB8B8  }
0x2ae: {  	[hbm4b:s6+s3] =	stream.linear.scatter [tilespmem:s8], [sflag:$0xA], $0x80, $0x38;
	[tilespmem:$0x10A00] =	vst v63  }
0x2af: {  	s6 =	sadd.s32 s0, s15;
	s8 =	simm.s32 $0xB940  }
0x2b0: {  	[hbm4b:s6+s3] =	stream.linear.scatter [tilespmem:s8], [sflag:$0xA], $0x80, $0x38;
	[tilespmem:$0x10A00] =	vst v63  }
0x2b1: {  	s31 =	sadd.s32 $0x10, s6;
	s8 =	simm.s32 $0xB9C8  }
0x2b2: {  	[hbm4b:s31+s3] =	stream.linear.scatter [tilespmem:s8], [sflag:$0xA], $0x80, $0x38;
	[tilespmem:$0x10A00] =	vst v63  }
0x2b3: {  	s31 =	sadd.s32 $0x20, s6;
	s8 =	simm.s32 $0xBA50  }
0x2b4: {  	[hbm4b:s31+s3] =	stream.linear.scatter [tilespmem:s8], [sflag:$0xA], $0x80, $0x38;
	[tilespmem:$0x10A00] =	vst v63  }
0x2b5: {  	s31 =	sadd.s32 $0x30, s6;
	s8 =	simm.s32 $0xBAD8  }
0x2b6: {  	[hbm4b:s31+s3] =	stream.linear.scatter [tilespmem:s8], [sflag:$0xA], $0x80, $0x38;
	[tilespmem:$0x10A00] =	vst v63  }
0x2b7: {  	s31 =	sadd.s32 $0x40, s6;
	s8 =	simm.s32 $0xBB60  }
0x2b8: {  	[hbm4b:s31+s3] =	stream.linear.scatter [tilespmem:s8], [sflag:$0xA], $0x80, $0x38;
	[tilespmem:$0x10A00] =	vst v63  }
0x2b9: {  	s31 =	sadd.s32 $0x50, s6;
	s8 =	simm.s32 $0xBBE8  }
0x2ba: {  	[hbm4b:s31+s3] =	stream.linear.scatter [tilespmem:s8], [sflag:$0xA], $0x80, $0x38;
	[tilespmem:$0x10A00] =	vst v63  }
0x2bb: {  	s31 =	sadd.s32 $0x60, s6;
	s8 =	simm.s32 $0xBC70  }
0x2bc: {  	[hbm4b:s31+s3] =	stream.linear.scatter [tilespmem:s8], [sflag:$0xA], $0x80, $0x38;
	[tilespmem:$0x10A00] =	vst v63  }
0x2bd: {  	s6 =	sadd.s32 $0x70, s6;
	s8 =	simm.s32 $0xBCF8  }
0x2be: {  	[hbm4b:s6+s3] =	stream.linear.scatter [tilespmem:s8], [sflag:$0xA], $0x80, $0x38;
	[tilespmem:$0x10A00] =	vst v63  }
0x2bf: {  	s6 =	sadd.s32 s0, s16;
	s8 =	simm.s32 $0xBD80  }
0x2c0: {  	[hbm4b:s6+s3] =	stream.linear.scatter [tilespmem:s8], [sflag:$0xA], $0x80, $0x38;
	[tilespmem:$0x10A00] =	vst v63  }
0x2c1: {  	s31 =	sadd.s32 $0x10, s6;
	s8 =	simm.s32 $0xBE08  }
0x2c2: {  	[hbm4b:s31+s3] =	stream.linear.scatter [tilespmem:s8], [sflag:$0xA], $0x80, $0x38;
	[tilespmem:$0x10A00] =	vst v63  }
0x2c3: {  	s31 =	sadd.s32 $0x20, s6;
	s8 =	simm.s32 $0xBE90  }
0x2c4: {  	[hbm4b:s31+s3] =	stream.linear.scatter [tilespmem:s8], [sflag:$0xA], $0x80, $0x38;
	[tilespmem:$0x10A00] =	vst v63  }
0x2c5: {  	s31 =	sadd.s32 $0x30, s6;
	s8 =	simm.s32 $0xBF18  }
0x2c6: {  	[hbm4b:s31+s3] =	stream.linear.scatter [tilespmem:s8], [sflag:$0xA], $0x80, $0x38;
	[tilespmem:$0x10A00] =	vst v63  }
0x2c7: {  	s31 =	sadd.s32 $0x40, s6;
	s8 =	simm.s32 $0xBFA0  }
0x2c8: {  	[hbm4b:s31+s3] =	stream.linear.scatter [tilespmem:s8], [sflag:$0xA], $0x80, $0x38;
	[tilespmem:$0x10A00] =	vst v63  }
0x2c9: {  	s31 =	sadd.s32 $0x50, s6;
	s8 =	simm.s32 $0xC028  }
0x2ca: {  	[hbm4b:s31+s3] =	stream.linear.scatter [tilespmem:s8], [sflag:$0xA], $0x80, $0x38;
	[tilespmem:$0x10A00] =	vst v63  }
0x2cb: {  	s31 =	sadd.s32 $0x60, s6;
	s8 =	simm.s32 $0xC0B0  }
0x2cc: {  	[hbm4b:s31+s3] =	stream.linear.scatter [tilespmem:s8], [sflag:$0xA], $0x80, $0x38;
	[tilespmem:$0x10A00] =	vst v63  }
0x2cd: {  	s6 =	sadd.s32 $0x70, s6;
	s8 =	simm.s32 $0xC138  }
0x2ce: {  	[hbm4b:s6+s3] =	stream.linear.scatter [tilespmem:s8], [sflag:$0xA], $0x80, $0x38;
	[tilespmem:$0x10A00] =	vst v63  }
0x2cf: {  	s0 =	sadd.s32 s0, s17;
	s8 =	simm.s32 $0xC1C0  }
0x2d0: {  	[hbm4b:s0+s3] =	stream.linear.scatter [tilespmem:s8], [sflag:$0xA], $0x80, $0x38;
	[tilespmem:$0x10A00] =	vst v63  }
0x2d1: {  	s6 =	sadd.s32 $0x10, s0;
	s8 =	simm.s32 $0xC248  }
0x2d2: {  	[hbm4b:s6+s3] =	stream.linear.scatter [tilespmem:s8], [sflag:$0xA], $0x80, $0x38;
	[tilespmem:$0x10A00] =	vst v63  }
0x2d3: {  	s6 =	sadd.s32 $0x20, s0;
	s8 =	simm.s32 $0xC2D0  }
0x2d4: {  	[hbm4b:s6+s3] =	stream.linear.scatter [tilespmem:s8], [sflag:$0xA], $0x80, $0x38;
	[tilespmem:$0x10A00] =	vst v63  }
0x2d5: {  	s6 =	sadd.s32 $0x30, s0;
	s8 =	simm.s32 $0xC358  }
0x2d6: {  	[hbm4b:s6+s3] =	stream.linear.scatter [tilespmem:s8], [sflag:$0xA], $0x80, $0x38;
	[tilespmem:$0x10A00] =	vst v63  }
0x2d7: {  	s6 =	sadd.s32 $0x40, s0;
	s8 =	simm.s32 $0xC3E0  }
0x2d8: {  	[hbm4b:s6+s3] =	stream.linear.scatter [tilespmem:s8], [sflag:$0xA], $0x80, $0x38;
	[tilespmem:$0x10A00] =	vst v63  }
0x2d9: {  	s6 =	sadd.s32 $0x50, s0;
	s8 =	simm.s32 $0xC468  }
0x2da: {  	[hbm4b:s6+s3] =	stream.linear.scatter [tilespmem:s8], [sflag:$0xA], $0x80, $0x38;
	[tilespmem:$0x10A00] =	vst v63  }
0x2db: {  	s6 =	sadd.s32 $0x60, s0;
	s8 =	simm.s32 $0xC4F0  }
0x2dc: {  	[hbm4b:s6+s3] =	stream.linear.scatter [tilespmem:s8], [sflag:$0xA], $0x80, $0x38;
	[tilespmem:$0x10A00] =	vst v63  }
0x2dd: {  	s0 =	sadd.s32 $0x70, s0;
	s8 =	simm.s32 $0xC578  }
0x2de: {  	[hbm4b:s0+s3] =	stream.linear.scatter [tilespmem:s8], [sflag:$0xA], $0x80, $0x38;
	[tilespmem:$0x10A00] =	vst v63  }
0x2df: {  	s0 =	simm.s32 @p0 $0x7  }
0x2e0: {  	_ =	swait.ge @p0 [sflag:s0], $0x2000  }
0x2e1: {  	[sflag:s0] =	ssyncset.done @p0 $0x0  }
0x2e2: {  	[sflag:s0] =	ssyncadd.s32 @p0 $0xFFFFE000;
	s0 =	simm.s32 @!p0 $0x2  }
0x2e3: {  	_ =	swait.ge @!p0 [sflag:s0], $0x80  }
0x2e4: {  	[sflag:s0] =	ssyncset.done @!p0 $0x0  }
0x2e5: {  	s6 =	simm.s32 @!p0 $0x2200;
	[sflag:s0] =	ssyncadd.s32 @!p0 $0xFFFFFF80;
	s0 =	simm.s32 @!p0 $0x80  }
0x2e6: {  	[tilespmem:s6], [sflag:$0x6] =	stream.indirect.gather @!p0 [hbm4b:s4+s0], $0x40, s0, s0, $0xb8;
	[tilespmem:$0x10A00] =	vst v63  }
0x2e7: {  	s0 =	simm.s32 @!p0 $0x7  }
0x2e8: {  	_ =	swait.ge @!p0 [sflag:s0], $0x2000  }
0x2e9: {  	s31 =	simm.s32 @!p0 $0x100;
	[sflag:s0] =	ssyncset.done @!p0 $0x0  }
0x2ea: {  	s6 =	simm.s32 @!p0 $0x0;
	[sflag:s0] =	ssyncadd.s32 @!p0 $0xFFFFE000;
	s0 =	sadd.s32 @!p0 s21, s19  }
0x2eb: {  	[tilespmem:s31], [sflag:$0x3] =	stream.linear.gather @!p0 [hbm4b:s0+s6], $0x80, $0x38;
	[tilespmem:$0x10A00] =	vst v63  }
0x2ec: {  	s0 =	simm.s32 @!p1 $0xB  }
0x2ed: {  	_ =	swait.ge @!p1 [sflag:s0], $0x400  }
0x2ee: {  	[sflag:s0] =	ssyncset.done @!p1 $0x0  }
0x2ef: {  	[sflag:s0] =	ssyncadd.s32 @!p1 $0xFFFFFC00  }
0x2f0: {  	_ =	swait.ge @!p1 [sflag:s0], $0x400  }
0x2f1: {  	[sflag:s0] =	ssyncset.done @!p1 $0x0  }
0x2f2: {  	[sflag:s0] =	ssyncadd.s32 @!p1 $0xFFFFFC00  }
0x2f3: {  	_ =	swait.ge @!p1 [sflag:s0], $0x400  }
0x2f4: {  	[sflag:s0] =	ssyncset.done @!p1 $0x0  }
0x2f5: {  	[sflag:s0] =	ssyncadd.s32 @!p1 $0xFFFFFC00  }
0x2f6: {  	_ =	swait.ge @!p1 [sflag:s0], $0x400  }
0x2f7: {  	[sflag:s0] =	ssyncset.done @!p1 $0x0  }
0x2f8: {  	[sflag:s0] =	ssyncadd.s32 @!p1 $0xFFFFFC00  }
0x2f9: {  	_ =	swait.ge @!p1 [sflag:s0], $0x400  }
0x2fa: {  	[sflag:s0] =	ssyncset.done @!p1 $0x0  }
0x2fb: {  	[sflag:s0] =	ssyncadd.s32 @!p1 $0xFFFFFC00  }
0x2fc: {  	_ =	swait.ge @!p1 [sflag:s0], $0x400  }
0x2fd: {  	[sflag:s0] =	ssyncset.done @!p1 $0x0  }
0x2fe: {  	[sflag:s0] =	ssyncadd.s32 @!p1 $0xFFFFFC00  }
0x2ff: {  	_ =	swait.ge @!p1 [sflag:s0], $0x400  }
0x300: {  	[sflag:s0] =	ssyncset.done @!p1 $0x0  }
0x301: {  	[sflag:s0] =	ssyncadd.s32 @!p1 $0xFFFFFC00  }
0x302: {  	_ =	swait.ge @!p1 [sflag:s0], $0x400  }
0x303: {  	[sflag:s0] =	ssyncset.done @!p1 $0x0  }
0x304: {  	v32 =	vimm.s32 $0x0;
	s31 =	simm.s32 $0x800;
	[sflag:s0] =	ssyncadd.s32 @!p1 $0xFFFFFC00;
	s0 =	simm.s32 $0x0  }
.LBB2_10:
0x305: {  	p2 =	sne.s32 s31, $0x7800;
	v33 =	vld [tilespmem:s0+$0x4200];
	v34 =	vadd.s32 v0, v32;
	_ =	sdelay $0x4  }
0x306: {  	[tilespmem:v34+s22+$0x0] =	vst.idx.msk $0xffff, v33  }
0x307: {  	v34 =	vadd.s32 v1, v32;
	v33 =	vld [tilespmem:s0+$0x4210];
	_ =	sdelay $0x4  }
0x308: {  	[tilespmem:v34+s22+$0x0] =	vst.idx.msk $0xffff, v33  }
0x309: {  	v34 =	vadd.s32 v2, v32;
	v33 =	vld [tilespmem:s0+$0x4220];
	_ =	sdelay $0x4  }
0x30a: {  	[tilespmem:v34+s22+$0x0] =	vst.idx.msk $0xffff, v33  }
0x30b: {  	v34 =	vadd.s32 v3, v32;
	v33 =	vld [tilespmem:s0+$0x4230];
	_ =	sdelay $0x4  }
0x30c: {  	[tilespmem:v34+s22+$0x0] =	vst.idx.msk $0xffff, v33  }
0x30d: {  	v34 =	vadd.s32 v4, v32;
	v33 =	vld [tilespmem:s0+$0x4240];
	_ =	sdelay $0x4  }
0x30e: {  	[tilespmem:v34+s22+$0x0] =	vst.idx.msk $0xffff, v33  }
0x30f: {  	v34 =	vadd.s32 v5, v32;
	v33 =	vld [tilespmem:s0+$0x4250];
	_ =	sdelay $0x4  }
0x310: {  	[tilespmem:v34+s22+$0x0] =	vst.idx.msk $0xffff, v33  }
0x311: {  	v34 =	vadd.s32 v6, v32;
	v33 =	vld [tilespmem:s0+$0x4260];
	_ =	sdelay $0x4  }
0x312: {  	[tilespmem:v34+s22+$0x0] =	vst.idx.msk $0xffff, v33  }
0x313: {  	v34 =	vadd.s32 v7, v32;
	v33 =	vld [tilespmem:s0+$0x4270];
	_ =	sdelay $0x4  }
0x314: {  	[tilespmem:v34+s22+$0x0] =	vst.idx.msk $0xffff, v33  }
0x315: {  	v34 =	vadd.s32 v8, v32;
	v33 =	vld [tilespmem:s0+$0x4280];
	_ =	sdelay $0x4  }
0x316: {  	[tilespmem:v34+s22+$0x0] =	vst.idx.msk $0xffff, v33  }
0x317: {  	v34 =	vadd.s32 v9, v32;
	v33 =	vld [tilespmem:s0+$0x4290];
	_ =	sdelay $0x4  }
0x318: {  	[tilespmem:v34+s22+$0x0] =	vst.idx.msk $0xffff, v33  }
0x319: {  	v34 =	vadd.s32 v10, v32;
	v33 =	vld [tilespmem:s0+$0x42A0];
	_ =	sdelay $0x4  }
0x31a: {  	[tilespmem:v34+s22+$0x0] =	vst.idx.msk $0xffff, v33  }
0x31b: {  	v34 =	vadd.s32 v11, v32;
	v33 =	vld [tilespmem:s0+$0x42B0];
	_ =	sdelay $0x4  }
0x31c: {  	[tilespmem:v34+s22+$0x0] =	vst.idx.msk $0xffff, v33  }
0x31d: {  	v34 =	vadd.s32 v12, v32;
	v33 =	vld [tilespmem:s0+$0x42C0];
	_ =	sdelay $0x4  }
0x31e: {  	[tilespmem:v34+s22+$0x0] =	vst.idx.msk $0xffff, v33  }
0x31f: {  	v34 =	vadd.s32 v13, v32;
	v33 =	vld [tilespmem:s0+$0x42D0];
	_ =	sdelay $0x4  }
0x320: {  	[tilespmem:v34+s22+$0x0] =	vst.idx.msk $0xffff, v33  }
0x321: {  	v34 =	vadd.s32 v14, v32;
	v33 =	vld [tilespmem:s0+$0x42E0];
	_ =	sdelay $0x4  }
0x322: {  	[tilespmem:v34+s22+$0x0] =	vst.idx.msk $0xffff, v33  }
0x323: {  	v34 =	vadd.s32 v15, v32;
	v33 =	vld [tilespmem:s0+$0x42F0];
	_ =	sdelay $0x4  }
0x324: {  	[tilespmem:v34+s22+$0x0] =	vst.idx.msk $0xffff, v33  }
0x325: {  	v34 =	vadd.s32 v16, v32;
	v33 =	vld [tilespmem:s0+$0x4300];
	_ =	sdelay $0x4  }
0x326: {  	[tilespmem:v34+s22+$0x0] =	vst.idx.msk $0xffff, v33  }
0x327: {  	v34 =	vadd.s32 v17, v32;
	v33 =	vld [tilespmem:s0+$0x4310];
	_ =	sdelay $0x4  }
0x328: {  	[tilespmem:v34+s22+$0x0] =	vst.idx.msk $0xffff, v33  }
0x329: {  	v34 =	vadd.s32 v18, v32;
	v33 =	vld [tilespmem:s0+$0x4320];
	_ =	sdelay $0x4  }
0x32a: {  	[tilespmem:v34+s22+$0x0] =	vst.idx.msk $0xffff, v33  }
0x32b: {  	v34 =	vadd.s32 v19, v32;
	v33 =	vld [tilespmem:s0+$0x4330];
	_ =	sdelay $0x4  }
0x32c: {  	[tilespmem:v34+s22+$0x0] =	vst.idx.msk $0xffff, v33  }
0x32d: {  	v34 =	vadd.s32 v20, v32;
	v33 =	vld [tilespmem:s0+$0x4340];
	_ =	sdelay $0x4  }
0x32e: {  	[tilespmem:v34+s22+$0x0] =	vst.idx.msk $0xffff, v33  }
0x32f: {  	v34 =	vadd.s32 v21, v32;
	v33 =	vld [tilespmem:s0+$0x4350];
	_ =	sdelay $0x4  }
0x330: {  	[tilespmem:v34+s22+$0x0] =	vst.idx.msk $0xffff, v33  }
0x331: {  	v34 =	vadd.s32 v22, v32;
	v33 =	vld [tilespmem:s0+$0x4360];
	_ =	sdelay $0x4  }
0x332: {  	[tilespmem:v34+s22+$0x0] =	vst.idx.msk $0xffff, v33  }
0x333: {  	v34 =	vadd.s32 v23, v32;
	v33 =	vld [tilespmem:s0+$0x4370];
	_ =	sdelay $0x4  }
0x334: {  	[tilespmem:v34+s22+$0x0] =	vst.idx.msk $0xffff, v33  }
0x335: {  	v34 =	vadd.s32 v24, v32;
	v33 =	vld [tilespmem:s0+$0x4380];
	_ =	sdelay $0x4  }
0x336: {  	[tilespmem:v34+s22+$0x0] =	vst.idx.msk $0xffff, v33  }
0x337: {  	v34 =	vadd.s32 v25, v32;
	v33 =	vld [tilespmem:s0+$0x4390];
	_ =	sdelay $0x4  }
0x338: {  	[tilespmem:v34+s22+$0x0] =	vst.idx.msk $0xffff, v33  }
0x339: {  	v34 =	vadd.s32 v26, v32;
	v33 =	vld [tilespmem:s0+$0x43A0];
	_ =	sdelay $0x4  }
0x33a: {  	[tilespmem:v34+s22+$0x0] =	vst.idx.msk $0xffff, v33  }
0x33b: {  	v34 =	vadd.s32 v27, v32;
	v33 =	vld [tilespmem:s0+$0x43B0];
	_ =	sdelay $0x4  }
0x33c: {  	[tilespmem:v34+s22+$0x0] =	vst.idx.msk $0xffff, v33  }
0x33d: {  	v34 =	vadd.s32 v28, v32;
	v33 =	vld [tilespmem:s0+$0x43C0];
	_ =	sdelay $0x4  }
0x33e: {  	[tilespmem:v34+s22+$0x0] =	vst.idx.msk $0xffff, v33  }
0x33f: {  	v34 =	vadd.s32 v29, v32;
	v33 =	vld [tilespmem:s0+$0x43D0];
	_ =	sdelay $0x4  }
0x340: {  	[tilespmem:v34+s22+$0x0] =	vst.idx.msk $0xffff, v33  }
0x341: {  	v34 =	vadd.s32 v30, v32;
	v33 =	vld [tilespmem:s0+$0x43E0];
	_ =	sdelay $0x4  }
0x342: {  	[tilespmem:v34+s22+$0x0] =	vst.idx.msk $0xffff, v33  }
0x343: {  	v34 =	vadd.s32 v31, v32;
	v33 =	vld [tilespmem:s0+$0x43F0]  }
.Ltmp6:
0x344: {  	(pc) =	sbr.rel @p2 .LBB2_10-.Ltmp6, $2  }
0x345: {  	_ =	sdelay $0x2  }
0x346: {  	v32 =	vadd.s32 $0x8, v32;
	s0 =	sshra.s32 s31, $0x2;
	s31 =	sadd.s32 $0x800, s31;
	[tilespmem:v34+s22+$0x0] =	vst.idx.msk $0xffff, v33  }
0x347: {  	v33 =	vld [tilespmem:s0+$0x4200];
	v34 =	vadd.s32 v0, v32;
	_ =	sdelay $0x4  }
0x348: {  	[tilespmem:v34+s22+$0x0] =	vst.idx.msk $0xffff, v33  }
0x349: {  	v61 =	vadd.s32 v1, v32;
	v33 =	vld [tilespmem:s0+$0x4210];
	_ =	sdelay $0x4  }
0x34a: {  	[tilespmem:v61+s22+$0x0] =	vst.idx.msk $0xffff, v33  }
0x34b: {  	v62 =	vadd.s32 v2, v32;
	v33 =	vld [tilespmem:s0+$0x4220];
	_ =	sdelay $0x4  }
0x34c: {  	[tilespmem:v62+s22+$0x0] =	vst.idx.msk $0xffff, v33  }
0x34d: {  	v63 =	vadd.s32 v3, v32;
	v33 =	vld [tilespmem:s0+$0x4230];
	_ =	sdelay $0x4  }
0x34e: {  	[tilespmem:v63+s22+$0x0] =	vst.idx.msk $0xffff, v33  }
0x34f: {  	v36 =	vadd.s32 v4, v32;
	v33 =	vld [tilespmem:s0+$0x4240];
	_ =	sdelay $0x4  }
0x350: {  	[tilespmem:v36+s22+$0x0] =	vst.idx.msk $0xffff, v33  }
0x351: {  	v37 =	vadd.s32 v5, v32;
	v33 =	vld [tilespmem:s0+$0x4250];
	_ =	sdelay $0x4  }
0x352: {  	[tilespmem:v37+s22+$0x0] =	vst.idx.msk $0xffff, v33  }
0x353: {  	v38 =	vadd.s32 v6, v32;
	v33 =	vld [tilespmem:s0+$0x4260];
	_ =	sdelay $0x4  }
0x354: {  	[tilespmem:v38+s22+$0x0] =	vst.idx.msk $0xffff, v33  }
0x355: {  	v39 =	vadd.s32 v7, v32;
	v33 =	vld [tilespmem:s0+$0x4270];
	_ =	sdelay $0x4  }
0x356: {  	[tilespmem:v39+s22+$0x0] =	vst.idx.msk $0xffff, v33  }
0x357: {  	v40 =	vadd.s32 v8, v32;
	v33 =	vld [tilespmem:s0+$0x4280];
	_ =	sdelay $0x4  }
0x358: {  	[tilespmem:v40+s22+$0x0] =	vst.idx.msk $0xffff, v33  }
0x359: {  	v41 =	vadd.s32 v9, v32;
	v33 =	vld [tilespmem:s0+$0x4290];
	_ =	sdelay $0x4  }
0x35a: {  	[tilespmem:v41+s22+$0x0] =	vst.idx.msk $0xffff, v33  }
0x35b: {  	v42 =	vadd.s32 v10, v32;
	v33 =	vld [tilespmem:s0+$0x42A0];
	_ =	sdelay $0x4  }
0x35c: {  	[tilespmem:v42+s22+$0x0] =	vst.idx.msk $0xffff, v33  }
0x35d: {  	v43 =	vadd.s32 v11, v32;
	v33 =	vld [tilespmem:s0+$0x42B0];
	_ =	sdelay $0x4  }
0x35e: {  	[tilespmem:v43+s22+$0x0] =	vst.idx.msk $0xffff, v33  }
0x35f: {  	v44 =	vadd.s32 v12, v32;
	v33 =	vld [tilespmem:s0+$0x42C0];
	_ =	sdelay $0x4  }
0x360: {  	[tilespmem:v44+s22+$0x0] =	vst.idx.msk $0xffff, v33  }
0x361: {  	v45 =	vadd.s32 v13, v32;
	v33 =	vld [tilespmem:s0+$0x42D0];
	_ =	sdelay $0x4  }
0x362: {  	[tilespmem:v45+s22+$0x0] =	vst.idx.msk $0xffff, v33  }
0x363: {  	v46 =	vadd.s32 v14, v32;
	v33 =	vld [tilespmem:s0+$0x42E0];
	_ =	sdelay $0x4  }
0x364: {  	[tilespmem:v46+s22+$0x0] =	vst.idx.msk $0xffff, v33  }
0x365: {  	v47 =	vadd.s32 v15, v32;
	v33 =	vld [tilespmem:s0+$0x42F0];
	_ =	sdelay $0x4  }
0x366: {  	[tilespmem:v47+s22+$0x0] =	vst.idx.msk $0xffff, v33  }
0x367: {  	v48 =	vadd.s32 v16, v32;
	v33 =	vld [tilespmem:s0+$0x4300];
	_ =	sdelay $0x4  }
0x368: {  	[tilespmem:v48+s22+$0x0] =	vst.idx.msk $0xffff, v33  }
0x369: {  	v49 =	vadd.s32 v17, v32;
	v33 =	vld [tilespmem:s0+$0x4310];
	_ =	sdelay $0x4  }
0x36a: {  	[tilespmem:v49+s22+$0x0] =	vst.idx.msk $0xffff, v33  }
0x36b: {  	v50 =	vadd.s32 v18, v32;
	v33 =	vld [tilespmem:s0+$0x4320];
	_ =	sdelay $0x4  }
0x36c: {  	[tilespmem:v50+s22+$0x0] =	vst.idx.msk $0xffff, v33  }
0x36d: {  	v51 =	vadd.s32 v19, v32;
	v33 =	vld [tilespmem:s0+$0x4330];
	_ =	sdelay $0x4  }
0x36e: {  	[tilespmem:v51+s22+$0x0] =	vst.idx.msk $0xffff, v33  }
0x36f: {  	v52 =	vadd.s32 v20, v32;
	v33 =	vld [tilespmem:s0+$0x4340];
	_ =	sdelay $0x4  }
0x370: {  	[tilespmem:v52+s22+$0x0] =	vst.idx.msk $0xffff, v33  }
0x371: {  	v53 =	vadd.s32 v21, v32;
	v33 =	vld [tilespmem:s0+$0x4350];
	_ =	sdelay $0x4  }
0x372: {  	[tilespmem:v53+s22+$0x0] =	vst.idx.msk $0xffff, v33  }
0x373: {  	v54 =	vadd.s32 v22, v32;
	v33 =	vld [tilespmem:s0+$0x4360];
	_ =	sdelay $0x4  }
0x374: {  	[tilespmem:v54+s22+$0x0] =	vst.idx.msk $0xffff, v33  }
0x375: {  	v55 =	vadd.s32 v23, v32;
	v33 =	vld [tilespmem:s0+$0x4370];
	_ =	sdelay $0x4  }
0x376: {  	[tilespmem:v55+s22+$0x0] =	vst.idx.msk $0xffff, v33  }
0x377: {  	v56 =	vadd.s32 v24, v32;
	v33 =	vld [tilespmem:s0+$0x4380];
	_ =	sdelay $0x4  }
0x378: {  	[tilespmem:v56+s22+$0x0] =	vst.idx.msk $0xffff, v33  }
0x379: {  	v57 =	vadd.s32 v25, v32;
	v33 =	vld [tilespmem:s0+$0x4390];
	_ =	sdelay $0x4  }
0x37a: {  	[tilespmem:v57+s22+$0x0] =	vst.idx.msk $0xffff, v33  }
0x37b: {  	v58 =	vadd.s32 v26, v32;
	v33 =	vld [tilespmem:s0+$0x43A0];
	_ =	sdelay $0x4  }
0x37c: {  	[tilespmem:v58+s22+$0x0] =	vst.idx.msk $0xffff, v33  }
0x37d: {  	v59 =	vadd.s32 v27, v32;
	v33 =	vld [tilespmem:s0+$0x43B0];
	_ =	sdelay $0x4  }
0x37e: {  	[tilespmem:v59+s22+$0x0] =	vst.idx.msk $0xffff, v33  }
0x37f: {  	v60 =	vadd.s32 v28, v32;
	v33 =	vld [tilespmem:s0+$0x43C0];
	_ =	sdelay $0x4  }
0x380: {  	[tilespmem:v60+s22+$0x0] =	vst.idx.msk $0xffff, v33  }
0x381: {  	v61 =	vadd.s32 v29, v32;
	v33 =	vld [tilespmem:s0+$0x43D0];
	_ =	sdelay $0x4  }
0x382: {  	[tilespmem:v61+s22+$0x0] =	vst.idx.msk $0xffff, v33  }
0x383: {  	v62 =	vadd.s32 v30, v32;
	v33 =	vld [tilespmem:s0+$0x43E0];
	_ =	sdelay $0x4  }
0x384: {  	[tilespmem:v62+s22+$0x0] =	vst.idx.msk $0xffff, v33  }
0x385: {  	v63 =	vadd.s32 v31, v32;
	v33 =	vld [tilespmem:s0+$0x43F0];
	_ =	sdelay $0x3  }
0x386: {  	s0 =	sor.u32 $0x100, s29  }
0x387: {  	s6 =	sadd.s32 s2, s0;
	[tilespmem:v63+s22+$0x0] =	vst.idx.msk $0xffff, v33  }
0x388: {  	[hbm4b:s6+s3] =	stream.linear.scatter [tilespmem:s22], [sflag:$0xB], $0x80, $0x38;
	[tilespmem:$0x10A00] =	vst v63  }
0x389: {  	s8 =	simm.s32 $0xC688;
	s31 =	sadd.s32 $0x10, s6  }
0x38a: {  	[hbm4b:s31+s3] =	stream.linear.scatter [tilespmem:s8], [sflag:$0xB], $0x80, $0x38;
	[tilespmem:$0x10A00] =	vst v63  }
0x38b: {  	s31 =	sadd.s32 $0x20, s6;
	s8 =	simm.s32 $0xC710  }
0x38c: {  	[hbm4b:s31+s3] =	stream.linear.scatter [tilespmem:s8], [sflag:$0xB], $0x80, $0x38;
	[tilespmem:$0x10A00] =	vst v63  }
0x38d: {  	s31 =	sadd.s32 $0x30, s6;
	s8 =	simm.s32 $0xC798  }
0x38e: {  	[hbm4b:s31+s3] =	stream.linear.scatter [tilespmem:s8], [sflag:$0xB], $0x80, $0x38;
	[tilespmem:$0x10A00] =	vst v63  }
0x38f: {  	s31 =	sadd.s32 $0x40, s6;
	s8 =	simm.s32 $0xC820  }
0x390: {  	[hbm4b:s31+s3] =	stream.linear.scatter [tilespmem:s8], [sflag:$0xB], $0x80, $0x38;
	[tilespmem:$0x10A00] =	vst v63  }
0x391: {  	s31 =	sadd.s32 $0x50, s6;
	s8 =	simm.s32 $0xC8A8  }
0x392: {  	[hbm4b:s31+s3] =	stream.linear.scatter [tilespmem:s8], [sflag:$0xB], $0x80, $0x38;
	[tilespmem:$0x10A00] =	vst v63  }
0x393: {  	s31 =	sadd.s32 $0x60, s6;
	s8 =	simm.s32 $0xC930  }
0x394: {  	[hbm4b:s31+s3] =	stream.linear.scatter [tilespmem:s8], [sflag:$0xB], $0x80, $0x38;
	[tilespmem:$0x10A00] =	vst v63  }
0x395: {  	s6 =	sadd.s32 $0x70, s6;
	s31 =	simm.s32 $0xC9B8  }
0x396: {  	[hbm4b:s6+s3] =	stream.linear.scatter [tilespmem:s31], [sflag:$0xB], $0x80, $0x38;
	[tilespmem:$0x10A00] =	vst v63  }
0x397: {  	s6 =	sadd.s32 s0, s11;
	s31 =	simm.s32 $0xCA40  }
0x398: {  	[hbm4b:s6+s3] =	stream.linear.scatter [tilespmem:s31], [sflag:$0xB], $0x80, $0x38;
	[tilespmem:$0x10A00] =	vst v63  }
0x399: {  	s8 =	simm.s32 $0xCAC8;
	s31 =	sadd.s32 $0x10, s6  }
0x39a: {  	[hbm4b:s31+s3] =	stream.linear.scatter [tilespmem:s8], [sflag:$0xB], $0x80, $0x38;
	[tilespmem:$0x10A00] =	vst v63  }
0x39b: {  	s31 =	sadd.s32 $0x20, s6;
	s8 =	simm.s32 $0xCB50  }
0x39c: {  	[hbm4b:s31+s3] =	stream.linear.scatter [tilespmem:s8], [sflag:$0xB], $0x80, $0x38;
	[tilespmem:$0x10A00] =	vst v63  }
0x39d: {  	s31 =	sadd.s32 $0x30, s6;
	s8 =	simm.s32 $0xCBD8  }
0x39e: {  	[hbm4b:s31+s3] =	stream.linear.scatter [tilespmem:s8], [sflag:$0xB], $0x80, $0x38;
	[tilespmem:$0x10A00] =	vst v63  }
0x39f: {  	s31 =	sadd.s32 $0x40, s6;
	s8 =	simm.s32 $0xCC60  }
0x3a0: {  	[hbm4b:s31+s3] =	stream.linear.scatter [tilespmem:s8], [sflag:$0xB], $0x80, $0x38;
	[tilespmem:$0x10A00] =	vst v63  }
0x3a1: {  	s31 =	sadd.s32 $0x50, s6;
	s8 =	simm.s32 $0xCCE8  }
0x3a2: {  	[hbm4b:s31+s3] =	stream.linear.scatter [tilespmem:s8], [sflag:$0xB], $0x80, $0x38;
	[tilespmem:$0x10A00] =	vst v63  }
0x3a3: {  	s31 =	sadd.s32 $0x60, s6;
	s8 =	simm.s32 $0xCD70  }
0x3a4: {  	[hbm4b:s31+s3] =	stream.linear.scatter [tilespmem:s8], [sflag:$0xB], $0x80, $0x38;
	[tilespmem:$0x10A00] =	vst v63  }
0x3a5: {  	s6 =	sadd.s32 $0x70, s6;
	s31 =	simm.s32 $0xCDF8  }
0x3a6: {  	[hbm4b:s6+s3] =	stream.linear.scatter [tilespmem:s31], [sflag:$0xB], $0x80, $0x38;
	[tilespmem:$0x10A00] =	vst v63  }
0x3a7: {  	s6 =	sadd.s32 s0, s12;
	s31 =	simm.s32 $0xCE80  }
0x3a8: {  	[hbm4b:s6+s3] =	stream.linear.scatter [tilespmem:s31], [sflag:$0xB], $0x80, $0x38;
	[tilespmem:$0x10A00] =	vst v63  }
0x3a9: {  	s8 =	simm.s32 $0xCF08;
	s31 =	sadd.s32 $0x10, s6  }
0x3aa: {  	[hbm4b:s31+s3] =	stream.linear.scatter [tilespmem:s8], [sflag:$0xB], $0x80, $0x38;
	[tilespmem:$0x10A00] =	vst v63  }
0x3ab: {  	s31 =	sadd.s32 $0x20, s6;
	s8 =	simm.s32 $0xCF90  }
0x3ac: {  	[hbm4b:s31+s3] =	stream.linear.scatter [tilespmem:s8], [sflag:$0xB], $0x80, $0x38;
	[tilespmem:$0x10A00] =	vst v63  }
0x3ad: {  	s31 =	sadd.s32 $0x30, s6;
	s8 =	simm.s32 $0xD018  }
0x3ae: {  	[hbm4b:s31+s3] =	stream.linear.scatter [tilespmem:s8], [sflag:$0xB], $0x80, $0x38;
	[tilespmem:$0x10A00] =	vst v63  }
0x3af: {  	s31 =	sadd.s32 $0x40, s6;
	s8 =	simm.s32 $0xD0A0  }
0x3b0: {  	[hbm4b:s31+s3] =	stream.linear.scatter [tilespmem:s8], [sflag:$0xB], $0x80, $0x38;
	[tilespmem:$0x10A00] =	vst v63  }
0x3b1: {  	s31 =	sadd.s32 $0x50, s6;
	s8 =	simm.s32 $0xD128  }
0x3b2: {  	[hbm4b:s31+s3] =	stream.linear.scatter [tilespmem:s8], [sflag:$0xB], $0x80, $0x38;
	[tilespmem:$0x10A00] =	vst v63  }
0x3b3: {  	s31 =	sadd.s32 $0x60, s6;
	s8 =	simm.s32 $0xD1B0  }
0x3b4: {  	[hbm4b:s31+s3] =	stream.linear.scatter [tilespmem:s8], [sflag:$0xB], $0x80, $0x38;
	[tilespmem:$0x10A00] =	vst v63  }
0x3b5: {  	s6 =	sadd.s32 $0x70, s6;
	s31 =	simm.s32 $0xD238  }
0x3b6: {  	[hbm4b:s6+s3] =	stream.linear.scatter [tilespmem:s31], [sflag:$0xB], $0x80, $0x38;
	[tilespmem:$0x10A00] =	vst v63  }
0x3b7: {  	s6 =	sadd.s32 s0, s13;
	s31 =	simm.s32 $0xD2C0  }
0x3b8: {  	[hbm4b:s6+s3] =	stream.linear.scatter [tilespmem:s31], [sflag:$0xB], $0x80, $0x38;
	[tilespmem:$0x10A00] =	vst v63  }
0x3b9: {  	s8 =	simm.s32 $0xD348;
	s31 =	sadd.s32 $0x10, s6  }
0x3ba: {  	[hbm4b:s31+s3] =	stream.linear.scatter [tilespmem:s8], [sflag:$0xB], $0x80, $0x38;
	[tilespmem:$0x10A00] =	vst v63  }
0x3bb: {  	s31 =	sadd.s32 $0x20, s6;
	s8 =	simm.s32 $0xD3D0  }
0x3bc: {  	[hbm4b:s31+s3] =	stream.linear.scatter [tilespmem:s8], [sflag:$0xB], $0x80, $0x38;
	[tilespmem:$0x10A00] =	vst v63  }
0x3bd: {  	s31 =	sadd.s32 $0x30, s6;
	s8 =	simm.s32 $0xD458  }
0x3be: {  	[hbm4b:s31+s3] =	stream.linear.scatter [tilespmem:s8], [sflag:$0xB], $0x80, $0x38;
	[tilespmem:$0x10A00] =	vst v63  }
0x3bf: {  	s31 =	sadd.s32 $0x40, s6;
	s8 =	simm.s32 $0xD4E0  }
0x3c0: {  	[hbm4b:s31+s3] =	stream.linear.scatter [tilespmem:s8], [sflag:$0xB], $0x80, $0x38;
	[tilespmem:$0x10A00] =	vst v63  }
0x3c1: {  	s31 =	sadd.s32 $0x50, s6;
	s8 =	simm.s32 $0xD568  }
0x3c2: {  	[hbm4b:s31+s3] =	stream.linear.scatter [tilespmem:s8], [sflag:$0xB], $0x80, $0x38;
	[tilespmem:$0x10A00] =	vst v63  }
0x3c3: {  	s31 =	sadd.s32 $0x60, s6;
	s8 =	simm.s32 $0xD5F0  }
0x3c4: {  	[hbm4b:s31+s3] =	stream.linear.scatter [tilespmem:s8], [sflag:$0xB], $0x80, $0x38;
	[tilespmem:$0x10A00] =	vst v63  }
0x3c5: {  	s6 =	sadd.s32 $0x70, s6;
	s31 =	simm.s32 $0xD678  }
0x3c6: {  	[hbm4b:s6+s3] =	stream.linear.scatter [tilespmem:s31], [sflag:$0xB], $0x80, $0x38;
	[tilespmem:$0x10A00] =	vst v63  }
0x3c7: {  	s6 =	sadd.s32 s0, s14;
	s31 =	simm.s32 $0xD700  }
0x3c8: {  	[hbm4b:s6+s3] =	stream.linear.scatter [tilespmem:s31], [sflag:$0xB], $0x80, $0x38;
	[tilespmem:$0x10A00] =	vst v63  }
0x3c9: {  	s8 =	simm.s32 $0xD788;
	s31 =	sadd.s32 $0x10, s6  }
0x3ca: {  	[hbm4b:s31+s3] =	stream.linear.scatter [tilespmem:s8], [sflag:$0xB], $0x80, $0x38;
	[tilespmem:$0x10A00] =	vst v63  }
0x3cb: {  	s31 =	sadd.s32 $0x20, s6;
	s8 =	simm.s32 $0xD810  }
0x3cc: {  	[hbm4b:s31+s3] =	stream.linear.scatter [tilespmem:s8], [sflag:$0xB], $0x80, $0x38;
	[tilespmem:$0x10A00] =	vst v63  }
0x3cd: {  	s31 =	sadd.s32 $0x30, s6;
	s8 =	simm.s32 $0xD898  }
0x3ce: {  	[hbm4b:s31+s3] =	stream.linear.scatter [tilespmem:s8], [sflag:$0xB], $0x80, $0x38;
	[tilespmem:$0x10A00] =	vst v63  }
0x3cf: {  	s31 =	sadd.s32 $0x40, s6;
	s8 =	simm.s32 $0xD920  }
0x3d0: {  	[hbm4b:s31+s3] =	stream.linear.scatter [tilespmem:s8], [sflag:$0xB], $0x80, $0x38;
	[tilespmem:$0x10A00] =	vst v63  }
0x3d1: {  	s31 =	sadd.s32 $0x50, s6;
	s8 =	simm.s32 $0xD9A8  }
0x3d2: {  	[hbm4b:s31+s3] =	stream.linear.scatter [tilespmem:s8], [sflag:$0xB], $0x80, $0x38;
	[tilespmem:$0x10A00] =	vst v63  }
0x3d3: {  	s31 =	sadd.s32 $0x60, s6;
	s8 =	simm.s32 $0xDA30  }
0x3d4: {  	[hbm4b:s31+s3] =	stream.linear.scatter [tilespmem:s8], [sflag:$0xB], $0x80, $0x38;
	[tilespmem:$0x10A00] =	vst v63  }
0x3d5: {  	s6 =	sadd.s32 $0x70, s6;
	s31 =	simm.s32 $0xDAB8  }
0x3d6: {  	[hbm4b:s6+s3] =	stream.linear.scatter [tilespmem:s31], [sflag:$0xB], $0x80, $0x38;
	[tilespmem:$0x10A00] =	vst v63  }
0x3d7: {  	s6 =	sadd.s32 s0, s15;
	s31 =	simm.s32 $0xDB40  }
0x3d8: {  	[hbm4b:s6+s3] =	stream.linear.scatter [tilespmem:s31], [sflag:$0xB], $0x80, $0x38;
	[tilespmem:$0x10A00] =	vst v63  }
0x3d9: {  	s8 =	simm.s32 $0xDBC8;
	s31 =	sadd.s32 $0x10, s6  }
0x3da: {  	[hbm4b:s31+s3] =	stream.linear.scatter [tilespmem:s8], [sflag:$0xB], $0x80, $0x38;
	[tilespmem:$0x10A00] =	vst v63  }
0x3db: {  	s31 =	sadd.s32 $0x20, s6;
	s8 =	simm.s32 $0xDC50  }
0x3dc: {  	[hbm4b:s31+s3] =	stream.linear.scatter [tilespmem:s8], [sflag:$0xB], $0x80, $0x38;
	[tilespmem:$0x10A00] =	vst v63  }
0x3dd: {  	s31 =	sadd.s32 $0x30, s6;
	s8 =	simm.s32 $0xDCD8  }
0x3de: {  	[hbm4b:s31+s3] =	stream.linear.scatter [tilespmem:s8], [sflag:$0xB], $0x80, $0x38;
	[tilespmem:$0x10A00] =	vst v63  }
0x3df: {  	s31 =	sadd.s32 $0x40, s6;
	s8 =	simm.s32 $0xDD60  }
0x3e0: {  	[hbm4b:s31+s3] =	stream.linear.scatter [tilespmem:s8], [sflag:$0xB], $0x80, $0x38;
	[tilespmem:$0x10A00] =	vst v63  }
0x3e1: {  	s31 =	sadd.s32 $0x50, s6;
	s8 =	simm.s32 $0xDDE8  }
0x3e2: {  	[hbm4b:s31+s3] =	stream.linear.scatter [tilespmem:s8], [sflag:$0xB], $0x80, $0x38;
	[tilespmem:$0x10A00] =	vst v63  }
0x3e3: {  	s31 =	sadd.s32 $0x60, s6;
	s8 =	simm.s32 $0xDE70  }
0x3e4: {  	[hbm4b:s31+s3] =	stream.linear.scatter [tilespmem:s8], [sflag:$0xB], $0x80, $0x38;
	[tilespmem:$0x10A00] =	vst v63  }
0x3e5: {  	s6 =	sadd.s32 $0x70, s6;
	s31 =	simm.s32 $0xDEF8  }
0x3e6: {  	[hbm4b:s6+s3] =	stream.linear.scatter [tilespmem:s31], [sflag:$0xB], $0x80, $0x38;
	[tilespmem:$0x10A00] =	vst v63  }
0x3e7: {  	s6 =	sadd.s32 s0, s16;
	s31 =	simm.s32 $0xDF80  }
0x3e8: {  	[hbm4b:s6+s3] =	stream.linear.scatter [tilespmem:s31], [sflag:$0xB], $0x80, $0x38;
	[tilespmem:$0x10A00] =	vst v63  }
0x3e9: {  	s8 =	simm.s32 $0xE008;
	s31 =	sadd.s32 $0x10, s6  }
0x3ea: {  	[hbm4b:s31+s3] =	stream.linear.scatter [tilespmem:s8], [sflag:$0xB], $0x80, $0x38;
	[tilespmem:$0x10A00] =	vst v63  }
0x3eb: {  	s31 =	sadd.s32 $0x20, s6;
	s8 =	simm.s32 $0xE090  }
0x3ec: {  	[hbm4b:s31+s3] =	stream.linear.scatter [tilespmem:s8], [sflag:$0xB], $0x80, $0x38;
	[tilespmem:$0x10A00] =	vst v63  }
0x3ed: {  	s31 =	sadd.s32 $0x30, s6;
	s8 =	simm.s32 $0xE118  }
0x3ee: {  	[hbm4b:s31+s3] =	stream.linear.scatter [tilespmem:s8], [sflag:$0xB], $0x80, $0x38;
	[tilespmem:$0x10A00] =	vst v63  }
0x3ef: {  	s31 =	sadd.s32 $0x40, s6;
	s8 =	simm.s32 $0xE1A0  }
0x3f0: {  	[hbm4b:s31+s3] =	stream.linear.scatter [tilespmem:s8], [sflag:$0xB], $0x80, $0x38;
	[tilespmem:$0x10A00] =	vst v63  }
0x3f1: {  	s31 =	sadd.s32 $0x50, s6;
	s8 =	simm.s32 $0xE228  }
0x3f2: {  	[hbm4b:s31+s3] =	stream.linear.scatter [tilespmem:s8], [sflag:$0xB], $0x80, $0x38;
	[tilespmem:$0x10A00] =	vst v63  }
0x3f3: {  	s31 =	sadd.s32 $0x60, s6;
	s8 =	simm.s32 $0xE2B0  }
0x3f4: {  	[hbm4b:s31+s3] =	stream.linear.scatter [tilespmem:s8], [sflag:$0xB], $0x80, $0x38;
	[tilespmem:$0x10A00] =	vst v63  }
0x3f5: {  	s6 =	sadd.s32 $0x70, s6;
	s31 =	simm.s32 $0xE338  }
0x3f6: {  	[hbm4b:s6+s3] =	stream.linear.scatter [tilespmem:s31], [sflag:$0xB], $0x80, $0x38;
	[tilespmem:$0x10A00] =	vst v63  }
0x3f7: {  	s0 =	sadd.s32 s0, s17;
	s31 =	simm.s32 $0xE3C0  }
0x3f8: {  	[hbm4b:s0+s3] =	stream.linear.scatter [tilespmem:s31], [sflag:$0xB], $0x80, $0x38;
	[tilespmem:$0x10A00] =	vst v63  }
0x3f9: {  	s8 =	sadd.s32 $0x10, s0;
	s31 =	simm.s32 $0xE448  }
0x3fa: {  	[hbm4b:s8+s3] =	stream.linear.scatter [tilespmem:s31], [sflag:$0xB], $0x80, $0x38;
	[tilespmem:$0x10A00] =	vst v63  }
0x3fb: {  	s8 =	sadd.s32 $0x20, s0;
	s31 =	simm.s32 $0xE4D0  }
0x3fc: {  	[hbm4b:s8+s3] =	stream.linear.scatter [tilespmem:s31], [sflag:$0xB], $0x80, $0x38;
	[tilespmem:$0x10A00] =	vst v63  }
0x3fd: {  	s8 =	sadd.s32 $0x30, s0;
	s31 =	simm.s32 $0xE558  }
0x3fe: {  	[hbm4b:s8+s3] =	stream.linear.scatter [tilespmem:s31], [sflag:$0xB], $0x80, $0x38;
	[tilespmem:$0x10A00] =	vst v63  }
0x3ff: {  	s8 =	sadd.s32 $0x40, s0;
	s31 =	simm.s32 $0xE5E0  }
0x400: {  	[hbm4b:s8+s3] =	stream.linear.scatter [tilespmem:s31], [sflag:$0xB], $0x80, $0x38;
	[tilespmem:$0x10A00] =	vst v63  }
0x401: {  	s8 =	sadd.s32 $0x50, s0;
	s31 =	simm.s32 $0xE668  }
0x402: {  	[hbm4b:s8+s3] =	stream.linear.scatter [tilespmem:s31], [sflag:$0xB], $0x80, $0x38;
	[tilespmem:$0x10A00] =	vst v63  }
0x403: {  	s8 =	sadd.s32 $0x60, s0;
	s31 =	simm.s32 $0xE6F0  }
0x404: {  	[hbm4b:s8+s3] =	stream.linear.scatter [tilespmem:s31], [sflag:$0xB], $0x80, $0x38;
	[tilespmem:$0x10A00] =	vst v63  }
0x405: {  	s0 =	sadd.s32 $0x70, s0;
	s31 =	simm.s32 $0xE778  }
0x406: {  	[hbm4b:s0+s3] =	stream.linear.scatter [tilespmem:s31], [sflag:$0xB], $0x80, $0x38;
	[tilespmem:$0x10A00] =	vst v63  }
0x407: {  	s0 =	simm.s32 @p0 $0x8  }
0x408: {  	_ =	swait.ge @p0 [sflag:s0], $0x2000  }
0x409: {  	[sflag:s0] =	ssyncset.done @p0 $0x0  }
0x40a: {  	[sflag:s0] =	ssyncadd.s32 @p0 $0xFFFFE000;
	s0 =	simm.s32 @!p0 $0x3  }
0x40b: {  	_ =	swait.ge @!p0 [sflag:s0], $0x80  }
0x40c: {  	s6 =	simm.s32 @!p0 $0x100;
	[sflag:s0] =	ssyncset.done @!p0 $0x0  }
0x40d: {  	s31 =	simm.s32 @!p0 $0x4200;
	[sflag:s0] =	ssyncadd.s32 @!p0 $0xFFFFFF80;
	s0 =	simm.s32 @!p0 $0x80  }
0x40e: {  	[tilespmem:s31], [sflag:$0x7] =	stream.indirect.gather @!p0 [hbm4b:s4+s0], $0x40, s6, s0, $0xb8;
	[tilespmem:$0x10A00] =	vst v63  }
0x40f: {  	s0 =	simm.s32 @!p0 $0x8  }
0x410: {  	_ =	swait.ge @!p0 [sflag:s0], $0x2000  }
0x411: {  	s6 =	simm.s32 @!p0 $0x0;
	[sflag:s0] =	ssyncset.done @!p0 $0x0  }
0x412: {  	[sflag:s0] =	ssyncadd.s32 @!p0 $0xFFFFE000;
	s0 =	sadd.s32 @!p0 s21, s20;
	s21 =	simm.s32 @!p0 $0x180  }
0x413: {  	[tilespmem:s21], [sflag:$0x4] =	stream.linear.gather @!p0 [hbm4b:s0+s6], $0x80, $0x38;
	[tilespmem:$0x10A00] =	vst v63  }
0x414: {  	s0 =	simm.s32 @!p1 $0xC  }
0x415: {  	_ =	swait.ge @!p1 [sflag:s0], $0x400  }
0x416: {  	[sflag:s0] =	ssyncset.done @!p1 $0x0  }
0x417: {  	[sflag:s0] =	ssyncadd.s32 @!p1 $0xFFFFFC00  }
0x418: {  	_ =	swait.ge @!p1 [sflag:s0], $0x400  }
0x419: {  	[sflag:s0] =	ssyncset.done @!p1 $0x0  }
0x41a: {  	[sflag:s0] =	ssyncadd.s32 @!p1 $0xFFFFFC00  }
0x41b: {  	_ =	swait.ge @!p1 [sflag:s0], $0x400  }
0x41c: {  	[sflag:s0] =	ssyncset.done @!p1 $0x0  }
0x41d: {  	[sflag:s0] =	ssyncadd.s32 @!p1 $0xFFFFFC00  }
0x41e: {  	_ =	swait.ge @!p1 [sflag:s0], $0x400  }
0x41f: {  	[sflag:s0] =	ssyncset.done @!p1 $0x0  }
0x420: {  	[sflag:s0] =	ssyncadd.s32 @!p1 $0xFFFFFC00  }
0x421: {  	_ =	swait.ge @!p1 [sflag:s0], $0x400  }
0x422: {  	[sflag:s0] =	ssyncset.done @!p1 $0x0  }
0x423: {  	[sflag:s0] =	ssyncadd.s32 @!p1 $0xFFFFFC00  }
0x424: {  	_ =	swait.ge @!p1 [sflag:s0], $0x400  }
0x425: {  	[sflag:s0] =	ssyncset.done @!p1 $0x0  }
0x426: {  	[sflag:s0] =	ssyncadd.s32 @!p1 $0xFFFFFC00  }
0x427: {  	_ =	swait.ge @!p1 [sflag:s0], $0x400  }
0x428: {  	[sflag:s0] =	ssyncset.done @!p1 $0x0  }
0x429: {  	[sflag:s0] =	ssyncadd.s32 @!p1 $0xFFFFFC00  }
0x42a: {  	_ =	swait.ge @!p1 [sflag:s0], $0x400  }
0x42b: {  	[sflag:s0] =	ssyncset.done @!p1 $0x0  }
0x42c: {  	v32 =	vimm.s32 $0x0;
	s21 =	simm.s32 $0x800;
	[sflag:s0] =	ssyncadd.s32 @!p1 $0xFFFFFC00;
	s0 =	simm.s32 $0x0  }
.LBB2_12:
0x42d: {  	p1 =	sne.s32 s21, $0x7800;
	v33 =	vld [tilespmem:s0+$0x6200];
	v34 =	vadd.s32 v0, v32;
	_ =	sdelay $0x4  }
0x42e: {  	[tilespmem:v34+s28+$0x0] =	vst.idx.msk $0xffff, v33  }
0x42f: {  	v34 =	vadd.s32 v1, v32;
	v33 =	vld [tilespmem:s0+$0x6210];
	_ =	sdelay $0x4  }
0x430: {  	[tilespmem:v34+s28+$0x0] =	vst.idx.msk $0xffff, v33  }
0x431: {  	v34 =	vadd.s32 v2, v32;
	v33 =	vld [tilespmem:s0+$0x6220];
	_ =	sdelay $0x4  }
0x432: {  	[tilespmem:v34+s28+$0x0] =	vst.idx.msk $0xffff, v33  }
0x433: {  	v34 =	vadd.s32 v3, v32;
	v33 =	vld [tilespmem:s0+$0x6230];
	_ =	sdelay $0x4  }
0x434: {  	[tilespmem:v34+s28+$0x0] =	vst.idx.msk $0xffff, v33  }
0x435: {  	v34 =	vadd.s32 v4, v32;
	v33 =	vld [tilespmem:s0+$0x6240];
	_ =	sdelay $0x4  }
0x436: {  	[tilespmem:v34+s28+$0x0] =	vst.idx.msk $0xffff, v33  }
0x437: {  	v34 =	vadd.s32 v5, v32;
	v33 =	vld [tilespmem:s0+$0x6250];
	_ =	sdelay $0x4  }
0x438: {  	[tilespmem:v34+s28+$0x0] =	vst.idx.msk $0xffff, v33  }
0x439: {  	v34 =	vadd.s32 v6, v32;
	v33 =	vld [tilespmem:s0+$0x6260];
	_ =	sdelay $0x4  }
0x43a: {  	[tilespmem:v34+s28+$0x0] =	vst.idx.msk $0xffff, v33  }
0x43b: {  	v34 =	vadd.s32 v7, v32;
	v33 =	vld [tilespmem:s0+$0x6270];
	_ =	sdelay $0x4  }
0x43c: {  	[tilespmem:v34+s28+$0x0] =	vst.idx.msk $0xffff, v33  }
0x43d: {  	v34 =	vadd.s32 v8, v32;
	v33 =	vld [tilespmem:s0+$0x6280];
	_ =	sdelay $0x4  }
0x43e: {  	[tilespmem:v34+s28+$0x0] =	vst.idx.msk $0xffff, v33  }
0x43f: {  	v34 =	vadd.s32 v9, v32;
	v33 =	vld [tilespmem:s0+$0x6290];
	_ =	sdelay $0x4  }
0x440: {  	[tilespmem:v34+s28+$0x0] =	vst.idx.msk $0xffff, v33  }
0x441: {  	v34 =	vadd.s32 v10, v32;
	v33 =	vld [tilespmem:s0+$0x62A0];
	_ =	sdelay $0x4  }
0x442: {  	[tilespmem:v34+s28+$0x0] =	vst.idx.msk $0xffff, v33  }
0x443: {  	v34 =	vadd.s32 v11, v32;
	v33 =	vld [tilespmem:s0+$0x62B0];
	_ =	sdelay $0x4  }
0x444: {  	[tilespmem:v34+s28+$0x0] =	vst.idx.msk $0xffff, v33  }
0x445: {  	v34 =	vadd.s32 v12, v32;
	v33 =	vld [tilespmem:s0+$0x62C0];
	_ =	sdelay $0x4  }
0x446: {  	[tilespmem:v34+s28+$0x0] =	vst.idx.msk $0xffff, v33  }
0x447: {  	v34 =	vadd.s32 v13, v32;
	v33 =	vld [tilespmem:s0+$0x62D0];
	_ =	sdelay $0x4  }
0x448: {  	[tilespmem:v34+s28+$0x0] =	vst.idx.msk $0xffff, v33  }
0x449: {  	v34 =	vadd.s32 v14, v32;
	v33 =	vld [tilespmem:s0+$0x62E0];
	_ =	sdelay $0x4  }
0x44a: {  	[tilespmem:v34+s28+$0x0] =	vst.idx.msk $0xffff, v33  }
0x44b: {  	v34 =	vadd.s32 v15, v32;
	v33 =	vld [tilespmem:s0+$0x62F0];
	_ =	sdelay $0x4  }
0x44c: {  	[tilespmem:v34+s28+$0x0] =	vst.idx.msk $0xffff, v33  }
0x44d: {  	v34 =	vadd.s32 v16, v32;
	v33 =	vld [tilespmem:s0+$0x6300];
	_ =	sdelay $0x4  }
0x44e: {  	[tilespmem:v34+s28+$0x0] =	vst.idx.msk $0xffff, v33  }
0x44f: {  	v34 =	vadd.s32 v17, v32;
	v33 =	vld [tilespmem:s0+$0x6310];
	_ =	sdelay $0x4  }
0x450: {  	[tilespmem:v34+s28+$0x0] =	vst.idx.msk $0xffff, v33  }
0x451: {  	v34 =	vadd.s32 v18, v32;
	v33 =	vld [tilespmem:s0+$0x6320];
	_ =	sdelay $0x4  }
0x452: {  	[tilespmem:v34+s28+$0x0] =	vst.idx.msk $0xffff, v33  }
0x453: {  	v34 =	vadd.s32 v19, v32;
	v33 =	vld [tilespmem:s0+$0x6330];
	_ =	sdelay $0x4  }
0x454: {  	[tilespmem:v34+s28+$0x0] =	vst.idx.msk $0xffff, v33  }
0x455: {  	v34 =	vadd.s32 v20, v32;
	v33 =	vld [tilespmem:s0+$0x6340];
	_ =	sdelay $0x4  }
0x456: {  	[tilespmem:v34+s28+$0x0] =	vst.idx.msk $0xffff, v33  }
0x457: {  	v34 =	vadd.s32 v21, v32;
	v33 =	vld [tilespmem:s0+$0x6350];
	_ =	sdelay $0x4  }
0x458: {  	[tilespmem:v34+s28+$0x0] =	vst.idx.msk $0xffff, v33  }
0x459: {  	v34 =	vadd.s32 v22, v32;
	v33 =	vld [tilespmem:s0+$0x6360];
	_ =	sdelay $0x4  }
0x45a: {  	[tilespmem:v34+s28+$0x0] =	vst.idx.msk $0xffff, v33  }
0x45b: {  	v34 =	vadd.s32 v23, v32;
	v33 =	vld [tilespmem:s0+$0x6370];
	_ =	sdelay $0x4  }
0x45c: {  	[tilespmem:v34+s28+$0x0] =	vst.idx.msk $0xffff, v33  }
0x45d: {  	v34 =	vadd.s32 v24, v32;
	v33 =	vld [tilespmem:s0+$0x6380];
	_ =	sdelay $0x4  }
0x45e: {  	[tilespmem:v34+s28+$0x0] =	vst.idx.msk $0xffff, v33  }
0x45f: {  	v34 =	vadd.s32 v25, v32;
	v33 =	vld [tilespmem:s0+$0x6390];
	_ =	sdelay $0x4  }
0x460: {  	[tilespmem:v34+s28+$0x0] =	vst.idx.msk $0xffff, v33  }
0x461: {  	v34 =	vadd.s32 v26, v32;
	v33 =	vld [tilespmem:s0+$0x63A0];
	_ =	sdelay $0x4  }
0x462: {  	[tilespmem:v34+s28+$0x0] =	vst.idx.msk $0xffff, v33  }
0x463: {  	v34 =	vadd.s32 v27, v32;
	v33 =	vld [tilespmem:s0+$0x63B0];
	_ =	sdelay $0x4  }
0x464: {  	[tilespmem:v34+s28+$0x0] =	vst.idx.msk $0xffff, v33  }
0x465: {  	v34 =	vadd.s32 v28, v32;
	v33 =	vld [tilespmem:s0+$0x63C0];
	_ =	sdelay $0x4  }
0x466: {  	[tilespmem:v34+s28+$0x0] =	vst.idx.msk $0xffff, v33  }
0x467: {  	v34 =	vadd.s32 v29, v32;
	v33 =	vld [tilespmem:s0+$0x63D0];
	_ =	sdelay $0x4  }
0x468: {  	[tilespmem:v34+s28+$0x0] =	vst.idx.msk $0xffff, v33  }
0x469: {  	v34 =	vadd.s32 v30, v32;
	v33 =	vld [tilespmem:s0+$0x63E0];
	_ =	sdelay $0x4  }
0x46a: {  	[tilespmem:v34+s28+$0x0] =	vst.idx.msk $0xffff, v33  }
0x46b: {  	v34 =	vadd.s32 v31, v32;
	v33 =	vld [tilespmem:s0+$0x63F0]  }
.Ltmp7:
0x46c: {  	(pc) =	sbr.rel @p1 .LBB2_12-.Ltmp7, $2  }
0x46d: {  	_ =	sdelay $0x2  }
0x46e: {  	v32 =	vadd.s32 $0x8, v32;
	s0 =	sshra.s32 s21, $0x2;
	s21 =	sadd.s32 $0x800, s21;
	[tilespmem:v34+s28+$0x0] =	vst.idx.msk $0xffff, v33  }
0x46f: {  	v33 =	vld [tilespmem:s0+$0x6200];
	v34 =	vadd.s32 v0, v32;
	_ =	sdelay $0x4  }
0x470: {  	[tilespmem:v34+s28+$0x0] =	vst.idx.msk $0xffff, v33  }
0x471: {  	v61 =	vadd.s32 v1, v32;
	v33 =	vld [tilespmem:s0+$0x6210];
	_ =	sdelay $0x4  }
0x472: {  	[tilespmem:v61+s28+$0x0] =	vst.idx.msk $0xffff, v33  }
0x473: {  	v62 =	vadd.s32 v2, v32;
	v33 =	vld [tilespmem:s0+$0x6220];
	_ =	sdelay $0x4  }
0x474: {  	[tilespmem:v62+s28+$0x0] =	vst.idx.msk $0xffff, v33  }
0x475: {  	v63 =	vadd.s32 v3, v32;
	v33 =	vld [tilespmem:s0+$0x6230];
	_ =	sdelay $0x4  }
0x476: {  	[tilespmem:v63+s28+$0x0] =	vst.idx.msk $0xffff, v33  }
0x477: {  	v36 =	vadd.s32 v4, v32;
	v33 =	vld [tilespmem:s0+$0x6240];
	_ =	sdelay $0x4  }
0x478: {  	[tilespmem:v36+s28+$0x0] =	vst.idx.msk $0xffff, v33  }
0x479: {  	v37 =	vadd.s32 v5, v32;
	v33 =	vld [tilespmem:s0+$0x6250];
	_ =	sdelay $0x4  }
0x47a: {  	[tilespmem:v37+s28+$0x0] =	vst.idx.msk $0xffff, v33  }
0x47b: {  	v38 =	vadd.s32 v6, v32;
	v33 =	vld [tilespmem:s0+$0x6260];
	_ =	sdelay $0x4  }
0x47c: {  	[tilespmem:v38+s28+$0x0] =	vst.idx.msk $0xffff, v33  }
0x47d: {  	v39 =	vadd.s32 v7, v32;
	v33 =	vld [tilespmem:s0+$0x6270];
	_ =	sdelay $0x4  }
0x47e: {  	[tilespmem:v39+s28+$0x0] =	vst.idx.msk $0xffff, v33  }
0x47f: {  	v40 =	vadd.s32 v8, v32;
	v33 =	vld [tilespmem:s0+$0x6280];
	_ =	sdelay $0x4  }
0x480: {  	[tilespmem:v40+s28+$0x0] =	vst.idx.msk $0xffff, v33  }
0x481: {  	v41 =	vadd.s32 v9, v32;
	v33 =	vld [tilespmem:s0+$0x6290];
	_ =	sdelay $0x4  }
0x482: {  	[tilespmem:v41+s28+$0x0] =	vst.idx.msk $0xffff, v33  }
0x483: {  	v42 =	vadd.s32 v10, v32;
	v33 =	vld [tilespmem:s0+$0x62A0];
	_ =	sdelay $0x4  }
0x484: {  	[tilespmem:v42+s28+$0x0] =	vst.idx.msk $0xffff, v33  }
0x485: {  	v43 =	vadd.s32 v11, v32;
	v33 =	vld [tilespmem:s0+$0x62B0];
	_ =	sdelay $0x4  }
0x486: {  	[tilespmem:v43+s28+$0x0] =	vst.idx.msk $0xffff, v33  }
0x487: {  	v44 =	vadd.s32 v12, v32;
	v33 =	vld [tilespmem:s0+$0x62C0];
	_ =	sdelay $0x4  }
0x488: {  	[tilespmem:v44+s28+$0x0] =	vst.idx.msk $0xffff, v33  }
0x489: {  	v45 =	vadd.s32 v13, v32;
	v33 =	vld [tilespmem:s0+$0x62D0];
	_ =	sdelay $0x4  }
0x48a: {  	[tilespmem:v45+s28+$0x0] =	vst.idx.msk $0xffff, v33  }
0x48b: {  	v46 =	vadd.s32 v14, v32;
	v33 =	vld [tilespmem:s0+$0x62E0];
	_ =	sdelay $0x4  }
0x48c: {  	[tilespmem:v46+s28+$0x0] =	vst.idx.msk $0xffff, v33  }
0x48d: {  	v47 =	vadd.s32 v15, v32;
	v33 =	vld [tilespmem:s0+$0x62F0];
	_ =	sdelay $0x4  }
0x48e: {  	[tilespmem:v47+s28+$0x0] =	vst.idx.msk $0xffff, v33  }
0x48f: {  	v48 =	vadd.s32 v16, v32;
	v33 =	vld [tilespmem:s0+$0x6300];
	_ =	sdelay $0x4  }
0x490: {  	[tilespmem:v48+s28+$0x0] =	vst.idx.msk $0xffff, v33  }
0x491: {  	v49 =	vadd.s32 v17, v32;
	v33 =	vld [tilespmem:s0+$0x6310];
	_ =	sdelay $0x4  }
0x492: {  	[tilespmem:v49+s28+$0x0] =	vst.idx.msk $0xffff, v33  }
0x493: {  	v50 =	vadd.s32 v18, v32;
	v33 =	vld [tilespmem:s0+$0x6320];
	_ =	sdelay $0x4  }
0x494: {  	[tilespmem:v50+s28+$0x0] =	vst.idx.msk $0xffff, v33  }
0x495: {  	v51 =	vadd.s32 v19, v32;
	v33 =	vld [tilespmem:s0+$0x6330];
	_ =	sdelay $0x4  }
0x496: {  	[tilespmem:v51+s28+$0x0] =	vst.idx.msk $0xffff, v33  }
0x497: {  	v52 =	vadd.s32 v20, v32;
	v33 =	vld [tilespmem:s0+$0x6340];
	_ =	sdelay $0x4  }
0x498: {  	[tilespmem:v52+s28+$0x0] =	vst.idx.msk $0xffff, v33  }
0x499: {  	v53 =	vadd.s32 v21, v32;
	v33 =	vld [tilespmem:s0+$0x6350];
	_ =	sdelay $0x4  }
0x49a: {  	[tilespmem:v53+s28+$0x0] =	vst.idx.msk $0xffff, v33  }
0x49b: {  	v54 =	vadd.s32 v22, v32;
	v33 =	vld [tilespmem:s0+$0x6360];
	_ =	sdelay $0x4  }
0x49c: {  	[tilespmem:v54+s28+$0x0] =	vst.idx.msk $0xffff, v33  }
0x49d: {  	v55 =	vadd.s32 v23, v32;
	v33 =	vld [tilespmem:s0+$0x6370];
	_ =	sdelay $0x4  }
0x49e: {  	[tilespmem:v55+s28+$0x0] =	vst.idx.msk $0xffff, v33  }
0x49f: {  	v56 =	vadd.s32 v24, v32;
	v33 =	vld [tilespmem:s0+$0x6380];
	_ =	sdelay $0x4  }
0x4a0: {  	[tilespmem:v56+s28+$0x0] =	vst.idx.msk $0xffff, v33  }
0x4a1: {  	v57 =	vadd.s32 v25, v32;
	v33 =	vld [tilespmem:s0+$0x6390];
	_ =	sdelay $0x4  }
0x4a2: {  	[tilespmem:v57+s28+$0x0] =	vst.idx.msk $0xffff, v33  }
0x4a3: {  	v58 =	vadd.s32 v26, v32;
	v33 =	vld [tilespmem:s0+$0x63A0];
	_ =	sdelay $0x4  }
0x4a4: {  	[tilespmem:v58+s28+$0x0] =	vst.idx.msk $0xffff, v33  }
0x4a5: {  	v59 =	vadd.s32 v27, v32;
	v33 =	vld [tilespmem:s0+$0x63B0];
	_ =	sdelay $0x4  }
0x4a6: {  	[tilespmem:v59+s28+$0x0] =	vst.idx.msk $0xffff, v33  }
0x4a7: {  	v60 =	vadd.s32 v28, v32;
	v33 =	vld [tilespmem:s0+$0x63C0];
	_ =	sdelay $0x4  }
0x4a8: {  	[tilespmem:v60+s28+$0x0] =	vst.idx.msk $0xffff, v33  }
0x4a9: {  	v61 =	vadd.s32 v29, v32;
	v33 =	vld [tilespmem:s0+$0x63D0];
	_ =	sdelay $0x4  }
0x4aa: {  	[tilespmem:v61+s28+$0x0] =	vst.idx.msk $0xffff, v33  }
0x4ab: {  	v62 =	vadd.s32 v30, v32;
	v33 =	vld [tilespmem:s0+$0x63E0];
	_ =	sdelay $0x4  }
0x4ac: {  	[tilespmem:v62+s28+$0x0] =	vst.idx.msk $0xffff, v33  }
0x4ad: {  	v63 =	vadd.s32 v31, v32;
	v33 =	vld [tilespmem:s0+$0x63F0];
	_ =	sdelay $0x3  }
0x4ae: {  	s0 =	sor.u32 $0x180, s29  }
0x4af: {  	s6 =	sadd.s32 s2, s0;
	[tilespmem:v63+s28+$0x0] =	vst.idx.msk $0xffff, v33  }
0x4b0: {  	[hbm4b:s6+s3] =	stream.linear.scatter [tilespmem:s28], [sflag:$0xC], $0x80, $0x38;
	[tilespmem:$0x10A00] =	vst v63  }
0x4b1: {  	s8 =	simm.s32 $0xE888;
	s21 =	sadd.s32 $0x10, s6  }
0x4b2: {  	[hbm4b:s21+s3] =	stream.linear.scatter [tilespmem:s8], [sflag:$0xC], $0x80, $0x38;
	[tilespmem:$0x10A00] =	vst v63  }
0x4b3: {  	s31 =	simm.s32 $0xE910;
	s29 =	sadd.s32 $0x20, s6  }
0x4b4: {  	[hbm4b:s29+s3] =	stream.linear.scatter [tilespmem:s31], [sflag:$0xC], $0x80, $0x38;
	[tilespmem:$0x10A00] =	vst v63  }
0x4b5: {  	s29 =	sadd.s32 $0x30, s6;
	s31 =	simm.s32 $0xE998  }
0x4b6: {  	[hbm4b:s29+s3] =	stream.linear.scatter [tilespmem:s31], [sflag:$0xC], $0x80, $0x38;
	[tilespmem:$0x10A00] =	vst v63  }
0x4b7: {  	s29 =	sadd.s32 $0x40, s6;
	s31 =	simm.s32 $0xEA20  }
0x4b8: {  	[hbm4b:s29+s3] =	stream.linear.scatter [tilespmem:s31], [sflag:$0xC], $0x80, $0x38;
	[tilespmem:$0x10A00] =	vst v63  }
0x4b9: {  	s29 =	sadd.s32 $0x50, s6;
	s31 =	simm.s32 $0xEAA8  }
0x4ba: {  	[hbm4b:s29+s3] =	stream.linear.scatter [tilespmem:s31], [sflag:$0xC], $0x80, $0x38;
	[tilespmem:$0x10A00] =	vst v63  }
0x4bb: {  	s8 =	sadd.s32 $0x60, s6;
	s29 =	simm.s32 $0xEB30  }
0x4bc: {  	[hbm4b:s8+s3] =	stream.linear.scatter [tilespmem:s29], [sflag:$0xC], $0x80, $0x38;
	[tilespmem:$0x10A00] =	vst v63  }
0x4bd: {  	s6 =	sadd.s32 $0x70, s6;
	s31 =	simm.s32 $0xEBB8  }
0x4be: {  	[hbm4b:s6+s3] =	stream.linear.scatter [tilespmem:s31], [sflag:$0xC], $0x80, $0x38;
	[tilespmem:$0x10A00] =	vst v63  }
0x4bf: {  	s21 =	simm.s32 $0xEC40;
	s6 =	sadd.s32 s0, s11  }
0x4c0: {  	[hbm4b:s6+s3] =	stream.linear.scatter [tilespmem:s21], [sflag:$0xC], $0x80, $0x38;
	[tilespmem:$0x10A00] =	vst v63  }
0x4c1: {  	s31 =	simm.s32 $0xECC8;
	s29 =	sadd.s32 $0x10, s6  }
0x4c2: {  	[hbm4b:s29+s3] =	stream.linear.scatter [tilespmem:s31], [sflag:$0xC], $0x80, $0x38;
	[tilespmem:$0x10A00] =	vst v63  }
0x4c3: {  	s29 =	sadd.s32 $0x20, s6;
	s31 =	simm.s32 $0xED50  }
0x4c4: {  	[hbm4b:s29+s3] =	stream.linear.scatter [tilespmem:s31], [sflag:$0xC], $0x80, $0x38;
	[tilespmem:$0x10A00] =	vst v63  }
0x4c5: {  	s29 =	sadd.s32 $0x30, s6;
	s31 =	simm.s32 $0xEDD8  }
0x4c6: {  	[hbm4b:s29+s3] =	stream.linear.scatter [tilespmem:s31], [sflag:$0xC], $0x80, $0x38;
	[tilespmem:$0x10A00] =	vst v63  }
0x4c7: {  	s29 =	sadd.s32 $0x40, s6;
	s31 =	simm.s32 $0xEE60  }
0x4c8: {  	[hbm4b:s29+s3] =	stream.linear.scatter [tilespmem:s31], [sflag:$0xC], $0x80, $0x38;
	[tilespmem:$0x10A00] =	vst v63  }
0x4c9: {  	s29 =	sadd.s32 $0x50, s6;
	s31 =	simm.s32 $0xEEE8  }
0x4ca: {  	[hbm4b:s29+s3] =	stream.linear.scatter [tilespmem:s31], [sflag:$0xC], $0x80, $0x38;
	[tilespmem:$0x10A00] =	vst v63  }
0x4cb: {  	s8 =	sadd.s32 $0x60, s6;
	s29 =	simm.s32 $0xEF70  }
0x4cc: {  	[hbm4b:s8+s3] =	stream.linear.scatter [tilespmem:s29], [sflag:$0xC], $0x80, $0x38;
	[tilespmem:$0x10A00] =	vst v63  }
0x4cd: {  	s6 =	sadd.s32 $0x70, s6;
	s31 =	simm.s32 $0xEFF8  }
0x4ce: {  	[hbm4b:s6+s3] =	stream.linear.scatter [tilespmem:s31], [sflag:$0xC], $0x80, $0x38;
	[tilespmem:$0x10A00] =	vst v63  }
0x4cf: {  	s21 =	simm.s32 $0xF080;
	s6 =	sadd.s32 s0, s12  }
0x4d0: {  	[hbm4b:s6+s3] =	stream.linear.scatter [tilespmem:s21], [sflag:$0xC], $0x80, $0x38;
	[tilespmem:$0x10A00] =	vst v63  }
0x4d1: {  	s31 =	simm.s32 $0xF108;
	s29 =	sadd.s32 $0x10, s6  }
0x4d2: {  	[hbm4b:s29+s3] =	stream.linear.scatter [tilespmem:s31], [sflag:$0xC], $0x80, $0x38;
	[tilespmem:$0x10A00] =	vst v63  }
0x4d3: {  	s29 =	sadd.s32 $0x20, s6;
	s31 =	simm.s32 $0xF190  }
0x4d4: {  	[hbm4b:s29+s3] =	stream.linear.scatter [tilespmem:s31], [sflag:$0xC], $0x80, $0x38;
	[tilespmem:$0x10A00] =	vst v63  }
0x4d5: {  	s29 =	sadd.s32 $0x30, s6;
	s31 =	simm.s32 $0xF218  }
0x4d6: {  	[hbm4b:s29+s3] =	stream.linear.scatter [tilespmem:s31], [sflag:$0xC], $0x80, $0x38;
	[tilespmem:$0x10A00] =	vst v63  }
0x4d7: {  	s29 =	sadd.s32 $0x40, s6;
	s31 =	simm.s32 $0xF2A0  }
0x4d8: {  	[hbm4b:s29+s3] =	stream.linear.scatter [tilespmem:s31], [sflag:$0xC], $0x80, $0x38;
	[tilespmem:$0x10A00] =	vst v63  }
0x4d9: {  	s29 =	sadd.s32 $0x50, s6;
	s31 =	simm.s32 $0xF328  }
0x4da: {  	[hbm4b:s29+s3] =	stream.linear.scatter [tilespmem:s31], [sflag:$0xC], $0x80, $0x38;
	[tilespmem:$0x10A00] =	vst v63  }
0x4db: {  	s8 =	sadd.s32 $0x60, s6;
	s29 =	simm.s32 $0xF3B0  }
0x4dc: {  	[hbm4b:s8+s3] =	stream.linear.scatter [tilespmem:s29], [sflag:$0xC], $0x80, $0x38;
	[tilespmem:$0x10A00] =	vst v63  }
0x4dd: {  	s6 =	sadd.s32 $0x70, s6;
	s31 =	simm.s32 $0xF438  }
0x4de: {  	[hbm4b:s6+s3] =	stream.linear.scatter [tilespmem:s31], [sflag:$0xC], $0x80, $0x38;
	[tilespmem:$0x10A00] =	vst v63  }
0x4df: {  	s21 =	simm.s32 $0xF4C0;
	s6 =	sadd.s32 s0, s13  }
0x4e0: {  	[hbm4b:s6+s3] =	stream.linear.scatter [tilespmem:s21], [sflag:$0xC], $0x80, $0x38;
	[tilespmem:$0x10A00] =	vst v63  }
0x4e1: {  	s31 =	simm.s32 $0xF548;
	s29 =	sadd.s32 $0x10, s6  }
0x4e2: {  	[hbm4b:s29+s3] =	stream.linear.scatter [tilespmem:s31], [sflag:$0xC], $0x80, $0x38;
	[tilespmem:$0x10A00] =	vst v63  }
0x4e3: {  	s29 =	sadd.s32 $0x20, s6;
	s31 =	simm.s32 $0xF5D0  }
0x4e4: {  	[hbm4b:s29+s3] =	stream.linear.scatter [tilespmem:s31], [sflag:$0xC], $0x80, $0x38;
	[tilespmem:$0x10A00] =	vst v63  }
0x4e5: {  	s29 =	sadd.s32 $0x30, s6;
	s31 =	simm.s32 $0xF658  }
0x4e6: {  	[hbm4b:s29+s3] =	stream.linear.scatter [tilespmem:s31], [sflag:$0xC], $0x80, $0x38;
	[tilespmem:$0x10A00] =	vst v63  }
0x4e7: {  	s29 =	sadd.s32 $0x40, s6;
	s31 =	simm.s32 $0xF6E0  }
0x4e8: {  	[hbm4b:s29+s3] =	stream.linear.scatter [tilespmem:s31], [sflag:$0xC], $0x80, $0x38;
	[tilespmem:$0x10A00] =	vst v63  }
0x4e9: {  	s29 =	sadd.s32 $0x50, s6;
	s31 =	simm.s32 $0xF768  }
0x4ea: {  	[hbm4b:s29+s3] =	stream.linear.scatter [tilespmem:s31], [sflag:$0xC], $0x80, $0x38;
	[tilespmem:$0x10A00] =	vst v63  }
0x4eb: {  	s8 =	sadd.s32 $0x60, s6;
	s29 =	simm.s32 $0xF7F0  }
0x4ec: {  	[hbm4b:s8+s3] =	stream.linear.scatter [tilespmem:s29], [sflag:$0xC], $0x80, $0x38;
	[tilespmem:$0x10A00] =	vst v63  }
0x4ed: {  	s6 =	sadd.s32 $0x70, s6;
	s31 =	simm.s32 $0xF878  }
0x4ee: {  	[hbm4b:s6+s3] =	stream.linear.scatter [tilespmem:s31], [sflag:$0xC], $0x80, $0x38;
	[tilespmem:$0x10A00] =	vst v63  }
0x4ef: {  	s21 =	simm.s32 $0xF900;
	s6 =	sadd.s32 s0, s14  }
0x4f0: {  	[hbm4b:s6+s3] =	stream.linear.scatter [tilespmem:s21], [sflag:$0xC], $0x80, $0x38;
	[tilespmem:$0x10A00] =	vst v63  }
0x4f1: {  	s31 =	simm.s32 $0xF988;
	s29 =	sadd.s32 $0x10, s6  }
0x4f2: {  	[hbm4b:s29+s3] =	stream.linear.scatter [tilespmem:s31], [sflag:$0xC], $0x80, $0x38;
	[tilespmem:$0x10A00] =	vst v63  }
0x4f3: {  	s29 =	sadd.s32 $0x20, s6;
	s31 =	simm.s32 $0xFA10  }
0x4f4: {  	[hbm4b:s29+s3] =	stream.linear.scatter [tilespmem:s31], [sflag:$0xC], $0x80, $0x38;
	[tilespmem:$0x10A00] =	vst v63  }
0x4f5: {  	s29 =	sadd.s32 $0x30, s6;
	s31 =	simm.s32 $0xFA98  }
0x4f6: {  	[hbm4b:s29+s3] =	stream.linear.scatter [tilespmem:s31], [sflag:$0xC], $0x80, $0x38;
	[tilespmem:$0x10A00] =	vst v63  }
0x4f7: {  	s29 =	sadd.s32 $0x40, s6;
	s31 =	simm.s32 $0xFB20  }
0x4f8: {  	[hbm4b:s29+s3] =	stream.linear.scatter [tilespmem:s31], [sflag:$0xC], $0x80, $0x38;
	[tilespmem:$0x10A00] =	vst v63  }
0x4f9: {  	s29 =	sadd.s32 $0x50, s6;
	s31 =	simm.s32 $0xFBA8  }
0x4fa: {  	[hbm4b:s29+s3] =	stream.linear.scatter [tilespmem:s31], [sflag:$0xC], $0x80, $0x38;
	[tilespmem:$0x10A00] =	vst v63  }
0x4fb: {  	s8 =	sadd.s32 $0x60, s6;
	s29 =	simm.s32 $0xFC30  }
0x4fc: {  	[hbm4b:s8+s3] =	stream.linear.scatter [tilespmem:s29], [sflag:$0xC], $0x80, $0x38;
	[tilespmem:$0x10A00] =	vst v63  }
0x4fd: {  	s6 =	sadd.s32 $0x70, s6;
	s31 =	simm.s32 $0xFCB8  }
0x4fe: {  	[hbm4b:s6+s3] =	stream.linear.scatter [tilespmem:s31], [sflag:$0xC], $0x80, $0x38;
	[tilespmem:$0x10A00] =	vst v63  }
0x4ff: {  	s21 =	simm.s32 $0xFD40;
	s6 =	sadd.s32 s0, s15  }
0x500: {  	[hbm4b:s6+s3] =	stream.linear.scatter [tilespmem:s21], [sflag:$0xC], $0x80, $0x38;
	[tilespmem:$0x10A00] =	vst v63  }
0x501: {  	s31 =	simm.s32 $0xFDC8;
	s29 =	sadd.s32 $0x10, s6  }
0x502: {  	[hbm4b:s29+s3] =	stream.linear.scatter [tilespmem:s31], [sflag:$0xC], $0x80, $0x38;
	[tilespmem:$0x10A00] =	vst v63  }
0x503: {  	s29 =	sadd.s32 $0x20, s6;
	s31 =	simm.s32 $0xFE50  }
0x504: {  	[hbm4b:s29+s3] =	stream.linear.scatter [tilespmem:s31], [sflag:$0xC], $0x80, $0x38;
	[tilespmem:$0x10A00] =	vst v63  }
0x505: {  	s29 =	sadd.s32 $0x30, s6;
	s31 =	simm.s32 $0xFED8  }
0x506: {  	[hbm4b:s29+s3] =	stream.linear.scatter [tilespmem:s31], [sflag:$0xC], $0x80, $0x38;
	[tilespmem:$0x10A00] =	vst v63  }
0x507: {  	s29 =	sadd.s32 $0x40, s6;
	s31 =	simm.s32 $0xFF60  }
0x508: {  	[hbm4b:s29+s3] =	stream.linear.scatter [tilespmem:s31], [sflag:$0xC], $0x80, $0x38;
	[tilespmem:$0x10A00] =	vst v63  }
0x509: {  	s29 =	sadd.s32 $0x50, s6;
	s31 =	simm.s32 $0xFFE8  }
0x50a: {  	[hbm4b:s29+s3] =	stream.linear.scatter [tilespmem:s31], [sflag:$0xC], $0x80, $0x38;
	[tilespmem:$0x10A00] =	vst v63  }
0x50b: {  	s8 =	sadd.s32 $0x60, s6;
	s29 =	simm.s32 $0x10070  }
0x50c: {  	[hbm4b:s8+s3] =	stream.linear.scatter [tilespmem:s29], [sflag:$0xC], $0x80, $0x38;
	[tilespmem:$0x10A00] =	vst v63  }
0x50d: {  	s6 =	sadd.s32 $0x70, s6;
	s31 =	simm.s32 $0x100F8  }
0x50e: {  	[hbm4b:s6+s3] =	stream.linear.scatter [tilespmem:s31], [sflag:$0xC], $0x80, $0x38;
	[tilespmem:$0x10A00] =	vst v63  }
0x50f: {  	s21 =	simm.s32 $0x10180;
	s6 =	sadd.s32 s0, s16  }
0x510: {  	[hbm4b:s6+s3] =	stream.linear.scatter [tilespmem:s21], [sflag:$0xC], $0x80, $0x38;
	[tilespmem:$0x10A00] =	vst v63  }
0x511: {  	s31 =	simm.s32 $0x10208;
	s29 =	sadd.s32 $0x10, s6  }
0x512: {  	[hbm4b:s29+s3] =	stream.linear.scatter [tilespmem:s31], [sflag:$0xC], $0x80, $0x38;
	[tilespmem:$0x10A00] =	vst v63  }
0x513: {  	s29 =	sadd.s32 $0x20, s6;
	s31 =	simm.s32 $0x10290  }
0x514: {  	[hbm4b:s29+s3] =	stream.linear.scatter [tilespmem:s31], [sflag:$0xC], $0x80, $0x38;
	[tilespmem:$0x10A00] =	vst v63  }
0x515: {  	s29 =	sadd.s32 $0x30, s6;
	s31 =	simm.s32 $0x10318  }
0x516: {  	[hbm4b:s29+s3] =	stream.linear.scatter [tilespmem:s31], [sflag:$0xC], $0x80, $0x38;
	[tilespmem:$0x10A00] =	vst v63  }
0x517: {  	s29 =	sadd.s32 $0x40, s6;
	s31 =	simm.s32 $0x103A0  }
0x518: {  	[hbm4b:s29+s3] =	stream.linear.scatter [tilespmem:s31], [sflag:$0xC], $0x80, $0x38;
	[tilespmem:$0x10A00] =	vst v63  }
0x519: {  	s29 =	sadd.s32 $0x50, s6;
	s31 =	simm.s32 $0x10428  }
0x51a: {  	[hbm4b:s29+s3] =	stream.linear.scatter [tilespmem:s31], [sflag:$0xC], $0x80, $0x38;
	[tilespmem:$0x10A00] =	vst v63  }
0x51b: {  	s8 =	sadd.s32 $0x60, s6;
	s29 =	simm.s32 $0x104B0  }
0x51c: {  	[hbm4b:s8+s3] =	stream.linear.scatter [tilespmem:s29], [sflag:$0xC], $0x80, $0x38;
	[tilespmem:$0x10A00] =	vst v63  }
0x51d: {  	s6 =	sadd.s32 $0x70, s6;
	s31 =	simm.s32 $0x10538  }
0x51e: {  	[hbm4b:s6+s3] =	stream.linear.scatter [tilespmem:s31], [sflag:$0xC], $0x80, $0x38;
	[tilespmem:$0x10A00] =	vst v63  }
0x51f: {  	s0 =	sadd.s32 s0, s17;
	s21 =	simm.s32 $0x105C0  }
0x520: {  	[hbm4b:s0+s3] =	stream.linear.scatter [tilespmem:s21], [sflag:$0xC], $0x80, $0x38;
	[tilespmem:$0x10A00] =	vst v63  }
0x521: {  	s29 =	sadd.s32 $0x10, s0;
	s31 =	simm.s32 $0x10648  }
0x522: {  	[hbm4b:s29+s3] =	stream.linear.scatter [tilespmem:s31], [sflag:$0xC], $0x80, $0x38;
	[tilespmem:$0x10A00] =	vst v63  }
0x523: {  	s8 =	sadd.s32 $0x20, s0;
	s21 =	simm.s32 $0x106D0  }
0x524: {  	[hbm4b:s8+s3] =	stream.linear.scatter [tilespmem:s21], [sflag:$0xC], $0x80, $0x38;
	[tilespmem:$0x10A00] =	vst v63  }
0x525: {  	s29 =	sadd.s32 $0x30, s0;
	s31 =	simm.s32 $0x10758  }
0x526: {  	[hbm4b:s29+s3] =	stream.linear.scatter [tilespmem:s31], [sflag:$0xC], $0x80, $0x38;
	[tilespmem:$0x10A00] =	vst v63  }
0x527: {  	s8 =	sadd.s32 $0x40, s0;
	s21 =	simm.s32 $0x107E0  }
0x528: {  	[hbm4b:s8+s3] =	stream.linear.scatter [tilespmem:s21], [sflag:$0xC], $0x80, $0x38;
	[tilespmem:$0x10A00] =	vst v63  }
0x529: {  	s29 =	sadd.s32 $0x50, s0;
	s31 =	simm.s32 $0x10868  }
0x52a: {  	[hbm4b:s29+s3] =	stream.linear.scatter [tilespmem:s31], [sflag:$0xC], $0x80, $0x38;
	[tilespmem:$0x10A00] =	vst v63  }
.Ltmp8:
0x52b: {  	_ = 	snop;
	(pc) =	sbr.rel @p0 .LBB2_15-.Ltmp8, $4  }
0x52c: {  	s21 =	sadd.s32 $0x60, s0;
	s29 =	simm.s32 $0x108F0  }
0x52d: {  	[hbm4b:s21+s3] =	stream.linear.scatter [tilespmem:s29], [sflag:$0xC], $0x80, $0x38;
	[tilespmem:$0x10A00] =	vst v63  }
0x52e: {  	s0 =	sadd.s32 $0x70, s0;
	s31 =	simm.s32 $0x10978  }
0x52f: {  	[hbm4b:s0+s3] =	stream.linear.scatter [tilespmem:s31], [sflag:$0xC], $0x80, $0x38;
	[tilespmem:$0x10A00] =	vst v63  }
.Ltmp9:
0x530: {  	(pc) =	sbr.rel .LBB2_2-.Ltmp9, $4  }
0x531: {  	_ =	swait.ge [sflag:s1], $0x80  }
0x532: {  	[sflag:s1] =	ssyncset.done $0x0  }
0x533: {  	s0 =	simm.s32 $0x6200;
	s9 =	sadd.s32 $0x1, s9;
	[sflag:s1] =	ssyncadd.s32 $0xFFFFFF80  }
0x534: {  	[tilespmem:s0], [sflag:$0x8] =	stream.indirect.gather [hbm4b:s4+s23], $0x40, s7, s23, $0xb8;
	[tilespmem:$0x10A00] =	vst v63  }
.LBB2_16:
0x535: {  	_ =	sfence.sel $0x180000  }
0x536: {  	[bflag:$0x0] =	sbarrier.arrive $0xFFFF  }
0x537: {  	_ =	strace $0x90000047  }
0x538: {  	s0 =	stileid.u32;
	[bflag:$0x2] =	sbarrier.arrive $0xFFFF  }
0x539: {  	p0 =	sne.s32 s0, $0x0;
	s0 =	rddreg [dreg:$0x2]  }
0x53a: {  	s0 =	sadd.s32 @!p0 $0x100000, s0  }
0x53b: {  	[sflag:s0] =	ssyncadd.tile.s32 @!p0 $0x1;
	_ =	shalt  }
.Lfunc_end2:
_tile_overlayer_lowered:
.L_overlay_start_2:
0x53c: {  	(tag) =	ssettag $0x2  }
0x53d: {  	s0 =	rddreg [dreg:$0x0];
	s2 =	stileid.u32  }
0x53e: {  	s1 =	rddreg [dreg:$0x1];
	p0 =	sne.s32 s2, $0x0  }
0x53f: {  	s3 =	rddreg [dreg:$0x2];
	[bflag:$0x3] =	sbarrier.arrive $0xFFFF;
	s2 =	simm.s32 @!p0 $0x1C0D  }
0x540: {  	[timem:s3], [sflag:s2] =	dma.local @!p0 [hbm:s0], s1  }
0x541: {  	s0 =	simm.s32 @!p0 $0xD  }
0x542: {  	_ =	swait.ge @!p0 [sflag:s0], s1  }
0x543: {  	s1 =	ssub.s32 @!p0 $0x0, s1;
	[sflag:s0] =	ssyncset.done @!p0 $0x0  }
0x544: {  	[sflag:s0] =	ssyncadd.s32 @!p0 s1  }
0x545: {  	[bflag:$0x3] =	sbarrier.arrive $0xFFFF  }
0x546: {  	_ =	shalt  }

</sc_bundles>
